<compile_context>
chip_gen: v7x
topology: tpu7x:2x2x1
jax: 0.10.2.dev20260603
libtpu: 0.0.44.dev20260713+nightly
codegen_flags: <defaults>
</compile_context>

<pallas_src>
import functools

import jax
import jax.numpy as jnp
from jax import lax
from jax.experimental import pallas as pl
from jax.experimental.pallas import tpu as pltpu
from jax.experimental.pallas import tpu_sc as plsc

N_NODES = 10000
N_PAD = 10240
E = 320000
D_IN = 128
D_HID = 128
D_OUT = 64

NC, NS = 2, 16
NW = NC * NS
E_PER_W = E // NW
CHUNK = 80
N_CHUNKS = E_PER_W // CHUNK
ROWS_PER_TILE = N_PAD // NS

_MESH = plsc.VectorSubcoreMesh(core_axis_name="c", subcore_axis_name="s")
_SC_PARAMS = pltpu.CompilerParams(use_tc_tiling_on_sc=False)



NB = 4
GA = 3


_DNI = 8
_DDR = 2


@functools.partial(
    pl.kernel,
    out_type=jax.ShapeDtypeStruct((NC, N_PAD, 16), jnp.float32),
    mesh=_MESH,
    scratch_types=(
        [pltpu.VMEM((CHUNK,), jnp.int32) for _ in range(_DNI)]
        + [pltpu.VMEM((CHUNK, 16), jnp.float32),
           pltpu.VMEM_SHARED((N_PAD, 16), jnp.float32)]
        + [pltpu.SemaphoreType.DMA for _ in range(_DNI + NB)]
    ),
    compiler_params=_SC_PARAMS,
)
def _deg_kernel(edge_hbm, ones_hbm, zeros_hbm, out_hbm, *scr):
    cidx = scr[0:_DNI]
    ones_v, acc = scr[_DNI], scr[_DNI + 1]
    isem = scr[_DNI + 2:2 * _DNI + 2]
    ssem = scr[2 * _DNI + 2:2 * _DNI + 2 + NB]
    c = lax.axis_index("c")
    s = lax.axis_index("s")
    wid = c * NS + s
    e0 = wid * E_PER_W
    pltpu.sync_copy(zeros_hbm, acc.at[pl.ds(s * ROWS_PER_TILE, ROWS_PER_TILE)])
    pltpu.sync_copy(ones_hbm, ones_v)
    plsc.subcore_barrier()

    def cp_idx(k, si):
        return pltpu.async_copy(
            edge_hbm.at[1, pl.ds(e0 + k * CHUNK, CHUNK)], cidx[si], isem[si])

    def wait_idx(k, si):
        pltpu.make_async_copy(
            edge_hbm.at[1, pl.ds(e0 + k * CHUNK, CHUNK)],
            cidx[si], isem[si]).wait()

    def start_scatter(si, q):
        return pltpu.async_copy(ones_v, acc.at[cidx[si]], ssem[q], add=True)

    def wait_scatter(si, q):
        pltpu.make_async_copy(ones_v, acc.at[cidx[si]], ssem[q]).wait()

    def maybe(pred, fn):
        def run():
            fn()
        if isinstance(pred, bool):
            if pred:
                run()
        else:
            pl.when(pred)(run)

    for si in range(_DNI - _DDR):
        cp_idx(si, si)

    def body_one(i, q, si):
        wait_idx(i, si)
        start_scatter(si, q)
        maybe(i >= _DDR,
              lambda: wait_scatter((si - _DDR) % _DNI, (q - _DDR) % NB))
        maybe(i + _DNI - _DDR < N_CHUNKS,
              lambda: cp_idx(i + _DNI - _DDR, (si - _DDR) % _DNI))

    def body(i0, carry):
        for k in range(_DNI):
            body_one(i0 * _DNI + k, k % NB, k)
        return carry

    NOUTER = N_CHUNKS // _DNI
    lax.fori_loop(0, NOUTER, body, 0)
    for i in range(NOUTER * _DNI, N_CHUNKS):
        body_one(i, i % NB, i % _DNI)
    for i in range(N_CHUNKS - _DDR, N_CHUNKS):
        wait_scatter(i % _DNI, i % NB)

    plsc.subcore_barrier()
    pltpu.sync_copy(
        acc.at[pl.ds(s * ROWS_PER_TILE, ROWS_PER_TILE)],
        out_hbm.at[c, pl.ds(s * ROWS_PER_TILE, ROWS_PER_TILE)],
    )


NI = 2 * NB


def _make_edge_scatter(d):
    @functools.partial(
        pl.kernel,
        out_type=jax.ShapeDtypeStruct((NC, N_PAD, d), jnp.float32),
        mesh=_MESH,
        scratch_types=(
            [pltpu.VMEM((2, CHUNK), jnp.int32) for _ in range(NI)]
            + [pltpu.VMEM((CHUNK, d), jnp.float32) for _ in range(NB)]
            + [pltpu.VMEM_SHARED((N_PAD, d), jnp.float32)]
            + [pltpu.SemaphoreType.DMA for _ in range(NI + 2 * NB)]
        ),
        compiler_params=_SC_PARAMS,
    )
    def edge_kernel(g_hbm, edge_hbm, zeros_hbm, out_hbm, *scr):
        idxb = scr[0:NI]
        rows = scr[NI:NI + NB]
        acc = scr[NI + NB]
        isem = scr[NI + NB + 1:2 * NI + NB + 1]
        gsem = scr[2 * NI + NB + 1:2 * NI + 2 * NB + 1]
        ssem = scr[2 * NI + 2 * NB + 1:2 * NI + 3 * NB + 1]
        c = lax.axis_index("c")
        s = lax.axis_index("s")
        wid = c * NS + s
        e0 = wid * E_PER_W
        pltpu.sync_copy(zeros_hbm,
                        acc.at[pl.ds(s * ROWS_PER_TILE, ROWS_PER_TILE)])
        plsc.subcore_barrier()

        def cp_idx(k, si):
            return pltpu.async_copy(
                edge_hbm.at[:, pl.ds(e0 + k * CHUNK, CHUNK)],
                idxb[si], isem[si])

        def wait_idx(k, si):
            pltpu.make_async_copy(
                edge_hbm.at[:, pl.ds(e0 + k * CHUNK, CHUNK)],
                idxb[si], isem[si]).wait()

        def start_gather(si, q):
            return pltpu.async_copy(g_hbm.at[idxb[si].at[0]], rows[q],
                                    gsem[q])

        def wait_gather(si, q):
            pltpu.make_async_copy(g_hbm.at[idxb[si].at[0]], rows[q],
                                  gsem[q]).wait()

        def start_scatter(si, q):
            return pltpu.async_copy(rows[q], acc.at[idxb[si].at[1]],
                                    ssem[q], add=True)

        def wait_scatter(si, q):
            pltpu.make_async_copy(rows[q], acc.at[idxb[si].at[1]],
                                  ssem[q]).wait()

        def maybe(pred, fn):
            def run():
                fn()
            if isinstance(pred, bool):
                if pred:
                    run()
            else:
                pl.when(pred)(run)

        for si in range(NI - GA):
            cp_idx(si, si)
        for k in range(GA):
            wait_idx(k, k)
            start_gather(k, k)

        def body_one(i, q, si):
            wait_gather(si, q)
            start_scatter(si, q)
            qn = (q + GA) % NB
            sn = (si - (NB - GA)) % NI
            maybe(i >= NB - GA, lambda: wait_scatter(sn, qn))
            maybe(i + NI - GA < N_CHUNKS,
                  lambda: cp_idx(i + NI - GA, (si - GA) % NI))

            def _gather_next():
                wait_idx(i + GA, (si + GA) % NI)
                start_gather((si + GA) % NI, qn)
            maybe(i + GA < N_CHUNKS, _gather_next)

        def outer(j0, carry):
            for k in range(NI):
                body_one(j0 * NI + k, k % NB, k % NI)
            return carry

        NOUTER = N_CHUNKS // NI
        lax.fori_loop(0, NOUTER, outer, 0)
        for i in range(NOUTER * NI, N_CHUNKS):
            body_one(i, i % NB, i % NI)
        for i in range(N_CHUNKS - (NB - GA), N_CHUNKS):
            wait_scatter(i % NI, i % NB)

        plsc.subcore_barrier()
        pltpu.sync_copy(
            acc.at[pl.ds(s * ROWS_PER_TILE, ROWS_PER_TILE)],
            out_hbm.at[c, pl.ds(s * ROWS_PER_TILE, ROWS_PER_TILE)],
        )

    return edge_kernel


_edge_scatter_128 = _make_edge_scatter(D_HID)
_edge_scatter_64 = _make_edge_scatter(D_OUT)



_BLK = 400


def _dis_block(degp_ref):
    deg = degp_ref[0, :, 0:1] + degp_ref[1, :, 0:1]
    return jnp.where(deg > 0, lax.rsqrt(deg), 0.0)


def _mm_body(x_ref, wi_ref, wr_ref, b_ref, h_ref, r_ref):
    x = x_ref[...]
    h_ref[...] = jnp.dot(x, wi_ref[...], preferred_element_type=jnp.float32)
    r_ref[...] = (
        jnp.dot(x, wr_ref[...], preferred_element_type=jnp.float32)
        + b_ref[...]
    )


def _mm_kernel(x, wi, wr, b):
    d_in, d = wi.shape
    return pl.pallas_call(
        _mm_body,
        grid=(N_NODES // _BLK,),
        in_specs=[
            pl.BlockSpec((_BLK, d_in), lambda i: (i, 0)),
            pl.BlockSpec((d_in, d), lambda i: (0, 0)),
            pl.BlockSpec((d_in, d), lambda i: (0, 0)),
            pl.BlockSpec((1, d), lambda i: (0, 0)),
        ],
        out_specs=[
            pl.BlockSpec((_BLK, d), lambda i: (i, 0)),
            pl.BlockSpec((_BLK, d), lambda i: (i, 0)),
        ],
        out_shape=[
            jax.ShapeDtypeStruct((N_NODES, d), jnp.float32),
            jax.ShapeDtypeStruct((N_NODES, d), jnp.float32),
        ],
    )(x, wi, wr, b)


def _scale_body(h_ref, degp_ref, g_ref):
    g_ref[...] = h_ref[...] * _dis_block(degp_ref)


def _scale_kernel(h, deg_parts):
    d = h.shape[1]
    return pl.pallas_call(
        _scale_body,
        grid=(N_NODES // _BLK,),
        in_specs=[
            pl.BlockSpec((_BLK, d), lambda i: (i, 0)),
            pl.BlockSpec((NC, _BLK, 16), lambda i: (0, i, 0)),
        ],
        out_specs=pl.BlockSpec((_BLK, d), lambda i: (i, 0)),
        out_shape=jax.ShapeDtypeStruct((N_NODES, d), jnp.float32),
    )(h, deg_parts)


def _mid_body(parts_ref, r_ref, degp_ref, wi_ref, wr_ref, b_ref,
              g_ref, rn_ref):
    dis = _dis_block(degp_ref)
    out = jnp.maximum(
        (parts_ref[0] + parts_ref[1]) * dis + r_ref[...], 0.0)
    h = jnp.dot(out, wi_ref[...], preferred_element_type=jnp.float32)
    g_ref[...] = h * dis
    rn_ref[...] = (
        jnp.dot(out, wr_ref[...], preferred_element_type=jnp.float32)
        + b_ref[...]
    )


def _mid_kernel(parts, r, deg_parts, wi, wr, b):
    d_in, d = wi.shape
    return pl.pallas_call(
        _mid_body,
        grid=(N_NODES // _BLK,),
        in_specs=[
            pl.BlockSpec((NC, _BLK, d_in), lambda i: (0, i, 0)),
            pl.BlockSpec((_BLK, d_in), lambda i: (i, 0)),
            pl.BlockSpec((NC, _BLK, 16), lambda i: (0, i, 0)),
            pl.BlockSpec((d_in, d), lambda i: (0, 0)),
            pl.BlockSpec((d_in, d), lambda i: (0, 0)),
            pl.BlockSpec((1, d), lambda i: (0, 0)),
        ],
        out_specs=[
            pl.BlockSpec((_BLK, d), lambda i: (i, 0)),
            pl.BlockSpec((_BLK, d), lambda i: (i, 0)),
        ],
        out_shape=[
            jax.ShapeDtypeStruct((N_NODES, d), jnp.float32),
            jax.ShapeDtypeStruct((N_NODES, d), jnp.float32),
        ],
    )(parts, r, deg_parts, wi, wr, b)


def _post_body(parts_ref, r_ref, degp_ref, out_ref):
    dis = _dis_block(degp_ref)
    z = (parts_ref[0] + parts_ref[1]) * dis + r_ref[...]
    out_ref[...] = jax.nn.sigmoid(jnp.maximum(z, 0.0))


def _post_kernel(parts, r, deg_parts):
    d = r.shape[1]
    return pl.pallas_call(
        _post_body,
        grid=(N_NODES // _BLK,),
        in_specs=[
            pl.BlockSpec((NC, _BLK, d), lambda i: (0, i, 0)),
            pl.BlockSpec((_BLK, d), lambda i: (i, 0)),
            pl.BlockSpec((NC, _BLK, 16), lambda i: (0, i, 0)),
        ],
        out_specs=pl.BlockSpec((_BLK, d), lambda i: (i, 0)),
        out_shape=jax.ShapeDtypeStruct((N_NODES, d), jnp.float32),
    )(parts, r, deg_parts)



def kernel(x, edge_index, batch, W1_init, W1_root, b1,
           W2_init, W2_root, b2, W3_init, W3_root, b3):
    zeros128 = jnp.zeros((ROWS_PER_TILE, D_HID), jnp.float32)
    zeros64 = jnp.zeros((ROWS_PER_TILE, D_OUT), jnp.float32)
    zeros16 = jnp.zeros((ROWS_PER_TILE, 16), jnp.float32)
    ones16 = jnp.ones((CHUNK, 16), jnp.float32)

    deg_parts = _deg_kernel(edge_index, ones16, zeros16)
    h1, r = _mm_kernel(x, W1_init, W1_root, jnp.reshape(b1, (1, -1)))
    g = _scale_kernel(h1, deg_parts)
    parts = _edge_scatter_128(g, edge_index, zeros128)
    g, r = _mid_kernel(parts, r, deg_parts, W2_init, W2_root,
                       jnp.reshape(b2, (1, -1)))
    parts = _edge_scatter_128(g, edge_index, zeros128)
    g, r = _mid_kernel(parts, r, deg_parts, W3_init, W3_root,
                       jnp.reshape(b3, (1, -1)))
    parts = _edge_scatter_64(g, edge_index, zeros64)
    return _post_kernel(parts, r, deg_parts)

# --- scband reference (transcript-rebuilt; emitter-appended) ---
"""Pipeline reference for scband-armaconv-net-35716948034095 (READ-ONLY COPY).

The authoritative reference and input builder live on the scoring server;
editing this copy changes nothing except your own understanding.
"""

import jax, jax.numpy as jnp
import numpy as np

N_NODES = 10000
N_EDGES = 320000
D_IN = 128
D_HID = 128
D_OUT = 64


def glorot(key, shape):
    fan_in, fan_out = shape[0], shape[1]
    limit = jnp.sqrt(6.0 / (fan_in + fan_out))
    return jax.random.uniform(key, shape, dtype=jnp.float32, minval=-limit, maxval=limit)


def setup_inputs(seed: int = 0) -> dict:
    key = jax.random.key(seed)
    ks = jax.random.split(key, 12)
    x = jax.random.normal(ks[0], (N_NODES, D_IN), dtype=jnp.float32)
    edge_index = jax.random.randint(ks[1], (2, N_EDGES), 0, N_NODES, dtype=jnp.int64 if jax.config.jax_enable_x64 else jnp.int32).astype(jnp.int32)
    batch = jnp.zeros((N_NODES,), dtype=jnp.int32)
    return {
        "x": x,
        "edge_index": edge_index,
        "batch": batch,
        "W1_init": glorot(ks[2], (D_IN, D_HID)),
        "W1_root": glorot(ks[3], (D_IN, D_HID)),
        "b1": jnp.zeros((D_HID,), dtype=jnp.float32),
        "W2_init": glorot(ks[4], (D_HID, D_HID)),
        "W2_root": glorot(ks[5], (D_HID, D_HID)),
        "b2": jnp.zeros((D_HID,), dtype=jnp.float32),
        "W3_init": glorot(ks[6], (D_HID, D_OUT)),
        "W3_root": glorot(ks[7], (D_HID, D_OUT)),
        "b3": jnp.zeros((D_OUT,), dtype=jnp.float32),
    }


def _gcn_norm_no_self_loops(edge_index, num_nodes):
    # gcn_norm with add_self_loops=False, as used inside PyG ARMAConv
    row, col = edge_index[0], edge_index[1]
    ones = jnp.ones((row.shape[0],), dtype=jnp.float32)
    deg = jnp.zeros((num_nodes,), dtype=jnp.float32).at[col].add(ones)
    deg_inv_sqrt = jnp.where(deg > 0, deg ** -0.5, 0.0)
    norm = deg_inv_sqrt[row] * deg_inv_sqrt[col]
    return norm


def _arma_conv(x, edge_index, norm, W_init, W_root, b):
    # ARMAConv with num_stacks=1, num_layers=1, shared_weights=False, act=ReLU, dropout=0
    row, col = edge_index[0], edge_index[1]
    N = x.shape[0]
    h = x @ W_init
    msg = h[row] * norm[:, None]
    agg = jnp.zeros((N, h.shape[1]), dtype=x.dtype).at[col].add(msg)
    out = agg + x @ W_root + b
    return jax.nn.relu(out)  # internal act of ARMAConv


def reference(x, edge_index, batch, W1_init, W1_root, b1, W2_init, W2_root, b2, W3_init, W3_root, b3):
    norm = _gcn_norm_no_self_loops(edge_index, x.shape[0])
    h = jax.nn.relu(_arma_conv(x, edge_index, norm, W1_init, W1_root, b1))
    h = jax.nn.relu(_arma_conv(h, edge_index, norm, W2_init, W2_root, b2))
    h = _arma_conv(h, edge_index, norm, W3_init, W3_root, b3)
    return jax.nn.sigmoid(h)

if __name__ == "__main__":
    import jax
    _d = setup_inputs()
    print(jax.jit(kernel)(*tuple(_d.values())))

</pallas_src>

<mosaic_0001>
#map = affine_map<(d0, d1) -> (0, 0)>
#map1 = affine_map<(d0, d1) -> (0, 0, 0)>
module attributes {stable_mosaic.version = 14 : i64} {
  func.func @edge_kernel(%arg0: i32, %arg1: i32, %arg2: memref<10000x128xf32, #tpu.memory_space<hbm>>, %arg3: memref<2x320000xi32, #tpu.memory_space<hbm>>, %arg4: memref<640x128xf32, #tpu.memory_space<hbm>>, %arg5: memref<2x10240x128xf32, #tpu.memory_space<hbm>>, %arg6: memref<2x80xi32, #tpu.memory_space<vmem>>, %arg7: memref<2x80xi32, #tpu.memory_space<vmem>>, %arg8: memref<2x80xi32, #tpu.memory_space<vmem>>, %arg9: memref<2x80xi32, #tpu.memory_space<vmem>>, %arg10: memref<2x80xi32, #tpu.memory_space<vmem>>, %arg11: memref<2x80xi32, #tpu.memory_space<vmem>>, %arg12: memref<2x80xi32, #tpu.memory_space<vmem>>, %arg13: memref<2x80xi32, #tpu.memory_space<vmem>>, %arg14: memref<80x128xf32, #tpu.memory_space<vmem>>, %arg15: memref<80x128xf32, #tpu.memory_space<vmem>>, %arg16: memref<80x128xf32, #tpu.memory_space<vmem>>, %arg17: memref<80x128xf32, #tpu.memory_space<vmem>>, %arg18: memref<10240x128xf32, #tpu.memory_space<vmem_shared>>, %arg19: memref<!tpu.dma_semaphore, #tpu.memory_space<semaphore_mem>>, %arg20: memref<!tpu.dma_semaphore, #tpu.memory_space<semaphore_mem>>, %arg21: memref<!tpu.dma_semaphore, #tpu.memory_space<semaphore_mem>>, %arg22: memref<!tpu.dma_semaphore, #tpu.memory_space<semaphore_mem>>, %arg23: memref<!tpu.dma_semaphore, #tpu.memory_space<semaphore_mem>>, %arg24: memref<!tpu.dma_semaphore, #tpu.memory_space<semaphore_mem>>, %arg25: memref<!tpu.dma_semaphore, #tpu.memory_space<semaphore_mem>>, %arg26: memref<!tpu.dma_semaphore, #tpu.memory_space<semaphore_mem>>, %arg27: memref<!tpu.dma_semaphore, #tpu.memory_space<semaphore_mem>>, %arg28: memref<!tpu.dma_semaphore, #tpu.memory_space<semaphore_mem>>, %arg29: memref<!tpu.dma_semaphore, #tpu.memory_space<semaphore_mem>>, %arg30: memref<!tpu.dma_semaphore, #tpu.memory_space<semaphore_mem>>, %arg31: memref<!tpu.dma_semaphore, #tpu.memory_space<semaphore_mem>>, %arg32: memref<!tpu.dma_semaphore, #tpu.memory_space<semaphore_mem>>, %arg33: memref<!tpu.dma_semaphore, #tpu.memory_space<semaphore_mem>>, %arg34: memref<!tpu.dma_semaphore, #tpu.memory_space<semaphore_mem>>) attributes {dimension_semantics = [#tpu.dimension_semantics<core_parallel>, #tpu.dimension_semantics<subcore_parallel>], iteration_bounds = array<i64: 2, 16>, scalar_prefetch = 0 : i64, scratch_operands = 29 : i64, tpu.core_type = #tpu.core_type<sc_vector_subcore>, window_params = [{transform_indices = #map}, {transform_indices = #map}, {transform_indices = #map}, {transform_indices = #map1}]} {
    %mul3A = arith.constant 16 : i32
    %mul3A_0 = arith.muli %arg0, %mul3A : i32
    %add3A = arith.addi %mul3A_0, %arg1 : i32
    %mul3A_1 = arith.constant 10000 : i32
    %mul3A_2 = arith.muli %add3A, %mul3A_1 : i32
    %mul3A_3 = arith.constant 640 : i32
    %mul3A_4 = arith.muli %arg1, %mul3A_3 : i32
    "tpu.region"() ({
      %run_scoped3A = tpu.sem_alloc : memref<!tpu.dma_semaphore, #tpu.memory_space<semaphore_mem>>
      %dma_start3A_220 = arith.constant 0 : i32
      %dma_start3A_221 = tpu.memref_slice %arg18[%mul3A_4, %dma_start3A_220] : memref<10240x128xf32, #tpu.memory_space<vmem_shared>> -> memref<640x128xf32, #tpu.memory_space<vmem_shared>>
      tpu.enqueue_dma source(%arg4 : memref<640x128xf32, #tpu.memory_space<hbm>>) target(%dma_start3A_221 : memref<640x128xf32, #tpu.memory_space<vmem_shared>>) target_semaphore(%run_scoped3A : memref<!tpu.dma_semaphore, #tpu.memory_space<semaphore_mem>>)
      %dma_wait3A_222 = arith.constant 0 : i32
      %dma_wait3A_223 = tpu.memref_slice %arg18[%mul3A_4, %dma_wait3A_222] : memref<10240x128xf32, #tpu.memory_space<vmem_shared>> -> memref<640x128xf32, #tpu.memory_space<vmem_shared>>
      tpu.wait_dma2 semaphore(%run_scoped3A : memref<!tpu.dma_semaphore, #tpu.memory_space<semaphore_mem>>) src(%arg4 : memref<640x128xf32, #tpu.memory_space<hbm>>) dst(%dma_wait3A_223 : memref<640x128xf32, #tpu.memory_space<vmem_shared>>)
      tpu.yield
    }) : () -> ()
    %barrier3A = arith.constant 0 : index
    tpu.barrier barrier_id(%barrier3A)
    %add3A_5 = arith.constant 0 : i32
    %add3A_6 = arith.addi %mul3A_2, %add3A_5 : i32
    %dma_start3A = arith.constant 0 : i32
    %dma_start3A_7 = tpu.memref_slice %arg3[%dma_start3A, %add3A_6] : memref<2x320000xi32, #tpu.memory_space<hbm>> -> memref<2x80xi32, #tpu.memory_space<hbm>>
    %dma_start3A_8 = arith.constant 0 : i32
    %dma_start3A_9 = tpu.memref_slice %arg3[%dma_start3A_8, %add3A_6] : memref<2x320000xi32, #tpu.memory_space<hbm>> -> memref<2x80xi32, #tpu.memory_space<hbm>>
    tpu.enqueue_dma source(%dma_start3A_9 : memref<2x80xi32, #tpu.memory_space<hbm>>) target(%arg6 : memref<2x80xi32, #tpu.memory_space<vmem>>) target_semaphore(%arg19 : memref<!tpu.dma_semaphore, #tpu.memory_space<semaphore_mem>>)
    %add3A_10 = arith.constant 80 : i32
    %add3A_11 = arith.addi %mul3A_2, %add3A_10 : i32
    %dma_start3A_12 = arith.constant 0 : i32
    %dma_start3A_13 = tpu.memref_slice %arg3[%dma_start3A_12, %add3A_11] : memref<2x320000xi32, #tpu.memory_space<hbm>> -> memref<2x80xi32, #tpu.memory_space<hbm>>
    %dma_start3A_14 = arith.constant 0 : i32
    %dma_start3A_15 = tpu.memref_slice %arg3[%dma_start3A_14, %add3A_11] : memref<2x320000xi32, #tpu.memory_space<hbm>> -> memref<2x80xi32, #tpu.memory_space<hbm>>
    tpu.enqueue_dma source(%dma_start3A_15 : memref<2x80xi32, #tpu.memory_space<hbm>>) target(%arg7 : memref<2x80xi32, #tpu.memory_space<vmem>>) target_semaphore(%arg20 : memref<!tpu.dma_semaphore, #tpu.memory_space<semaphore_mem>>)
    %add3A_16 = arith.constant 160 : i32
    %add3A_17 = arith.addi %mul3A_2, %add3A_16 : i32
    %dma_start3A_18 = arith.constant 0 : i32
    %dma_start3A_19 = tpu.memref_slice %arg3[%dma_start3A_18, %add3A_17] : memref<2x320000xi32, #tpu.memory_space<hbm>> -> memref<2x80xi32, #tpu.memory_space<hbm>>
    %dma_start3A_20 = arith.constant 0 : i32
    %dma_start3A_21 = tpu.memref_slice %arg3[%dma_start3A_20, %add3A_17] : memref<2x320000xi32, #tpu.memory_space<hbm>> -> memref<2x80xi32, #tpu.memory_space<hbm>>
    tpu.enqueue_dma source(%dma_start3A_21 : memref<2x80xi32, #tpu.memory_space<hbm>>) target(%arg8 : memref<2x80xi32, #tpu.memory_space<vmem>>) target_semaphore(%arg21 : memref<!tpu.dma_semaphore, #tpu.memory_space<semaphore_mem>>)
    %add3A_22 = arith.constant 240 : i32
    %add3A_23 = arith.addi %mul3A_2, %add3A_22 : i32
    %dma_start3A_24 = arith.constant 0 : i32
    %dma_start3A_25 = tpu.memref_slice %arg3[%dma_start3A_24, %add3A_23] : memref<2x320000xi32, #tpu.memory_space<hbm>> -> memref<2x80xi32, #tpu.memory_space<hbm>>
    %dma_start3A_26 = arith.constant 0 : i32
    %dma_start3A_27 = tpu.memref_slice %arg3[%dma_start3A_26, %add3A_23] : memref<2x320000xi32, #tpu.memory_space<hbm>> -> memref<2x80xi32, #tpu.memory_space<hbm>>
    tpu.enqueue_dma source(%dma_start3A_27 : memref<2x80xi32, #tpu.memory_space<hbm>>) target(%arg9 : memref<2x80xi32, #tpu.memory_space<vmem>>) target_semaphore(%arg22 : memref<!tpu.dma_semaphore, #tpu.memory_space<semaphore_mem>>)
    %add3A_28 = arith.constant 320 : i32
    %add3A_29 = arith.addi %mul3A_2, %add3A_28 : i32
    %dma_start3A_30 = arith.constant 0 : i32
    %dma_start3A_31 = tpu.memref_slice %arg3[%dma_start3A_30, %add3A_29] : memref<2x320000xi32, #tpu.memory_space<hbm>> -> memref<2x80xi32, #tpu.memory_space<hbm>>
    %dma_start3A_32 = arith.constant 0 : i32
    %dma_start3A_33 = tpu.memref_slice %arg3[%dma_start3A_32, %add3A_29] : memref<2x320000xi32, #tpu.memory_space<hbm>> -> memref<2x80xi32, #tpu.memory_space<hbm>>
    tpu.enqueue_dma source(%dma_start3A_33 : memref<2x80xi32, #tpu.memory_space<hbm>>) target(%arg10 : memref<2x80xi32, #tpu.memory_space<vmem>>) target_semaphore(%arg23 : memref<!tpu.dma_semaphore, #tpu.memory_space<semaphore_mem>>)
    %add3A_34 = arith.constant 0 : i32
    %add3A_35 = arith.addi %mul3A_2, %add3A_34 : i32
    %dma_wait3A = arith.constant 0 : i32
    %dma_wait3A_36 = tpu.memref_slice %arg3[%dma_wait3A, %add3A_35] : memref<2x320000xi32, #tpu.memory_space<hbm>> -> memref<2x80xi32, #tpu.memory_space<hbm>>
    %dma_wait3A_37 = arith.constant 0 : i32
    %dma_wait3A_38 = tpu.memref_slice %arg3[%dma_wait3A_37, %add3A_35] : memref<2x320000xi32, #tpu.memory_space<hbm>> -> memref<2x80xi32, #tpu.memory_space<hbm>>
    tpu.wait_dma2 semaphore(%arg19 : memref<!tpu.dma_semaphore, #tpu.memory_space<semaphore_mem>>) src(%dma_wait3A_38 : memref<2x80xi32, #tpu.memory_space<hbm>>) dst(%arg6 : memref<2x80xi32, #tpu.memory_space<vmem>>)
    %dma_start3A_39 = arith.constant 0 : i32
    %dma_start3A_40 = arith.constant 0 : i32
    %dma_start3A_41 = tpu.memref_slice %arg6[%dma_start3A_39, %dma_start3A_40] : memref<2x80xi32, #tpu.memory_space<vmem>> -> memref<1x80xi32, #tpu.memory_space<vmem>>
    %dma_start3A_42 = tpu.memref_squeeze %dma_start3A_41 : memref<1x80xi32, #tpu.memory_space<vmem>> -> memref<80xi32, #tpu.memory_space<vmem>>
    %dma_start3A_43 = arith.constant 0 : i32
    %dma_start3A_44 = arith.constant 0 : i32
    %dma_start3A_45 = tpu.memref_slice %arg2[%dma_start3A_43, %dma_start3A_44] : memref<10000x128xf32, #tpu.memory_space<hbm>> -> memref<10000x128xf32, #tpu.memory_space<hbm>>
    tpu.enqueue_indirect_dma source(%dma_start3A_45 : memref<10000x128xf32, #tpu.memory_space<hbm>>) target(%arg14 : memref<80x128xf32, #tpu.memory_space<vmem>>) offsets(%dma_start3A_42 : memref<80xi32, #tpu.memory_space<vmem>>) semaphore(%arg27 : memref<!tpu.dma_semaphore, #tpu.memory_space<semaphore_mem>>)
    %add3A_46 = arith.constant 80 : i32
    %add3A_47 = arith.addi %mul3A_2, %add3A_46 : i32
    %dma_wait3A_48 = arith.constant 0 : i32
    %dma_wait3A_49 = tpu.memref_slice %arg3[%dma_wait3A_48, %add3A_47] : memref<2x320000xi32, #tpu.memory_space<hbm>> -> memref<2x80xi32, #tpu.memory_space<hbm>>
    %dma_wait3A_50 = arith.constant 0 : i32
    %dma_wait3A_51 = tpu.memref_slice %arg3[%dma_wait3A_50, %add3A_47] : memref<2x320000xi32, #tpu.memory_space<hbm>> -> memref<2x80xi32, #tpu.memory_space<hbm>>
    tpu.wait_dma2 semaphore(%arg20 : memref<!tpu.dma_semaphore, #tpu.memory_space<semaphore_mem>>) src(%dma_wait3A_51 : memref<2x80xi32, #tpu.memory_space<hbm>>) dst(%arg7 : memref<2x80xi32, #tpu.memory_space<vmem>>)
    %dma_start3A_52 = arith.constant 0 : i32
    %dma_start3A_53 = arith.constant 0 : i32
    %dma_start3A_54 = tpu.memref_slice %arg7[%dma_start3A_52, %dma_start3A_53] : memref<2x80xi32, #tpu.memory_space<vmem>> -> memref<1x80xi32, #tpu.memory_space<vmem>>
    %dma_start3A_55 = tpu.memref_squeeze %dma_start3A_54 : memref<1x80xi32, #tpu.memory_space<vmem>> -> memref<80xi32, #tpu.memory_space<vmem>>
    %dma_start3A_56 = arith.constant 0 : i32
    %dma_start3A_57 = arith.constant 0 : i32
    %dma_start3A_58 = tpu.memref_slice %arg2[%dma_start3A_56, %dma_start3A_57] : memref<10000x128xf32, #tpu.memory_space<hbm>> -> memref<10000x128xf32, #tpu.memory_space<hbm>>
    tpu.enqueue_indirect_dma source(%dma_start3A_58 : memref<10000x128xf32, #tpu.memory_space<hbm>>) target(%arg15 : memref<80x128xf32, #tpu.memory_space<vmem>>) offsets(%dma_start3A_55 : memref<80xi32, #tpu.memory_space<vmem>>) semaphore(%arg28 : memref<!tpu.dma_semaphore, #tpu.memory_space<semaphore_mem>>)
    %add3A_59 = arith.constant 160 : i32
    %add3A_60 = arith.addi %mul3A_2, %add3A_59 : i32
    %dma_wait3A_61 = arith.constant 0 : i32
    %dma_wait3A_62 = tpu.memref_slice %arg3[%dma_wait3A_61, %add3A_60] : memref<2x320000xi32, #tpu.memory_space<hbm>> -> memref<2x80xi32, #tpu.memory_space<hbm>>
    %dma_wait3A_63 = arith.constant 0 : i32
    %dma_wait3A_64 = tpu.memref_slice %arg3[%dma_wait3A_63, %add3A_60] : memref<2x320000xi32, #tpu.memory_space<hbm>> -> memref<2x80xi32, #tpu.memory_space<hbm>>
    tpu.wait_dma2 semaphore(%arg21 : memref<!tpu.dma_semaphore, #tpu.memory_space<semaphore_mem>>) src(%dma_wait3A_64 : memref<2x80xi32, #tpu.memory_space<hbm>>) dst(%arg8 : memref<2x80xi32, #tpu.memory_space<vmem>>)
    %dma_start3A_65 = arith.constant 0 : i32
    %dma_start3A_66 = arith.constant 0 : i32
    %dma_start3A_67 = tpu.memref_slice %arg8[%dma_start3A_65, %dma_start3A_66] : memref<2x80xi32, #tpu.memory_space<vmem>> -> memref<1x80xi32, #tpu.memory_space<vmem>>
    %dma_start3A_68 = tpu.memref_squeeze %dma_start3A_67 : memref<1x80xi32, #tpu.memory_space<vmem>> -> memref<80xi32, #tpu.memory_space<vmem>>
    %dma_start3A_69 = arith.constant 0 : i32
    %dma_start3A_70 = arith.constant 0 : i32
    %dma_start3A_71 = tpu.memref_slice %arg2[%dma_start3A_69, %dma_start3A_70] : memref<10000x128xf32, #tpu.memory_space<hbm>> -> memref<10000x128xf32, #tpu.memory_space<hbm>>
    tpu.enqueue_indirect_dma source(%dma_start3A_71 : memref<10000x128xf32, #tpu.memory_space<hbm>>) target(%arg16 : memref<80x128xf32, #tpu.memory_space<vmem>>) offsets(%dma_start3A_68 : memref<80xi32, #tpu.memory_space<vmem>>) semaphore(%arg29 : memref<!tpu.dma_semaphore, #tpu.memory_space<semaphore_mem>>)
    %scan3A = arith.constant 0 : i32
    %scan3A_72 = arith.constant 0 : i32
    %scan3A_73 = arith.constant 15 : i32
    %scan3A_74 = arith.addi %scan3A_72, %scan3A_73 : i32
    %scan3A_75 = arith.constant 1 : i32
    scf.for %scan3A_220 = %scan3A_72 to %scan3A_74 step %scan3A_75  : i32 {
      %mul3A_221 = arith.constant 8 : i32
      %mul3A_222 = arith.muli %scan3A_220, %mul3A_221 : i32
      %add3A_223 = arith.constant 0 : i32
      %add3A_224 = arith.addi %mul3A_222, %add3A_223 : i32
      %dma_wait3A_225 = arith.constant 0 : i32
      %dma_wait3A_226 = arith.constant 0 : i32
      %dma_wait3A_227 = tpu.memref_slice %arg6[%dma_wait3A_225, %dma_wait3A_226] : memref<2x80xi32, #tpu.memory_space<vmem>> -> memref<1x80xi32, #tpu.memory_space<vmem>>
      %dma_wait3A_228 = tpu.memref_squeeze %dma_wait3A_227 : memref<1x80xi32, #tpu.memory_space<vmem>> -> memref<80xi32, #tpu.memory_space<vmem>>
      %dma_wait3A_229 = arith.constant 0 : i32
      %dma_wait3A_230 = arith.constant 0 : i32
      %dma_wait3A_231 = tpu.memref_slice %arg2[%dma_wait3A_229, %dma_wait3A_230] : memref<10000x128xf32, #tpu.memory_space<hbm>> -> memref<10000x128xf32, #tpu.memory_space<hbm>>
      tpu.wait_indirect_dma semaphore(%arg27 : memref<!tpu.dma_semaphore, #tpu.memory_space<semaphore_mem>>) src(%dma_wait3A_231 : memref<10000x128xf32, #tpu.memory_space<hbm>>) dst(%arg14 : memref<80x128xf32, #tpu.memory_space<vmem>>)
      %dma_start3A_232 = arith.constant 1 : i32
      %dma_start3A_233 = arith.constant 0 : i32
      %dma_start3A_234 = tpu.memref_slice %arg6[%dma_start3A_232, %dma_start3A_233] : memref<2x80xi32, #tpu.memory_space<vmem>> -> memref<1x80xi32, #tpu.memory_space<vmem>>
      %dma_start3A_235 = tpu.memref_squeeze %dma_start3A_234 : memref<1x80xi32, #tpu.memory_space<vmem>> -> memref<80xi32, #tpu.memory_space<vmem>>
      %dma_start3A_236 = arith.constant 0 : i32
      %dma_start3A_237 = arith.constant 0 : i32
      %dma_start3A_238 = tpu.memref_slice %arg18[%dma_start3A_236, %dma_start3A_237] : memref<10240x128xf32, #tpu.memory_space<vmem_shared>> -> memref<10240x128xf32, #tpu.memory_space<vmem_shared>>
      tpu.enqueue_indirect_dma source(%arg14 : memref<80x128xf32, #tpu.memory_space<vmem>>) target(%dma_start3A_238 : memref<10240x128xf32, #tpu.memory_space<vmem_shared>>) offsets(%dma_start3A_235 : memref<80xi32, #tpu.memory_space<vmem>>) semaphore(%arg31 : memref<!tpu.dma_semaphore, #tpu.memory_space<semaphore_mem>>) {add = true}
      %ge3A = arith.constant 1 : i32
      %ge3A_239 = arith.cmpi sge, %add3A_224, %ge3A : i32
      %convert_element_type3A = arith.extui %ge3A_239 : i1 to i32
      %cond3A = arith.constant 0 : i32
      %cond3A_240 = arith.cmpi ne, %convert_element_type3A, %cond3A : i32
      scf.if %cond3A_240 {
        %dma_wait3A_528 = arith.constant 1 : i32
        %dma_wait3A_529 = arith.constant 0 : i32
        %dma_wait3A_530 = tpu.memref_slice %arg13[%dma_wait3A_528, %dma_wait3A_529] : memref<2x80xi32, #tpu.memory_space<vmem>> -> memref<1x80xi32, #tpu.memory_space<vmem>>
        %dma_wait3A_531 = tpu.memref_squeeze %dma_wait3A_530 : memref<1x80xi32, #tpu.memory_space<vmem>> -> memref<80xi32, #tpu.memory_space<vmem>>
        %dma_wait3A_532 = arith.constant 0 : i32
        %dma_wait3A_533 = arith.constant 0 : i32
        %dma_wait3A_534 = tpu.memref_slice %arg18[%dma_wait3A_532, %dma_wait3A_533] : memref<10240x128xf32, #tpu.memory_space<vmem_shared>> -> memref<10240x128xf32, #tpu.memory_space<vmem_shared>>
        tpu.wait_indirect_dma semaphore(%arg34 : memref<!tpu.dma_semaphore, #tpu.memory_space<semaphore_mem>>) src(%arg17 : memref<80x128xf32, #tpu.memory_space<vmem>>) dst(%dma_wait3A_534 : memref<10240x128xf32, #tpu.memory_space<vmem_shared>>)
      } else {
      }
      %add3A_241 = arith.constant 8 : i32
      %add3A_242 = arith.addi %add3A_224, %add3A_241 : i32
      %sub3A = arith.constant 3 : i32
      %sub3A_243 = arith.subi %add3A_242, %sub3A : i32
      %lt3A = arith.constant 125 : i32
      %lt3A_244 = arith.cmpi slt, %sub3A_243, %lt3A : i32
      %convert_element_type3A_245 = arith.extui %lt3A_244 : i1 to i32
      %cond3A_246 = arith.constant 0 : i32
      %cond3A_247 = arith.cmpi ne, %convert_element_type3A_245, %cond3A_246 : i32
      scf.if %cond3A_247 {
        %add3A_528 = arith.constant 8 : i32
        %add3A_529 = arith.addi %add3A_224, %add3A_528 : i32
        %sub3A_530 = arith.constant 3 : i32
        %sub3A_531 = arith.subi %add3A_529, %sub3A_530 : i32
        %mul3A_532 = arith.constant 80 : i32
        %mul3A_533 = arith.muli %sub3A_531, %mul3A_532 : i32
        %add3A_534 = arith.addi %mul3A_2, %mul3A_533 : i32
        %dma_start3A_535 = arith.constant 0 : i32
        %dma_start3A_536 = tpu.memref_slice %arg3[%dma_start3A_535, %add3A_534] : memref<2x320000xi32, #tpu.memory_space<hbm>> -> memref<2x80xi32, #tpu.memory_space<hbm>>
        %dma_start3A_537 = arith.constant 0 : i32
        %dma_start3A_538 = tpu.memref_slice %arg3[%dma_start3A_537, %add3A_534] : memref<2x320000xi32, #tpu.memory_space<hbm>> -> memref<2x80xi32, #tpu.memory_space<hbm>>
        tpu.enqueue_dma source(%dma_start3A_538 : memref<2x80xi32, #tpu.memory_space<hbm>>) target(%arg11 : memref<2x80xi32, #tpu.memory_space<vmem>>) target_semaphore(%arg24 : memref<!tpu.dma_semaphore, #tpu.memory_space<semaphore_mem>>)
      } else {
      }
      %add3A_248 = arith.constant 3 : i32
      %add3A_249 = arith.addi %add3A_224, %add3A_248 : i32
      %lt3A_250 = arith.constant 125 : i32
      %lt3A_251 = arith.cmpi slt, %add3A_249, %lt3A_250 : i32
      %convert_element_type3A_252 = arith.extui %lt3A_251 : i1 to i32
      %cond3A_253 = arith.constant 0 : i32
      %cond3A_254 = arith.cmpi ne, %convert_element_type3A_252, %cond3A_253 : i32
      scf.if %cond3A_254 {
        %add3A_528 = arith.constant 3 : i32
        %add3A_529 = arith.addi %add3A_224, %add3A_528 : i32
        %mul3A_530 = arith.constant 80 : i32
        %mul3A_531 = arith.muli %add3A_529, %mul3A_530 : i32
        %add3A_532 = arith.addi %mul3A_2, %mul3A_531 : i32
        %dma_wait3A_533 = arith.constant 0 : i32
        %dma_wait3A_534 = tpu.memref_slice %arg3[%dma_wait3A_533, %add3A_532] : memref<2x320000xi32, #tpu.memory_space<hbm>> -> memref<2x80xi32, #tpu.memory_space<hbm>>
        %dma_wait3A_535 = arith.constant 0 : i32
        %dma_wait3A_536 = tpu.memref_slice %arg3[%dma_wait3A_535, %add3A_532] : memref<2x320000xi32, #tpu.memory_space<hbm>> -> memref<2x80xi32, #tpu.memory_space<hbm>>
        tpu.wait_dma2 semaphore(%arg22 : memref<!tpu.dma_semaphore, #tpu.memory_space<semaphore_mem>>) src(%dma_wait3A_536 : memref<2x80xi32, #tpu.memory_space<hbm>>) dst(%arg9 : memref<2x80xi32, #tpu.memory_space<vmem>>)
        %dma_start3A_537 = arith.constant 0 : i32
        %dma_start3A_538 = arith.constant 0 : i32
        %dma_start3A_539 = tpu.memref_slice %arg9[%dma_start3A_537, %dma_start3A_538] : memref<2x80xi32, #tpu.memory_space<vmem>> -> memref<1x80xi32, #tpu.memory_space<vmem>>
        %dma_start3A_540 = tpu.memref_squeeze %dma_start3A_539 : memref<1x80xi32, #tpu.memory_space<vmem>> -> memref<80xi32, #tpu.memory_space<vmem>>
        %dma_start3A_541 = arith.constant 0 : i32
        %dma_start3A_542 = arith.constant 0 : i32
        %dma_start3A_543 = tpu.memref_slice %arg2[%dma_start3A_541, %dma_start3A_542] : memref<10000x128xf32, #tpu.memory_space<hbm>> -> memref<10000x128xf32, #tpu.memory_space<hbm>>
        tpu.enqueue_indirect_dma source(%dma_start3A_543 : memref<10000x128xf32, #tpu.memory_space<hbm>>) target(%arg17 : memref<80x128xf32, #tpu.memory_space<vmem>>) offsets(%dma_start3A_540 : memref<80xi32, #tpu.memory_space<vmem>>) semaphore(%arg30 : memref<!tpu.dma_semaphore, #tpu.memory_space<semaphore_mem>>)
      } else {
      }
      %mul3A_255 = arith.constant 8 : i32
      %mul3A_256 = arith.muli %scan3A_220, %mul3A_255 : i32
      %add3A_257 = arith.constant 1 : i32
      %add3A_258 = arith.addi %mul3A_256, %add3A_257 : i32
      %dma_wait3A_259 = arith.constant 0 : i32
      %dma_wait3A_260 = arith.constant 0 : i32
      %dma_wait3A_261 = tpu.memref_slice %arg7[%dma_wait3A_259, %dma_wait3A_260] : memref<2x80xi32, #tpu.memory_space<vmem>> -> memref<1x80xi32, #tpu.memory_space<vmem>>
      %dma_wait3A_262 = tpu.memref_squeeze %dma_wait3A_261 : memref<1x80xi32, #tpu.memory_space<vmem>> -> memref<80xi32, #tpu.memory_space<vmem>>
      %dma_wait3A_263 = arith.constant 0 : i32
      %dma_wait3A_264 = arith.constant 0 : i32
      %dma_wait3A_265 = tpu.memref_slice %arg2[%dma_wait3A_263, %dma_wait3A_264] : memref<10000x128xf32, #tpu.memory_space<hbm>> -> memref<10000x128xf32, #tpu.memory_space<hbm>>
      tpu.wait_indirect_dma semaphore(%arg28 : memref<!tpu.dma_semaphore, #tpu.memory_space<semaphore_mem>>) src(%dma_wait3A_265 : memref<10000x128xf32, #tpu.memory_space<hbm>>) dst(%arg15 : memref<80x128xf32, #tpu.memory_space<vmem>>)
      %dma_start3A_266 = arith.constant 1 : i32
      %dma_start3A_267 = arith.constant 0 : i32
      %dma_start3A_268 = tpu.memref_slice %arg7[%dma_start3A_266, %dma_start3A_267] : memref<2x80xi32, #tpu.memory_space<vmem>> -> memref<1x80xi32, #tpu.memory_space<vmem>>
      %dma_start3A_269 = tpu.memref_squeeze %dma_start3A_268 : memref<1x80xi32, #tpu.memory_space<vmem>> -> memref<80xi32, #tpu.memory_space<vmem>>
      %dma_start3A_270 = arith.constant 0 : i32
      %dma_start3A_271 = arith.constant 0 : i32
      %dma_start3A_272 = tpu.memref_slice %arg18[%dma_start3A_270, %dma_start3A_271] : memref<10240x128xf32, #tpu.memory_space<vmem_shared>> -> memref<10240x128xf32, #tpu.memory_space<vmem_shared>>
      tpu.enqueue_indirect_dma source(%arg15 : memref<80x128xf32, #tpu.memory_space<vmem>>) target(%dma_start3A_272 : memref<10240x128xf32, #tpu.memory_space<vmem_shared>>) offsets(%dma_start3A_269 : memref<80xi32, #tpu.memory_space<vmem>>) semaphore(%arg32 : memref<!tpu.dma_semaphore, #tpu.memory_space<semaphore_mem>>) {add = true}
      %ge3A_273 = arith.constant 1 : i32
      %ge3A_274 = arith.cmpi sge, %add3A_258, %ge3A_273 : i32
      %convert_element_type3A_275 = arith.extui %ge3A_274 : i1 to i32
      %cond3A_276 = arith.constant 0 : i32
      %cond3A_277 = arith.cmpi ne, %convert_element_type3A_275, %cond3A_276 : i32
      scf.if %cond3A_277 {
        %dma_wait3A_528 = arith.constant 1 : i32
        %dma_wait3A_529 = arith.constant 0 : i32
        %dma_wait3A_530 = tpu.memref_slice %arg6[%dma_wait3A_528, %dma_wait3A_529] : memref<2x80xi32, #tpu.memory_space<vmem>> -> memref<1x80xi32, #tpu.memory_space<vmem>>
        %dma_wait3A_531 = tpu.memref_squeeze %dma_wait3A_530 : memref<1x80xi32, #tpu.memory_space<vmem>> -> memref<80xi32, #tpu.memory_space<vmem>>
        %dma_wait3A_532 = arith.constant 0 : i32
        %dma_wait3A_533 = arith.constant 0 : i32
        %dma_wait3A_534 = tpu.memref_slice %arg18[%dma_wait3A_532, %dma_wait3A_533] : memref<10240x128xf32, #tpu.memory_space<vmem_shared>> -> memref<10240x128xf32, #tpu.memory_space<vmem_shared>>
        tpu.wait_indirect_dma semaphore(%arg31 : memref<!tpu.dma_semaphore, #tpu.memory_space<semaphore_mem>>) src(%arg14 : memref<80x128xf32, #tpu.memory_space<vmem>>) dst(%dma_wait3A_534 : memref<10240x128xf32, #tpu.memory_space<vmem_shared>>)
      } else {
      }
      %add3A_278 = arith.constant 8 : i32
      %add3A_279 = arith.addi %add3A_258, %add3A_278 : i32
      %sub3A_280 = arith.constant 3 : i32
      %sub3A_281 = arith.subi %add3A_279, %sub3A_280 : i32
      %lt3A_282 = arith.constant 125 : i32
      %lt3A_283 = arith.cmpi slt, %sub3A_281, %lt3A_282 : i32
      %convert_element_type3A_284 = arith.extui %lt3A_283 : i1 to i32
      %cond3A_285 = arith.constant 0 : i32
      %cond3A_286 = arith.cmpi ne, %convert_element_type3A_284, %cond3A_285 : i32
      scf.if %cond3A_286 {
        %add3A_528 = arith.constant 8 : i32
        %add3A_529 = arith.addi %add3A_258, %add3A_528 : i32
        %sub3A_530 = arith.constant 3 : i32
        %sub3A_531 = arith.subi %add3A_529, %sub3A_530 : i32
        %mul3A_532 = arith.constant 80 : i32
        %mul3A_533 = arith.muli %sub3A_531, %mul3A_532 : i32
        %add3A_534 = arith.addi %mul3A_2, %mul3A_533 : i32
        %dma_start3A_535 = arith.constant 0 : i32
        %dma_start3A_536 = tpu.memref_slice %arg3[%dma_start3A_535, %add3A_534] : memref<2x320000xi32, #tpu.memory_space<hbm>> -> memref<2x80xi32, #tpu.memory_space<hbm>>
        %dma_start3A_537 = arith.constant 0 : i32
        %dma_start3A_538 = tpu.memref_slice %arg3[%dma_start3A_537, %add3A_534] : memref<2x320000xi32, #tpu.memory_space<hbm>> -> memref<2x80xi32, #tpu.memory_space<hbm>>
        tpu.enqueue_dma source(%dma_start3A_538 : memref<2x80xi32, #tpu.memory_space<hbm>>) target(%arg12 : memref<2x80xi32, #tpu.memory_space<vmem>>) target_semaphore(%arg25 : memref<!tpu.dma_semaphore, #tpu.memory_space<semaphore_mem>>)
      } else {
      }
      %add3A_287 = arith.constant 3 : i32
      %add3A_288 = arith.addi %add3A_258, %add3A_287 : i32
      %lt3A_289 = arith.constant 125 : i32
      %lt3A_290 = arith.cmpi slt, %add3A_288, %lt3A_289 : i32
      %convert_element_type3A_291 = arith.extui %lt3A_290 : i1 to i32
      %cond3A_292 = arith.constant 0 : i32
      %cond3A_293 = arith.cmpi ne, %convert_element_type3A_291, %cond3A_292 : i32
      scf.if %cond3A_293 {
        %add3A_528 = arith.constant 3 : i32
        %add3A_529 = arith.addi %add3A_258, %add3A_528 : i32
        %mul3A_530 = arith.constant 80 : i32
        %mul3A_531 = arith.muli %add3A_529, %mul3A_530 : i32
        %add3A_532 = arith.addi %mul3A_2, %mul3A_531 : i32
        %dma_wait3A_533 = arith.constant 0 : i32
        %dma_wait3A_534 = tpu.memref_slice %arg3[%dma_wait3A_533, %add3A_532] : memref<2x320000xi32, #tpu.memory_space<hbm>> -> memref<2x80xi32, #tpu.memory_space<hbm>>
        %dma_wait3A_535 = arith.constant 0 : i32
        %dma_wait3A_536 = tpu.memref_slice %arg3[%dma_wait3A_535, %add3A_532] : memref<2x320000xi32, #tpu.memory_space<hbm>> -> memref<2x80xi32, #tpu.memory_space<hbm>>
        tpu.wait_dma2 semaphore(%arg23 : memref<!tpu.dma_semaphore, #tpu.memory_space<semaphore_mem>>) src(%dma_wait3A_536 : memref<2x80xi32, #tpu.memory_space<hbm>>) dst(%arg10 : memref<2x80xi32, #tpu.memory_space<vmem>>)
        %dma_start3A_537 = arith.constant 0 : i32
        %dma_start3A_538 = arith.constant 0 : i32
        %dma_start3A_539 = tpu.memref_slice %arg10[%dma_start3A_537, %dma_start3A_538] : memref<2x80xi32, #tpu.memory_space<vmem>> -> memref<1x80xi32, #tpu.memory_space<vmem>>
        %dma_start3A_540 = tpu.memref_squeeze %dma_start3A_539 : memref<1x80xi32, #tpu.memory_space<vmem>> -> memref<80xi32, #tpu.memory_space<vmem>>
        %dma_start3A_541 = arith.constant 0 : i32
        %dma_start3A_542 = arith.constant 0 : i32
        %dma_start3A_543 = tpu.memref_slice %arg2[%dma_start3A_541, %dma_start3A_542] : memref<10000x128xf32, #tpu.memory_space<hbm>> -> memref<10000x128xf32, #tpu.memory_space<hbm>>
        tpu.enqueue_indirect_dma source(%dma_start3A_543 : memref<10000x128xf32, #tpu.memory_space<hbm>>) target(%arg14 : memref<80x128xf32, #tpu.memory_space<vmem>>) offsets(%dma_start3A_540 : memref<80xi32, #tpu.memory_space<vmem>>) semaphore(%arg27 : memref<!tpu.dma_semaphore, #tpu.memory_space<semaphore_mem>>)
      } else {
      }
      %mul3A_294 = arith.constant 8 : i32
      %mul3A_295 = arith.muli %scan3A_220, %mul3A_294 : i32
      %add3A_296 = arith.constant 2 : i32
      %add3A_297 = arith.addi %mul3A_295, %add3A_296 : i32
      %dma_wait3A_298 = arith.constant 0 : i32
      %dma_wait3A_299 = arith.constant 0 : i32
      %dma_wait3A_300 = tpu.memref_slice %arg8[%dma_wait3A_298, %dma_wait3A_299] : memref<2x80xi32, #tpu.memory_space<vmem>> -> memref<1x80xi32, #tpu.memory_space<vmem>>
      %dma_wait3A_301 = tpu.memref_squeeze %dma_wait3A_300 : memref<1x80xi32, #tpu.memory_space<vmem>> -> memref<80xi32, #tpu.memory_space<vmem>>
      %dma_wait3A_302 = arith.constant 0 : i32
      %dma_wait3A_303 = arith.constant 0 : i32
      %dma_wait3A_304 = tpu.memref_slice %arg2[%dma_wait3A_302, %dma_wait3A_303] : memref<10000x128xf32, #tpu.memory_space<hbm>> -> memref<10000x128xf32, #tpu.memory_space<hbm>>
      tpu.wait_indirect_dma semaphore(%arg29 : memref<!tpu.dma_semaphore, #tpu.memory_space<semaphore_mem>>) src(%dma_wait3A_304 : memref<10000x128xf32, #tpu.memory_space<hbm>>) dst(%arg16 : memref<80x128xf32, #tpu.memory_space<vmem>>)
      %dma_start3A_305 = arith.constant 1 : i32
      %dma_start3A_306 = arith.constant 0 : i32
      %dma_start3A_307 = tpu.memref_slice %arg8[%dma_start3A_305, %dma_start3A_306] : memref<2x80xi32, #tpu.memory_space<vmem>> -> memref<1x80xi32, #tpu.memory_space<vmem>>
      %dma_start3A_308 = tpu.memref_squeeze %dma_start3A_307 : memref<1x80xi32, #tpu.memory_space<vmem>> -> memref<80xi32, #tpu.memory_space<vmem>>
      %dma_start3A_309 = arith.constant 0 : i32
      %dma_start3A_310 = arith.constant 0 : i32
      %dma_start3A_311 = tpu.memref_slice %arg18[%dma_start3A_309, %dma_start3A_310] : memref<10240x128xf32, #tpu.memory_space<vmem_shared>> -> memref<10240x128xf32, #tpu.memory_space<vmem_shared>>
      tpu.enqueue_indirect_dma source(%arg16 : memref<80x128xf32, #tpu.memory_space<vmem>>) target(%dma_start3A_311 : memref<10240x128xf32, #tpu.memory_space<vmem_shared>>) offsets(%dma_start3A_308 : memref<80xi32, #tpu.memory_space<vmem>>) semaphore(%arg33 : memref<!tpu.dma_semaphore, #tpu.memory_space<semaphore_mem>>) {add = true}
      %ge3A_312 = arith.constant 1 : i32
      %ge3A_313 = arith.cmpi sge, %add3A_297, %ge3A_312 : i32
      %convert_element_type3A_314 = arith.extui %ge3A_313 : i1 to i32
      %cond3A_315 = arith.constant 0 : i32
      %cond3A_316 = arith.cmpi ne, %convert_element_type3A_314, %cond3A_315 : i32
      scf.if %cond3A_316 {
        %dma_wait3A_528 = arith.constant 1 : i32
        %dma_wait3A_529 = arith.constant 0 : i32
        %dma_wait3A_530 = tpu.memref_slice %arg7[%dma_wait3A_528, %dma_wait3A_529] : memref<2x80xi32, #tpu.memory_space<vmem>> -> memref<1x80xi32, #tpu.memory_space<vmem>>
        %dma_wait3A_531 = tpu.memref_squeeze %dma_wait3A_530 : memref<1x80xi32, #tpu.memory_space<vmem>> -> memref<80xi32, #tpu.memory_space<vmem>>
        %dma_wait3A_532 = arith.constant 0 : i32
        %dma_wait3A_533 = arith.constant 0 : i32
        %dma_wait3A_534 = tpu.memref_slice %arg18[%dma_wait3A_532, %dma_wait3A_533] : memref<10240x128xf32, #tpu.memory_space<vmem_shared>> -> memref<10240x128xf32, #tpu.memory_space<vmem_shared>>
        tpu.wait_indirect_dma semaphore(%arg32 : memref<!tpu.dma_semaphore, #tpu.memory_space<semaphore_mem>>) src(%arg15 : memref<80x128xf32, #tpu.memory_space<vmem>>) dst(%dma_wait3A_534 : memref<10240x128xf32, #tpu.memory_space<vmem_shared>>)
      } else {
      }
      %add3A_317 = arith.constant 8 : i32
      %add3A_318 = arith.addi %add3A_297, %add3A_317 : i32
      %sub3A_319 = arith.constant 3 : i32
      %sub3A_320 = arith.subi %add3A_318, %sub3A_319 : i32
      %lt3A_321 = arith.constant 125 : i32
      %lt3A_322 = arith.cmpi slt, %sub3A_320, %lt3A_321 : i32
      %convert_element_type3A_323 = arith.extui %lt3A_322 : i1 to i32
      %cond3A_324 = arith.constant 0 : i32
      %cond3A_325 = arith.cmpi ne, %convert_element_type3A_323, %cond3A_324 : i32
      scf.if %cond3A_325 {
        %add3A_528 = arith.constant 8 : i32
        %add3A_529 = arith.addi %add3A_297, %add3A_528 : i32
        %sub3A_530 = arith.constant 3 : i32
        %sub3A_531 = arith.subi %add3A_529, %sub3A_530 : i32
        %mul3A_532 = arith.constant 80 : i32
        %mul3A_533 = arith.muli %sub3A_531, %mul3A_532 : i32
        %add3A_534 = arith.addi %mul3A_2, %mul3A_533 : i32
        %dma_start3A_535 = arith.constant 0 : i32
        %dma_start3A_536 = tpu.memref_slice %arg3[%dma_start3A_535, %add3A_534] : memref<2x320000xi32, #tpu.memory_space<hbm>> -> memref<2x80xi32, #tpu.memory_space<hbm>>
        %dma_start3A_537 = arith.constant 0 : i32
        %dma_start3A_538 = tpu.memref_slice %arg3[%dma_start3A_537, %add3A_534] : memref<2x320000xi32, #tpu.memory_space<hbm>> -> memref<2x80xi32, #tpu.memory_space<hbm>>
        tpu.enqueue_dma source(%dma_start3A_538 : memref<2x80xi32, #tpu.memory_space<hbm>>) target(%arg13 : memref<2x80xi32, #tpu.memory_space<vmem>>) target_semaphore(%arg26 : memref<!tpu.dma_semaphore, #tpu.memory_space<semaphore_mem>>)
      } else {
      }
      %add3A_326 = arith.constant 3 : i32
      %add3A_327 = arith.addi %add3A_297, %add3A_326 : i32
      %lt3A_328 = arith.constant 125 : i32
      %lt3A_329 = arith.cmpi slt, %add3A_327, %lt3A_328 : i32
      %convert_element_type3A_330 = arith.extui %lt3A_329 : i1 to i32
      %cond3A_331 = arith.constant 0 : i32
      %cond3A_332 = arith.cmpi ne, %convert_element_type3A_330, %cond3A_331 : i32
      scf.if %cond3A_332 {
        %add3A_528 = arith.constant 3 : i32
        %add3A_529 = arith.addi %add3A_297, %add3A_528 : i32
        %mul3A_530 = arith.constant 80 : i32
        %mul3A_531 = arith.muli %add3A_529, %mul3A_530 : i32
        %add3A_532 = arith.addi %mul3A_2, %mul3A_531 : i32
        %dma_wait3A_533 = arith.constant 0 : i32
        %dma_wait3A_534 = tpu.memref_slice %arg3[%dma_wait3A_533, %add3A_532] : memref<2x320000xi32, #tpu.memory_space<hbm>> -> memref<2x80xi32, #tpu.memory_space<hbm>>
        %dma_wait3A_535 = arith.constant 0 : i32
        %dma_wait3A_536 = tpu.memref_slice %arg3[%dma_wait3A_535, %add3A_532] : memref<2x320000xi32, #tpu.memory_space<hbm>> -> memref<2x80xi32, #tpu.memory_space<hbm>>
        tpu.wait_dma2 semaphore(%arg24 : memref<!tpu.dma_semaphore, #tpu.memory_space<semaphore_mem>>) src(%dma_wait3A_536 : memref<2x80xi32, #tpu.memory_space<hbm>>) dst(%arg11 : memref<2x80xi32, #tpu.memory_space<vmem>>)
        %dma_start3A_537 = arith.constant 0 : i32
        %dma_start3A_538 = arith.constant 0 : i32
        %dma_start3A_539 = tpu.memref_slice %arg11[%dma_start3A_537, %dma_start3A_538] : memref<2x80xi32, #tpu.memory_space<vmem>> -> memref<1x80xi32, #tpu.memory_space<vmem>>
        %dma_start3A_540 = tpu.memref_squeeze %dma_start3A_539 : memref<1x80xi32, #tpu.memory_space<vmem>> -> memref<80xi32, #tpu.memory_space<vmem>>
        %dma_start3A_541 = arith.constant 0 : i32
        %dma_start3A_542 = arith.constant 0 : i32
        %dma_start3A_543 = tpu.memref_slice %arg2[%dma_start3A_541, %dma_start3A_542] : memref<10000x128xf32, #tpu.memory_space<hbm>> -> memref<10000x128xf32, #tpu.memory_space<hbm>>
        tpu.enqueue_indirect_dma source(%dma_start3A_543 : memref<10000x128xf32, #tpu.memory_space<hbm>>) target(%arg15 : memref<80x128xf32, #tpu.memory_space<vmem>>) offsets(%dma_start3A_540 : memref<80xi32, #tpu.memory_space<vmem>>) semaphore(%arg28 : memref<!tpu.dma_semaphore, #tpu.memory_space<semaphore_mem>>)
      } else {
      }
      %mul3A_333 = arith.constant 8 : i32
      %mul3A_334 = arith.muli %scan3A_220, %mul3A_333 : i32
      %add3A_335 = arith.constant 3 : i32
      %add3A_336 = arith.addi %mul3A_334, %add3A_335 : i32
      %dma_wait3A_337 = arith.constant 0 : i32
      %dma_wait3A_338 = arith.constant 0 : i32
      %dma_wait3A_339 = tpu.memref_slice %arg9[%dma_wait3A_337, %dma_wait3A_338] : memref<2x80xi32, #tpu.memory_space<vmem>> -> memref<1x80xi32, #tpu.memory_space<vmem>>
      %dma_wait3A_340 = tpu.memref_squeeze %dma_wait3A_339 : memref<1x80xi32, #tpu.memory_space<vmem>> -> memref<80xi32, #tpu.memory_space<vmem>>
      %dma_wait3A_341 = arith.constant 0 : i32
      %dma_wait3A_342 = arith.constant 0 : i32
      %dma_wait3A_343 = tpu.memref_slice %arg2[%dma_wait3A_341, %dma_wait3A_342] : memref<10000x128xf32, #tpu.memory_space<hbm>> -> memref<10000x128xf32, #tpu.memory_space<hbm>>
      tpu.wait_indirect_dma semaphore(%arg30 : memref<!tpu.dma_semaphore, #tpu.memory_space<semaphore_mem>>) src(%dma_wait3A_343 : memref<10000x128xf32, #tpu.memory_space<hbm>>) dst(%arg17 : memref<80x128xf32, #tpu.memory_space<vmem>>)
      %dma_start3A_344 = arith.constant 1 : i32
      %dma_start3A_345 = arith.constant 0 : i32
      %dma_start3A_346 = tpu.memref_slice %arg9[%dma_start3A_344, %dma_start3A_345] : memref<2x80xi32, #tpu.memory_space<vmem>> -> memref<1x80xi32, #tpu.memory_space<vmem>>
      %dma_start3A_347 = tpu.memref_squeeze %dma_start3A_346 : memref<1x80xi32, #tpu.memory_space<vmem>> -> memref<80xi32, #tpu.memory_space<vmem>>
      %dma_start3A_348 = arith.constant 0 : i32
      %dma_start3A_349 = arith.constant 0 : i32
      %dma_start3A_350 = tpu.memref_slice %arg18[%dma_start3A_348, %dma_start3A_349] : memref<10240x128xf32, #tpu.memory_space<vmem_shared>> -> memref<10240x128xf32, #tpu.memory_space<vmem_shared>>
      tpu.enqueue_indirect_dma source(%arg17 : memref<80x128xf32, #tpu.memory_space<vmem>>) target(%dma_start3A_350 : memref<10240x128xf32, #tpu.memory_space<vmem_shared>>) offsets(%dma_start3A_347 : memref<80xi32, #tpu.memory_space<vmem>>) semaphore(%arg34 : memref<!tpu.dma_semaphore, #tpu.memory_space<semaphore_mem>>) {add = true}
      %ge3A_351 = arith.constant 1 : i32
      %ge3A_352 = arith.cmpi sge, %add3A_336, %ge3A_351 : i32
      %convert_element_type3A_353 = arith.extui %ge3A_352 : i1 to i32
      %cond3A_354 = arith.constant 0 : i32
      %cond3A_355 = arith.cmpi ne, %convert_element_type3A_353, %cond3A_354 : i32
      scf.if %cond3A_355 {
        %dma_wait3A_528 = arith.constant 1 : i32
        %dma_wait3A_529 = arith.constant 0 : i32
        %dma_wait3A_530 = tpu.memref_slice %arg8[%dma_wait3A_528, %dma_wait3A_529] : memref<2x80xi32, #tpu.memory_space<vmem>> -> memref<1x80xi32, #tpu.memory_space<vmem>>
        %dma_wait3A_531 = tpu.memref_squeeze %dma_wait3A_530 : memref<1x80xi32, #tpu.memory_space<vmem>> -> memref<80xi32, #tpu.memory_space<vmem>>
        %dma_wait3A_532 = arith.constant 0 : i32
        %dma_wait3A_533 = arith.constant 0 : i32
        %dma_wait3A_534 = tpu.memref_slice %arg18[%dma_wait3A_532, %dma_wait3A_533] : memref<10240x128xf32, #tpu.memory_space<vmem_shared>> -> memref<10240x128xf32, #tpu.memory_space<vmem_shared>>
        tpu.wait_indirect_dma semaphore(%arg33 : memref<!tpu.dma_semaphore, #tpu.memory_space<semaphore_mem>>) src(%arg16 : memref<80x128xf32, #tpu.memory_space<vmem>>) dst(%dma_wait3A_534 : memref<10240x128xf32, #tpu.memory_space<vmem_shared>>)
      } else {
      }
      %add3A_356 = arith.constant 8 : i32
      %add3A_357 = arith.addi %add3A_336, %add3A_356 : i32
      %sub3A_358 = arith.constant 3 : i32
      %sub3A_359 = arith.subi %add3A_357, %sub3A_358 : i32
      %lt3A_360 = arith.constant 125 : i32
      %lt3A_361 = arith.cmpi slt, %sub3A_359, %lt3A_360 : i32
      %convert_element_type3A_362 = arith.extui %lt3A_361 : i1 to i32
      %cond3A_363 = arith.constant 0 : i32
      %cond3A_364 = arith.cmpi ne, %convert_element_type3A_362, %cond3A_363 : i32
      scf.if %cond3A_364 {
        %add3A_528 = arith.constant 8 : i32
        %add3A_529 = arith.addi %add3A_336, %add3A_528 : i32
        %sub3A_530 = arith.constant 3 : i32
        %sub3A_531 = arith.subi %add3A_529, %sub3A_530 : i32
        %mul3A_532 = arith.constant 80 : i32
        %mul3A_533 = arith.muli %sub3A_531, %mul3A_532 : i32
        %add3A_534 = arith.addi %mul3A_2, %mul3A_533 : i32
        %dma_start3A_535 = arith.constant 0 : i32
        %dma_start3A_536 = tpu.memref_slice %arg3[%dma_start3A_535, %add3A_534] : memref<2x320000xi32, #tpu.memory_space<hbm>> -> memref<2x80xi32, #tpu.memory_space<hbm>>
        %dma_start3A_537 = arith.constant 0 : i32
        %dma_start3A_538 = tpu.memref_slice %arg3[%dma_start3A_537, %add3A_534] : memref<2x320000xi32, #tpu.memory_space<hbm>> -> memref<2x80xi32, #tpu.memory_space<hbm>>
        tpu.enqueue_dma source(%dma_start3A_538 : memref<2x80xi32, #tpu.memory_space<hbm>>) target(%arg6 : memref<2x80xi32, #tpu.memory_space<vmem>>) target_semaphore(%arg19 : memref<!tpu.dma_semaphore, #tpu.memory_space<semaphore_mem>>)
      } else {
      }
      %add3A_365 = arith.constant 3 : i32
      %add3A_366 = arith.addi %add3A_336, %add3A_365 : i32
      %lt3A_367 = arith.constant 125 : i32
      %lt3A_368 = arith.cmpi slt, %add3A_366, %lt3A_367 : i32
      %convert_element_type3A_369 = arith.extui %lt3A_368 : i1 to i32
      %cond3A_370 = arith.constant 0 : i32
      %cond3A_371 = arith.cmpi ne, %convert_element_type3A_369, %cond3A_370 : i32
      scf.if %cond3A_371 {
        %add3A_528 = arith.constant 3 : i32
        %add3A_529 = arith.addi %add3A_336, %add3A_528 : i32
        %mul3A_530 = arith.constant 80 : i32
        %mul3A_531 = arith.muli %add3A_529, %mul3A_530 : i32
        %add3A_532 = arith.addi %mul3A_2, %mul3A_531 : i32
        %dma_wait3A_533 = arith.constant 0 : i32
        %dma_wait3A_534 = tpu.memref_slice %arg3[%dma_wait3A_533, %add3A_532] : memref<2x320000xi32, #tpu.memory_space<hbm>> -> memref<2x80xi32, #tpu.memory_space<hbm>>
        %dma_wait3A_535 = arith.constant 0 : i32
        %dma_wait3A_536 = tpu.memref_slice %arg3[%dma_wait3A_535, %add3A_532] : memref<2x320000xi32, #tpu.memory_space<hbm>> -> memref<2x80xi32, #tpu.memory_space<hbm>>
        tpu.wait_dma2 semaphore(%arg25 : memref<!tpu.dma_semaphore, #tpu.memory_space<semaphore_mem>>) src(%dma_wait3A_536 : memref<2x80xi32, #tpu.memory_space<hbm>>) dst(%arg12 : memref<2x80xi32, #tpu.memory_space<vmem>>)
        %dma_start3A_537 = arith.constant 0 : i32
        %dma_start3A_538 = arith.constant 0 : i32
        %dma_start3A_539 = tpu.memref_slice %arg12[%dma_start3A_537, %dma_start3A_538] : memref<2x80xi32, #tpu.memory_space<vmem>> -> memref<1x80xi32, #tpu.memory_space<vmem>>
        %dma_start3A_540 = tpu.memref_squeeze %dma_start3A_539 : memref<1x80xi32, #tpu.memory_space<vmem>> -> memref<80xi32, #tpu.memory_space<vmem>>
        %dma_start3A_541 = arith.constant 0 : i32
        %dma_start3A_542 = arith.constant 0 : i32
        %dma_start3A_543 = tpu.memref_slice %arg2[%dma_start3A_541, %dma_start3A_542] : memref<10000x128xf32, #tpu.memory_space<hbm>> -> memref<10000x128xf32, #tpu.memory_space<hbm>>
        tpu.enqueue_indirect_dma source(%dma_start3A_543 : memref<10000x128xf32, #tpu.memory_space<hbm>>) target(%arg16 : memref<80x128xf32, #tpu.memory_space<vmem>>) offsets(%dma_start3A_540 : memref<80xi32, #tpu.memory_space<vmem>>) semaphore(%arg29 : memref<!tpu.dma_semaphore, #tpu.memory_space<semaphore_mem>>)
      } else {
      }
      %mul3A_372 = arith.constant 8 : i32
      %mul3A_373 = arith.muli %scan3A_220, %mul3A_372 : i32
      %add3A_374 = arith.constant 4 : i32
      %add3A_375 = arith.addi %mul3A_373, %add3A_374 : i32
      %dma_wait3A_376 = arith.constant 0 : i32
      %dma_wait3A_377 = arith.constant 0 : i32
      %dma_wait3A_378 = tpu.memref_slice %arg10[%dma_wait3A_376, %dma_wait3A_377] : memref<2x80xi32, #tpu.memory_space<vmem>> -> memref<1x80xi32, #tpu.memory_space<vmem>>
      %dma_wait3A_379 = tpu.memref_squeeze %dma_wait3A_378 : memref<1x80xi32, #tpu.memory_space<vmem>> -> memref<80xi32, #tpu.memory_space<vmem>>
      %dma_wait3A_380 = arith.constant 0 : i32
      %dma_wait3A_381 = arith.constant 0 : i32
      %dma_wait3A_382 = tpu.memref_slice %arg2[%dma_wait3A_380, %dma_wait3A_381] : memref<10000x128xf32, #tpu.memory_space<hbm>> -> memref<10000x128xf32, #tpu.memory_space<hbm>>
      tpu.wait_indirect_dma semaphore(%arg27 : memref<!tpu.dma_semaphore, #tpu.memory_space<semaphore_mem>>) src(%dma_wait3A_382 : memref<10000x128xf32, #tpu.memory_space<hbm>>) dst(%arg14 : memref<80x128xf32, #tpu.memory_space<vmem>>)
      %dma_start3A_383 = arith.constant 1 : i32
      %dma_start3A_384 = arith.constant 0 : i32
      %dma_start3A_385 = tpu.memref_slice %arg10[%dma_start3A_383, %dma_start3A_384] : memref<2x80xi32, #tpu.memory_space<vmem>> -> memref<1x80xi32, #tpu.memory_space<vmem>>
      %dma_start3A_386 = tpu.memref_squeeze %dma_start3A_385 : memref<1x80xi32, #tpu.memory_space<vmem>> -> memref<80xi32, #tpu.memory_space<vmem>>
      %dma_start3A_387 = arith.constant 0 : i32
      %dma_start3A_388 = arith.constant 0 : i32
      %dma_start3A_389 = tpu.memref_slice %arg18[%dma_start3A_387, %dma_start3A_388] : memref<10240x128xf32, #tpu.memory_space<vmem_shared>> -> memref<10240x128xf32, #tpu.memory_space<vmem_shared>>
      tpu.enqueue_indirect_dma source(%arg14 : memref<80x128xf32, #tpu.memory_space<vmem>>) target(%dma_start3A_389 : memref<10240x128xf32, #tpu.memory_space<vmem_shared>>) offsets(%dma_start3A_386 : memref<80xi32, #tpu.memory_space<vmem>>) semaphore(%arg31 : memref<!tpu.dma_semaphore, #tpu.memory_space<semaphore_mem>>) {add = true}
      %ge3A_390 = arith.constant 1 : i32
      %ge3A_391 = arith.cmpi sge, %add3A_375, %ge3A_390 : i32
      %convert_element_type3A_392 = arith.extui %ge3A_391 : i1 to i32
      %cond3A_393 = arith.constant 0 : i32
      %cond3A_394 = arith.cmpi ne, %convert_element_type3A_392, %cond3A_393 : i32
      scf.if %cond3A_394 {
        %dma_wait3A_528 = arith.constant 1 : i32
        %dma_wait3A_529 = arith.constant 0 : i32
        %dma_wait3A_530 = tpu.memref_slice %arg9[%dma_wait3A_528, %dma_wait3A_529] : memref<2x80xi32, #tpu.memory_space<vmem>> -> memref<1x80xi32, #tpu.memory_space<vmem>>
        %dma_wait3A_531 = tpu.memref_squeeze %dma_wait3A_530 : memref<1x80xi32, #tpu.memory_space<vmem>> -> memref<80xi32, #tpu.memory_space<vmem>>
        %dma_wait3A_532 = arith.constant 0 : i32
        %dma_wait3A_533 = arith.constant 0 : i32
        %dma_wait3A_534 = tpu.memref_slice %arg18[%dma_wait3A_532, %dma_wait3A_533] : memref<10240x128xf32, #tpu.memory_space<vmem_shared>> -> memref<10240x128xf32, #tpu.memory_space<vmem_shared>>
        tpu.wait_indirect_dma semaphore(%arg34 : memref<!tpu.dma_semaphore, #tpu.memory_space<semaphore_mem>>) src(%arg17 : memref<80x128xf32, #tpu.memory_space<vmem>>) dst(%dma_wait3A_534 : memref<10240x128xf32, #tpu.memory_space<vmem_shared>>)
      } else {
      }
      %add3A_395 = arith.constant 8 : i32
      %add3A_396 = arith.addi %add3A_375, %add3A_395 : i32
      %sub3A_397 = arith.constant 3 : i32
      %sub3A_398 = arith.subi %add3A_396, %sub3A_397 : i32
      %lt3A_399 = arith.constant 125 : i32
      %lt3A_400 = arith.cmpi slt, %sub3A_398, %lt3A_399 : i32
      %convert_element_type3A_401 = arith.extui %lt3A_400 : i1 to i32
      %cond3A_402 = arith.constant 0 : i32
      %cond3A_403 = arith.cmpi ne, %convert_element_type3A_401, %cond3A_402 : i32
      scf.if %cond3A_403 {
        %add3A_528 = arith.constant 8 : i32
        %add3A_529 = arith.addi %add3A_375, %add3A_528 : i32
        %sub3A_530 = arith.constant 3 : i32
        %sub3A_531 = arith.subi %add3A_529, %sub3A_530 : i32
        %mul3A_532 = arith.constant 80 : i32
        %mul3A_533 = arith.muli %sub3A_531, %mul3A_532 : i32
        %add3A_534 = arith.addi %mul3A_2, %mul3A_533 : i32
        %dma_start3A_535 = arith.constant 0 : i32
        %dma_start3A_536 = tpu.memref_slice %arg3[%dma_start3A_535, %add3A_534] : memref<2x320000xi32, #tpu.memory_space<hbm>> -> memref<2x80xi32, #tpu.memory_space<hbm>>
        %dma_start3A_537 = arith.constant 0 : i32
        %dma_start3A_538 = tpu.memref_slice %arg3[%dma_start3A_537, %add3A_534] : memref<2x320000xi32, #tpu.memory_space<hbm>> -> memref<2x80xi32, #tpu.memory_space<hbm>>
        tpu.enqueue_dma source(%dma_start3A_538 : memref<2x80xi32, #tpu.memory_space<hbm>>) target(%arg7 : memref<2x80xi32, #tpu.memory_space<vmem>>) target_semaphore(%arg20 : memref<!tpu.dma_semaphore, #tpu.memory_space<semaphore_mem>>)
      } else {
      }
      %add3A_404 = arith.constant 3 : i32
      %add3A_405 = arith.addi %add3A_375, %add3A_404 : i32
      %lt3A_406 = arith.constant 125 : i32
      %lt3A_407 = arith.cmpi slt, %add3A_405, %lt3A_406 : i32
      %convert_element_type3A_408 = arith.extui %lt3A_407 : i1 to i32
      %cond3A_409 = arith.constant 0 : i32
      %cond3A_410 = arith.cmpi ne, %convert_element_type3A_408, %cond3A_409 : i32
      scf.if %cond3A_410 {
        %add3A_528 = arith.constant 3 : i32
        %add3A_529 = arith.addi %add3A_375, %add3A_528 : i32
        %mul3A_530 = arith.constant 80 : i32
        %mul3A_531 = arith.muli %add3A_529, %mul3A_530 : i32
        %add3A_532 = arith.addi %mul3A_2, %mul3A_531 : i32
        %dma_wait3A_533 = arith.constant 0 : i32
        %dma_wait3A_534 = tpu.memref_slice %arg3[%dma_wait3A_533, %add3A_532] : memref<2x320000xi32, #tpu.memory_space<hbm>> -> memref<2x80xi32, #tpu.memory_space<hbm>>
        %dma_wait3A_535 = arith.constant 0 : i32
        %dma_wait3A_536 = tpu.memref_slice %arg3[%dma_wait3A_535, %add3A_532] : memref<2x320000xi32, #tpu.memory_space<hbm>> -> memref<2x80xi32, #tpu.memory_space<hbm>>
        tpu.wait_dma2 semaphore(%arg26 : memref<!tpu.dma_semaphore, #tpu.memory_space<semaphore_mem>>) src(%dma_wait3A_536 : memref<2x80xi32, #tpu.memory_space<hbm>>) dst(%arg13 : memref<2x80xi32, #tpu.memory_space<vmem>>)
        %dma_start3A_537 = arith.constant 0 : i32
        %dma_start3A_538 = arith.constant 0 : i32
        %dma_start3A_539 = tpu.memref_slice %arg13[%dma_start3A_537, %dma_start3A_538] : memref<2x80xi32, #tpu.memory_space<vmem>> -> memref<1x80xi32, #tpu.memory_space<vmem>>
        %dma_start3A_540 = tpu.memref_squeeze %dma_start3A_539 : memref<1x80xi32, #tpu.memory_space<vmem>> -> memref<80xi32, #tpu.memory_space<vmem>>
        %dma_start3A_541 = arith.constant 0 : i32
        %dma_start3A_542 = arith.constant 0 : i32
        %dma_start3A_543 = tpu.memref_slice %arg2[%dma_start3A_541, %dma_start3A_542] : memref<10000x128xf32, #tpu.memory_space<hbm>> -> memref<10000x128xf32, #tpu.memory_space<hbm>>
        tpu.enqueue_indirect_dma source(%dma_start3A_543 : memref<10000x128xf32, #tpu.memory_space<hbm>>) target(%arg17 : memref<80x128xf32, #tpu.memory_space<vmem>>) offsets(%dma_start3A_540 : memref<80xi32, #tpu.memory_space<vmem>>) semaphore(%arg30 : memref<!tpu.dma_semaphore, #tpu.memory_space<semaphore_mem>>)
      } else {
      }
      %mul3A_411 = arith.constant 8 : i32
      %mul3A_412 = arith.muli %scan3A_220, %mul3A_411 : i32
      %add3A_413 = arith.constant 5 : i32
      %add3A_414 = arith.addi %mul3A_412, %add3A_413 : i32
      %dma_wait3A_415 = arith.constant 0 : i32
      %dma_wait3A_416 = arith.constant 0 : i32
      %dma_wait3A_417 = tpu.memref_slice %arg11[%dma_wait3A_415, %dma_wait3A_416] : memref<2x80xi32, #tpu.memory_space<vmem>> -> memref<1x80xi32, #tpu.memory_space<vmem>>
      %dma_wait3A_418 = tpu.memref_squeeze %dma_wait3A_417 : memref<1x80xi32, #tpu.memory_space<vmem>> -> memref<80xi32, #tpu.memory_space<vmem>>
      %dma_wait3A_419 = arith.constant 0 : i32
      %dma_wait3A_420 = arith.constant 0 : i32
      %dma_wait3A_421 = tpu.memref_slice %arg2[%dma_wait3A_419, %dma_wait3A_420] : memref<10000x128xf32, #tpu.memory_space<hbm>> -> memref<10000x128xf32, #tpu.memory_space<hbm>>
      tpu.wait_indirect_dma semaphore(%arg28 : memref<!tpu.dma_semaphore, #tpu.memory_space<semaphore_mem>>) src(%dma_wait3A_421 : memref<10000x128xf32, #tpu.memory_space<hbm>>) dst(%arg15 : memref<80x128xf32, #tpu.memory_space<vmem>>)
      %dma_start3A_422 = arith.constant 1 : i32
      %dma_start3A_423 = arith.constant 0 : i32
      %dma_start3A_424 = tpu.memref_slice %arg11[%dma_start3A_422, %dma_start3A_423] : memref<2x80xi32, #tpu.memory_space<vmem>> -> memref<1x80xi32, #tpu.memory_space<vmem>>
      %dma_start3A_425 = tpu.memref_squeeze %dma_start3A_424 : memref<1x80xi32, #tpu.memory_space<vmem>> -> memref<80xi32, #tpu.memory_space<vmem>>
      %dma_start3A_426 = arith.constant 0 : i32
      %dma_start3A_427 = arith.constant 0 : i32
      %dma_start3A_428 = tpu.memref_slice %arg18[%dma_start3A_426, %dma_start3A_427] : memref<10240x128xf32, #tpu.memory_space<vmem_shared>> -> memref<10240x128xf32, #tpu.memory_space<vmem_shared>>
      tpu.enqueue_indirect_dma source(%arg15 : memref<80x128xf32, #tpu.memory_space<vmem>>) target(%dma_start3A_428 : memref<10240x128xf32, #tpu.memory_space<vmem_shared>>) offsets(%dma_start3A_425 : memref<80xi32, #tpu.memory_space<vmem>>) semaphore(%arg32 : memref<!tpu.dma_semaphore, #tpu.memory_space<semaphore_mem>>) {add = true}
      %ge3A_429 = arith.constant 1 : i32
      %ge3A_430 = arith.cmpi sge, %add3A_414, %ge3A_429 : i32
      %convert_element_type3A_431 = arith.extui %ge3A_430 : i1 to i32
      %cond3A_432 = arith.constant 0 : i32
      %cond3A_433 = arith.cmpi ne, %convert_element_type3A_431, %cond3A_432 : i32
      scf.if %cond3A_433 {
        %dma_wait3A_528 = arith.constant 1 : i32
        %dma_wait3A_529 = arith.constant 0 : i32
        %dma_wait3A_530 = tpu.memref_slice %arg10[%dma_wait3A_528, %dma_wait3A_529] : memref<2x80xi32, #tpu.memory_space<vmem>> -> memref<1x80xi32, #tpu.memory_space<vmem>>
        %dma_wait3A_531 = tpu.memref_squeeze %dma_wait3A_530 : memref<1x80xi32, #tpu.memory_space<vmem>> -> memref<80xi32, #tpu.memory_space<vmem>>
        %dma_wait3A_532 = arith.constant 0 : i32
        %dma_wait3A_533 = arith.constant 0 : i32
        %dma_wait3A_534 = tpu.memref_slice %arg18[%dma_wait3A_532, %dma_wait3A_533] : memref<10240x128xf32, #tpu.memory_space<vmem_shared>> -> memref<10240x128xf32, #tpu.memory_space<vmem_shared>>
        tpu.wait_indirect_dma semaphore(%arg31 : memref<!tpu.dma_semaphore, #tpu.memory_space<semaphore_mem>>) src(%arg14 : memref<80x128xf32, #tpu.memory_space<vmem>>) dst(%dma_wait3A_534 : memref<10240x128xf32, #tpu.memory_space<vmem_shared>>)
      } else {
      }
      %add3A_434 = arith.constant 8 : i32
      %add3A_435 = arith.addi %add3A_414, %add3A_434 : i32
      %sub3A_436 = arith.constant 3 : i32
      %sub3A_437 = arith.subi %add3A_435, %sub3A_436 : i32
      %lt3A_438 = arith.constant 125 : i32
      %lt3A_439 = arith.cmpi slt, %sub3A_437, %lt3A_438 : i32
      %convert_element_type3A_440 = arith.extui %lt3A_439 : i1 to i32
      %cond3A_441 = arith.constant 0 : i32
      %cond3A_442 = arith.cmpi ne, %convert_element_type3A_440, %cond3A_441 : i32
      scf.if %cond3A_442 {
        %add3A_528 = arith.constant 8 : i32
        %add3A_529 = arith.addi %add3A_414, %add3A_528 : i32
        %sub3A_530 = arith.constant 3 : i32
        %sub3A_531 = arith.subi %add3A_529, %sub3A_530 : i32
        %mul3A_532 = arith.constant 80 : i32
        %mul3A_533 = arith.muli %sub3A_531, %mul3A_532 : i32
        %add3A_534 = arith.addi %mul3A_2, %mul3A_533 : i32
        %dma_start3A_535 = arith.constant 0 : i32
        %dma_start3A_536 = tpu.memref_slice %arg3[%dma_start3A_535, %add3A_534] : memref<2x320000xi32, #tpu.memory_space<hbm>> -> memref<2x80xi32, #tpu.memory_space<hbm>>
        %dma_start3A_537 = arith.constant 0 : i32
        %dma_start3A_538 = tpu.memref_slice %arg3[%dma_start3A_537, %add3A_534] : memref<2x320000xi32, #tpu.memory_space<hbm>> -> memref<2x80xi32, #tpu.memory_space<hbm>>
        tpu.enqueue_dma source(%dma_start3A_538 : memref<2x80xi32, #tpu.memory_space<hbm>>) target(%arg8 : memref<2x80xi32, #tpu.memory_space<vmem>>) target_semaphore(%arg21 : memref<!tpu.dma_semaphore, #tpu.memory_space<semaphore_mem>>)
      } else {
      }
      %add3A_443 = arith.constant 3 : i32
      %add3A_444 = arith.addi %add3A_414, %add3A_443 : i32
      %lt3A_445 = arith.constant 125 : i32
      %lt3A_446 = arith.cmpi slt, %add3A_444, %lt3A_445 : i32
      %convert_element_type3A_447 = arith.extui %lt3A_446 : i1 to i32
      %cond3A_448 = arith.constant 0 : i32
      %cond3A_449 = arith.cmpi ne, %convert_element_type3A_447, %cond3A_448 : i32
      scf.if %cond3A_449 {
        %add3A_528 = arith.constant 3 : i32
        %add3A_529 = arith.addi %add3A_414, %add3A_528 : i32
        %mul3A_530 = arith.constant 80 : i32
        %mul3A_531 = arith.muli %add3A_529, %mul3A_530 : i32
        %add3A_532 = arith.addi %mul3A_2, %mul3A_531 : i32
        %dma_wait3A_533 = arith.constant 0 : i32
        %dma_wait3A_534 = tpu.memref_slice %arg3[%dma_wait3A_533, %add3A_532] : memref<2x320000xi32, #tpu.memory_space<hbm>> -> memref<2x80xi32, #tpu.memory_space<hbm>>
        %dma_wait3A_535 = arith.constant 0 : i32
        %dma_wait3A_536 = tpu.memref_slice %arg3[%dma_wait3A_535, %add3A_532] : memref<2x320000xi32, #tpu.memory_space<hbm>> -> memref<2x80xi32, #tpu.memory_space<hbm>>
        tpu.wait_dma2 semaphore(%arg19 : memref<!tpu.dma_semaphore, #tpu.memory_space<semaphore_mem>>) src(%dma_wait3A_536 : memref<2x80xi32, #tpu.memory_space<hbm>>) dst(%arg6 : memref<2x80xi32, #tpu.memory_space<vmem>>)
        %dma_start3A_537 = arith.constant 0 : i32
        %dma_start3A_538 = arith.constant 0 : i32
        %dma_start3A_539 = tpu.memref_slice %arg6[%dma_start3A_537, %dma_start3A_538] : memref<2x80xi32, #tpu.memory_space<vmem>> -> memref<1x80xi32, #tpu.memory_space<vmem>>
        %dma_start3A_540 = tpu.memref_squeeze %dma_start3A_539 : memref<1x80xi32, #tpu.memory_space<vmem>> -> memref<80xi32, #tpu.memory_space<vmem>>
        %dma_start3A_541 = arith.constant 0 : i32
        %dma_start3A_542 = arith.constant 0 : i32
        %dma_start3A_543 = tpu.memref_slice %arg2[%dma_start3A_541, %dma_start3A_542] : memref<10000x128xf32, #tpu.memory_space<hbm>> -> memref<10000x128xf32, #tpu.memory_space<hbm>>
        tpu.enqueue_indirect_dma source(%dma_start3A_543 : memref<10000x128xf32, #tpu.memory_space<hbm>>) target(%arg14 : memref<80x128xf32, #tpu.memory_space<vmem>>) offsets(%dma_start3A_540 : memref<80xi32, #tpu.memory_space<vmem>>) semaphore(%arg27 : memref<!tpu.dma_semaphore, #tpu.memory_space<semaphore_mem>>)
      } else {
      }
      %mul3A_450 = arith.constant 8 : i32
      %mul3A_451 = arith.muli %scan3A_220, %mul3A_450 : i32
      %add3A_452 = arith.constant 6 : i32
      %add3A_453 = arith.addi %mul3A_451, %add3A_452 : i32
      %dma_wait3A_454 = arith.constant 0 : i32
      %dma_wait3A_455 = arith.constant 0 : i32
      %dma_wait3A_456 = tpu.memref_slice %arg12[%dma_wait3A_454, %dma_wait3A_455] : memref<2x80xi32, #tpu.memory_space<vmem>> -> memref<1x80xi32, #tpu.memory_space<vmem>>
      %dma_wait3A_457 = tpu.memref_squeeze %dma_wait3A_456 : memref<1x80xi32, #tpu.memory_space<vmem>> -> memref<80xi32, #tpu.memory_space<vmem>>
      %dma_wait3A_458 = arith.constant 0 : i32
      %dma_wait3A_459 = arith.constant 0 : i32
      %dma_wait3A_460 = tpu.memref_slice %arg2[%dma_wait3A_458, %dma_wait3A_459] : memref<10000x128xf32, #tpu.memory_space<hbm>> -> memref<10000x128xf32, #tpu.memory_space<hbm>>
      tpu.wait_indirect_dma semaphore(%arg29 : memref<!tpu.dma_semaphore, #tpu.memory_space<semaphore_mem>>) src(%dma_wait3A_460 : memref<10000x128xf32, #tpu.memory_space<hbm>>) dst(%arg16 : memref<80x128xf32, #tpu.memory_space<vmem>>)
      %dma_start3A_461 = arith.constant 1 : i32
      %dma_start3A_462 = arith.constant 0 : i32
      %dma_start3A_463 = tpu.memref_slice %arg12[%dma_start3A_461, %dma_start3A_462] : memref<2x80xi32, #tpu.memory_space<vmem>> -> memref<1x80xi32, #tpu.memory_space<vmem>>
      %dma_start3A_464 = tpu.memref_squeeze %dma_start3A_463 : memref<1x80xi32, #tpu.memory_space<vmem>> -> memref<80xi32, #tpu.memory_space<vmem>>
      %dma_start3A_465 = arith.constant 0 : i32
      %dma_start3A_466 = arith.constant 0 : i32
      %dma_start3A_467 = tpu.memref_slice %arg18[%dma_start3A_465, %dma_start3A_466] : memref<10240x128xf32, #tpu.memory_space<vmem_shared>> -> memref<10240x128xf32, #tpu.memory_space<vmem_shared>>
      tpu.enqueue_indirect_dma source(%arg16 : memref<80x128xf32, #tpu.memory_space<vmem>>) target(%dma_start3A_467 : memref<10240x128xf32, #tpu.memory_space<vmem_shared>>) offsets(%dma_start3A_464 : memref<80xi32, #tpu.memory_space<vmem>>) semaphore(%arg33 : memref<!tpu.dma_semaphore, #tpu.memory_space<semaphore_mem>>) {add = true}
      %ge3A_468 = arith.constant 1 : i32
      %ge3A_469 = arith.cmpi sge, %add3A_453, %ge3A_468 : i32
      %convert_element_type3A_470 = arith.extui %ge3A_469 : i1 to i32
      %cond3A_471 = arith.constant 0 : i32
      %cond3A_472 = arith.cmpi ne, %convert_element_type3A_470, %cond3A_471 : i32
      scf.if %cond3A_472 {
        %dma_wait3A_528 = arith.constant 1 : i32
        %dma_wait3A_529 = arith.constant 0 : i32
        %dma_wait3A_530 = tpu.memref_slice %arg11[%dma_wait3A_528, %dma_wait3A_529] : memref<2x80xi32, #tpu.memory_space<vmem>> -> memref<1x80xi32, #tpu.memory_space<vmem>>
        %dma_wait3A_531 = tpu.memref_squeeze %dma_wait3A_530 : memref<1x80xi32, #tpu.memory_space<vmem>> -> memref<80xi32, #tpu.memory_space<vmem>>
        %dma_wait3A_532 = arith.constant 0 : i32
        %dma_wait3A_533 = arith.constant 0 : i32
        %dma_wait3A_534 = tpu.memref_slice %arg18[%dma_wait3A_532, %dma_wait3A_533] : memref<10240x128xf32, #tpu.memory_space<vmem_shared>> -> memref<10240x128xf32, #tpu.memory_space<vmem_shared>>
        tpu.wait_indirect_dma semaphore(%arg32 : memref<!tpu.dma_semaphore, #tpu.memory_space<semaphore_mem>>) src(%arg15 : memref<80x128xf32, #tpu.memory_space<vmem>>) dst(%dma_wait3A_534 : memref<10240x128xf32, #tpu.memory_space<vmem_shared>>)
      } else {
      }
      %add3A_473 = arith.constant 8 : i32
      %add3A_474 = arith.addi %add3A_453, %add3A_473 : i32
      %sub3A_475 = arith.constant 3 : i32
      %sub3A_476 = arith.subi %add3A_474, %sub3A_475 : i32
      %lt3A_477 = arith.constant 125 : i32
      %lt3A_478 = arith.cmpi slt, %sub3A_476, %lt3A_477 : i32
      %convert_element_type3A_479 = arith.extui %lt3A_478 : i1 to i32
      %cond3A_480 = arith.constant 0 : i32
      %cond3A_481 = arith.cmpi ne, %convert_element_type3A_479, %cond3A_480 : i32
      scf.if %cond3A_481 {
        %add3A_528 = arith.constant 8 : i32
        %add3A_529 = arith.addi %add3A_453, %add3A_528 : i32
        %sub3A_530 = arith.constant 3 : i32
        %sub3A_531 = arith.subi %add3A_529, %sub3A_530 : i32
        %mul3A_532 = arith.constant 80 : i32
        %mul3A_533 = arith.muli %sub3A_531, %mul3A_532 : i32
        %add3A_534 = arith.addi %mul3A_2, %mul3A_533 : i32
        %dma_start3A_535 = arith.constant 0 : i32
        %dma_start3A_536 = tpu.memref_slice %arg3[%dma_start3A_535, %add3A_534] : memref<2x320000xi32, #tpu.memory_space<hbm>> -> memref<2x80xi32, #tpu.memory_space<hbm>>
        %dma_start3A_537 = arith.constant 0 : i32
        %dma_start3A_538 = tpu.memref_slice %arg3[%dma_start3A_537, %add3A_534] : memref<2x320000xi32, #tpu.memory_space<hbm>> -> memref<2x80xi32, #tpu.memory_space<hbm>>
        tpu.enqueue_dma source(%dma_start3A_538 : memref<2x80xi32, #tpu.memory_space<hbm>>) target(%arg9 : memref<2x80xi32, #tpu.memory_space<vmem>>) target_semaphore(%arg22 : memref<!tpu.dma_semaphore, #tpu.memory_space<semaphore_mem>>)
      } else {
      }
      %add3A_482 = arith.constant 3 : i32
      %add3A_483 = arith.addi %add3A_453, %add3A_482 : i32
      %lt3A_484 = arith.constant 125 : i32
      %lt3A_485 = arith.cmpi slt, %add3A_483, %lt3A_484 : i32
      %convert_element_type3A_486 = arith.extui %lt3A_485 : i1 to i32
      %cond3A_487 = arith.constant 0 : i32
      %cond3A_488 = arith.cmpi ne, %convert_element_type3A_486, %cond3A_487 : i32
      scf.if %cond3A_488 {
        %add3A_528 = arith.constant 3 : i32
        %add3A_529 = arith.addi %add3A_453, %add3A_528 : i32
        %mul3A_530 = arith.constant 80 : i32
        %mul3A_531 = arith.muli %add3A_529, %mul3A_530 : i32
        %add3A_532 = arith.addi %mul3A_2, %mul3A_531 : i32
        %dma_wait3A_533 = arith.constant 0 : i32
        %dma_wait3A_534 = tpu.memref_slice %arg3[%dma_wait3A_533, %add3A_532] : memref<2x320000xi32, #tpu.memory_space<hbm>> -> memref<2x80xi32, #tpu.memory_space<hbm>>
        %dma_wait3A_535 = arith.constant 0 : i32
        %dma_wait3A_536 = tpu.memref_slice %arg3[%dma_wait3A_535, %add3A_532] : memref<2x320000xi32, #tpu.memory_space<hbm>> -> memref<2x80xi32, #tpu.memory_space<hbm>>
        tpu.wait_dma2 semaphore(%arg20 : memref<!tpu.dma_semaphore, #tpu.memory_space<semaphore_mem>>) src(%dma_wait3A_536 : memref<2x80xi32, #tpu.memory_space<hbm>>) dst(%arg7 : memref<2x80xi32, #tpu.memory_space<vmem>>)
        %dma_start3A_537 = arith.constant 0 : i32
        %dma_start3A_538 = arith.constant 0 : i32
        %dma_start3A_539 = tpu.memref_slice %arg7[%dma_start3A_537, %dma_start3A_538] : memref<2x80xi32, #tpu.memory_space<vmem>> -> memref<1x80xi32, #tpu.memory_space<vmem>>
        %dma_start3A_540 = tpu.memref_squeeze %dma_start3A_539 : memref<1x80xi32, #tpu.memory_space<vmem>> -> memref<80xi32, #tpu.memory_space<vmem>>
        %dma_start3A_541 = arith.constant 0 : i32
        %dma_start3A_542 = arith.constant 0 : i32
        %dma_start3A_543 = tpu.memref_slice %arg2[%dma_start3A_541, %dma_start3A_542] : memref<10000x128xf32, #tpu.memory_space<hbm>> -> memref<10000x128xf32, #tpu.memory_space<hbm>>
        tpu.enqueue_indirect_dma source(%dma_start3A_543 : memref<10000x128xf32, #tpu.memory_space<hbm>>) target(%arg15 : memref<80x128xf32, #tpu.memory_space<vmem>>) offsets(%dma_start3A_540 : memref<80xi32, #tpu.memory_space<vmem>>) semaphore(%arg28 : memref<!tpu.dma_semaphore, #tpu.memory_space<semaphore_mem>>)
      } else {
      }
      %mul3A_489 = arith.constant 8 : i32
      %mul3A_490 = arith.muli %scan3A_220, %mul3A_489 : i32
      %add3A_491 = arith.constant 7 : i32
      %add3A_492 = arith.addi %mul3A_490, %add3A_491 : i32
      %dma_wait3A_493 = arith.constant 0 : i32
      %dma_wait3A_494 = arith.constant 0 : i32
      %dma_wait3A_495 = tpu.memref_slice %arg13[%dma_wait3A_493, %dma_wait3A_494] : memref<2x80xi32, #tpu.memory_space<vmem>> -> memref<1x80xi32, #tpu.memory_space<vmem>>
      %dma_wait3A_496 = tpu.memref_squeeze %dma_wait3A_495 : memref<1x80xi32, #tpu.memory_space<vmem>> -> memref<80xi32, #tpu.memory_space<vmem>>
      %dma_wait3A_497 = arith.constant 0 : i32
      %dma_wait3A_498 = arith.constant 0 : i32
      %dma_wait3A_499 = tpu.memref_slice %arg2[%dma_wait3A_497, %dma_wait3A_498] : memref<10000x128xf32, #tpu.memory_space<hbm>> -> memref<10000x128xf32, #tpu.memory_space<hbm>>
      tpu.wait_indirect_dma semaphore(%arg30 : memref<!tpu.dma_semaphore, #tpu.memory_space<semaphore_mem>>) src(%dma_wait3A_499 : memref<10000x128xf32, #tpu.memory_space<hbm>>) dst(%arg17 : memref<80x128xf32, #tpu.memory_space<vmem>>)
      %dma_start3A_500 = arith.constant 1 : i32
      %dma_start3A_501 = arith.constant 0 : i32
      %dma_start3A_502 = tpu.memref_slice %arg13[%dma_start3A_500, %dma_start3A_501] : memref<2x80xi32, #tpu.memory_space<vmem>> -> memref<1x80xi32, #tpu.memory_space<vmem>>
      %dma_start3A_503 = tpu.memref_squeeze %dma_start3A_502 : memref<1x80xi32, #tpu.memory_space<vmem>> -> memref<80xi32, #tpu.memory_space<vmem>>
      %dma_start3A_504 = arith.constant 0 : i32
      %dma_start3A_505 = arith.constant 0 : i32
      %dma_start3A_506 = tpu.memref_slice %arg18[%dma_start3A_504, %dma_start3A_505] : memref<10240x128xf32, #tpu.memory_space<vmem_shared>> -> memref<10240x128xf32, #tpu.memory_space<vmem_shared>>
      tpu.enqueue_indirect_dma source(%arg17 : memref<80x128xf32, #tpu.memory_space<vmem>>) target(%dma_start3A_506 : memref<10240x128xf32, #tpu.memory_space<vmem_shared>>) offsets(%dma_start3A_503 : memref<80xi32, #tpu.memory_space<vmem>>) semaphore(%arg34 : memref<!tpu.dma_semaphore, #tpu.memory_space<semaphore_mem>>) {add = true}
      %ge3A_507 = arith.constant 1 : i32
      %ge3A_508 = arith.cmpi sge, %add3A_492, %ge3A_507 : i32
      %convert_element_type3A_509 = arith.extui %ge3A_508 : i1 to i32
      %cond3A_510 = arith.constant 0 : i32
      %cond3A_511 = arith.cmpi ne, %convert_element_type3A_509, %cond3A_510 : i32
      scf.if %cond3A_511 {
        %dma_wait3A_528 = arith.constant 1 : i32
        %dma_wait3A_529 = arith.constant 0 : i32
        %dma_wait3A_530 = tpu.memref_slice %arg12[%dma_wait3A_528, %dma_wait3A_529] : memref<2x80xi32, #tpu.memory_space<vmem>> -> memref<1x80xi32, #tpu.memory_space<vmem>>
        %dma_wait3A_531 = tpu.memref_squeeze %dma_wait3A_530 : memref<1x80xi32, #tpu.memory_space<vmem>> -> memref<80xi32, #tpu.memory_space<vmem>>
        %dma_wait3A_532 = arith.constant 0 : i32
        %dma_wait3A_533 = arith.constant 0 : i32
        %dma_wait3A_534 = tpu.memref_slice %arg18[%dma_wait3A_532, %dma_wait3A_533] : memref<10240x128xf32, #tpu.memory_space<vmem_shared>> -> memref<10240x128xf32, #tpu.memory_space<vmem_shared>>
        tpu.wait_indirect_dma semaphore(%arg33 : memref<!tpu.dma_semaphore, #tpu.memory_space<semaphore_mem>>) src(%arg16 : memref<80x128xf32, #tpu.memory_space<vmem>>) dst(%dma_wait3A_534 : memref<10240x128xf32, #tpu.memory_space<vmem_shared>>)
      } else {
      }
      %add3A_512 = arith.constant 8 : i32
      %add3A_513 = arith.addi %add3A_492, %add3A_512 : i32
      %sub3A_514 = arith.constant 3 : i32
      %sub3A_515 = arith.subi %add3A_513, %sub3A_514 : i32
      %lt3A_516 = arith.constant 125 : i32
      %lt3A_517 = arith.cmpi slt, %sub3A_515, %lt3A_516 : i32
      %convert_element_type3A_518 = arith.extui %lt3A_517 : i1 to i32
      %cond3A_519 = arith.constant 0 : i32
      %cond3A_520 = arith.cmpi ne, %convert_element_type3A_518, %cond3A_519 : i32
      scf.if %cond3A_520 {
        %add3A_528 = arith.constant 8 : i32
        %add3A_529 = arith.addi %add3A_492, %add3A_528 : i32
        %sub3A_530 = arith.constant 3 : i32
        %sub3A_531 = arith.subi %add3A_529, %sub3A_530 : i32
        %mul3A_532 = arith.constant 80 : i32
        %mul3A_533 = arith.muli %sub3A_531, %mul3A_532 : i32
        %add3A_534 = arith.addi %mul3A_2, %mul3A_533 : i32
        %dma_start3A_535 = arith.constant 0 : i32
        %dma_start3A_536 = tpu.memref_slice %arg3[%dma_start3A_535, %add3A_534] : memref<2x320000xi32, #tpu.memory_space<hbm>> -> memref<2x80xi32, #tpu.memory_space<hbm>>
        %dma_start3A_537 = arith.constant 0 : i32
        %dma_start3A_538 = tpu.memref_slice %arg3[%dma_start3A_537, %add3A_534] : memref<2x320000xi32, #tpu.memory_space<hbm>> -> memref<2x80xi32, #tpu.memory_space<hbm>>
        tpu.enqueue_dma source(%dma_start3A_538 : memref<2x80xi32, #tpu.memory_space<hbm>>) target(%arg10 : memref<2x80xi32, #tpu.memory_space<vmem>>) target_semaphore(%arg23 : memref<!tpu.dma_semaphore, #tpu.memory_space<semaphore_mem>>)
      } else {
      }
      %add3A_521 = arith.constant 3 : i32
      %add3A_522 = arith.addi %add3A_492, %add3A_521 : i32
      %lt3A_523 = arith.constant 125 : i32
      %lt3A_524 = arith.cmpi slt, %add3A_522, %lt3A_523 : i32
      %convert_element_type3A_525 = arith.extui %lt3A_524 : i1 to i32
      %cond3A_526 = arith.constant 0 : i32
      %cond3A_527 = arith.cmpi ne, %convert_element_type3A_525, %cond3A_526 : i32
      scf.if %cond3A_527 {
        %add3A_528 = arith.constant 3 : i32
        %add3A_529 = arith.addi %add3A_492, %add3A_528 : i32
        %mul3A_530 = arith.constant 80 : i32
        %mul3A_531 = arith.muli %add3A_529, %mul3A_530 : i32
        %add3A_532 = arith.addi %mul3A_2, %mul3A_531 : i32
        %dma_wait3A_533 = arith.constant 0 : i32
        %dma_wait3A_534 = tpu.memref_slice %arg3[%dma_wait3A_533, %add3A_532] : memref<2x320000xi32, #tpu.memory_space<hbm>> -> memref<2x80xi32, #tpu.memory_space<hbm>>
        %dma_wait3A_535 = arith.constant 0 : i32
        %dma_wait3A_536 = tpu.memref_slice %arg3[%dma_wait3A_535, %add3A_532] : memref<2x320000xi32, #tpu.memory_space<hbm>> -> memref<2x80xi32, #tpu.memory_space<hbm>>
        tpu.wait_dma2 semaphore(%arg21 : memref<!tpu.dma_semaphore, #tpu.memory_space<semaphore_mem>>) src(%dma_wait3A_536 : memref<2x80xi32, #tpu.memory_space<hbm>>) dst(%arg8 : memref<2x80xi32, #tpu.memory_space<vmem>>)
        %dma_start3A_537 = arith.constant 0 : i32
        %dma_start3A_538 = arith.constant 0 : i32
        %dma_start3A_539 = tpu.memref_slice %arg8[%dma_start3A_537, %dma_start3A_538] : memref<2x80xi32, #tpu.memory_space<vmem>> -> memref<1x80xi32, #tpu.memory_space<vmem>>
        %dma_start3A_540 = tpu.memref_squeeze %dma_start3A_539 : memref<1x80xi32, #tpu.memory_space<vmem>> -> memref<80xi32, #tpu.memory_space<vmem>>
        %dma_start3A_541 = arith.constant 0 : i32
        %dma_start3A_542 = arith.constant 0 : i32
        %dma_start3A_543 = tpu.memref_slice %arg2[%dma_start3A_541, %dma_start3A_542] : memref<10000x128xf32, #tpu.memory_space<hbm>> -> memref<10000x128xf32, #tpu.memory_space<hbm>>
        tpu.enqueue_indirect_dma source(%dma_start3A_543 : memref<10000x128xf32, #tpu.memory_space<hbm>>) target(%arg16 : memref<80x128xf32, #tpu.memory_space<vmem>>) offsets(%dma_start3A_540 : memref<80xi32, #tpu.memory_space<vmem>>) semaphore(%arg29 : memref<!tpu.dma_semaphore, #tpu.memory_space<semaphore_mem>>)
      } else {
      }
    }
    %scan3A_76 = arith.constant 15 : i32
    %dma_wait3A_77 = arith.constant 0 : i32
    %dma_wait3A_78 = arith.constant 0 : i32
    %dma_wait3A_79 = tpu.memref_slice %arg6[%dma_wait3A_77, %dma_wait3A_78] : memref<2x80xi32, #tpu.memory_space<vmem>> -> memref<1x80xi32, #tpu.memory_space<vmem>>
    %dma_wait3A_80 = tpu.memref_squeeze %dma_wait3A_79 : memref<1x80xi32, #tpu.memory_space<vmem>> -> memref<80xi32, #tpu.memory_space<vmem>>
    %dma_wait3A_81 = arith.constant 0 : i32
    %dma_wait3A_82 = arith.constant 0 : i32
    %dma_wait3A_83 = tpu.memref_slice %arg2[%dma_wait3A_81, %dma_wait3A_82] : memref<10000x128xf32, #tpu.memory_space<hbm>> -> memref<10000x128xf32, #tpu.memory_space<hbm>>
    tpu.wait_indirect_dma semaphore(%arg27 : memref<!tpu.dma_semaphore, #tpu.memory_space<semaphore_mem>>) src(%dma_wait3A_83 : memref<10000x128xf32, #tpu.memory_space<hbm>>) dst(%arg14 : memref<80x128xf32, #tpu.memory_space<vmem>>)
    %dma_start3A_84 = arith.constant 1 : i32
    %dma_start3A_85 = arith.constant 0 : i32
    %dma_start3A_86 = tpu.memref_slice %arg6[%dma_start3A_84, %dma_start3A_85] : memref<2x80xi32, #tpu.memory_space<vmem>> -> memref<1x80xi32, #tpu.memory_space<vmem>>
    %dma_start3A_87 = tpu.memref_squeeze %dma_start3A_86 : memref<1x80xi32, #tpu.memory_space<vmem>> -> memref<80xi32, #tpu.memory_space<vmem>>
    %dma_start3A_88 = arith.constant 0 : i32
    %dma_start3A_89 = arith.constant 0 : i32
    %dma_start3A_90 = tpu.memref_slice %arg18[%dma_start3A_88, %dma_start3A_89] : memref<10240x128xf32, #tpu.memory_space<vmem_shared>> -> memref<10240x128xf32, #tpu.memory_space<vmem_shared>>
    tpu.enqueue_indirect_dma source(%arg14 : memref<80x128xf32, #tpu.memory_space<vmem>>) target(%dma_start3A_90 : memref<10240x128xf32, #tpu.memory_space<vmem_shared>>) offsets(%dma_start3A_87 : memref<80xi32, #tpu.memory_space<vmem>>) semaphore(%arg31 : memref<!tpu.dma_semaphore, #tpu.memory_space<semaphore_mem>>) {add = true}
    %dma_wait3A_91 = arith.constant 1 : i32
    %dma_wait3A_92 = arith.constant 0 : i32
    %dma_wait3A_93 = tpu.memref_slice %arg13[%dma_wait3A_91, %dma_wait3A_92] : memref<2x80xi32, #tpu.memory_space<vmem>> -> memref<1x80xi32, #tpu.memory_space<vmem>>
    %dma_wait3A_94 = tpu.memref_squeeze %dma_wait3A_93 : memref<1x80xi32, #tpu.memory_space<vmem>> -> memref<80xi32, #tpu.memory_space<vmem>>
    %dma_wait3A_95 = arith.constant 0 : i32
    %dma_wait3A_96 = arith.constant 0 : i32
    %dma_wait3A_97 = tpu.memref_slice %arg18[%dma_wait3A_95, %dma_wait3A_96] : memref<10240x128xf32, #tpu.memory_space<vmem_shared>> -> memref<10240x128xf32, #tpu.memory_space<vmem_shared>>
    tpu.wait_indirect_dma semaphore(%arg34 : memref<!tpu.dma_semaphore, #tpu.memory_space<semaphore_mem>>) src(%arg17 : memref<80x128xf32, #tpu.memory_space<vmem>>) dst(%dma_wait3A_97 : memref<10240x128xf32, #tpu.memory_space<vmem_shared>>)
    %add3A_98 = arith.constant 9840 : i32
    %add3A_99 = arith.addi %mul3A_2, %add3A_98 : i32
    %dma_wait3A_100 = arith.constant 0 : i32
    %dma_wait3A_101 = tpu.memref_slice %arg3[%dma_wait3A_100, %add3A_99] : memref<2x320000xi32, #tpu.memory_space<hbm>> -> memref<2x80xi32, #tpu.memory_space<hbm>>
    %dma_wait3A_102 = arith.constant 0 : i32
    %dma_wait3A_103 = tpu.memref_slice %arg3[%dma_wait3A_102, %add3A_99] : memref<2x320000xi32, #tpu.memory_space<hbm>> -> memref<2x80xi32, #tpu.memory_space<hbm>>
    tpu.wait_dma2 semaphore(%arg22 : memref<!tpu.dma_semaphore, #tpu.memory_space<semaphore_mem>>) src(%dma_wait3A_103 : memref<2x80xi32, #tpu.memory_space<hbm>>) dst(%arg9 : memref<2x80xi32, #tpu.memory_space<vmem>>)
    %dma_start3A_104 = arith.constant 0 : i32
    %dma_start3A_105 = arith.constant 0 : i32
    %dma_start3A_106 = tpu.memref_slice %arg9[%dma_start3A_104, %dma_start3A_105] : memref<2x80xi32, #tpu.memory_space<vmem>> -> memref<1x80xi32, #tpu.memory_space<vmem>>
    %dma_start3A_107 = tpu.memref_squeeze %dma_start3A_106 : memref<1x80xi32, #tpu.memory_space<vmem>> -> memref<80xi32, #tpu.memory_space<vmem>>
    %dma_start3A_108 = arith.constant 0 : i32
    %dma_start3A_109 = arith.constant 0 : i32
    %dma_start3A_110 = tpu.memref_slice %arg2[%dma_start3A_108, %dma_start3A_109] : memref<10000x128xf32, #tpu.memory_space<hbm>> -> memref<10000x128xf32, #tpu.memory_space<hbm>>
    tpu.enqueue_indirect_dma source(%dma_start3A_110 : memref<10000x128xf32, #tpu.memory_space<hbm>>) target(%arg17 : memref<80x128xf32, #tpu.memory_space<vmem>>) offsets(%dma_start3A_107 : memref<80xi32, #tpu.memory_space<vmem>>) semaphore(%arg30 : memref<!tpu.dma_semaphore, #tpu.memory_space<semaphore_mem>>)
    %dma_wait3A_111 = arith.constant 0 : i32
    %dma_wait3A_112 = arith.constant 0 : i32
    %dma_wait3A_113 = tpu.memref_slice %arg7[%dma_wait3A_111, %dma_wait3A_112] : memref<2x80xi32, #tpu.memory_space<vmem>> -> memref<1x80xi32, #tpu.memory_space<vmem>>
    %dma_wait3A_114 = tpu.memref_squeeze %dma_wait3A_113 : memref<1x80xi32, #tpu.memory_space<vmem>> -> memref<80xi32, #tpu.memory_space<vmem>>
    %dma_wait3A_115 = arith.constant 0 : i32
    %dma_wait3A_116 = arith.constant 0 : i32
    %dma_wait3A_117 = tpu.memref_slice %arg2[%dma_wait3A_115, %dma_wait3A_116] : memref<10000x128xf32, #tpu.memory_space<hbm>> -> memref<10000x128xf32, #tpu.memory_space<hbm>>
    tpu.wait_indirect_dma semaphore(%arg28 : memref<!tpu.dma_semaphore, #tpu.memory_space<semaphore_mem>>) src(%dma_wait3A_117 : memref<10000x128xf32, #tpu.memory_space<hbm>>) dst(%arg15 : memref<80x128xf32, #tpu.memory_space<vmem>>)
    %dma_start3A_118 = arith.constant 1 : i32
    %dma_start3A_119 = arith.constant 0 : i32
    %dma_start3A_120 = tpu.memref_slice %arg7[%dma_start3A_118, %dma_start3A_119] : memref<2x80xi32, #tpu.memory_space<vmem>> -> memref<1x80xi32, #tpu.memory_space<vmem>>
    %dma_start3A_121 = tpu.memref_squeeze %dma_start3A_120 : memref<1x80xi32, #tpu.memory_space<vmem>> -> memref<80xi32, #tpu.memory_space<vmem>>
    %dma_start3A_122 = arith.constant 0 : i32
    %dma_start3A_123 = arith.constant 0 : i32
    %dma_start3A_124 = tpu.memref_slice %arg18[%dma_start3A_122, %dma_start3A_123] : memref<10240x128xf32, #tpu.memory_space<vmem_shared>> -> memref<10240x128xf32, #tpu.memory_space<vmem_shared>>
    tpu.enqueue_indirect_dma source(%arg15 : memref<80x128xf32, #tpu.memory_space<vmem>>) target(%dma_start3A_124 : memref<10240x128xf32, #tpu.memory_space<vmem_shared>>) offsets(%dma_start3A_121 : memref<80xi32, #tpu.memory_space<vmem>>) semaphore(%arg32 : memref<!tpu.dma_semaphore, #tpu.memory_space<semaphore_mem>>) {add = true}
    %dma_wait3A_125 = arith.constant 1 : i32
    %dma_wait3A_126 = arith.constant 0 : i32
    %dma_wait3A_127 = tpu.memref_slice %arg6[%dma_wait3A_125, %dma_wait3A_126] : memref<2x80xi32, #tpu.memory_space<vmem>> -> memref<1x80xi32, #tpu.memory_space<vmem>>
    %dma_wait3A_128 = tpu.memref_squeeze %dma_wait3A_127 : memref<1x80xi32, #tpu.memory_space<vmem>> -> memref<80xi32, #tpu.memory_space<vmem>>
    %dma_wait3A_129 = arith.constant 0 : i32
    %dma_wait3A_130 = arith.constant 0 : i32
    %dma_wait3A_131 = tpu.memref_slice %arg18[%dma_wait3A_129, %dma_wait3A_130] : memref<10240x128xf32, #tpu.memory_space<vmem_shared>> -> memref<10240x128xf32, #tpu.memory_space<vmem_shared>>
    tpu.wait_indirect_dma semaphore(%arg31 : memref<!tpu.dma_semaphore, #tpu.memory_space<semaphore_mem>>) src(%arg14 : memref<80x128xf32, #tpu.memory_space<vmem>>) dst(%dma_wait3A_131 : memref<10240x128xf32, #tpu.memory_space<vmem_shared>>)
    %add3A_132 = arith.constant 9920 : i32
    %add3A_133 = arith.addi %mul3A_2, %add3A_132 : i32
    %dma_wait3A_134 = arith.constant 0 : i32
    %dma_wait3A_135 = tpu.memref_slice %arg3[%dma_wait3A_134, %add3A_133] : memref<2x320000xi32, #tpu.memory_space<hbm>> -> memref<2x80xi32, #tpu.memory_space<hbm>>
    %dma_wait3A_136 = arith.constant 0 : i32
    %dma_wait3A_137 = tpu.memref_slice %arg3[%dma_wait3A_136, %add3A_133] : memref<2x320000xi32, #tpu.memory_space<hbm>> -> memref<2x80xi32, #tpu.memory_space<hbm>>
    tpu.wait_dma2 semaphore(%arg23 : memref<!tpu.dma_semaphore, #tpu.memory_space<semaphore_mem>>) src(%dma_wait3A_137 : memref<2x80xi32, #tpu.memory_space<hbm>>) dst(%arg10 : memref<2x80xi32, #tpu.memory_space<vmem>>)
    %dma_start3A_138 = arith.constant 0 : i32
    %dma_start3A_139 = arith.constant 0 : i32
    %dma_start3A_140 = tpu.memref_slice %arg10[%dma_start3A_138, %dma_start3A_139] : memref<2x80xi32, #tpu.memory_space<vmem>> -> memref<1x80xi32, #tpu.memory_space<vmem>>
    %dma_start3A_141 = tpu.memref_squeeze %dma_start3A_140 : memref<1x80xi32, #tpu.memory_space<vmem>> -> memref<80xi32, #tpu.memory_space<vmem>>
    %dma_start3A_142 = arith.constant 0 : i32
    %dma_start3A_143 = arith.constant 0 : i32
    %dma_start3A_144 = tpu.memref_slice %arg2[%dma_start3A_142, %dma_start3A_143] : memref<10000x128xf32, #tpu.memory_space<hbm>> -> memref<10000x128xf32, #tpu.memory_space<hbm>>
    tpu.enqueue_indirect_dma source(%dma_start3A_144 : memref<10000x128xf32, #tpu.memory_space<hbm>>) target(%arg14 : memref<80x128xf32, #tpu.memory_space<vmem>>) offsets(%dma_start3A_141 : memref<80xi32, #tpu.memory_space<vmem>>) semaphore(%arg27 : memref<!tpu.dma_semaphore, #tpu.memory_space<semaphore_mem>>)
    %dma_wait3A_145 = arith.constant 0 : i32
    %dma_wait3A_146 = arith.constant 0 : i32
    %dma_wait3A_147 = tpu.memref_slice %arg8[%dma_wait3A_145, %dma_wait3A_146] : memref<2x80xi32, #tpu.memory_space<vmem>> -> memref<1x80xi32, #tpu.memory_space<vmem>>
    %dma_wait3A_148 = tpu.memref_squeeze %dma_wait3A_147 : memref<1x80xi32, #tpu.memory_space<vmem>> -> memref<80xi32, #tpu.memory_space<vmem>>
    %dma_wait3A_149 = arith.constant 0 : i32
    %dma_wait3A_150 = arith.constant 0 : i32
    %dma_wait3A_151 = tpu.memref_slice %arg2[%dma_wait3A_149, %dma_wait3A_150] : memref<10000x128xf32, #tpu.memory_space<hbm>> -> memref<10000x128xf32, #tpu.memory_space<hbm>>
    tpu.wait_indirect_dma semaphore(%arg29 : memref<!tpu.dma_semaphore, #tpu.memory_space<semaphore_mem>>) src(%dma_wait3A_151 : memref<10000x128xf32, #tpu.memory_space<hbm>>) dst(%arg16 : memref<80x128xf32, #tpu.memory_space<vmem>>)
    %dma_start3A_152 = arith.constant 1 : i32
    %dma_start3A_153 = arith.constant 0 : i32
    %dma_start3A_154 = tpu.memref_slice %arg8[%dma_start3A_152, %dma_start3A_153] : memref<2x80xi32, #tpu.memory_space<vmem>> -> memref<1x80xi32, #tpu.memory_space<vmem>>
    %dma_start3A_155 = tpu.memref_squeeze %dma_start3A_154 : memref<1x80xi32, #tpu.memory_space<vmem>> -> memref<80xi32, #tpu.memory_space<vmem>>
    %dma_start3A_156 = arith.constant 0 : i32
    %dma_start3A_157 = arith.constant 0 : i32
    %dma_start3A_158 = tpu.memref_slice %arg18[%dma_start3A_156, %dma_start3A_157] : memref<10240x128xf32, #tpu.memory_space<vmem_shared>> -> memref<10240x128xf32, #tpu.memory_space<vmem_shared>>
    tpu.enqueue_indirect_dma source(%arg16 : memref<80x128xf32, #tpu.memory_space<vmem>>) target(%dma_start3A_158 : memref<10240x128xf32, #tpu.memory_space<vmem_shared>>) offsets(%dma_start3A_155 : memref<80xi32, #tpu.memory_space<vmem>>) semaphore(%arg33 : memref<!tpu.dma_semaphore, #tpu.memory_space<semaphore_mem>>) {add = true}
    %dma_wait3A_159 = arith.constant 1 : i32
    %dma_wait3A_160 = arith.constant 0 : i32
    %dma_wait3A_161 = tpu.memref_slice %arg7[%dma_wait3A_159, %dma_wait3A_160] : memref<2x80xi32, #tpu.memory_space<vmem>> -> memref<1x80xi32, #tpu.memory_space<vmem>>
    %dma_wait3A_162 = tpu.memref_squeeze %dma_wait3A_161 : memref<1x80xi32, #tpu.memory_space<vmem>> -> memref<80xi32, #tpu.memory_space<vmem>>
    %dma_wait3A_163 = arith.constant 0 : i32
    %dma_wait3A_164 = arith.constant 0 : i32
    %dma_wait3A_165 = tpu.memref_slice %arg18[%dma_wait3A_163, %dma_wait3A_164] : memref<10240x128xf32, #tpu.memory_space<vmem_shared>> -> memref<10240x128xf32, #tpu.memory_space<vmem_shared>>
    tpu.wait_indirect_dma semaphore(%arg32 : memref<!tpu.dma_semaphore, #tpu.memory_space<semaphore_mem>>) src(%arg15 : memref<80x128xf32, #tpu.memory_space<vmem>>) dst(%dma_wait3A_165 : memref<10240x128xf32, #tpu.memory_space<vmem_shared>>)
    %dma_wait3A_166 = arith.constant 0 : i32
    %dma_wait3A_167 = arith.constant 0 : i32
    %dma_wait3A_168 = tpu.memref_slice %arg9[%dma_wait3A_166, %dma_wait3A_167] : memref<2x80xi32, #tpu.memory_space<vmem>> -> memref<1x80xi32, #tpu.memory_space<vmem>>
    %dma_wait3A_169 = tpu.memref_squeeze %dma_wait3A_168 : memref<1x80xi32, #tpu.memory_space<vmem>> -> memref<80xi32, #tpu.memory_space<vmem>>
    %dma_wait3A_170 = arith.constant 0 : i32
    %dma_wait3A_171 = arith.constant 0 : i32
    %dma_wait3A_172 = tpu.memref_slice %arg2[%dma_wait3A_170, %dma_wait3A_171] : memref<10000x128xf32, #tpu.memory_space<hbm>> -> memref<10000x128xf32, #tpu.memory_space<hbm>>
    tpu.wait_indirect_dma semaphore(%arg30 : memref<!tpu.dma_semaphore, #tpu.memory_space<semaphore_mem>>) src(%dma_wait3A_172 : memref<10000x128xf32, #tpu.memory_space<hbm>>) dst(%arg17 : memref<80x128xf32, #tpu.memory_space<vmem>>)
    %dma_start3A_173 = arith.constant 1 : i32
    %dma_start3A_174 = arith.constant 0 : i32
    %dma_start3A_175 = tpu.memref_slice %arg9[%dma_start3A_173, %dma_start3A_174] : memref<2x80xi32, #tpu.memory_space<vmem>> -> memref<1x80xi32, #tpu.memory_space<vmem>>
    %dma_start3A_176 = tpu.memref_squeeze %dma_start3A_175 : memref<1x80xi32, #tpu.memory_space<vmem>> -> memref<80xi32, #tpu.memory_space<vmem>>
    %dma_start3A_177 = arith.constant 0 : i32
    %dma_start3A_178 = arith.constant 0 : i32
    %dma_start3A_179 = tpu.memref_slice %arg18[%dma_start3A_177, %dma_start3A_178] : memref<10240x128xf32, #tpu.memory_space<vmem_shared>> -> memref<10240x128xf32, #tpu.memory_space<vmem_shared>>
    tpu.enqueue_indirect_dma source(%arg17 : memref<80x128xf32, #tpu.memory_space<vmem>>) target(%dma_start3A_179 : memref<10240x128xf32, #tpu.memory_space<vmem_shared>>) offsets(%dma_start3A_176 : memref<80xi32, #tpu.memory_space<vmem>>) semaphore(%arg34 : memref<!tpu.dma_semaphore, #tpu.memory_space<semaphore_mem>>) {add = true}
    %dma_wait3A_180 = arith.constant 1 : i32
    %dma_wait3A_181 = arith.constant 0 : i32
    %dma_wait3A_182 = tpu.memref_slice %arg8[%dma_wait3A_180, %dma_wait3A_181] : memref<2x80xi32, #tpu.memory_space<vmem>> -> memref<1x80xi32, #tpu.memory_space<vmem>>
    %dma_wait3A_183 = tpu.memref_squeeze %dma_wait3A_182 : memref<1x80xi32, #tpu.memory_space<vmem>> -> memref<80xi32, #tpu.memory_space<vmem>>
    %dma_wait3A_184 = arith.constant 0 : i32
    %dma_wait3A_185 = arith.constant 0 : i32
    %dma_wait3A_186 = tpu.memref_slice %arg18[%dma_wait3A_184, %dma_wait3A_185] : memref<10240x128xf32, #tpu.memory_space<vmem_shared>> -> memref<10240x128xf32, #tpu.memory_space<vmem_shared>>
    tpu.wait_indirect_dma semaphore(%arg33 : memref<!tpu.dma_semaphore, #tpu.memory_space<semaphore_mem>>) src(%arg16 : memref<80x128xf32, #tpu.memory_space<vmem>>) dst(%dma_wait3A_186 : memref<10240x128xf32, #tpu.memory_space<vmem_shared>>)
    %dma_wait3A_187 = arith.constant 0 : i32
    %dma_wait3A_188 = arith.constant 0 : i32
    %dma_wait3A_189 = tpu.memref_slice %arg10[%dma_wait3A_187, %dma_wait3A_188] : memref<2x80xi32, #tpu.memory_space<vmem>> -> memref<1x80xi32, #tpu.memory_space<vmem>>
    %dma_wait3A_190 = tpu.memref_squeeze %dma_wait3A_189 : memref<1x80xi32, #tpu.memory_space<vmem>> -> memref<80xi32, #tpu.memory_space<vmem>>
    %dma_wait3A_191 = arith.constant 0 : i32
    %dma_wait3A_192 = arith.constant 0 : i32
    %dma_wait3A_193 = tpu.memref_slice %arg2[%dma_wait3A_191, %dma_wait3A_192] : memref<10000x128xf32, #tpu.memory_space<hbm>> -> memref<10000x128xf32, #tpu.memory_space<hbm>>
    tpu.wait_indirect_dma semaphore(%arg27 : memref<!tpu.dma_semaphore, #tpu.memory_space<semaphore_mem>>) src(%dma_wait3A_193 : memref<10000x128xf32, #tpu.memory_space<hbm>>) dst(%arg14 : memref<80x128xf32, #tpu.memory_space<vmem>>)
    %dma_start3A_194 = arith.constant 1 : i32
    %dma_start3A_195 = arith.constant 0 : i32
    %dma_start3A_196 = tpu.memref_slice %arg10[%dma_start3A_194, %dma_start3A_195] : memref<2x80xi32, #tpu.memory_space<vmem>> -> memref<1x80xi32, #tpu.memory_space<vmem>>
    %dma_start3A_197 = tpu.memref_squeeze %dma_start3A_196 : memref<1x80xi32, #tpu.memory_space<vmem>> -> memref<80xi32, #tpu.memory_space<vmem>>
    %dma_start3A_198 = arith.constant 0 : i32
    %dma_start3A_199 = arith.constant 0 : i32
    %dma_start3A_200 = tpu.memref_slice %arg18[%dma_start3A_198, %dma_start3A_199] : memref<10240x128xf32, #tpu.memory_space<vmem_shared>> -> memref<10240x128xf32, #tpu.memory_space<vmem_shared>>
    tpu.enqueue_indirect_dma source(%arg14 : memref<80x128xf32, #tpu.memory_space<vmem>>) target(%dma_start3A_200 : memref<10240x128xf32, #tpu.memory_space<vmem_shared>>) offsets(%dma_start3A_197 : memref<80xi32, #tpu.memory_space<vmem>>) semaphore(%arg31 : memref<!tpu.dma_semaphore, #tpu.memory_space<semaphore_mem>>) {add = true}
    %dma_wait3A_201 = arith.constant 1 : i32
    %dma_wait3A_202 = arith.constant 0 : i32
    %dma_wait3A_203 = tpu.memref_slice %arg9[%dma_wait3A_201, %dma_wait3A_202] : memref<2x80xi32, #tpu.memory_space<vmem>> -> memref<1x80xi32, #tpu.memory_space<vmem>>
    %dma_wait3A_204 = tpu.memref_squeeze %dma_wait3A_203 : memref<1x80xi32, #tpu.memory_space<vmem>> -> memref<80xi32, #tpu.memory_space<vmem>>
    %dma_wait3A_205 = arith.constant 0 : i32
    %dma_wait3A_206 = arith.constant 0 : i32
    %dma_wait3A_207 = tpu.memref_slice %arg18[%dma_wait3A_205, %dma_wait3A_206] : memref<10240x128xf32, #tpu.memory_space<vmem_shared>> -> memref<10240x128xf32, #tpu.memory_space<vmem_shared>>
    tpu.wait_indirect_dma semaphore(%arg34 : memref<!tpu.dma_semaphore, #tpu.memory_space<semaphore_mem>>) src(%arg17 : memref<80x128xf32, #tpu.memory_space<vmem>>) dst(%dma_wait3A_207 : memref<10240x128xf32, #tpu.memory_space<vmem_shared>>)
    %dma_wait3A_208 = arith.constant 1 : i32
    %dma_wait3A_209 = arith.constant 0 : i32
    %dma_wait3A_210 = tpu.memref_slice %arg10[%dma_wait3A_208, %dma_wait3A_209] : memref<2x80xi32, #tpu.memory_space<vmem>> -> memref<1x80xi32, #tpu.memory_space<vmem>>
    %dma_wait3A_211 = tpu.memref_squeeze %dma_wait3A_210 : memref<1x80xi32, #tpu.memory_space<vmem>> -> memref<80xi32, #tpu.memory_space<vmem>>
    %dma_wait3A_212 = arith.constant 0 : i32
    %dma_wait3A_213 = arith.constant 0 : i32
    %dma_wait3A_214 = tpu.memref_slice %arg18[%dma_wait3A_212, %dma_wait3A_213] : memref<10240x128xf32, #tpu.memory_space<vmem_shared>> -> memref<10240x128xf32, #tpu.memory_space<vmem_shared>>
    tpu.wait_indirect_dma semaphore(%arg31 : memref<!tpu.dma_semaphore, #tpu.memory_space<semaphore_mem>>) src(%arg14 : memref<80x128xf32, #tpu.memory_space<vmem>>) dst(%dma_wait3A_214 : memref<10240x128xf32, #tpu.memory_space<vmem_shared>>)
    %barrier3A_215 = arith.constant 0 : index
    tpu.barrier barrier_id(%barrier3A_215)
    %mul3A_216 = arith.constant 640 : i32
    %mul3A_217 = arith.muli %arg1, %mul3A_216 : i32
    %mul3A_218 = arith.constant 640 : i32
    %mul3A_219 = arith.muli %arg1, %mul3A_218 : i32
    "tpu.region"() ({
      %run_scoped3A = tpu.sem_alloc : memref<!tpu.dma_semaphore, #tpu.memory_space<semaphore_mem>>
      %dma_start3A_220 = arith.constant 0 : i32
      %dma_start3A_221 = tpu.memref_slice %arg5[%arg0, %mul3A_219, %dma_start3A_220] : memref<2x10240x128xf32, #tpu.memory_space<hbm>> -> memref<1x640x128xf32, #tpu.memory_space<hbm>>
      %dma_start3A_222 = tpu.memref_squeeze %dma_start3A_221 : memref<1x640x128xf32, #tpu.memory_space<hbm>> -> memref<640x128xf32, #tpu.memory_space<hbm>>
      %dma_start3A_223 = arith.constant 0 : i32
      %dma_start3A_224 = tpu.memref_slice %arg18[%mul3A_217, %dma_start3A_223] : memref<10240x128xf32, #tpu.memory_space<vmem_shared>> -> memref<640x128xf32, #tpu.memory_space<vmem_shared>>
      tpu.enqueue_dma source(%dma_start3A_224 : memref<640x128xf32, #tpu.memory_space<vmem_shared>>) target(%dma_start3A_222 : memref<640x128xf32, #tpu.memory_space<hbm>>) target_semaphore(%run_scoped3A : memref<!tpu.dma_semaphore, #tpu.memory_space<semaphore_mem>>)
      %dma_wait3A_225 = arith.constant 0 : i32
      %dma_wait3A_226 = tpu.memref_slice %arg5[%arg0, %mul3A_219, %dma_wait3A_225] : memref<2x10240x128xf32, #tpu.memory_space<hbm>> -> memref<1x640x128xf32, #tpu.memory_space<hbm>>
      %dma_wait3A_227 = tpu.memref_squeeze %dma_wait3A_226 : memref<1x640x128xf32, #tpu.memory_space<hbm>> -> memref<640x128xf32, #tpu.memory_space<hbm>>
      %dma_wait3A_228 = arith.constant 0 : i32
      %dma_wait3A_229 = tpu.memref_slice %arg18[%mul3A_217, %dma_wait3A_228] : memref<10240x128xf32, #tpu.memory_space<vmem_shared>> -> memref<640x128xf32, #tpu.memory_space<vmem_shared>>
      tpu.wait_dma2 semaphore(%run_scoped3A : memref<!tpu.dma_semaphore, #tpu.memory_space<semaphore_mem>>) src(%dma_wait3A_229 : memref<640x128xf32, #tpu.memory_space<vmem_shared>>) dst(%dma_wait3A_227 : memref<640x128xf32, #tpu.memory_space<hbm>>)
      tpu.yield
    }) : () -> ()
    return
  }
}

#map = affine_map<(d0, d1) -> (0, 0)>
#map1 = affine_map<(d0, d1) -> (0, 0, 0)>
module attributes {stable_mosaic.version = 14 : i64} {
  func.func @_deg_kernel(%arg0: i32, %arg1: i32, %arg2: memref<2x320000xi32, #tpu.memory_space<hbm>>, %arg3: memref<80x16xf32, #tpu.memory_space<hbm>>, %arg4: memref<640x16xf32, #tpu.memory_space<hbm>>, %arg5: memref<2x10240x16xf32, #tpu.memory_space<hbm>>, %arg6: memref<80xi32, #tpu.memory_space<vmem>>, %arg7: memref<80xi32, #tpu.memory_space<vmem>>, %arg8: memref<80xi32, #tpu.memory_space<vmem>>, %arg9: memref<80xi32, #tpu.memory_space<vmem>>, %arg10: memref<80xi32, #tpu.memory_space<vmem>>, %arg11: memref<80xi32, #tpu.memory_space<vmem>>, %arg12: memref<80xi32, #tpu.memory_space<vmem>>, %arg13: memref<80xi32, #tpu.memory_space<vmem>>, %arg14: memref<80x16xf32, #tpu.memory_space<vmem>>, %arg15: memref<10240x16xf32, #tpu.memory_space<vmem_shared>>, %arg16: memref<!tpu.dma_semaphore, #tpu.memory_space<semaphore_mem>>, %arg17: memref<!tpu.dma_semaphore, #tpu.memory_space<semaphore_mem>>, %arg18: memref<!tpu.dma_semaphore, #tpu.memory_space<semaphore_mem>>, %arg19: memref<!tpu.dma_semaphore, #tpu.memory_space<semaphore_mem>>, %arg20: memref<!tpu.dma_semaphore, #tpu.memory_space<semaphore_mem>>, %arg21: memref<!tpu.dma_semaphore, #tpu.memory_space<semaphore_mem>>, %arg22: memref<!tpu.dma_semaphore, #tpu.memory_space<semaphore_mem>>, %arg23: memref<!tpu.dma_semaphore, #tpu.memory_space<semaphore_mem>>, %arg24: memref<!tpu.dma_semaphore, #tpu.memory_space<semaphore_mem>>, %arg25: memref<!tpu.dma_semaphore, #tpu.memory_space<semaphore_mem>>, %arg26: memref<!tpu.dma_semaphore, #tpu.memory_space<semaphore_mem>>, %arg27: memref<!tpu.dma_semaphore, #tpu.memory_space<semaphore_mem>>) attributes {dimension_semantics = [#tpu.dimension_semantics<core_parallel>, #tpu.dimension_semantics<subcore_parallel>], iteration_bounds = array<i64: 2, 16>, scalar_prefetch = 0 : i64, scratch_operands = 22 : i64, tpu.core_type = #tpu.core_type<sc_vector_subcore>, window_params = [{transform_indices = #map}, {transform_indices = #map}, {transform_indices = #map}, {transform_indices = #map1}]} {
    %mul3A = arith.constant 16 : i32
    %mul3A_0 = arith.muli %arg0, %mul3A : i32
    %add3A = arith.addi %mul3A_0, %arg1 : i32
    %mul3A_1 = arith.constant 10000 : i32
    %mul3A_2 = arith.muli %add3A, %mul3A_1 : i32
    %mul3A_3 = arith.constant 640 : i32
    %mul3A_4 = arith.muli %arg1, %mul3A_3 : i32
    "tpu.region"() ({
      %run_scoped3A = tpu.sem_alloc : memref<!tpu.dma_semaphore, #tpu.memory_space<semaphore_mem>>
      %dma_start3A_126 = arith.constant 0 : i32
      %dma_start3A_127 = tpu.memref_slice %arg15[%mul3A_4, %dma_start3A_126] : memref<10240x16xf32, #tpu.memory_space<vmem_shared>> -> memref<640x16xf32, #tpu.memory_space<vmem_shared>>
      tpu.enqueue_dma source(%arg4 : memref<640x16xf32, #tpu.memory_space<hbm>>) target(%dma_start3A_127 : memref<640x16xf32, #tpu.memory_space<vmem_shared>>) target_semaphore(%run_scoped3A : memref<!tpu.dma_semaphore, #tpu.memory_space<semaphore_mem>>)
      %dma_wait3A_128 = arith.constant 0 : i32
      %dma_wait3A_129 = tpu.memref_slice %arg15[%mul3A_4, %dma_wait3A_128] : memref<10240x16xf32, #tpu.memory_space<vmem_shared>> -> memref<640x16xf32, #tpu.memory_space<vmem_shared>>
      tpu.wait_dma2 semaphore(%run_scoped3A : memref<!tpu.dma_semaphore, #tpu.memory_space<semaphore_mem>>) src(%arg4 : memref<640x16xf32, #tpu.memory_space<hbm>>) dst(%dma_wait3A_129 : memref<640x16xf32, #tpu.memory_space<vmem_shared>>)
      tpu.yield
    }) : () -> ()
    "tpu.region"() ({
      %run_scoped3A = tpu.sem_alloc : memref<!tpu.dma_semaphore, #tpu.memory_space<semaphore_mem>>
      tpu.enqueue_dma source(%arg3 : memref<80x16xf32, #tpu.memory_space<hbm>>) target(%arg14 : memref<80x16xf32, #tpu.memory_space<vmem>>) target_semaphore(%run_scoped3A : memref<!tpu.dma_semaphore, #tpu.memory_space<semaphore_mem>>)
      tpu.wait_dma2 semaphore(%run_scoped3A : memref<!tpu.dma_semaphore, #tpu.memory_space<semaphore_mem>>) src(%arg3 : memref<80x16xf32, #tpu.memory_space<hbm>>) dst(%arg14 : memref<80x16xf32, #tpu.memory_space<vmem>>)
      tpu.yield
    }) : () -> ()
    %barrier3A = arith.constant 0 : index
    tpu.barrier barrier_id(%barrier3A)
    %add3A_5 = arith.constant 0 : i32
    %add3A_6 = arith.addi %mul3A_2, %add3A_5 : i32
    %dma_start3A = arith.constant 1 : i32
    %dma_start3A_7 = tpu.memref_slice %arg2[%dma_start3A, %add3A_6] : memref<2x320000xi32, #tpu.memory_space<hbm>> -> memref<1x80xi32, #tpu.memory_space<hbm>>
    %dma_start3A_8 = tpu.memref_squeeze %dma_start3A_7 : memref<1x80xi32, #tpu.memory_space<hbm>> -> memref<80xi32, #tpu.memory_space<hbm>>
    %dma_start3A_9 = tpu.memref_slice %arg2[%dma_start3A, %add3A_6] : memref<2x320000xi32, #tpu.memory_space<hbm>> -> memref<1x80xi32, #tpu.memory_space<hbm>>
    %dma_start3A_10 = tpu.memref_squeeze %dma_start3A_9 : memref<1x80xi32, #tpu.memory_space<hbm>> -> memref<80xi32, #tpu.memory_space<hbm>>
    tpu.enqueue_dma source(%dma_start3A_10 : memref<80xi32, #tpu.memory_space<hbm>>) target(%arg6 : memref<80xi32, #tpu.memory_space<vmem>>) target_semaphore(%arg16 : memref<!tpu.dma_semaphore, #tpu.memory_space<semaphore_mem>>)
    %add3A_11 = arith.constant 80 : i32
    %add3A_12 = arith.addi %mul3A_2, %add3A_11 : i32
    %dma_start3A_13 = arith.constant 1 : i32
    %dma_start3A_14 = tpu.memref_slice %arg2[%dma_start3A_13, %add3A_12] : memref<2x320000xi32, #tpu.memory_space<hbm>> -> memref<1x80xi32, #tpu.memory_space<hbm>>
    %dma_start3A_15 = tpu.memref_squeeze %dma_start3A_14 : memref<1x80xi32, #tpu.memory_space<hbm>> -> memref<80xi32, #tpu.memory_space<hbm>>
    %dma_start3A_16 = tpu.memref_slice %arg2[%dma_start3A_13, %add3A_12] : memref<2x320000xi32, #tpu.memory_space<hbm>> -> memref<1x80xi32, #tpu.memory_space<hbm>>
    %dma_start3A_17 = tpu.memref_squeeze %dma_start3A_16 : memref<1x80xi32, #tpu.memory_space<hbm>> -> memref<80xi32, #tpu.memory_space<hbm>>
    tpu.enqueue_dma source(%dma_start3A_17 : memref<80xi32, #tpu.memory_space<hbm>>) target(%arg7 : memref<80xi32, #tpu.memory_space<vmem>>) target_semaphore(%arg17 : memref<!tpu.dma_semaphore, #tpu.memory_space<semaphore_mem>>)
    %add3A_18 = arith.constant 160 : i32
    %add3A_19 = arith.addi %mul3A_2, %add3A_18 : i32
    %dma_start3A_20 = arith.constant 1 : i32
    %dma_start3A_21 = tpu.memref_slice %arg2[%dma_start3A_20, %add3A_19] : memref<2x320000xi32, #tpu.memory_space<hbm>> -> memref<1x80xi32, #tpu.memory_space<hbm>>
    %dma_start3A_22 = tpu.memref_squeeze %dma_start3A_21 : memref<1x80xi32, #tpu.memory_space<hbm>> -> memref<80xi32, #tpu.memory_space<hbm>>
    %dma_start3A_23 = tpu.memref_slice %arg2[%dma_start3A_20, %add3A_19] : memref<2x320000xi32, #tpu.memory_space<hbm>> -> memref<1x80xi32, #tpu.memory_space<hbm>>
    %dma_start3A_24 = tpu.memref_squeeze %dma_start3A_23 : memref<1x80xi32, #tpu.memory_space<hbm>> -> memref<80xi32, #tpu.memory_space<hbm>>
    tpu.enqueue_dma source(%dma_start3A_24 : memref<80xi32, #tpu.memory_space<hbm>>) target(%arg8 : memref<80xi32, #tpu.memory_space<vmem>>) target_semaphore(%arg18 : memref<!tpu.dma_semaphore, #tpu.memory_space<semaphore_mem>>)
    %add3A_25 = arith.constant 240 : i32
    %add3A_26 = arith.addi %mul3A_2, %add3A_25 : i32
    %dma_start3A_27 = arith.constant 1 : i32
    %dma_start3A_28 = tpu.memref_slice %arg2[%dma_start3A_27, %add3A_26] : memref<2x320000xi32, #tpu.memory_space<hbm>> -> memref<1x80xi32, #tpu.memory_space<hbm>>
    %dma_start3A_29 = tpu.memref_squeeze %dma_start3A_28 : memref<1x80xi32, #tpu.memory_space<hbm>> -> memref<80xi32, #tpu.memory_space<hbm>>
    %dma_start3A_30 = tpu.memref_slice %arg2[%dma_start3A_27, %add3A_26] : memref<2x320000xi32, #tpu.memory_space<hbm>> -> memref<1x80xi32, #tpu.memory_space<hbm>>
    %dma_start3A_31 = tpu.memref_squeeze %dma_start3A_30 : memref<1x80xi32, #tpu.memory_space<hbm>> -> memref<80xi32, #tpu.memory_space<hbm>>
    tpu.enqueue_dma source(%dma_start3A_31 : memref<80xi32, #tpu.memory_space<hbm>>) target(%arg9 : memref<80xi32, #tpu.memory_space<vmem>>) target_semaphore(%arg19 : memref<!tpu.dma_semaphore, #tpu.memory_space<semaphore_mem>>)
    %add3A_32 = arith.constant 320 : i32
    %add3A_33 = arith.addi %mul3A_2, %add3A_32 : i32
    %dma_start3A_34 = arith.constant 1 : i32
    %dma_start3A_35 = tpu.memref_slice %arg2[%dma_start3A_34, %add3A_33] : memref<2x320000xi32, #tpu.memory_space<hbm>> -> memref<1x80xi32, #tpu.memory_space<hbm>>
    %dma_start3A_36 = tpu.memref_squeeze %dma_start3A_35 : memref<1x80xi32, #tpu.memory_space<hbm>> -> memref<80xi32, #tpu.memory_space<hbm>>
    %dma_start3A_37 = tpu.memref_slice %arg2[%dma_start3A_34, %add3A_33] : memref<2x320000xi32, #tpu.memory_space<hbm>> -> memref<1x80xi32, #tpu.memory_space<hbm>>
    %dma_start3A_38 = tpu.memref_squeeze %dma_start3A_37 : memref<1x80xi32, #tpu.memory_space<hbm>> -> memref<80xi32, #tpu.memory_space<hbm>>
    tpu.enqueue_dma source(%dma_start3A_38 : memref<80xi32, #tpu.memory_space<hbm>>) target(%arg10 : memref<80xi32, #tpu.memory_space<vmem>>) target_semaphore(%arg20 : memref<!tpu.dma_semaphore, #tpu.memory_space<semaphore_mem>>)
    %add3A_39 = arith.constant 400 : i32
    %add3A_40 = arith.addi %mul3A_2, %add3A_39 : i32
    %dma_start3A_41 = arith.constant 1 : i32
    %dma_start3A_42 = tpu.memref_slice %arg2[%dma_start3A_41, %add3A_40] : memref<2x320000xi32, #tpu.memory_space<hbm>> -> memref<1x80xi32, #tpu.memory_space<hbm>>
    %dma_start3A_43 = tpu.memref_squeeze %dma_start3A_42 : memref<1x80xi32, #tpu.memory_space<hbm>> -> memref<80xi32, #tpu.memory_space<hbm>>
    %dma_start3A_44 = tpu.memref_slice %arg2[%dma_start3A_41, %add3A_40] : memref<2x320000xi32, #tpu.memory_space<hbm>> -> memref<1x80xi32, #tpu.memory_space<hbm>>
    %dma_start3A_45 = tpu.memref_squeeze %dma_start3A_44 : memref<1x80xi32, #tpu.memory_space<hbm>> -> memref<80xi32, #tpu.memory_space<hbm>>
    tpu.enqueue_dma source(%dma_start3A_45 : memref<80xi32, #tpu.memory_space<hbm>>) target(%arg11 : memref<80xi32, #tpu.memory_space<vmem>>) target_semaphore(%arg21 : memref<!tpu.dma_semaphore, #tpu.memory_space<semaphore_mem>>)
    %scan3A = arith.constant 0 : i32
    %scan3A_46 = arith.constant 0 : i32
    %scan3A_47 = arith.constant 15 : i32
    %scan3A_48 = arith.addi %scan3A_46, %scan3A_47 : i32
    %scan3A_49 = arith.constant 1 : i32
    scf.for %scan3A_126 = %scan3A_46 to %scan3A_48 step %scan3A_49  : i32 {
      %mul3A_127 = arith.constant 8 : i32
      %mul3A_128 = arith.muli %scan3A_126, %mul3A_127 : i32
      %add3A_129 = arith.constant 0 : i32
      %add3A_130 = arith.addi %mul3A_128, %add3A_129 : i32
      %mul3A_131 = arith.constant 80 : i32
      %mul3A_132 = arith.muli %add3A_130, %mul3A_131 : i32
      %add3A_133 = arith.addi %mul3A_2, %mul3A_132 : i32
      %dma_wait3A_134 = arith.constant 1 : i32
      %dma_wait3A_135 = tpu.memref_slice %arg2[%dma_wait3A_134, %add3A_133] : memref<2x320000xi32, #tpu.memory_space<hbm>> -> memref<1x80xi32, #tpu.memory_space<hbm>>
      %dma_wait3A_136 = tpu.memref_squeeze %dma_wait3A_135 : memref<1x80xi32, #tpu.memory_space<hbm>> -> memref<80xi32, #tpu.memory_space<hbm>>
      %dma_wait3A_137 = tpu.memref_slice %arg2[%dma_wait3A_134, %add3A_133] : memref<2x320000xi32, #tpu.memory_space<hbm>> -> memref<1x80xi32, #tpu.memory_space<hbm>>
      %dma_wait3A_138 = tpu.memref_squeeze %dma_wait3A_137 : memref<1x80xi32, #tpu.memory_space<hbm>> -> memref<80xi32, #tpu.memory_space<hbm>>
      tpu.wait_dma2 semaphore(%arg16 : memref<!tpu.dma_semaphore, #tpu.memory_space<semaphore_mem>>) src(%dma_wait3A_138 : memref<80xi32, #tpu.memory_space<hbm>>) dst(%arg6 : memref<80xi32, #tpu.memory_space<vmem>>)
      %dma_start3A_139 = arith.constant 0 : i32
      %dma_start3A_140 = arith.constant 0 : i32
      %dma_start3A_141 = tpu.memref_slice %arg15[%dma_start3A_139, %dma_start3A_140] : memref<10240x16xf32, #tpu.memory_space<vmem_shared>> -> memref<10240x16xf32, #tpu.memory_space<vmem_shared>>
      tpu.enqueue_indirect_dma source(%arg14 : memref<80x16xf32, #tpu.memory_space<vmem>>) target(%dma_start3A_141 : memref<10240x16xf32, #tpu.memory_space<vmem_shared>>) offsets(%arg6 : memref<80xi32, #tpu.memory_space<vmem>>) semaphore(%arg24 : memref<!tpu.dma_semaphore, #tpu.memory_space<semaphore_mem>>) {add = true}
      %ge3A = arith.constant 2 : i32
      %ge3A_142 = arith.cmpi sge, %add3A_130, %ge3A : i32
      %convert_element_type3A = arith.extui %ge3A_142 : i1 to i32
      %cond3A = arith.constant 0 : i32
      %cond3A_143 = arith.cmpi ne, %convert_element_type3A, %cond3A : i32
      scf.if %cond3A_143 {
        %dma_wait3A_354 = arith.constant 0 : i32
        %dma_wait3A_355 = arith.constant 0 : i32
        %dma_wait3A_356 = tpu.memref_slice %arg15[%dma_wait3A_354, %dma_wait3A_355] : memref<10240x16xf32, #tpu.memory_space<vmem_shared>> -> memref<10240x16xf32, #tpu.memory_space<vmem_shared>>
        tpu.wait_indirect_dma semaphore(%arg26 : memref<!tpu.dma_semaphore, #tpu.memory_space<semaphore_mem>>) src(%arg14 : memref<80x16xf32, #tpu.memory_space<vmem>>) dst(%dma_wait3A_356 : memref<10240x16xf32, #tpu.memory_space<vmem_shared>>)
      } else {
      }
      %add3A_144 = arith.constant 8 : i32
      %add3A_145 = arith.addi %add3A_130, %add3A_144 : i32
      %sub3A = arith.constant 2 : i32
      %sub3A_146 = arith.subi %add3A_145, %sub3A : i32
      %lt3A = arith.constant 125 : i32
      %lt3A_147 = arith.cmpi slt, %sub3A_146, %lt3A : i32
      %convert_element_type3A_148 = arith.extui %lt3A_147 : i1 to i32
      %cond3A_149 = arith.constant 0 : i32
      %cond3A_150 = arith.cmpi ne, %convert_element_type3A_148, %cond3A_149 : i32
      scf.if %cond3A_150 {
        %add3A_354 = arith.constant 8 : i32
        %add3A_355 = arith.addi %add3A_130, %add3A_354 : i32
        %sub3A_356 = arith.constant 2 : i32
        %sub3A_357 = arith.subi %add3A_355, %sub3A_356 : i32
        %mul3A_358 = arith.constant 80 : i32
        %mul3A_359 = arith.muli %sub3A_357, %mul3A_358 : i32
        %add3A_360 = arith.addi %mul3A_2, %mul3A_359 : i32
        %dma_start3A_361 = arith.constant 1 : i32
        %dma_start3A_362 = tpu.memref_slice %arg2[%dma_start3A_361, %add3A_360] : memref<2x320000xi32, #tpu.memory_space<hbm>> -> memref<1x80xi32, #tpu.memory_space<hbm>>
        %dma_start3A_363 = tpu.memref_squeeze %dma_start3A_362 : memref<1x80xi32, #tpu.memory_space<hbm>> -> memref<80xi32, #tpu.memory_space<hbm>>
        %dma_start3A_364 = tpu.memref_slice %arg2[%dma_start3A_361, %add3A_360] : memref<2x320000xi32, #tpu.memory_space<hbm>> -> memref<1x80xi32, #tpu.memory_space<hbm>>
        %dma_start3A_365 = tpu.memref_squeeze %dma_start3A_364 : memref<1x80xi32, #tpu.memory_space<hbm>> -> memref<80xi32, #tpu.memory_space<hbm>>
        tpu.enqueue_dma source(%dma_start3A_365 : memref<80xi32, #tpu.memory_space<hbm>>) target(%arg12 : memref<80xi32, #tpu.memory_space<vmem>>) target_semaphore(%arg22 : memref<!tpu.dma_semaphore, #tpu.memory_space<semaphore_mem>>)
      } else {
      }
      %mul3A_151 = arith.constant 8 : i32
      %mul3A_152 = arith.muli %scan3A_126, %mul3A_151 : i32
      %add3A_153 = arith.constant 1 : i32
      %add3A_154 = arith.addi %mul3A_152, %add3A_153 : i32
      %mul3A_155 = arith.constant 80 : i32
      %mul3A_156 = arith.muli %add3A_154, %mul3A_155 : i32
      %add3A_157 = arith.addi %mul3A_2, %mul3A_156 : i32
      %dma_wait3A_158 = arith.constant 1 : i32
      %dma_wait3A_159 = tpu.memref_slice %arg2[%dma_wait3A_158, %add3A_157] : memref<2x320000xi32, #tpu.memory_space<hbm>> -> memref<1x80xi32, #tpu.memory_space<hbm>>
      %dma_wait3A_160 = tpu.memref_squeeze %dma_wait3A_159 : memref<1x80xi32, #tpu.memory_space<hbm>> -> memref<80xi32, #tpu.memory_space<hbm>>
      %dma_wait3A_161 = tpu.memref_slice %arg2[%dma_wait3A_158, %add3A_157] : memref<2x320000xi32, #tpu.memory_space<hbm>> -> memref<1x80xi32, #tpu.memory_space<hbm>>
      %dma_wait3A_162 = tpu.memref_squeeze %dma_wait3A_161 : memref<1x80xi32, #tpu.memory_space<hbm>> -> memref<80xi32, #tpu.memory_space<hbm>>
      tpu.wait_dma2 semaphore(%arg17 : memref<!tpu.dma_semaphore, #tpu.memory_space<semaphore_mem>>) src(%dma_wait3A_162 : memref<80xi32, #tpu.memory_space<hbm>>) dst(%arg7 : memref<80xi32, #tpu.memory_space<vmem>>)
      %dma_start3A_163 = arith.constant 0 : i32
      %dma_start3A_164 = arith.constant 0 : i32
      %dma_start3A_165 = tpu.memref_slice %arg15[%dma_start3A_163, %dma_start3A_164] : memref<10240x16xf32, #tpu.memory_space<vmem_shared>> -> memref<10240x16xf32, #tpu.memory_space<vmem_shared>>
      tpu.enqueue_indirect_dma source(%arg14 : memref<80x16xf32, #tpu.memory_space<vmem>>) target(%dma_start3A_165 : memref<10240x16xf32, #tpu.memory_space<vmem_shared>>) offsets(%arg7 : memref<80xi32, #tpu.memory_space<vmem>>) semaphore(%arg25 : memref<!tpu.dma_semaphore, #tpu.memory_space<semaphore_mem>>) {add = true}
      %ge3A_166 = arith.constant 2 : i32
      %ge3A_167 = arith.cmpi sge, %add3A_154, %ge3A_166 : i32
      %convert_element_type3A_168 = arith.extui %ge3A_167 : i1 to i32
      %cond3A_169 = arith.constant 0 : i32
      %cond3A_170 = arith.cmpi ne, %convert_element_type3A_168, %cond3A_169 : i32
      scf.if %cond3A_170 {
        %dma_wait3A_354 = arith.constant 0 : i32
        %dma_wait3A_355 = arith.constant 0 : i32
        %dma_wait3A_356 = tpu.memref_slice %arg15[%dma_wait3A_354, %dma_wait3A_355] : memref<10240x16xf32, #tpu.memory_space<vmem_shared>> -> memref<10240x16xf32, #tpu.memory_space<vmem_shared>>
        tpu.wait_indirect_dma semaphore(%arg27 : memref<!tpu.dma_semaphore, #tpu.memory_space<semaphore_mem>>) src(%arg14 : memref<80x16xf32, #tpu.memory_space<vmem>>) dst(%dma_wait3A_356 : memref<10240x16xf32, #tpu.memory_space<vmem_shared>>)
      } else {
      }
      %add3A_171 = arith.constant 8 : i32
      %add3A_172 = arith.addi %add3A_154, %add3A_171 : i32
      %sub3A_173 = arith.constant 2 : i32
      %sub3A_174 = arith.subi %add3A_172, %sub3A_173 : i32
      %lt3A_175 = arith.constant 125 : i32
      %lt3A_176 = arith.cmpi slt, %sub3A_174, %lt3A_175 : i32
      %convert_element_type3A_177 = arith.extui %lt3A_176 : i1 to i32
      %cond3A_178 = arith.constant 0 : i32
      %cond3A_179 = arith.cmpi ne, %convert_element_type3A_177, %cond3A_178 : i32
      scf.if %cond3A_179 {
        %add3A_354 = arith.constant 8 : i32
        %add3A_355 = arith.addi %add3A_154, %add3A_354 : i32
        %sub3A_356 = arith.constant 2 : i32
        %sub3A_357 = arith.subi %add3A_355, %sub3A_356 : i32
        %mul3A_358 = arith.constant 80 : i32
        %mul3A_359 = arith.muli %sub3A_357, %mul3A_358 : i32
        %add3A_360 = arith.addi %mul3A_2, %mul3A_359 : i32
        %dma_start3A_361 = arith.constant 1 : i32
        %dma_start3A_362 = tpu.memref_slice %arg2[%dma_start3A_361, %add3A_360] : memref<2x320000xi32, #tpu.memory_space<hbm>> -> memref<1x80xi32, #tpu.memory_space<hbm>>
        %dma_start3A_363 = tpu.memref_squeeze %dma_start3A_362 : memref<1x80xi32, #tpu.memory_space<hbm>> -> memref<80xi32, #tpu.memory_space<hbm>>
        %dma_start3A_364 = tpu.memref_slice %arg2[%dma_start3A_361, %add3A_360] : memref<2x320000xi32, #tpu.memory_space<hbm>> -> memref<1x80xi32, #tpu.memory_space<hbm>>
        %dma_start3A_365 = tpu.memref_squeeze %dma_start3A_364 : memref<1x80xi32, #tpu.memory_space<hbm>> -> memref<80xi32, #tpu.memory_space<hbm>>
        tpu.enqueue_dma source(%dma_start3A_365 : memref<80xi32, #tpu.memory_space<hbm>>) target(%arg13 : memref<80xi32, #tpu.memory_space<vmem>>) target_semaphore(%arg23 : memref<!tpu.dma_semaphore, #tpu.memory_space<semaphore_mem>>)
      } else {
      }
      %mul3A_180 = arith.constant 8 : i32
      %mul3A_181 = arith.muli %scan3A_126, %mul3A_180 : i32
      %add3A_182 = arith.constant 2 : i32
      %add3A_183 = arith.addi %mul3A_181, %add3A_182 : i32
      %mul3A_184 = arith.constant 80 : i32
      %mul3A_185 = arith.muli %add3A_183, %mul3A_184 : i32
      %add3A_186 = arith.addi %mul3A_2, %mul3A_185 : i32
      %dma_wait3A_187 = arith.constant 1 : i32
      %dma_wait3A_188 = tpu.memref_slice %arg2[%dma_wait3A_187, %add3A_186] : memref<2x320000xi32, #tpu.memory_space<hbm>> -> memref<1x80xi32, #tpu.memory_space<hbm>>
      %dma_wait3A_189 = tpu.memref_squeeze %dma_wait3A_188 : memref<1x80xi32, #tpu.memory_space<hbm>> -> memref<80xi32, #tpu.memory_space<hbm>>
      %dma_wait3A_190 = tpu.memref_slice %arg2[%dma_wait3A_187, %add3A_186] : memref<2x320000xi32, #tpu.memory_space<hbm>> -> memref<1x80xi32, #tpu.memory_space<hbm>>
      %dma_wait3A_191 = tpu.memref_squeeze %dma_wait3A_190 : memref<1x80xi32, #tpu.memory_space<hbm>> -> memref<80xi32, #tpu.memory_space<hbm>>
      tpu.wait_dma2 semaphore(%arg18 : memref<!tpu.dma_semaphore, #tpu.memory_space<semaphore_mem>>) src(%dma_wait3A_191 : memref<80xi32, #tpu.memory_space<hbm>>) dst(%arg8 : memref<80xi32, #tpu.memory_space<vmem>>)
      %dma_start3A_192 = arith.constant 0 : i32
      %dma_start3A_193 = arith.constant 0 : i32
      %dma_start3A_194 = tpu.memref_slice %arg15[%dma_start3A_192, %dma_start3A_193] : memref<10240x16xf32, #tpu.memory_space<vmem_shared>> -> memref<10240x16xf32, #tpu.memory_space<vmem_shared>>
      tpu.enqueue_indirect_dma source(%arg14 : memref<80x16xf32, #tpu.memory_space<vmem>>) target(%dma_start3A_194 : memref<10240x16xf32, #tpu.memory_space<vmem_shared>>) offsets(%arg8 : memref<80xi32, #tpu.memory_space<vmem>>) semaphore(%arg26 : memref<!tpu.dma_semaphore, #tpu.memory_space<semaphore_mem>>) {add = true}
      %ge3A_195 = arith.constant 2 : i32
      %ge3A_196 = arith.cmpi sge, %add3A_183, %ge3A_195 : i32
      %convert_element_type3A_197 = arith.extui %ge3A_196 : i1 to i32
      %cond3A_198 = arith.constant 0 : i32
      %cond3A_199 = arith.cmpi ne, %convert_element_type3A_197, %cond3A_198 : i32
      scf.if %cond3A_199 {
        %dma_wait3A_354 = arith.constant 0 : i32
        %dma_wait3A_355 = arith.constant 0 : i32
        %dma_wait3A_356 = tpu.memref_slice %arg15[%dma_wait3A_354, %dma_wait3A_355] : memref<10240x16xf32, #tpu.memory_space<vmem_shared>> -> memref<10240x16xf32, #tpu.memory_space<vmem_shared>>
        tpu.wait_indirect_dma semaphore(%arg24 : memref<!tpu.dma_semaphore, #tpu.memory_space<semaphore_mem>>) src(%arg14 : memref<80x16xf32, #tpu.memory_space<vmem>>) dst(%dma_wait3A_356 : memref<10240x16xf32, #tpu.memory_space<vmem_shared>>)
      } else {
      }
      %add3A_200 = arith.constant 8 : i32
      %add3A_201 = arith.addi %add3A_183, %add3A_200 : i32
      %sub3A_202 = arith.constant 2 : i32
      %sub3A_203 = arith.subi %add3A_201, %sub3A_202 : i32
      %lt3A_204 = arith.constant 125 : i32
      %lt3A_205 = arith.cmpi slt, %sub3A_203, %lt3A_204 : i32
      %convert_element_type3A_206 = arith.extui %lt3A_205 : i1 to i32
      %cond3A_207 = arith.constant 0 : i32
      %cond3A_208 = arith.cmpi ne, %convert_element_type3A_206, %cond3A_207 : i32
      scf.if %cond3A_208 {
        %add3A_354 = arith.constant 8 : i32
        %add3A_355 = arith.addi %add3A_183, %add3A_354 : i32
        %sub3A_356 = arith.constant 2 : i32
        %sub3A_357 = arith.subi %add3A_355, %sub3A_356 : i32
        %mul3A_358 = arith.constant 80 : i32
        %mul3A_359 = arith.muli %sub3A_357, %mul3A_358 : i32
        %add3A_360 = arith.addi %mul3A_2, %mul3A_359 : i32
        %dma_start3A_361 = arith.constant 1 : i32
        %dma_start3A_362 = tpu.memref_slice %arg2[%dma_start3A_361, %add3A_360] : memref<2x320000xi32, #tpu.memory_space<hbm>> -> memref<1x80xi32, #tpu.memory_space<hbm>>
        %dma_start3A_363 = tpu.memref_squeeze %dma_start3A_362 : memref<1x80xi32, #tpu.memory_space<hbm>> -> memref<80xi32, #tpu.memory_space<hbm>>
        %dma_start3A_364 = tpu.memref_slice %arg2[%dma_start3A_361, %add3A_360] : memref<2x320000xi32, #tpu.memory_space<hbm>> -> memref<1x80xi32, #tpu.memory_space<hbm>>
        %dma_start3A_365 = tpu.memref_squeeze %dma_start3A_364 : memref<1x80xi32, #tpu.memory_space<hbm>> -> memref<80xi32, #tpu.memory_space<hbm>>
        tpu.enqueue_dma source(%dma_start3A_365 : memref<80xi32, #tpu.memory_space<hbm>>) target(%arg6 : memref<80xi32, #tpu.memory_space<vmem>>) target_semaphore(%arg16 : memref<!tpu.dma_semaphore, #tpu.memory_space<semaphore_mem>>)
      } else {
      }
      %mul3A_209 = arith.constant 8 : i32
      %mul3A_210 = arith.muli %scan3A_126, %mul3A_209 : i32
      %add3A_211 = arith.constant 3 : i32
      %add3A_212 = arith.addi %mul3A_210, %add3A_211 : i32
      %mul3A_213 = arith.constant 80 : i32
      %mul3A_214 = arith.muli %add3A_212, %mul3A_213 : i32
      %add3A_215 = arith.addi %mul3A_2, %mul3A_214 : i32
      %dma_wait3A_216 = arith.constant 1 : i32
      %dma_wait3A_217 = tpu.memref_slice %arg2[%dma_wait3A_216, %add3A_215] : memref<2x320000xi32, #tpu.memory_space<hbm>> -> memref<1x80xi32, #tpu.memory_space<hbm>>
      %dma_wait3A_218 = tpu.memref_squeeze %dma_wait3A_217 : memref<1x80xi32, #tpu.memory_space<hbm>> -> memref<80xi32, #tpu.memory_space<hbm>>
      %dma_wait3A_219 = tpu.memref_slice %arg2[%dma_wait3A_216, %add3A_215] : memref<2x320000xi32, #tpu.memory_space<hbm>> -> memref<1x80xi32, #tpu.memory_space<hbm>>
      %dma_wait3A_220 = tpu.memref_squeeze %dma_wait3A_219 : memref<1x80xi32, #tpu.memory_space<hbm>> -> memref<80xi32, #tpu.memory_space<hbm>>
      tpu.wait_dma2 semaphore(%arg19 : memref<!tpu.dma_semaphore, #tpu.memory_space<semaphore_mem>>) src(%dma_wait3A_220 : memref<80xi32, #tpu.memory_space<hbm>>) dst(%arg9 : memref<80xi32, #tpu.memory_space<vmem>>)
      %dma_start3A_221 = arith.constant 0 : i32
      %dma_start3A_222 = arith.constant 0 : i32
      %dma_start3A_223 = tpu.memref_slice %arg15[%dma_start3A_221, %dma_start3A_222] : memref<10240x16xf32, #tpu.memory_space<vmem_shared>> -> memref<10240x16xf32, #tpu.memory_space<vmem_shared>>
      tpu.enqueue_indirect_dma source(%arg14 : memref<80x16xf32, #tpu.memory_space<vmem>>) target(%dma_start3A_223 : memref<10240x16xf32, #tpu.memory_space<vmem_shared>>) offsets(%arg9 : memref<80xi32, #tpu.memory_space<vmem>>) semaphore(%arg27 : memref<!tpu.dma_semaphore, #tpu.memory_space<semaphore_mem>>) {add = true}
      %ge3A_224 = arith.constant 2 : i32
      %ge3A_225 = arith.cmpi sge, %add3A_212, %ge3A_224 : i32
      %convert_element_type3A_226 = arith.extui %ge3A_225 : i1 to i32
      %cond3A_227 = arith.constant 0 : i32
      %cond3A_228 = arith.cmpi ne, %convert_element_type3A_226, %cond3A_227 : i32
      scf.if %cond3A_228 {
        %dma_wait3A_354 = arith.constant 0 : i32
        %dma_wait3A_355 = arith.constant 0 : i32
        %dma_wait3A_356 = tpu.memref_slice %arg15[%dma_wait3A_354, %dma_wait3A_355] : memref<10240x16xf32, #tpu.memory_space<vmem_shared>> -> memref<10240x16xf32, #tpu.memory_space<vmem_shared>>
        tpu.wait_indirect_dma semaphore(%arg25 : memref<!tpu.dma_semaphore, #tpu.memory_space<semaphore_mem>>) src(%arg14 : memref<80x16xf32, #tpu.memory_space<vmem>>) dst(%dma_wait3A_356 : memref<10240x16xf32, #tpu.memory_space<vmem_shared>>)
      } else {
      }
      %add3A_229 = arith.constant 8 : i32
      %add3A_230 = arith.addi %add3A_212, %add3A_229 : i32
      %sub3A_231 = arith.constant 2 : i32
      %sub3A_232 = arith.subi %add3A_230, %sub3A_231 : i32
      %lt3A_233 = arith.constant 125 : i32
      %lt3A_234 = arith.cmpi slt, %sub3A_232, %lt3A_233 : i32
      %convert_element_type3A_235 = arith.extui %lt3A_234 : i1 to i32
      %cond3A_236 = arith.constant 0 : i32
      %cond3A_237 = arith.cmpi ne, %convert_element_type3A_235, %cond3A_236 : i32
      scf.if %cond3A_237 {
        %add3A_354 = arith.constant 8 : i32
        %add3A_355 = arith.addi %add3A_212, %add3A_354 : i32
        %sub3A_356 = arith.constant 2 : i32
        %sub3A_357 = arith.subi %add3A_355, %sub3A_356 : i32
        %mul3A_358 = arith.constant 80 : i32
        %mul3A_359 = arith.muli %sub3A_357, %mul3A_358 : i32
        %add3A_360 = arith.addi %mul3A_2, %mul3A_359 : i32
        %dma_start3A_361 = arith.constant 1 : i32
        %dma_start3A_362 = tpu.memref_slice %arg2[%dma_start3A_361, %add3A_360] : memref<2x320000xi32, #tpu.memory_space<hbm>> -> memref<1x80xi32, #tpu.memory_space<hbm>>
        %dma_start3A_363 = tpu.memref_squeeze %dma_start3A_362 : memref<1x80xi32, #tpu.memory_space<hbm>> -> memref<80xi32, #tpu.memory_space<hbm>>
        %dma_start3A_364 = tpu.memref_slice %arg2[%dma_start3A_361, %add3A_360] : memref<2x320000xi32, #tpu.memory_space<hbm>> -> memref<1x80xi32, #tpu.memory_space<hbm>>
        %dma_start3A_365 = tpu.memref_squeeze %dma_start3A_364 : memref<1x80xi32, #tpu.memory_space<hbm>> -> memref<80xi32, #tpu.memory_space<hbm>>
        tpu.enqueue_dma source(%dma_start3A_365 : memref<80xi32, #tpu.memory_space<hbm>>) target(%arg7 : memref<80xi32, #tpu.memory_space<vmem>>) target_semaphore(%arg17 : memref<!tpu.dma_semaphore, #tpu.memory_space<semaphore_mem>>)
      } else {
      }
      %mul3A_238 = arith.constant 8 : i32
      %mul3A_239 = arith.muli %scan3A_126, %mul3A_238 : i32
      %add3A_240 = arith.constant 4 : i32
      %add3A_241 = arith.addi %mul3A_239, %add3A_240 : i32
      %mul3A_242 = arith.constant 80 : i32
      %mul3A_243 = arith.muli %add3A_241, %mul3A_242 : i32
      %add3A_244 = arith.addi %mul3A_2, %mul3A_243 : i32
      %dma_wait3A_245 = arith.constant 1 : i32
      %dma_wait3A_246 = tpu.memref_slice %arg2[%dma_wait3A_245, %add3A_244] : memref<2x320000xi32, #tpu.memory_space<hbm>> -> memref<1x80xi32, #tpu.memory_space<hbm>>
      %dma_wait3A_247 = tpu.memref_squeeze %dma_wait3A_246 : memref<1x80xi32, #tpu.memory_space<hbm>> -> memref<80xi32, #tpu.memory_space<hbm>>
      %dma_wait3A_248 = tpu.memref_slice %arg2[%dma_wait3A_245, %add3A_244] : memref<2x320000xi32, #tpu.memory_space<hbm>> -> memref<1x80xi32, #tpu.memory_space<hbm>>
      %dma_wait3A_249 = tpu.memref_squeeze %dma_wait3A_248 : memref<1x80xi32, #tpu.memory_space<hbm>> -> memref<80xi32, #tpu.memory_space<hbm>>
      tpu.wait_dma2 semaphore(%arg20 : memref<!tpu.dma_semaphore, #tpu.memory_space<semaphore_mem>>) src(%dma_wait3A_249 : memref<80xi32, #tpu.memory_space<hbm>>) dst(%arg10 : memref<80xi32, #tpu.memory_space<vmem>>)
      %dma_start3A_250 = arith.constant 0 : i32
      %dma_start3A_251 = arith.constant 0 : i32
      %dma_start3A_252 = tpu.memref_slice %arg15[%dma_start3A_250, %dma_start3A_251] : memref<10240x16xf32, #tpu.memory_space<vmem_shared>> -> memref<10240x16xf32, #tpu.memory_space<vmem_shared>>
      tpu.enqueue_indirect_dma source(%arg14 : memref<80x16xf32, #tpu.memory_space<vmem>>) target(%dma_start3A_252 : memref<10240x16xf32, #tpu.memory_space<vmem_shared>>) offsets(%arg10 : memref<80xi32, #tpu.memory_space<vmem>>) semaphore(%arg24 : memref<!tpu.dma_semaphore, #tpu.memory_space<semaphore_mem>>) {add = true}
      %ge3A_253 = arith.constant 2 : i32
      %ge3A_254 = arith.cmpi sge, %add3A_241, %ge3A_253 : i32
      %convert_element_type3A_255 = arith.extui %ge3A_254 : i1 to i32
      %cond3A_256 = arith.constant 0 : i32
      %cond3A_257 = arith.cmpi ne, %convert_element_type3A_255, %cond3A_256 : i32
      scf.if %cond3A_257 {
        %dma_wait3A_354 = arith.constant 0 : i32
        %dma_wait3A_355 = arith.constant 0 : i32
        %dma_wait3A_356 = tpu.memref_slice %arg15[%dma_wait3A_354, %dma_wait3A_355] : memref<10240x16xf32, #tpu.memory_space<vmem_shared>> -> memref<10240x16xf32, #tpu.memory_space<vmem_shared>>
        tpu.wait_indirect_dma semaphore(%arg26 : memref<!tpu.dma_semaphore, #tpu.memory_space<semaphore_mem>>) src(%arg14 : memref<80x16xf32, #tpu.memory_space<vmem>>) dst(%dma_wait3A_356 : memref<10240x16xf32, #tpu.memory_space<vmem_shared>>)
      } else {
      }
      %add3A_258 = arith.constant 8 : i32
      %add3A_259 = arith.addi %add3A_241, %add3A_258 : i32
      %sub3A_260 = arith.constant 2 : i32
      %sub3A_261 = arith.subi %add3A_259, %sub3A_260 : i32
      %lt3A_262 = arith.constant 125 : i32
      %lt3A_263 = arith.cmpi slt, %sub3A_261, %lt3A_262 : i32
      %convert_element_type3A_264 = arith.extui %lt3A_263 : i1 to i32
      %cond3A_265 = arith.constant 0 : i32
      %cond3A_266 = arith.cmpi ne, %convert_element_type3A_264, %cond3A_265 : i32
      scf.if %cond3A_266 {
        %add3A_354 = arith.constant 8 : i32
        %add3A_355 = arith.addi %add3A_241, %add3A_354 : i32
        %sub3A_356 = arith.constant 2 : i32
        %sub3A_357 = arith.subi %add3A_355, %sub3A_356 : i32
        %mul3A_358 = arith.constant 80 : i32
        %mul3A_359 = arith.muli %sub3A_357, %mul3A_358 : i32
        %add3A_360 = arith.addi %mul3A_2, %mul3A_359 : i32
        %dma_start3A_361 = arith.constant 1 : i32
        %dma_start3A_362 = tpu.memref_slice %arg2[%dma_start3A_361, %add3A_360] : memref<2x320000xi32, #tpu.memory_space<hbm>> -> memref<1x80xi32, #tpu.memory_space<hbm>>
        %dma_start3A_363 = tpu.memref_squeeze %dma_start3A_362 : memref<1x80xi32, #tpu.memory_space<hbm>> -> memref<80xi32, #tpu.memory_space<hbm>>
        %dma_start3A_364 = tpu.memref_slice %arg2[%dma_start3A_361, %add3A_360] : memref<2x320000xi32, #tpu.memory_space<hbm>> -> memref<1x80xi32, #tpu.memory_space<hbm>>
        %dma_start3A_365 = tpu.memref_squeeze %dma_start3A_364 : memref<1x80xi32, #tpu.memory_space<hbm>> -> memref<80xi32, #tpu.memory_space<hbm>>
        tpu.enqueue_dma source(%dma_start3A_365 : memref<80xi32, #tpu.memory_space<hbm>>) target(%arg8 : memref<80xi32, #tpu.memory_space<vmem>>) target_semaphore(%arg18 : memref<!tpu.dma_semaphore, #tpu.memory_space<semaphore_mem>>)
      } else {
      }
      %mul3A_267 = arith.constant 8 : i32
      %mul3A_268 = arith.muli %scan3A_126, %mul3A_267 : i32
      %add3A_269 = arith.constant 5 : i32
      %add3A_270 = arith.addi %mul3A_268, %add3A_269 : i32
      %mul3A_271 = arith.constant 80 : i32
      %mul3A_272 = arith.muli %add3A_270, %mul3A_271 : i32
      %add3A_273 = arith.addi %mul3A_2, %mul3A_272 : i32
      %dma_wait3A_274 = arith.constant 1 : i32
      %dma_wait3A_275 = tpu.memref_slice %arg2[%dma_wait3A_274, %add3A_273] : memref<2x320000xi32, #tpu.memory_space<hbm>> -> memref<1x80xi32, #tpu.memory_space<hbm>>
      %dma_wait3A_276 = tpu.memref_squeeze %dma_wait3A_275 : memref<1x80xi32, #tpu.memory_space<hbm>> -> memref<80xi32, #tpu.memory_space<hbm>>
      %dma_wait3A_277 = tpu.memref_slice %arg2[%dma_wait3A_274, %add3A_273] : memref<2x320000xi32, #tpu.memory_space<hbm>> -> memref<1x80xi32, #tpu.memory_space<hbm>>
      %dma_wait3A_278 = tpu.memref_squeeze %dma_wait3A_277 : memref<1x80xi32, #tpu.memory_space<hbm>> -> memref<80xi32, #tpu.memory_space<hbm>>
      tpu.wait_dma2 semaphore(%arg21 : memref<!tpu.dma_semaphore, #tpu.memory_space<semaphore_mem>>) src(%dma_wait3A_278 : memref<80xi32, #tpu.memory_space<hbm>>) dst(%arg11 : memref<80xi32, #tpu.memory_space<vmem>>)
      %dma_start3A_279 = arith.constant 0 : i32
      %dma_start3A_280 = arith.constant 0 : i32
      %dma_start3A_281 = tpu.memref_slice %arg15[%dma_start3A_279, %dma_start3A_280] : memref<10240x16xf32, #tpu.memory_space<vmem_shared>> -> memref<10240x16xf32, #tpu.memory_space<vmem_shared>>
      tpu.enqueue_indirect_dma source(%arg14 : memref<80x16xf32, #tpu.memory_space<vmem>>) target(%dma_start3A_281 : memref<10240x16xf32, #tpu.memory_space<vmem_shared>>) offsets(%arg11 : memref<80xi32, #tpu.memory_space<vmem>>) semaphore(%arg25 : memref<!tpu.dma_semaphore, #tpu.memory_space<semaphore_mem>>) {add = true}
      %ge3A_282 = arith.constant 2 : i32
      %ge3A_283 = arith.cmpi sge, %add3A_270, %ge3A_282 : i32
      %convert_element_type3A_284 = arith.extui %ge3A_283 : i1 to i32
      %cond3A_285 = arith.constant 0 : i32
      %cond3A_286 = arith.cmpi ne, %convert_element_type3A_284, %cond3A_285 : i32
      scf.if %cond3A_286 {
        %dma_wait3A_354 = arith.constant 0 : i32
        %dma_wait3A_355 = arith.constant 0 : i32
        %dma_wait3A_356 = tpu.memref_slice %arg15[%dma_wait3A_354, %dma_wait3A_355] : memref<10240x16xf32, #tpu.memory_space<vmem_shared>> -> memref<10240x16xf32, #tpu.memory_space<vmem_shared>>
        tpu.wait_indirect_dma semaphore(%arg27 : memref<!tpu.dma_semaphore, #tpu.memory_space<semaphore_mem>>) src(%arg14 : memref<80x16xf32, #tpu.memory_space<vmem>>) dst(%dma_wait3A_356 : memref<10240x16xf32, #tpu.memory_space<vmem_shared>>)
      } else {
      }
      %add3A_287 = arith.constant 8 : i32
      %add3A_288 = arith.addi %add3A_270, %add3A_287 : i32
      %sub3A_289 = arith.constant 2 : i32
      %sub3A_290 = arith.subi %add3A_288, %sub3A_289 : i32
      %lt3A_291 = arith.constant 125 : i32
      %lt3A_292 = arith.cmpi slt, %sub3A_290, %lt3A_291 : i32
      %convert_element_type3A_293 = arith.extui %lt3A_292 : i1 to i32
      %cond3A_294 = arith.constant 0 : i32
      %cond3A_295 = arith.cmpi ne, %convert_element_type3A_293, %cond3A_294 : i32
      scf.if %cond3A_295 {
        %add3A_354 = arith.constant 8 : i32
        %add3A_355 = arith.addi %add3A_270, %add3A_354 : i32
        %sub3A_356 = arith.constant 2 : i32
        %sub3A_357 = arith.subi %add3A_355, %sub3A_356 : i32
        %mul3A_358 = arith.constant 80 : i32
        %mul3A_359 = arith.muli %sub3A_357, %mul3A_358 : i32
        %add3A_360 = arith.addi %mul3A_2, %mul3A_359 : i32
        %dma_start3A_361 = arith.constant 1 : i32
        %dma_start3A_362 = tpu.memref_slice %arg2[%dma_start3A_361, %add3A_360] : memref<2x320000xi32, #tpu.memory_space<hbm>> -> memref<1x80xi32, #tpu.memory_space<hbm>>
        %dma_start3A_363 = tpu.memref_squeeze %dma_start3A_362 : memref<1x80xi32, #tpu.memory_space<hbm>> -> memref<80xi32, #tpu.memory_space<hbm>>
        %dma_start3A_364 = tpu.memref_slice %arg2[%dma_start3A_361, %add3A_360] : memref<2x320000xi32, #tpu.memory_space<hbm>> -> memref<1x80xi32, #tpu.memory_space<hbm>>
        %dma_start3A_365 = tpu.memref_squeeze %dma_start3A_364 : memref<1x80xi32, #tpu.memory_space<hbm>> -> memref<80xi32, #tpu.memory_space<hbm>>
        tpu.enqueue_dma source(%dma_start3A_365 : memref<80xi32, #tpu.memory_space<hbm>>) target(%arg9 : memref<80xi32, #tpu.memory_space<vmem>>) target_semaphore(%arg19 : memref<!tpu.dma_semaphore, #tpu.memory_space<semaphore_mem>>)
      } else {
      }
      %mul3A_296 = arith.constant 8 : i32
      %mul3A_297 = arith.muli %scan3A_126, %mul3A_296 : i32
      %add3A_298 = arith.constant 6 : i32
      %add3A_299 = arith.addi %mul3A_297, %add3A_298 : i32
      %mul3A_300 = arith.constant 80 : i32
      %mul3A_301 = arith.muli %add3A_299, %mul3A_300 : i32
      %add3A_302 = arith.addi %mul3A_2, %mul3A_301 : i32
      %dma_wait3A_303 = arith.constant 1 : i32
      %dma_wait3A_304 = tpu.memref_slice %arg2[%dma_wait3A_303, %add3A_302] : memref<2x320000xi32, #tpu.memory_space<hbm>> -> memref<1x80xi32, #tpu.memory_space<hbm>>
      %dma_wait3A_305 = tpu.memref_squeeze %dma_wait3A_304 : memref<1x80xi32, #tpu.memory_space<hbm>> -> memref<80xi32, #tpu.memory_space<hbm>>
      %dma_wait3A_306 = tpu.memref_slice %arg2[%dma_wait3A_303, %add3A_302] : memref<2x320000xi32, #tpu.memory_space<hbm>> -> memref<1x80xi32, #tpu.memory_space<hbm>>
      %dma_wait3A_307 = tpu.memref_squeeze %dma_wait3A_306 : memref<1x80xi32, #tpu.memory_space<hbm>> -> memref<80xi32, #tpu.memory_space<hbm>>
      tpu.wait_dma2 semaphore(%arg22 : memref<!tpu.dma_semaphore, #tpu.memory_space<semaphore_mem>>) src(%dma_wait3A_307 : memref<80xi32, #tpu.memory_space<hbm>>) dst(%arg12 : memref<80xi32, #tpu.memory_space<vmem>>)
      %dma_start3A_308 = arith.constant 0 : i32
      %dma_start3A_309 = arith.constant 0 : i32
      %dma_start3A_310 = tpu.memref_slice %arg15[%dma_start3A_308, %dma_start3A_309] : memref<10240x16xf32, #tpu.memory_space<vmem_shared>> -> memref<10240x16xf32, #tpu.memory_space<vmem_shared>>
      tpu.enqueue_indirect_dma source(%arg14 : memref<80x16xf32, #tpu.memory_space<vmem>>) target(%dma_start3A_310 : memref<10240x16xf32, #tpu.memory_space<vmem_shared>>) offsets(%arg12 : memref<80xi32, #tpu.memory_space<vmem>>) semaphore(%arg26 : memref<!tpu.dma_semaphore, #tpu.memory_space<semaphore_mem>>) {add = true}
      %ge3A_311 = arith.constant 2 : i32
      %ge3A_312 = arith.cmpi sge, %add3A_299, %ge3A_311 : i32
      %convert_element_type3A_313 = arith.extui %ge3A_312 : i1 to i32
      %cond3A_314 = arith.constant 0 : i32
      %cond3A_315 = arith.cmpi ne, %convert_element_type3A_313, %cond3A_314 : i32
      scf.if %cond3A_315 {
        %dma_wait3A_354 = arith.constant 0 : i32
        %dma_wait3A_355 = arith.constant 0 : i32
        %dma_wait3A_356 = tpu.memref_slice %arg15[%dma_wait3A_354, %dma_wait3A_355] : memref<10240x16xf32, #tpu.memory_space<vmem_shared>> -> memref<10240x16xf32, #tpu.memory_space<vmem_shared>>
        tpu.wait_indirect_dma semaphore(%arg24 : memref<!tpu.dma_semaphore, #tpu.memory_space<semaphore_mem>>) src(%arg14 : memref<80x16xf32, #tpu.memory_space<vmem>>) dst(%dma_wait3A_356 : memref<10240x16xf32, #tpu.memory_space<vmem_shared>>)
      } else {
      }
      %add3A_316 = arith.constant 8 : i32
      %add3A_317 = arith.addi %add3A_299, %add3A_316 : i32
      %sub3A_318 = arith.constant 2 : i32
      %sub3A_319 = arith.subi %add3A_317, %sub3A_318 : i32
      %lt3A_320 = arith.constant 125 : i32
      %lt3A_321 = arith.cmpi slt, %sub3A_319, %lt3A_320 : i32
      %convert_element_type3A_322 = arith.extui %lt3A_321 : i1 to i32
      %cond3A_323 = arith.constant 0 : i32
      %cond3A_324 = arith.cmpi ne, %convert_element_type3A_322, %cond3A_323 : i32
      scf.if %cond3A_324 {
        %add3A_354 = arith.constant 8 : i32
        %add3A_355 = arith.addi %add3A_299, %add3A_354 : i32
        %sub3A_356 = arith.constant 2 : i32
        %sub3A_357 = arith.subi %add3A_355, %sub3A_356 : i32
        %mul3A_358 = arith.constant 80 : i32
        %mul3A_359 = arith.muli %sub3A_357, %mul3A_358 : i32
        %add3A_360 = arith.addi %mul3A_2, %mul3A_359 : i32
        %dma_start3A_361 = arith.constant 1 : i32
        %dma_start3A_362 = tpu.memref_slice %arg2[%dma_start3A_361, %add3A_360] : memref<2x320000xi32, #tpu.memory_space<hbm>> -> memref<1x80xi32, #tpu.memory_space<hbm>>
        %dma_start3A_363 = tpu.memref_squeeze %dma_start3A_362 : memref<1x80xi32, #tpu.memory_space<hbm>> -> memref<80xi32, #tpu.memory_space<hbm>>
        %dma_start3A_364 = tpu.memref_slice %arg2[%dma_start3A_361, %add3A_360] : memref<2x320000xi32, #tpu.memory_space<hbm>> -> memref<1x80xi32, #tpu.memory_space<hbm>>
        %dma_start3A_365 = tpu.memref_squeeze %dma_start3A_364 : memref<1x80xi32, #tpu.memory_space<hbm>> -> memref<80xi32, #tpu.memory_space<hbm>>
        tpu.enqueue_dma source(%dma_start3A_365 : memref<80xi32, #tpu.memory_space<hbm>>) target(%arg10 : memref<80xi32, #tpu.memory_space<vmem>>) target_semaphore(%arg20 : memref<!tpu.dma_semaphore, #tpu.memory_space<semaphore_mem>>)
      } else {
      }
      %mul3A_325 = arith.constant 8 : i32
      %mul3A_326 = arith.muli %scan3A_126, %mul3A_325 : i32
      %add3A_327 = arith.constant 7 : i32
      %add3A_328 = arith.addi %mul3A_326, %add3A_327 : i32
      %mul3A_329 = arith.constant 80 : i32
      %mul3A_330 = arith.muli %add3A_328, %mul3A_329 : i32
      %add3A_331 = arith.addi %mul3A_2, %mul3A_330 : i32
      %dma_wait3A_332 = arith.constant 1 : i32
      %dma_wait3A_333 = tpu.memref_slice %arg2[%dma_wait3A_332, %add3A_331] : memref<2x320000xi32, #tpu.memory_space<hbm>> -> memref<1x80xi32, #tpu.memory_space<hbm>>
      %dma_wait3A_334 = tpu.memref_squeeze %dma_wait3A_333 : memref<1x80xi32, #tpu.memory_space<hbm>> -> memref<80xi32, #tpu.memory_space<hbm>>
      %dma_wait3A_335 = tpu.memref_slice %arg2[%dma_wait3A_332, %add3A_331] : memref<2x320000xi32, #tpu.memory_space<hbm>> -> memref<1x80xi32, #tpu.memory_space<hbm>>
      %dma_wait3A_336 = tpu.memref_squeeze %dma_wait3A_335 : memref<1x80xi32, #tpu.memory_space<hbm>> -> memref<80xi32, #tpu.memory_space<hbm>>
      tpu.wait_dma2 semaphore(%arg23 : memref<!tpu.dma_semaphore, #tpu.memory_space<semaphore_mem>>) src(%dma_wait3A_336 : memref<80xi32, #tpu.memory_space<hbm>>) dst(%arg13 : memref<80xi32, #tpu.memory_space<vmem>>)
      %dma_start3A_337 = arith.constant 0 : i32
      %dma_start3A_338 = arith.constant 0 : i32
      %dma_start3A_339 = tpu.memref_slice %arg15[%dma_start3A_337, %dma_start3A_338] : memref<10240x16xf32, #tpu.memory_space<vmem_shared>> -> memref<10240x16xf32, #tpu.memory_space<vmem_shared>>
      tpu.enqueue_indirect_dma source(%arg14 : memref<80x16xf32, #tpu.memory_space<vmem>>) target(%dma_start3A_339 : memref<10240x16xf32, #tpu.memory_space<vmem_shared>>) offsets(%arg13 : memref<80xi32, #tpu.memory_space<vmem>>) semaphore(%arg27 : memref<!tpu.dma_semaphore, #tpu.memory_space<semaphore_mem>>) {add = true}
      %ge3A_340 = arith.constant 2 : i32
      %ge3A_341 = arith.cmpi sge, %add3A_328, %ge3A_340 : i32
      %convert_element_type3A_342 = arith.extui %ge3A_341 : i1 to i32
      %cond3A_343 = arith.constant 0 : i32
      %cond3A_344 = arith.cmpi ne, %convert_element_type3A_342, %cond3A_343 : i32
      scf.if %cond3A_344 {
        %dma_wait3A_354 = arith.constant 0 : i32
        %dma_wait3A_355 = arith.constant 0 : i32
        %dma_wait3A_356 = tpu.memref_slice %arg15[%dma_wait3A_354, %dma_wait3A_355] : memref<10240x16xf32, #tpu.memory_space<vmem_shared>> -> memref<10240x16xf32, #tpu.memory_space<vmem_shared>>
        tpu.wait_indirect_dma semaphore(%arg25 : memref<!tpu.dma_semaphore, #tpu.memory_space<semaphore_mem>>) src(%arg14 : memref<80x16xf32, #tpu.memory_space<vmem>>) dst(%dma_wait3A_356 : memref<10240x16xf32, #tpu.memory_space<vmem_shared>>)
      } else {
      }
      %add3A_345 = arith.constant 8 : i32
      %add3A_346 = arith.addi %add3A_328, %add3A_345 : i32
      %sub3A_347 = arith.constant 2 : i32
      %sub3A_348 = arith.subi %add3A_346, %sub3A_347 : i32
      %lt3A_349 = arith.constant 125 : i32
      %lt3A_350 = arith.cmpi slt, %sub3A_348, %lt3A_349 : i32
      %convert_element_type3A_351 = arith.extui %lt3A_350 : i1 to i32
      %cond3A_352 = arith.constant 0 : i32
      %cond3A_353 = arith.cmpi ne, %convert_element_type3A_351, %cond3A_352 : i32
      scf.if %cond3A_353 {
        %add3A_354 = arith.constant 8 : i32
        %add3A_355 = arith.addi %add3A_328, %add3A_354 : i32
        %sub3A_356 = arith.constant 2 : i32
        %sub3A_357 = arith.subi %add3A_355, %sub3A_356 : i32
        %mul3A_358 = arith.constant 80 : i32
        %mul3A_359 = arith.muli %sub3A_357, %mul3A_358 : i32
        %add3A_360 = arith.addi %mul3A_2, %mul3A_359 : i32
        %dma_start3A_361 = arith.constant 1 : i32
        %dma_start3A_362 = tpu.memref_slice %arg2[%dma_start3A_361, %add3A_360] : memref<2x320000xi32, #tpu.memory_space<hbm>> -> memref<1x80xi32, #tpu.memory_space<hbm>>
        %dma_start3A_363 = tpu.memref_squeeze %dma_start3A_362 : memref<1x80xi32, #tpu.memory_space<hbm>> -> memref<80xi32, #tpu.memory_space<hbm>>
        %dma_start3A_364 = tpu.memref_slice %arg2[%dma_start3A_361, %add3A_360] : memref<2x320000xi32, #tpu.memory_space<hbm>> -> memref<1x80xi32, #tpu.memory_space<hbm>>
        %dma_start3A_365 = tpu.memref_squeeze %dma_start3A_364 : memref<1x80xi32, #tpu.memory_space<hbm>> -> memref<80xi32, #tpu.memory_space<hbm>>
        tpu.enqueue_dma source(%dma_start3A_365 : memref<80xi32, #tpu.memory_space<hbm>>) target(%arg11 : memref<80xi32, #tpu.memory_space<vmem>>) target_semaphore(%arg21 : memref<!tpu.dma_semaphore, #tpu.memory_space<semaphore_mem>>)
      } else {
      }
    }
    %scan3A_50 = arith.constant 15 : i32
    %add3A_51 = arith.constant 9600 : i32
    %add3A_52 = arith.addi %mul3A_2, %add3A_51 : i32
    %dma_wait3A = arith.constant 1 : i32
    %dma_wait3A_53 = tpu.memref_slice %arg2[%dma_wait3A, %add3A_52] : memref<2x320000xi32, #tpu.memory_space<hbm>> -> memref<1x80xi32, #tpu.memory_space<hbm>>
    %dma_wait3A_54 = tpu.memref_squeeze %dma_wait3A_53 : memref<1x80xi32, #tpu.memory_space<hbm>> -> memref<80xi32, #tpu.memory_space<hbm>>
    %dma_wait3A_55 = tpu.memref_slice %arg2[%dma_wait3A, %add3A_52] : memref<2x320000xi32, #tpu.memory_space<hbm>> -> memref<1x80xi32, #tpu.memory_space<hbm>>
    %dma_wait3A_56 = tpu.memref_squeeze %dma_wait3A_55 : memref<1x80xi32, #tpu.memory_space<hbm>> -> memref<80xi32, #tpu.memory_space<hbm>>
    tpu.wait_dma2 semaphore(%arg16 : memref<!tpu.dma_semaphore, #tpu.memory_space<semaphore_mem>>) src(%dma_wait3A_56 : memref<80xi32, #tpu.memory_space<hbm>>) dst(%arg6 : memref<80xi32, #tpu.memory_space<vmem>>)
    %dma_start3A_57 = arith.constant 0 : i32
    %dma_start3A_58 = arith.constant 0 : i32
    %dma_start3A_59 = tpu.memref_slice %arg15[%dma_start3A_57, %dma_start3A_58] : memref<10240x16xf32, #tpu.memory_space<vmem_shared>> -> memref<10240x16xf32, #tpu.memory_space<vmem_shared>>
    tpu.enqueue_indirect_dma source(%arg14 : memref<80x16xf32, #tpu.memory_space<vmem>>) target(%dma_start3A_59 : memref<10240x16xf32, #tpu.memory_space<vmem_shared>>) offsets(%arg6 : memref<80xi32, #tpu.memory_space<vmem>>) semaphore(%arg24 : memref<!tpu.dma_semaphore, #tpu.memory_space<semaphore_mem>>) {add = true}
    %dma_wait3A_60 = arith.constant 0 : i32
    %dma_wait3A_61 = arith.constant 0 : i32
    %dma_wait3A_62 = tpu.memref_slice %arg15[%dma_wait3A_60, %dma_wait3A_61] : memref<10240x16xf32, #tpu.memory_space<vmem_shared>> -> memref<10240x16xf32, #tpu.memory_space<vmem_shared>>
    tpu.wait_indirect_dma semaphore(%arg26 : memref<!tpu.dma_semaphore, #tpu.memory_space<semaphore_mem>>) src(%arg14 : memref<80x16xf32, #tpu.memory_space<vmem>>) dst(%dma_wait3A_62 : memref<10240x16xf32, #tpu.memory_space<vmem_shared>>)
    %add3A_63 = arith.constant 9680 : i32
    %add3A_64 = arith.addi %mul3A_2, %add3A_63 : i32
    %dma_wait3A_65 = arith.constant 1 : i32
    %dma_wait3A_66 = tpu.memref_slice %arg2[%dma_wait3A_65, %add3A_64] : memref<2x320000xi32, #tpu.memory_space<hbm>> -> memref<1x80xi32, #tpu.memory_space<hbm>>
    %dma_wait3A_67 = tpu.memref_squeeze %dma_wait3A_66 : memref<1x80xi32, #tpu.memory_space<hbm>> -> memref<80xi32, #tpu.memory_space<hbm>>
    %dma_wait3A_68 = tpu.memref_slice %arg2[%dma_wait3A_65, %add3A_64] : memref<2x320000xi32, #tpu.memory_space<hbm>> -> memref<1x80xi32, #tpu.memory_space<hbm>>
    %dma_wait3A_69 = tpu.memref_squeeze %dma_wait3A_68 : memref<1x80xi32, #tpu.memory_space<hbm>> -> memref<80xi32, #tpu.memory_space<hbm>>
    tpu.wait_dma2 semaphore(%arg17 : memref<!tpu.dma_semaphore, #tpu.memory_space<semaphore_mem>>) src(%dma_wait3A_69 : memref<80xi32, #tpu.memory_space<hbm>>) dst(%arg7 : memref<80xi32, #tpu.memory_space<vmem>>)
    %dma_start3A_70 = arith.constant 0 : i32
    %dma_start3A_71 = arith.constant 0 : i32
    %dma_start3A_72 = tpu.memref_slice %arg15[%dma_start3A_70, %dma_start3A_71] : memref<10240x16xf32, #tpu.memory_space<vmem_shared>> -> memref<10240x16xf32, #tpu.memory_space<vmem_shared>>
    tpu.enqueue_indirect_dma source(%arg14 : memref<80x16xf32, #tpu.memory_space<vmem>>) target(%dma_start3A_72 : memref<10240x16xf32, #tpu.memory_space<vmem_shared>>) offsets(%arg7 : memref<80xi32, #tpu.memory_space<vmem>>) semaphore(%arg25 : memref<!tpu.dma_semaphore, #tpu.memory_space<semaphore_mem>>) {add = true}
    %dma_wait3A_73 = arith.constant 0 : i32
    %dma_wait3A_74 = arith.constant 0 : i32
    %dma_wait3A_75 = tpu.memref_slice %arg15[%dma_wait3A_73, %dma_wait3A_74] : memref<10240x16xf32, #tpu.memory_space<vmem_shared>> -> memref<10240x16xf32, #tpu.memory_space<vmem_shared>>
    tpu.wait_indirect_dma semaphore(%arg27 : memref<!tpu.dma_semaphore, #tpu.memory_space<semaphore_mem>>) src(%arg14 : memref<80x16xf32, #tpu.memory_space<vmem>>) dst(%dma_wait3A_75 : memref<10240x16xf32, #tpu.memory_space<vmem_shared>>)
    %add3A_76 = arith.constant 9760 : i32
    %add3A_77 = arith.addi %mul3A_2, %add3A_76 : i32
    %dma_wait3A_78 = arith.constant 1 : i32
    %dma_wait3A_79 = tpu.memref_slice %arg2[%dma_wait3A_78, %add3A_77] : memref<2x320000xi32, #tpu.memory_space<hbm>> -> memref<1x80xi32, #tpu.memory_space<hbm>>
    %dma_wait3A_80 = tpu.memref_squeeze %dma_wait3A_79 : memref<1x80xi32, #tpu.memory_space<hbm>> -> memref<80xi32, #tpu.memory_space<hbm>>
    %dma_wait3A_81 = tpu.memref_slice %arg2[%dma_wait3A_78, %add3A_77] : memref<2x320000xi32, #tpu.memory_space<hbm>> -> memref<1x80xi32, #tpu.memory_space<hbm>>
    %dma_wait3A_82 = tpu.memref_squeeze %dma_wait3A_81 : memref<1x80xi32, #tpu.memory_space<hbm>> -> memref<80xi32, #tpu.memory_space<hbm>>
    tpu.wait_dma2 semaphore(%arg18 : memref<!tpu.dma_semaphore, #tpu.memory_space<semaphore_mem>>) src(%dma_wait3A_82 : memref<80xi32, #tpu.memory_space<hbm>>) dst(%arg8 : memref<80xi32, #tpu.memory_space<vmem>>)
    %dma_start3A_83 = arith.constant 0 : i32
    %dma_start3A_84 = arith.constant 0 : i32
    %dma_start3A_85 = tpu.memref_slice %arg15[%dma_start3A_83, %dma_start3A_84] : memref<10240x16xf32, #tpu.memory_space<vmem_shared>> -> memref<10240x16xf32, #tpu.memory_space<vmem_shared>>
    tpu.enqueue_indirect_dma source(%arg14 : memref<80x16xf32, #tpu.memory_space<vmem>>) target(%dma_start3A_85 : memref<10240x16xf32, #tpu.memory_space<vmem_shared>>) offsets(%arg8 : memref<80xi32, #tpu.memory_space<vmem>>) semaphore(%arg26 : memref<!tpu.dma_semaphore, #tpu.memory_space<semaphore_mem>>) {add = true}
    %dma_wait3A_86 = arith.constant 0 : i32
    %dma_wait3A_87 = arith.constant 0 : i32
    %dma_wait3A_88 = tpu.memref_slice %arg15[%dma_wait3A_86, %dma_wait3A_87] : memref<10240x16xf32, #tpu.memory_space<vmem_shared>> -> memref<10240x16xf32, #tpu.memory_space<vmem_shared>>
    tpu.wait_indirect_dma semaphore(%arg24 : memref<!tpu.dma_semaphore, #tpu.memory_space<semaphore_mem>>) src(%arg14 : memref<80x16xf32, #tpu.memory_space<vmem>>) dst(%dma_wait3A_88 : memref<10240x16xf32, #tpu.memory_space<vmem_shared>>)
    %add3A_89 = arith.constant 9840 : i32
    %add3A_90 = arith.addi %mul3A_2, %add3A_89 : i32
    %dma_wait3A_91 = arith.constant 1 : i32
    %dma_wait3A_92 = tpu.memref_slice %arg2[%dma_wait3A_91, %add3A_90] : memref<2x320000xi32, #tpu.memory_space<hbm>> -> memref<1x80xi32, #tpu.memory_space<hbm>>
    %dma_wait3A_93 = tpu.memref_squeeze %dma_wait3A_92 : memref<1x80xi32, #tpu.memory_space<hbm>> -> memref<80xi32, #tpu.memory_space<hbm>>
    %dma_wait3A_94 = tpu.memref_slice %arg2[%dma_wait3A_91, %add3A_90] : memref<2x320000xi32, #tpu.memory_space<hbm>> -> memref<1x80xi32, #tpu.memory_space<hbm>>
    %dma_wait3A_95 = tpu.memref_squeeze %dma_wait3A_94 : memref<1x80xi32, #tpu.memory_space<hbm>> -> memref<80xi32, #tpu.memory_space<hbm>>
    tpu.wait_dma2 semaphore(%arg19 : memref<!tpu.dma_semaphore, #tpu.memory_space<semaphore_mem>>) src(%dma_wait3A_95 : memref<80xi32, #tpu.memory_space<hbm>>) dst(%arg9 : memref<80xi32, #tpu.memory_space<vmem>>)
    %dma_start3A_96 = arith.constant 0 : i32
    %dma_start3A_97 = arith.constant 0 : i32
    %dma_start3A_98 = tpu.memref_slice %arg15[%dma_start3A_96, %dma_start3A_97] : memref<10240x16xf32, #tpu.memory_space<vmem_shared>> -> memref<10240x16xf32, #tpu.memory_space<vmem_shared>>
    tpu.enqueue_indirect_dma source(%arg14 : memref<80x16xf32, #tpu.memory_space<vmem>>) target(%dma_start3A_98 : memref<10240x16xf32, #tpu.memory_space<vmem_shared>>) offsets(%arg9 : memref<80xi32, #tpu.memory_space<vmem>>) semaphore(%arg27 : memref<!tpu.dma_semaphore, #tpu.memory_space<semaphore_mem>>) {add = true}
    %dma_wait3A_99 = arith.constant 0 : i32
    %dma_wait3A_100 = arith.constant 0 : i32
    %dma_wait3A_101 = tpu.memref_slice %arg15[%dma_wait3A_99, %dma_wait3A_100] : memref<10240x16xf32, #tpu.memory_space<vmem_shared>> -> memref<10240x16xf32, #tpu.memory_space<vmem_shared>>
    tpu.wait_indirect_dma semaphore(%arg25 : memref<!tpu.dma_semaphore, #tpu.memory_space<semaphore_mem>>) src(%arg14 : memref<80x16xf32, #tpu.memory_space<vmem>>) dst(%dma_wait3A_101 : memref<10240x16xf32, #tpu.memory_space<vmem_shared>>)
    %add3A_102 = arith.constant 9920 : i32
    %add3A_103 = arith.addi %mul3A_2, %add3A_102 : i32
    %dma_wait3A_104 = arith.constant 1 : i32
    %dma_wait3A_105 = tpu.memref_slice %arg2[%dma_wait3A_104, %add3A_103] : memref<2x320000xi32, #tpu.memory_space<hbm>> -> memref<1x80xi32, #tpu.memory_space<hbm>>
    %dma_wait3A_106 = tpu.memref_squeeze %dma_wait3A_105 : memref<1x80xi32, #tpu.memory_space<hbm>> -> memref<80xi32, #tpu.memory_space<hbm>>
    %dma_wait3A_107 = tpu.memref_slice %arg2[%dma_wait3A_104, %add3A_103] : memref<2x320000xi32, #tpu.memory_space<hbm>> -> memref<1x80xi32, #tpu.memory_space<hbm>>
    %dma_wait3A_108 = tpu.memref_squeeze %dma_wait3A_107 : memref<1x80xi32, #tpu.memory_space<hbm>> -> memref<80xi32, #tpu.memory_space<hbm>>
    tpu.wait_dma2 semaphore(%arg20 : memref<!tpu.dma_semaphore, #tpu.memory_space<semaphore_mem>>) src(%dma_wait3A_108 : memref<80xi32, #tpu.memory_space<hbm>>) dst(%arg10 : memref<80xi32, #tpu.memory_space<vmem>>)
    %dma_start3A_109 = arith.constant 0 : i32
    %dma_start3A_110 = arith.constant 0 : i32
    %dma_start3A_111 = tpu.memref_slice %arg15[%dma_start3A_109, %dma_start3A_110] : memref<10240x16xf32, #tpu.memory_space<vmem_shared>> -> memref<10240x16xf32, #tpu.memory_space<vmem_shared>>
    tpu.enqueue_indirect_dma source(%arg14 : memref<80x16xf32, #tpu.memory_space<vmem>>) target(%dma_start3A_111 : memref<10240x16xf32, #tpu.memory_space<vmem_shared>>) offsets(%arg10 : memref<80xi32, #tpu.memory_space<vmem>>) semaphore(%arg24 : memref<!tpu.dma_semaphore, #tpu.memory_space<semaphore_mem>>) {add = true}
    %dma_wait3A_112 = arith.constant 0 : i32
    %dma_wait3A_113 = arith.constant 0 : i32
    %dma_wait3A_114 = tpu.memref_slice %arg15[%dma_wait3A_112, %dma_wait3A_113] : memref<10240x16xf32, #tpu.memory_space<vmem_shared>> -> memref<10240x16xf32, #tpu.memory_space<vmem_shared>>
    tpu.wait_indirect_dma semaphore(%arg26 : memref<!tpu.dma_semaphore, #tpu.memory_space<semaphore_mem>>) src(%arg14 : memref<80x16xf32, #tpu.memory_space<vmem>>) dst(%dma_wait3A_114 : memref<10240x16xf32, #tpu.memory_space<vmem_shared>>)
    %dma_wait3A_115 = arith.constant 0 : i32
    %dma_wait3A_116 = arith.constant 0 : i32
    %dma_wait3A_117 = tpu.memref_slice %arg15[%dma_wait3A_115, %dma_wait3A_116] : memref<10240x16xf32, #tpu.memory_space<vmem_shared>> -> memref<10240x16xf32, #tpu.memory_space<vmem_shared>>
    tpu.wait_indirect_dma semaphore(%arg27 : memref<!tpu.dma_semaphore, #tpu.memory_space<semaphore_mem>>) src(%arg14 : memref<80x16xf32, #tpu.memory_space<vmem>>) dst(%dma_wait3A_117 : memref<10240x16xf32, #tpu.memory_space<vmem_shared>>)
    %dma_wait3A_118 = arith.constant 0 : i32
    %dma_wait3A_119 = arith.constant 0 : i32
    %dma_wait3A_120 = tpu.memref_slice %arg15[%dma_wait3A_118, %dma_wait3A_119] : memref<10240x16xf32, #tpu.memory_space<vmem_shared>> -> memref<10240x16xf32, #tpu.memory_space<vmem_shared>>
    tpu.wait_indirect_dma semaphore(%arg24 : memref<!tpu.dma_semaphore, #tpu.memory_space<semaphore_mem>>) src(%arg14 : memref<80x16xf32, #tpu.memory_space<vmem>>) dst(%dma_wait3A_120 : memref<10240x16xf32, #tpu.memory_space<vmem_shared>>)
    %barrier3A_121 = arith.constant 0 : index
    tpu.barrier barrier_id(%barrier3A_121)
    %mul3A_122 = arith.constant 640 : i32
    %mul3A_123 = arith.muli %arg1, %mul3A_122 : i32
    %mul3A_124 = arith.constant 640 : i32
    %mul3A_125 = arith.muli %arg1, %mul3A_124 : i32
    "tpu.region"() ({
      %run_scoped3A = tpu.sem_alloc : memref<!tpu.dma_semaphore, #tpu.memory_space<semaphore_mem>>
      %dma_start3A_126 = arith.constant 0 : i32
      %dma_start3A_127 = tpu.memref_slice %arg5[%arg0, %mul3A_125, %dma_start3A_126] : memref<2x10240x16xf32, #tpu.memory_space<hbm>> -> memref<1x640x16xf32, #tpu.memory_space<hbm>>
      %dma_start3A_128 = tpu.memref_squeeze %dma_start3A_127 : memref<1x640x16xf32, #tpu.memory_space<hbm>> -> memref<640x16xf32, #tpu.memory_space<hbm>>
      %dma_start3A_129 = arith.constant 0 : i32
      %dma_start3A_130 = tpu.memref_slice %arg15[%mul3A_123, %dma_start3A_129] : memref<10240x16xf32, #tpu.memory_space<vmem_shared>> -> memref<640x16xf32, #tpu.memory_space<vmem_shared>>
      tpu.enqueue_dma source(%dma_start3A_130 : memref<640x16xf32, #tpu.memory_space<vmem_shared>>) target(%dma_start3A_128 : memref<640x16xf32, #tpu.memory_space<hbm>>) target_semaphore(%run_scoped3A : memref<!tpu.dma_semaphore, #tpu.memory_space<semaphore_mem>>)
      %dma_wait3A_131 = arith.constant 0 : i32
      %dma_wait3A_132 = tpu.memref_slice %arg5[%arg0, %mul3A_125, %dma_wait3A_131] : memref<2x10240x16xf32, #tpu.memory_space<hbm>> -> memref<1x640x16xf32, #tpu.memory_space<hbm>>
      %dma_wait3A_133 = tpu.memref_squeeze %dma_wait3A_132 : memref<1x640x16xf32, #tpu.memory_space<hbm>> -> memref<640x16xf32, #tpu.memory_space<hbm>>
      %dma_wait3A_134 = arith.constant 0 : i32
      %dma_wait3A_135 = tpu.memref_slice %arg15[%mul3A_123, %dma_wait3A_134] : memref<10240x16xf32, #tpu.memory_space<vmem_shared>> -> memref<640x16xf32, #tpu.memory_space<vmem_shared>>
      tpu.wait_dma2 semaphore(%run_scoped3A : memref<!tpu.dma_semaphore, #tpu.memory_space<semaphore_mem>>) src(%dma_wait3A_135 : memref<640x16xf32, #tpu.memory_space<vmem_shared>>) dst(%dma_wait3A_133 : memref<640x16xf32, #tpu.memory_space<hbm>>)
      tpu.yield
    }) : () -> ()
    return
  }
}

#map = affine_map<(d0, d1) -> (0, 0)>
#map1 = affine_map<(d0, d1) -> (0, 0, 0)>
module attributes {stable_mosaic.version = 14 : i64} {
  func.func @edge_kernel(%arg0: i32, %arg1: i32, %arg2: memref<10000x64xf32, #tpu.memory_space<hbm>>, %arg3: memref<2x320000xi32, #tpu.memory_space<hbm>>, %arg4: memref<640x64xf32, #tpu.memory_space<hbm>>, %arg5: memref<2x10240x64xf32, #tpu.memory_space<hbm>>, %arg6: memref<2x80xi32, #tpu.memory_space<vmem>>, %arg7: memref<2x80xi32, #tpu.memory_space<vmem>>, %arg8: memref<2x80xi32, #tpu.memory_space<vmem>>, %arg9: memref<2x80xi32, #tpu.memory_space<vmem>>, %arg10: memref<2x80xi32, #tpu.memory_space<vmem>>, %arg11: memref<2x80xi32, #tpu.memory_space<vmem>>, %arg12: memref<2x80xi32, #tpu.memory_space<vmem>>, %arg13: memref<2x80xi32, #tpu.memory_space<vmem>>, %arg14: memref<80x64xf32, #tpu.memory_space<vmem>>, %arg15: memref<80x64xf32, #tpu.memory_space<vmem>>, %arg16: memref<80x64xf32, #tpu.memory_space<vmem>>, %arg17: memref<80x64xf32, #tpu.memory_space<vmem>>, %arg18: memref<10240x64xf32, #tpu.memory_space<vmem_shared>>, %arg19: memref<!tpu.dma_semaphore, #tpu.memory_space<semaphore_mem>>, %arg20: memref<!tpu.dma_semaphore, #tpu.memory_space<semaphore_mem>>, %arg21: memref<!tpu.dma_semaphore, #tpu.memory_space<semaphore_mem>>, %arg22: memref<!tpu.dma_semaphore, #tpu.memory_space<semaphore_mem>>, %arg23: memref<!tpu.dma_semaphore, #tpu.memory_space<semaphore_mem>>, %arg24: memref<!tpu.dma_semaphore, #tpu.memory_space<semaphore_mem>>, %arg25: memref<!tpu.dma_semaphore, #tpu.memory_space<semaphore_mem>>, %arg26: memref<!tpu.dma_semaphore, #tpu.memory_space<semaphore_mem>>, %arg27: memref<!tpu.dma_semaphore, #tpu.memory_space<semaphore_mem>>, %arg28: memref<!tpu.dma_semaphore, #tpu.memory_space<semaphore_mem>>, %arg29: memref<!tpu.dma_semaphore, #tpu.memory_space<semaphore_mem>>, %arg30: memref<!tpu.dma_semaphore, #tpu.memory_space<semaphore_mem>>, %arg31: memref<!tpu.dma_semaphore, #tpu.memory_space<semaphore_mem>>, %arg32: memref<!tpu.dma_semaphore, #tpu.memory_space<semaphore_mem>>, %arg33: memref<!tpu.dma_semaphore, #tpu.memory_space<semaphore_mem>>, %arg34: memref<!tpu.dma_semaphore, #tpu.memory_space<semaphore_mem>>) attributes {dimension_semantics = [#tpu.dimension_semantics<core_parallel>, #tpu.dimension_semantics<subcore_parallel>], iteration_bounds = array<i64: 2, 16>, scalar_prefetch = 0 : i64, scratch_operands = 29 : i64, tpu.core_type = #tpu.core_type<sc_vector_subcore>, window_params = [{transform_indices = #map}, {transform_indices = #map}, {transform_indices = #map}, {transform_indices = #map1}]} {
    %mul3A = arith.constant 16 : i32
    %mul3A_0 = arith.muli %arg0, %mul3A : i32
    %add3A = arith.addi %mul3A_0, %arg1 : i32
    %mul3A_1 = arith.constant 10000 : i32
    %mul3A_2 = arith.muli %add3A, %mul3A_1 : i32
    %mul3A_3 = arith.constant 640 : i32
    %mul3A_4 = arith.muli %arg1, %mul3A_3 : i32
    "tpu.region"() ({
      %run_scoped3A = tpu.sem_alloc : memref<!tpu.dma_semaphore, #tpu.memory_space<semaphore_mem>>
      %dma_start3A_220 = arith.constant 0 : i32
      %dma_start3A_221 = tpu.memref_slice %arg18[%mul3A_4, %dma_start3A_220] : memref<10240x64xf32, #tpu.memory_space<vmem_shared>> -> memref<640x64xf32, #tpu.memory_space<vmem_shared>>
      tpu.enqueue_dma source(%arg4 : memref<640x64xf32, #tpu.memory_space<hbm>>) target(%dma_start3A_221 : memref<640x64xf32, #tpu.memory_space<vmem_shared>>) target_semaphore(%run_scoped3A : memref<!tpu.dma_semaphore, #tpu.memory_space<semaphore_mem>>)
      %dma_wait3A_222 = arith.constant 0 : i32
      %dma_wait3A_223 = tpu.memref_slice %arg18[%mul3A_4, %dma_wait3A_222] : memref<10240x64xf32, #tpu.memory_space<vmem_shared>> -> memref<640x64xf32, #tpu.memory_space<vmem_shared>>
      tpu.wait_dma2 semaphore(%run_scoped3A : memref<!tpu.dma_semaphore, #tpu.memory_space<semaphore_mem>>) src(%arg4 : memref<640x64xf32, #tpu.memory_space<hbm>>) dst(%dma_wait3A_223 : memref<640x64xf32, #tpu.memory_space<vmem_shared>>)
      tpu.yield
    }) : () -> ()
    %barrier3A = arith.constant 0 : index
    tpu.barrier barrier_id(%barrier3A)
    %add3A_5 = arith.constant 0 : i32
    %add3A_6 = arith.addi %mul3A_2, %add3A_5 : i32
    %dma_start3A = arith.constant 0 : i32
    %dma_start3A_7 = tpu.memref_slice %arg3[%dma_start3A, %add3A_6] : memref<2x320000xi32, #tpu.memory_space<hbm>> -> memref<2x80xi32, #tpu.memory_space<hbm>>
    %dma_start3A_8 = arith.constant 0 : i32
    %dma_start3A_9 = tpu.memref_slice %arg3[%dma_start3A_8, %add3A_6] : memref<2x320000xi32, #tpu.memory_space<hbm>> -> memref<2x80xi32, #tpu.memory_space<hbm>>
    tpu.enqueue_dma source(%dma_start3A_9 : memref<2x80xi32, #tpu.memory_space<hbm>>) target(%arg6 : memref<2x80xi32, #tpu.memory_space<vmem>>) target_semaphore(%arg19 : memref<!tpu.dma_semaphore, #tpu.memory_space<semaphore_mem>>)
    %add3A_10 = arith.constant 80 : i32
    %add3A_11 = arith.addi %mul3A_2, %add3A_10 : i32
    %dma_start3A_12 = arith.constant 0 : i32
    %dma_start3A_13 = tpu.memref_slice %arg3[%dma_start3A_12, %add3A_11] : memref<2x320000xi32, #tpu.memory_space<hbm>> -> memref<2x80xi32, #tpu.memory_space<hbm>>
    %dma_start3A_14 = arith.constant 0 : i32
    %dma_start3A_15 = tpu.memref_slice %arg3[%dma_start3A_14, %add3A_11] : memref<2x320000xi32, #tpu.memory_space<hbm>> -> memref<2x80xi32, #tpu.memory_space<hbm>>
    tpu.enqueue_dma source(%dma_start3A_15 : memref<2x80xi32, #tpu.memory_space<hbm>>) target(%arg7 : memref<2x80xi32, #tpu.memory_space<vmem>>) target_semaphore(%arg20 : memref<!tpu.dma_semaphore, #tpu.memory_space<semaphore_mem>>)
    %add3A_16 = arith.constant 160 : i32
    %add3A_17 = arith.addi %mul3A_2, %add3A_16 : i32
    %dma_start3A_18 = arith.constant 0 : i32
    %dma_start3A_19 = tpu.memref_slice %arg3[%dma_start3A_18, %add3A_17] : memref<2x320000xi32, #tpu.memory_space<hbm>> -> memref<2x80xi32, #tpu.memory_space<hbm>>
    %dma_start3A_20 = arith.constant 0 : i32
    %dma_start3A_21 = tpu.memref_slice %arg3[%dma_start3A_20, %add3A_17] : memref<2x320000xi32, #tpu.memory_space<hbm>> -> memref<2x80xi32, #tpu.memory_space<hbm>>
    tpu.enqueue_dma source(%dma_start3A_21 : memref<2x80xi32, #tpu.memory_space<hbm>>) target(%arg8 : memref<2x80xi32, #tpu.memory_space<vmem>>) target_semaphore(%arg21 : memref<!tpu.dma_semaphore, #tpu.memory_space<semaphore_mem>>)
    %add3A_22 = arith.constant 240 : i32
    %add3A_23 = arith.addi %mul3A_2, %add3A_22 : i32
    %dma_start3A_24 = arith.constant 0 : i32
    %dma_start3A_25 = tpu.memref_slice %arg3[%dma_start3A_24, %add3A_23] : memref<2x320000xi32, #tpu.memory_space<hbm>> -> memref<2x80xi32, #tpu.memory_space<hbm>>
    %dma_start3A_26 = arith.constant 0 : i32
    %dma_start3A_27 = tpu.memref_slice %arg3[%dma_start3A_26, %add3A_23] : memref<2x320000xi32, #tpu.memory_space<hbm>> -> memref<2x80xi32, #tpu.memory_space<hbm>>
    tpu.enqueue_dma source(%dma_start3A_27 : memref<2x80xi32, #tpu.memory_space<hbm>>) target(%arg9 : memref<2x80xi32, #tpu.memory_space<vmem>>) target_semaphore(%arg22 : memref<!tpu.dma_semaphore, #tpu.memory_space<semaphore_mem>>)
    %add3A_28 = arith.constant 320 : i32
    %add3A_29 = arith.addi %mul3A_2, %add3A_28 : i32
    %dma_start3A_30 = arith.constant 0 : i32
    %dma_start3A_31 = tpu.memref_slice %arg3[%dma_start3A_30, %add3A_29] : memref<2x320000xi32, #tpu.memory_space<hbm>> -> memref<2x80xi32, #tpu.memory_space<hbm>>
    %dma_start3A_32 = arith.constant 0 : i32
    %dma_start3A_33 = tpu.memref_slice %arg3[%dma_start3A_32, %add3A_29] : memref<2x320000xi32, #tpu.memory_space<hbm>> -> memref<2x80xi32, #tpu.memory_space<hbm>>
    tpu.enqueue_dma source(%dma_start3A_33 : memref<2x80xi32, #tpu.memory_space<hbm>>) target(%arg10 : memref<2x80xi32, #tpu.memory_space<vmem>>) target_semaphore(%arg23 : memref<!tpu.dma_semaphore, #tpu.memory_space<semaphore_mem>>)
    %add3A_34 = arith.constant 0 : i32
    %add3A_35 = arith.addi %mul3A_2, %add3A_34 : i32
    %dma_wait3A = arith.constant 0 : i32
    %dma_wait3A_36 = tpu.memref_slice %arg3[%dma_wait3A, %add3A_35] : memref<2x320000xi32, #tpu.memory_space<hbm>> -> memref<2x80xi32, #tpu.memory_space<hbm>>
    %dma_wait3A_37 = arith.constant 0 : i32
    %dma_wait3A_38 = tpu.memref_slice %arg3[%dma_wait3A_37, %add3A_35] : memref<2x320000xi32, #tpu.memory_space<hbm>> -> memref<2x80xi32, #tpu.memory_space<hbm>>
    tpu.wait_dma2 semaphore(%arg19 : memref<!tpu.dma_semaphore, #tpu.memory_space<semaphore_mem>>) src(%dma_wait3A_38 : memref<2x80xi32, #tpu.memory_space<hbm>>) dst(%arg6 : memref<2x80xi32, #tpu.memory_space<vmem>>)
    %dma_start3A_39 = arith.constant 0 : i32
    %dma_start3A_40 = arith.constant 0 : i32
    %dma_start3A_41 = tpu.memref_slice %arg6[%dma_start3A_39, %dma_start3A_40] : memref<2x80xi32, #tpu.memory_space<vmem>> -> memref<1x80xi32, #tpu.memory_space<vmem>>
    %dma_start3A_42 = tpu.memref_squeeze %dma_start3A_41 : memref<1x80xi32, #tpu.memory_space<vmem>> -> memref<80xi32, #tpu.memory_space<vmem>>
    %dma_start3A_43 = arith.constant 0 : i32
    %dma_start3A_44 = arith.constant 0 : i32
    %dma_start3A_45 = tpu.memref_slice %arg2[%dma_start3A_43, %dma_start3A_44] : memref<10000x64xf32, #tpu.memory_space<hbm>> -> memref<10000x64xf32, #tpu.memory_space<hbm>>
    tpu.enqueue_indirect_dma source(%dma_start3A_45 : memref<10000x64xf32, #tpu.memory_space<hbm>>) target(%arg14 : memref<80x64xf32, #tpu.memory_space<vmem>>) offsets(%dma_start3A_42 : memref<80xi32, #tpu.memory_space<vmem>>) semaphore(%arg27 : memref<!tpu.dma_semaphore, #tpu.memory_space<semaphore_mem>>)
    %add3A_46 = arith.constant 80 : i32
    %add3A_47 = arith.addi %mul3A_2, %add3A_46 : i32
    %dma_wait3A_48 = arith.constant 0 : i32
    %dma_wait3A_49 = tpu.memref_slice %arg3[%dma_wait3A_48, %add3A_47] : memref<2x320000xi32, #tpu.memory_space<hbm>> -> memref<2x80xi32, #tpu.memory_space<hbm>>
    %dma_wait3A_50 = arith.constant 0 : i32
    %dma_wait3A_51 = tpu.memref_slice %arg3[%dma_wait3A_50, %add3A_47] : memref<2x320000xi32, #tpu.memory_space<hbm>> -> memref<2x80xi32, #tpu.memory_space<hbm>>
    tpu.wait_dma2 semaphore(%arg20 : memref<!tpu.dma_semaphore, #tpu.memory_space<semaphore_mem>>) src(%dma_wait3A_51 : memref<2x80xi32, #tpu.memory_space<hbm>>) dst(%arg7 : memref<2x80xi32, #tpu.memory_space<vmem>>)
    %dma_start3A_52 = arith.constant 0 : i32
    %dma_start3A_53 = arith.constant 0 : i32
    %dma_start3A_54 = tpu.memref_slice %arg7[%dma_start3A_52, %dma_start3A_53] : memref<2x80xi32, #tpu.memory_space<vmem>> -> memref<1x80xi32, #tpu.memory_space<vmem>>
    %dma_start3A_55 = tpu.memref_squeeze %dma_start3A_54 : memref<1x80xi32, #tpu.memory_space<vmem>> -> memref<80xi32, #tpu.memory_space<vmem>>
    %dma_start3A_56 = arith.constant 0 : i32
    %dma_start3A_57 = arith.constant 0 : i32
    %dma_start3A_58 = tpu.memref_slice %arg2[%dma_start3A_56, %dma_start3A_57] : memref<10000x64xf32, #tpu.memory_space<hbm>> -> memref<10000x64xf32, #tpu.memory_space<hbm>>
    tpu.enqueue_indirect_dma source(%dma_start3A_58 : memref<10000x64xf32, #tpu.memory_space<hbm>>) target(%arg15 : memref<80x64xf32, #tpu.memory_space<vmem>>) offsets(%dma_start3A_55 : memref<80xi32, #tpu.memory_space<vmem>>) semaphore(%arg28 : memref<!tpu.dma_semaphore, #tpu.memory_space<semaphore_mem>>)
    %add3A_59 = arith.constant 160 : i32
    %add3A_60 = arith.addi %mul3A_2, %add3A_59 : i32
    %dma_wait3A_61 = arith.constant 0 : i32
    %dma_wait3A_62 = tpu.memref_slice %arg3[%dma_wait3A_61, %add3A_60] : memref<2x320000xi32, #tpu.memory_space<hbm>> -> memref<2x80xi32, #tpu.memory_space<hbm>>
    %dma_wait3A_63 = arith.constant 0 : i32
    %dma_wait3A_64 = tpu.memref_slice %arg3[%dma_wait3A_63, %add3A_60] : memref<2x320000xi32, #tpu.memory_space<hbm>> -> memref<2x80xi32, #tpu.memory_space<hbm>>
    tpu.wait_dma2 semaphore(%arg21 : memref<!tpu.dma_semaphore, #tpu.memory_space<semaphore_mem>>) src(%dma_wait3A_64 : memref<2x80xi32, #tpu.memory_space<hbm>>) dst(%arg8 : memref<2x80xi32, #tpu.memory_space<vmem>>)
    %dma_start3A_65 = arith.constant 0 : i32
    %dma_start3A_66 = arith.constant 0 : i32
    %dma_start3A_67 = tpu.memref_slice %arg8[%dma_start3A_65, %dma_start3A_66] : memref<2x80xi32, #tpu.memory_space<vmem>> -> memref<1x80xi32, #tpu.memory_space<vmem>>
    %dma_start3A_68 = tpu.memref_squeeze %dma_start3A_67 : memref<1x80xi32, #tpu.memory_space<vmem>> -> memref<80xi32, #tpu.memory_space<vmem>>
    %dma_start3A_69 = arith.constant 0 : i32
    %dma_start3A_70 = arith.constant 0 : i32
    %dma_start3A_71 = tpu.memref_slice %arg2[%dma_start3A_69, %dma_start3A_70] : memref<10000x64xf32, #tpu.memory_space<hbm>> -> memref<10000x64xf32, #tpu.memory_space<hbm>>
    tpu.enqueue_indirect_dma source(%dma_start3A_71 : memref<10000x64xf32, #tpu.memory_space<hbm>>) target(%arg16 : memref<80x64xf32, #tpu.memory_space<vmem>>) offsets(%dma_start3A_68 : memref<80xi32, #tpu.memory_space<vmem>>) semaphore(%arg29 : memref<!tpu.dma_semaphore, #tpu.memory_space<semaphore_mem>>)
    %scan3A = arith.constant 0 : i32
    %scan3A_72 = arith.constant 0 : i32
    %scan3A_73 = arith.constant 15 : i32
    %scan3A_74 = arith.addi %scan3A_72, %scan3A_73 : i32
    %scan3A_75 = arith.constant 1 : i32
    scf.for %scan3A_220 = %scan3A_72 to %scan3A_74 step %scan3A_75  : i32 {
      %mul3A_221 = arith.constant 8 : i32
      %mul3A_222 = arith.muli %scan3A_220, %mul3A_221 : i32
      %add3A_223 = arith.constant 0 : i32
      %add3A_224 = arith.addi %mul3A_222, %add3A_223 : i32
      %dma_wait3A_225 = arith.constant 0 : i32
      %dma_wait3A_226 = arith.constant 0 : i32
      %dma_wait3A_227 = tpu.memref_slice %arg6[%dma_wait3A_225, %dma_wait3A_226] : memref<2x80xi32, #tpu.memory_space<vmem>> -> memref<1x80xi32, #tpu.memory_space<vmem>>
      %dma_wait3A_228 = tpu.memref_squeeze %dma_wait3A_227 : memref<1x80xi32, #tpu.memory_space<vmem>> -> memref<80xi32, #tpu.memory_space<vmem>>
      %dma_wait3A_229 = arith.constant 0 : i32
      %dma_wait3A_230 = arith.constant 0 : i32
      %dma_wait3A_231 = tpu.memref_slice %arg2[%dma_wait3A_229, %dma_wait3A_230] : memref<10000x64xf32, #tpu.memory_space<hbm>> -> memref<10000x64xf32, #tpu.memory_space<hbm>>
      tpu.wait_indirect_dma semaphore(%arg27 : memref<!tpu.dma_semaphore, #tpu.memory_space<semaphore_mem>>) src(%dma_wait3A_231 : memref<10000x64xf32, #tpu.memory_space<hbm>>) dst(%arg14 : memref<80x64xf32, #tpu.memory_space<vmem>>)
      %dma_start3A_232 = arith.constant 1 : i32
      %dma_start3A_233 = arith.constant 0 : i32
      %dma_start3A_234 = tpu.memref_slice %arg6[%dma_start3A_232, %dma_start3A_233] : memref<2x80xi32, #tpu.memory_space<vmem>> -> memref<1x80xi32, #tpu.memory_space<vmem>>
      %dma_start3A_235 = tpu.memref_squeeze %dma_start3A_234 : memref<1x80xi32, #tpu.memory_space<vmem>> -> memref<80xi32, #tpu.memory_space<vmem>>
      %dma_start3A_236 = arith.constant 0 : i32
      %dma_start3A_237 = arith.constant 0 : i32
      %dma_start3A_238 = tpu.memref_slice %arg18[%dma_start3A_236, %dma_start3A_237] : memref<10240x64xf32, #tpu.memory_space<vmem_shared>> -> memref<10240x64xf32, #tpu.memory_space<vmem_shared>>
      tpu.enqueue_indirect_dma source(%arg14 : memref<80x64xf32, #tpu.memory_space<vmem>>) target(%dma_start3A_238 : memref<10240x64xf32, #tpu.memory_space<vmem_shared>>) offsets(%dma_start3A_235 : memref<80xi32, #tpu.memory_space<vmem>>) semaphore(%arg31 : memref<!tpu.dma_semaphore, #tpu.memory_space<semaphore_mem>>) {add = true}
      %ge3A = arith.constant 1 : i32
      %ge3A_239 = arith.cmpi sge, %add3A_224, %ge3A : i32
      %convert_element_type3A = arith.extui %ge3A_239 : i1 to i32
      %cond3A = arith.constant 0 : i32
      %cond3A_240 = arith.cmpi ne, %convert_element_type3A, %cond3A : i32
      scf.if %cond3A_240 {
        %dma_wait3A_528 = arith.constant 1 : i32
        %dma_wait3A_529 = arith.constant 0 : i32
        %dma_wait3A_530 = tpu.memref_slice %arg13[%dma_wait3A_528, %dma_wait3A_529] : memref<2x80xi32, #tpu.memory_space<vmem>> -> memref<1x80xi32, #tpu.memory_space<vmem>>
        %dma_wait3A_531 = tpu.memref_squeeze %dma_wait3A_530 : memref<1x80xi32, #tpu.memory_space<vmem>> -> memref<80xi32, #tpu.memory_space<vmem>>
        %dma_wait3A_532 = arith.constant 0 : i32
        %dma_wait3A_533 = arith.constant 0 : i32
        %dma_wait3A_534 = tpu.memref_slice %arg18[%dma_wait3A_532, %dma_wait3A_533] : memref<10240x64xf32, #tpu.memory_space<vmem_shared>> -> memref<10240x64xf32, #tpu.memory_space<vmem_shared>>
        tpu.wait_indirect_dma semaphore(%arg34 : memref<!tpu.dma_semaphore, #tpu.memory_space<semaphore_mem>>) src(%arg17 : memref<80x64xf32, #tpu.memory_space<vmem>>) dst(%dma_wait3A_534 : memref<10240x64xf32, #tpu.memory_space<vmem_shared>>)
      } else {
      }
      %add3A_241 = arith.constant 8 : i32
      %add3A_242 = arith.addi %add3A_224, %add3A_241 : i32
      %sub3A = arith.constant 3 : i32
      %sub3A_243 = arith.subi %add3A_242, %sub3A : i32
      %lt3A = arith.constant 125 : i32
      %lt3A_244 = arith.cmpi slt, %sub3A_243, %lt3A : i32
      %convert_element_type3A_245 = arith.extui %lt3A_244 : i1 to i32
      %cond3A_246 = arith.constant 0 : i32
      %cond3A_247 = arith.cmpi ne, %convert_element_type3A_245, %cond3A_246 : i32
      scf.if %cond3A_247 {
        %add3A_528 = arith.constant 8 : i32
        %add3A_529 = arith.addi %add3A_224, %add3A_528 : i32
        %sub3A_530 = arith.constant 3 : i32
        %sub3A_531 = arith.subi %add3A_529, %sub3A_530 : i32
        %mul3A_532 = arith.constant 80 : i32
        %mul3A_533 = arith.muli %sub3A_531, %mul3A_532 : i32
        %add3A_534 = arith.addi %mul3A_2, %mul3A_533 : i32
        %dma_start3A_535 = arith.constant 0 : i32
        %dma_start3A_536 = tpu.memref_slice %arg3[%dma_start3A_535, %add3A_534] : memref<2x320000xi32, #tpu.memory_space<hbm>> -> memref<2x80xi32, #tpu.memory_space<hbm>>
        %dma_start3A_537 = arith.constant 0 : i32
        %dma_start3A_538 = tpu.memref_slice %arg3[%dma_start3A_537, %add3A_534] : memref<2x320000xi32, #tpu.memory_space<hbm>> -> memref<2x80xi32, #tpu.memory_space<hbm>>
        tpu.enqueue_dma source(%dma_start3A_538 : memref<2x80xi32, #tpu.memory_space<hbm>>) target(%arg11 : memref<2x80xi32, #tpu.memory_space<vmem>>) target_semaphore(%arg24 : memref<!tpu.dma_semaphore, #tpu.memory_space<semaphore_mem>>)
      } else {
      }
      %add3A_248 = arith.constant 3 : i32
      %add3A_249 = arith.addi %add3A_224, %add3A_248 : i32
      %lt3A_250 = arith.constant 125 : i32
      %lt3A_251 = arith.cmpi slt, %add3A_249, %lt3A_250 : i32
      %convert_element_type3A_252 = arith.extui %lt3A_251 : i1 to i32
      %cond3A_253 = arith.constant 0 : i32
      %cond3A_254 = arith.cmpi ne, %convert_element_type3A_252, %cond3A_253 : i32
      scf.if %cond3A_254 {
        %add3A_528 = arith.constant 3 : i32
        %add3A_529 = arith.addi %add3A_224, %add3A_528 : i32
        %mul3A_530 = arith.constant 80 : i32
        %mul3A_531 = arith.muli %add3A_529, %mul3A_530 : i32
        %add3A_532 = arith.addi %mul3A_2, %mul3A_531 : i32
        %dma_wait3A_533 = arith.constant 0 : i32
        %dma_wait3A_534 = tpu.memref_slice %arg3[%dma_wait3A_533, %add3A_532] : memref<2x320000xi32, #tpu.memory_space<hbm>> -> memref<2x80xi32, #tpu.memory_space<hbm>>
        %dma_wait3A_535 = arith.constant 0 : i32
        %dma_wait3A_536 = tpu.memref_slice %arg3[%dma_wait3A_535, %add3A_532] : memref<2x320000xi32, #tpu.memory_space<hbm>> -> memref<2x80xi32, #tpu.memory_space<hbm>>
        tpu.wait_dma2 semaphore(%arg22 : memref<!tpu.dma_semaphore, #tpu.memory_space<semaphore_mem>>) src(%dma_wait3A_536 : memref<2x80xi32, #tpu.memory_space<hbm>>) dst(%arg9 : memref<2x80xi32, #tpu.memory_space<vmem>>)
        %dma_start3A_537 = arith.constant 0 : i32
        %dma_start3A_538 = arith.constant 0 : i32
        %dma_start3A_539 = tpu.memref_slice %arg9[%dma_start3A_537, %dma_start3A_538] : memref<2x80xi32, #tpu.memory_space<vmem>> -> memref<1x80xi32, #tpu.memory_space<vmem>>
        %dma_start3A_540 = tpu.memref_squeeze %dma_start3A_539 : memref<1x80xi32, #tpu.memory_space<vmem>> -> memref<80xi32, #tpu.memory_space<vmem>>
        %dma_start3A_541 = arith.constant 0 : i32
        %dma_start3A_542 = arith.constant 0 : i32
        %dma_start3A_543 = tpu.memref_slice %arg2[%dma_start3A_541, %dma_start3A_542] : memref<10000x64xf32, #tpu.memory_space<hbm>> -> memref<10000x64xf32, #tpu.memory_space<hbm>>
        tpu.enqueue_indirect_dma source(%dma_start3A_543 : memref<10000x64xf32, #tpu.memory_space<hbm>>) target(%arg17 : memref<80x64xf32, #tpu.memory_space<vmem>>) offsets(%dma_start3A_540 : memref<80xi32, #tpu.memory_space<vmem>>) semaphore(%arg30 : memref<!tpu.dma_semaphore, #tpu.memory_space<semaphore_mem>>)
      } else {
      }
      %mul3A_255 = arith.constant 8 : i32
      %mul3A_256 = arith.muli %scan3A_220, %mul3A_255 : i32
      %add3A_257 = arith.constant 1 : i32
      %add3A_258 = arith.addi %mul3A_256, %add3A_257 : i32
      %dma_wait3A_259 = arith.constant 0 : i32
      %dma_wait3A_260 = arith.constant 0 : i32
      %dma_wait3A_261 = tpu.memref_slice %arg7[%dma_wait3A_259, %dma_wait3A_260] : memref<2x80xi32, #tpu.memory_space<vmem>> -> memref<1x80xi32, #tpu.memory_space<vmem>>
      %dma_wait3A_262 = tpu.memref_squeeze %dma_wait3A_261 : memref<1x80xi32, #tpu.memory_space<vmem>> -> memref<80xi32, #tpu.memory_space<vmem>>
      %dma_wait3A_263 = arith.constant 0 : i32
      %dma_wait3A_264 = arith.constant 0 : i32
      %dma_wait3A_265 = tpu.memref_slice %arg2[%dma_wait3A_263, %dma_wait3A_264] : memref<10000x64xf32, #tpu.memory_space<hbm>> -> memref<10000x64xf32, #tpu.memory_space<hbm>>
      tpu.wait_indirect_dma semaphore(%arg28 : memref<!tpu.dma_semaphore, #tpu.memory_space<semaphore_mem>>) src(%dma_wait3A_265 : memref<10000x64xf32, #tpu.memory_space<hbm>>) dst(%arg15 : memref<80x64xf32, #tpu.memory_space<vmem>>)
      %dma_start3A_266 = arith.constant 1 : i32
      %dma_start3A_267 = arith.constant 0 : i32
      %dma_start3A_268 = tpu.memref_slice %arg7[%dma_start3A_266, %dma_start3A_267] : memref<2x80xi32, #tpu.memory_space<vmem>> -> memref<1x80xi32, #tpu.memory_space<vmem>>
      %dma_start3A_269 = tpu.memref_squeeze %dma_start3A_268 : memref<1x80xi32, #tpu.memory_space<vmem>> -> memref<80xi32, #tpu.memory_space<vmem>>
      %dma_start3A_270 = arith.constant 0 : i32
      %dma_start3A_271 = arith.constant 0 : i32
      %dma_start3A_272 = tpu.memref_slice %arg18[%dma_start3A_270, %dma_start3A_271] : memref<10240x64xf32, #tpu.memory_space<vmem_shared>> -> memref<10240x64xf32, #tpu.memory_space<vmem_shared>>
      tpu.enqueue_indirect_dma source(%arg15 : memref<80x64xf32, #tpu.memory_space<vmem>>) target(%dma_start3A_272 : memref<10240x64xf32, #tpu.memory_space<vmem_shared>>) offsets(%dma_start3A_269 : memref<80xi32, #tpu.memory_space<vmem>>) semaphore(%arg32 : memref<!tpu.dma_semaphore, #tpu.memory_space<semaphore_mem>>) {add = true}
      %ge3A_273 = arith.constant 1 : i32
      %ge3A_274 = arith.cmpi sge, %add3A_258, %ge3A_273 : i32
      %convert_element_type3A_275 = arith.extui %ge3A_274 : i1 to i32
      %cond3A_276 = arith.constant 0 : i32
      %cond3A_277 = arith.cmpi ne, %convert_element_type3A_275, %cond3A_276 : i32
      scf.if %cond3A_277 {
        %dma_wait3A_528 = arith.constant 1 : i32
        %dma_wait3A_529 = arith.constant 0 : i32
        %dma_wait3A_530 = tpu.memref_slice %arg6[%dma_wait3A_528, %dma_wait3A_529] : memref<2x80xi32, #tpu.memory_space<vmem>> -> memref<1x80xi32, #tpu.memory_space<vmem>>
        %dma_wait3A_531 = tpu.memref_squeeze %dma_wait3A_530 : memref<1x80xi32, #tpu.memory_space<vmem>> -> memref<80xi32, #tpu.memory_space<vmem>>
        %dma_wait3A_532 = arith.constant 0 : i32
        %dma_wait3A_533 = arith.constant 0 : i32
        %dma_wait3A_534 = tpu.memref_slice %arg18[%dma_wait3A_532, %dma_wait3A_533] : memref<10240x64xf32, #tpu.memory_space<vmem_shared>> -> memref<10240x64xf32, #tpu.memory_space<vmem_shared>>
        tpu.wait_indirect_dma semaphore(%arg31 : memref<!tpu.dma_semaphore, #tpu.memory_space<semaphore_mem>>) src(%arg14 : memref<80x64xf32, #tpu.memory_space<vmem>>) dst(%dma_wait3A_534 : memref<10240x64xf32, #tpu.memory_space<vmem_shared>>)
      } else {
      }
      %add3A_278 = arith.constant 8 : i32
      %add3A_279 = arith.addi %add3A_258, %add3A_278 : i32
      %sub3A_280 = arith.constant 3 : i32
      %sub3A_281 = arith.subi %add3A_279, %sub3A_280 : i32
      %lt3A_282 = arith.constant 125 : i32
      %lt3A_283 = arith.cmpi slt, %sub3A_281, %lt3A_282 : i32
      %convert_element_type3A_284 = arith.extui %lt3A_283 : i1 to i32
      %cond3A_285 = arith.constant 0 : i32
      %cond3A_286 = arith.cmpi ne, %convert_element_type3A_284, %cond3A_285 : i32
      scf.if %cond3A_286 {
        %add3A_528 = arith.constant 8 : i32
        %add3A_529 = arith.addi %add3A_258, %add3A_528 : i32
        %sub3A_530 = arith.constant 3 : i32
        %sub3A_531 = arith.subi %add3A_529, %sub3A_530 : i32
        %mul3A_532 = arith.constant 80 : i32
        %mul3A_533 = arith.muli %sub3A_531, %mul3A_532 : i32
        %add3A_534 = arith.addi %mul3A_2, %mul3A_533 : i32
        %dma_start3A_535 = arith.constant 0 : i32
        %dma_start3A_536 = tpu.memref_slice %arg3[%dma_start3A_535, %add3A_534] : memref<2x320000xi32, #tpu.memory_space<hbm>> -> memref<2x80xi32, #tpu.memory_space<hbm>>
        %dma_start3A_537 = arith.constant 0 : i32
        %dma_start3A_538 = tpu.memref_slice %arg3[%dma_start3A_537, %add3A_534] : memref<2x320000xi32, #tpu.memory_space<hbm>> -> memref<2x80xi32, #tpu.memory_space<hbm>>
        tpu.enqueue_dma source(%dma_start3A_538 : memref<2x80xi32, #tpu.memory_space<hbm>>) target(%arg12 : memref<2x80xi32, #tpu.memory_space<vmem>>) target_semaphore(%arg25 : memref<!tpu.dma_semaphore, #tpu.memory_space<semaphore_mem>>)
      } else {
      }
      %add3A_287 = arith.constant 3 : i32
      %add3A_288 = arith.addi %add3A_258, %add3A_287 : i32
      %lt3A_289 = arith.constant 125 : i32
      %lt3A_290 = arith.cmpi slt, %add3A_288, %lt3A_289 : i32
      %convert_element_type3A_291 = arith.extui %lt3A_290 : i1 to i32
      %cond3A_292 = arith.constant 0 : i32
      %cond3A_293 = arith.cmpi ne, %convert_element_type3A_291, %cond3A_292 : i32
      scf.if %cond3A_293 {
        %add3A_528 = arith.constant 3 : i32
        %add3A_529 = arith.addi %add3A_258, %add3A_528 : i32
        %mul3A_530 = arith.constant 80 : i32
        %mul3A_531 = arith.muli %add3A_529, %mul3A_530 : i32
        %add3A_532 = arith.addi %mul3A_2, %mul3A_531 : i32
        %dma_wait3A_533 = arith.constant 0 : i32
        %dma_wait3A_534 = tpu.memref_slice %arg3[%dma_wait3A_533, %add3A_532] : memref<2x320000xi32, #tpu.memory_space<hbm>> -> memref<2x80xi32, #tpu.memory_space<hbm>>
        %dma_wait3A_535 = arith.constant 0 : i32
        %dma_wait3A_536 = tpu.memref_slice %arg3[%dma_wait3A_535, %add3A_532] : memref<2x320000xi32, #tpu.memory_space<hbm>> -> memref<2x80xi32, #tpu.memory_space<hbm>>
        tpu.wait_dma2 semaphore(%arg23 : memref<!tpu.dma_semaphore, #tpu.memory_space<semaphore_mem>>) src(%dma_wait3A_536 : memref<2x80xi32, #tpu.memory_space<hbm>>) dst(%arg10 : memref<2x80xi32, #tpu.memory_space<vmem>>)
        %dma_start3A_537 = arith.constant 0 : i32
        %dma_start3A_538 = arith.constant 0 : i32
        %dma_start3A_539 = tpu.memref_slice %arg10[%dma_start3A_537, %dma_start3A_538] : memref<2x80xi32, #tpu.memory_space<vmem>> -> memref<1x80xi32, #tpu.memory_space<vmem>>
        %dma_start3A_540 = tpu.memref_squeeze %dma_start3A_539 : memref<1x80xi32, #tpu.memory_space<vmem>> -> memref<80xi32, #tpu.memory_space<vmem>>
        %dma_start3A_541 = arith.constant 0 : i32
        %dma_start3A_542 = arith.constant 0 : i32
        %dma_start3A_543 = tpu.memref_slice %arg2[%dma_start3A_541, %dma_start3A_542] : memref<10000x64xf32, #tpu.memory_space<hbm>> -> memref<10000x64xf32, #tpu.memory_space<hbm>>
        tpu.enqueue_indirect_dma source(%dma_start3A_543 : memref<10000x64xf32, #tpu.memory_space<hbm>>) target(%arg14 : memref<80x64xf32, #tpu.memory_space<vmem>>) offsets(%dma_start3A_540 : memref<80xi32, #tpu.memory_space<vmem>>) semaphore(%arg27 : memref<!tpu.dma_semaphore, #tpu.memory_space<semaphore_mem>>)
      } else {
      }
      %mul3A_294 = arith.constant 8 : i32
      %mul3A_295 = arith.muli %scan3A_220, %mul3A_294 : i32
      %add3A_296 = arith.constant 2 : i32
      %add3A_297 = arith.addi %mul3A_295, %add3A_296 : i32
      %dma_wait3A_298 = arith.constant 0 : i32
      %dma_wait3A_299 = arith.constant 0 : i32
      %dma_wait3A_300 = tpu.memref_slice %arg8[%dma_wait3A_298, %dma_wait3A_299] : memref<2x80xi32, #tpu.memory_space<vmem>> -> memref<1x80xi32, #tpu.memory_space<vmem>>
      %dma_wait3A_301 = tpu.memref_squeeze %dma_wait3A_300 : memref<1x80xi32, #tpu.memory_space<vmem>> -> memref<80xi32, #tpu.memory_space<vmem>>
      %dma_wait3A_302 = arith.constant 0 : i32
      %dma_wait3A_303 = arith.constant 0 : i32
      %dma_wait3A_304 = tpu.memref_slice %arg2[%dma_wait3A_302, %dma_wait3A_303] : memref<10000x64xf32, #tpu.memory_space<hbm>> -> memref<10000x64xf32, #tpu.memory_space<hbm>>
      tpu.wait_indirect_dma semaphore(%arg29 : memref<!tpu.dma_semaphore, #tpu.memory_space<semaphore_mem>>) src(%dma_wait3A_304 : memref<10000x64xf32, #tpu.memory_space<hbm>>) dst(%arg16 : memref<80x64xf32, #tpu.memory_space<vmem>>)
      %dma_start3A_305 = arith.constant 1 : i32
      %dma_start3A_306 = arith.constant 0 : i32
      %dma_start3A_307 = tpu.memref_slice %arg8[%dma_start3A_305, %dma_start3A_306] : memref<2x80xi32, #tpu.memory_space<vmem>> -> memref<1x80xi32, #tpu.memory_space<vmem>>
      %dma_start3A_308 = tpu.memref_squeeze %dma_start3A_307 : memref<1x80xi32, #tpu.memory_space<vmem>> -> memref<80xi32, #tpu.memory_space<vmem>>
      %dma_start3A_309 = arith.constant 0 : i32
      %dma_start3A_310 = arith.constant 0 : i32
      %dma_start3A_311 = tpu.memref_slice %arg18[%dma_start3A_309, %dma_start3A_310] : memref<10240x64xf32, #tpu.memory_space<vmem_shared>> -> memref<10240x64xf32, #tpu.memory_space<vmem_shared>>
      tpu.enqueue_indirect_dma source(%arg16 : memref<80x64xf32, #tpu.memory_space<vmem>>) target(%dma_start3A_311 : memref<10240x64xf32, #tpu.memory_space<vmem_shared>>) offsets(%dma_start3A_308 : memref<80xi32, #tpu.memory_space<vmem>>) semaphore(%arg33 : memref<!tpu.dma_semaphore, #tpu.memory_space<semaphore_mem>>) {add = true}
      %ge3A_312 = arith.constant 1 : i32
      %ge3A_313 = arith.cmpi sge, %add3A_297, %ge3A_312 : i32
      %convert_element_type3A_314 = arith.extui %ge3A_313 : i1 to i32
      %cond3A_315 = arith.constant 0 : i32
      %cond3A_316 = arith.cmpi ne, %convert_element_type3A_314, %cond3A_315 : i32
      scf.if %cond3A_316 {
        %dma_wait3A_528 = arith.constant 1 : i32
        %dma_wait3A_529 = arith.constant 0 : i32
        %dma_wait3A_530 = tpu.memref_slice %arg7[%dma_wait3A_528, %dma_wait3A_529] : memref<2x80xi32, #tpu.memory_space<vmem>> -> memref<1x80xi32, #tpu.memory_space<vmem>>
        %dma_wait3A_531 = tpu.memref_squeeze %dma_wait3A_530 : memref<1x80xi32, #tpu.memory_space<vmem>> -> memref<80xi32, #tpu.memory_space<vmem>>
        %dma_wait3A_532 = arith.constant 0 : i32
        %dma_wait3A_533 = arith.constant 0 : i32
        %dma_wait3A_534 = tpu.memref_slice %arg18[%dma_wait3A_532, %dma_wait3A_533] : memref<10240x64xf32, #tpu.memory_space<vmem_shared>> -> memref<10240x64xf32, #tpu.memory_space<vmem_shared>>
        tpu.wait_indirect_dma semaphore(%arg32 : memref<!tpu.dma_semaphore, #tpu.memory_space<semaphore_mem>>) src(%arg15 : memref<80x64xf32, #tpu.memory_space<vmem>>) dst(%dma_wait3A_534 : memref<10240x64xf32, #tpu.memory_space<vmem_shared>>)
      } else {
      }
      %add3A_317 = arith.constant 8 : i32
      %add3A_318 = arith.addi %add3A_297, %add3A_317 : i32
      %sub3A_319 = arith.constant 3 : i32
      %sub3A_320 = arith.subi %add3A_318, %sub3A_319 : i32
      %lt3A_321 = arith.constant 125 : i32
      %lt3A_322 = arith.cmpi slt, %sub3A_320, %lt3A_321 : i32
      %convert_element_type3A_323 = arith.extui %lt3A_322 : i1 to i32
      %cond3A_324 = arith.constant 0 : i32
      %cond3A_325 = arith.cmpi ne, %convert_element_type3A_323, %cond3A_324 : i32
      scf.if %cond3A_325 {
        %add3A_528 = arith.constant 8 : i32
        %add3A_529 = arith.addi %add3A_297, %add3A_528 : i32
        %sub3A_530 = arith.constant 3 : i32
        %sub3A_531 = arith.subi %add3A_529, %sub3A_530 : i32
        %mul3A_532 = arith.constant 80 : i32
        %mul3A_533 = arith.muli %sub3A_531, %mul3A_532 : i32
        %add3A_534 = arith.addi %mul3A_2, %mul3A_533 : i32
        %dma_start3A_535 = arith.constant 0 : i32
        %dma_start3A_536 = tpu.memref_slice %arg3[%dma_start3A_535, %add3A_534] : memref<2x320000xi32, #tpu.memory_space<hbm>> -> memref<2x80xi32, #tpu.memory_space<hbm>>
        %dma_start3A_537 = arith.constant 0 : i32
        %dma_start3A_538 = tpu.memref_slice %arg3[%dma_start3A_537, %add3A_534] : memref<2x320000xi32, #tpu.memory_space<hbm>> -> memref<2x80xi32, #tpu.memory_space<hbm>>
        tpu.enqueue_dma source(%dma_start3A_538 : memref<2x80xi32, #tpu.memory_space<hbm>>) target(%arg13 : memref<2x80xi32, #tpu.memory_space<vmem>>) target_semaphore(%arg26 : memref<!tpu.dma_semaphore, #tpu.memory_space<semaphore_mem>>)
      } else {
      }
      %add3A_326 = arith.constant 3 : i32
      %add3A_327 = arith.addi %add3A_297, %add3A_326 : i32
      %lt3A_328 = arith.constant 125 : i32
      %lt3A_329 = arith.cmpi slt, %add3A_327, %lt3A_328 : i32
      %convert_element_type3A_330 = arith.extui %lt3A_329 : i1 to i32
      %cond3A_331 = arith.constant 0 : i32
      %cond3A_332 = arith.cmpi ne, %convert_element_type3A_330, %cond3A_331 : i32
      scf.if %cond3A_332 {
        %add3A_528 = arith.constant 3 : i32
        %add3A_529 = arith.addi %add3A_297, %add3A_528 : i32
        %mul3A_530 = arith.constant 80 : i32
        %mul3A_531 = arith.muli %add3A_529, %mul3A_530 : i32
        %add3A_532 = arith.addi %mul3A_2, %mul3A_531 : i32
        %dma_wait3A_533 = arith.constant 0 : i32
        %dma_wait3A_534 = tpu.memref_slice %arg3[%dma_wait3A_533, %add3A_532] : memref<2x320000xi32, #tpu.memory_space<hbm>> -> memref<2x80xi32, #tpu.memory_space<hbm>>
        %dma_wait3A_535 = arith.constant 0 : i32
        %dma_wait3A_536 = tpu.memref_slice %arg3[%dma_wait3A_535, %add3A_532] : memref<2x320000xi32, #tpu.memory_space<hbm>> -> memref<2x80xi32, #tpu.memory_space<hbm>>
        tpu.wait_dma2 semaphore(%arg24 : memref<!tpu.dma_semaphore, #tpu.memory_space<semaphore_mem>>) src(%dma_wait3A_536 : memref<2x80xi32, #tpu.memory_space<hbm>>) dst(%arg11 : memref<2x80xi32, #tpu.memory_space<vmem>>)
        %dma_start3A_537 = arith.constant 0 : i32
        %dma_start3A_538 = arith.constant 0 : i32
        %dma_start3A_539 = tpu.memref_slice %arg11[%dma_start3A_537, %dma_start3A_538] : memref<2x80xi32, #tpu.memory_space<vmem>> -> memref<1x80xi32, #tpu.memory_space<vmem>>
        %dma_start3A_540 = tpu.memref_squeeze %dma_start3A_539 : memref<1x80xi32, #tpu.memory_space<vmem>> -> memref<80xi32, #tpu.memory_space<vmem>>
        %dma_start3A_541 = arith.constant 0 : i32
        %dma_start3A_542 = arith.constant 0 : i32
        %dma_start3A_543 = tpu.memref_slice %arg2[%dma_start3A_541, %dma_start3A_542] : memref<10000x64xf32, #tpu.memory_space<hbm>> -> memref<10000x64xf32, #tpu.memory_space<hbm>>
        tpu.enqueue_indirect_dma source(%dma_start3A_543 : memref<10000x64xf32, #tpu.memory_space<hbm>>) target(%arg15 : memref<80x64xf32, #tpu.memory_space<vmem>>) offsets(%dma_start3A_540 : memref<80xi32, #tpu.memory_space<vmem>>) semaphore(%arg28 : memref<!tpu.dma_semaphore, #tpu.memory_space<semaphore_mem>>)
      } else {
      }
      %mul3A_333 = arith.constant 8 : i32
      %mul3A_334 = arith.muli %scan3A_220, %mul3A_333 : i32
      %add3A_335 = arith.constant 3 : i32
      %add3A_336 = arith.addi %mul3A_334, %add3A_335 : i32
      %dma_wait3A_337 = arith.constant 0 : i32
      %dma_wait3A_338 = arith.constant 0 : i32
      %dma_wait3A_339 = tpu.memref_slice %arg9[%dma_wait3A_337, %dma_wait3A_338] : memref<2x80xi32, #tpu.memory_space<vmem>> -> memref<1x80xi32, #tpu.memory_space<vmem>>
      %dma_wait3A_340 = tpu.memref_squeeze %dma_wait3A_339 : memref<1x80xi32, #tpu.memory_space<vmem>> -> memref<80xi32, #tpu.memory_space<vmem>>
      %dma_wait3A_341 = arith.constant 0 : i32
      %dma_wait3A_342 = arith.constant 0 : i32
      %dma_wait3A_343 = tpu.memref_slice %arg2[%dma_wait3A_341, %dma_wait3A_342] : memref<10000x64xf32, #tpu.memory_space<hbm>> -> memref<10000x64xf32, #tpu.memory_space<hbm>>
      tpu.wait_indirect_dma semaphore(%arg30 : memref<!tpu.dma_semaphore, #tpu.memory_space<semaphore_mem>>) src(%dma_wait3A_343 : memref<10000x64xf32, #tpu.memory_space<hbm>>) dst(%arg17 : memref<80x64xf32, #tpu.memory_space<vmem>>)
      %dma_start3A_344 = arith.constant 1 : i32
      %dma_start3A_345 = arith.constant 0 : i32
      %dma_start3A_346 = tpu.memref_slice %arg9[%dma_start3A_344, %dma_start3A_345] : memref<2x80xi32, #tpu.memory_space<vmem>> -> memref<1x80xi32, #tpu.memory_space<vmem>>
      %dma_start3A_347 = tpu.memref_squeeze %dma_start3A_346 : memref<1x80xi32, #tpu.memory_space<vmem>> -> memref<80xi32, #tpu.memory_space<vmem>>
      %dma_start3A_348 = arith.constant 0 : i32
      %dma_start3A_349 = arith.constant 0 : i32
      %dma_start3A_350 = tpu.memref_slice %arg18[%dma_start3A_348, %dma_start3A_349] : memref<10240x64xf32, #tpu.memory_space<vmem_shared>> -> memref<10240x64xf32, #tpu.memory_space<vmem_shared>>
      tpu.enqueue_indirect_dma source(%arg17 : memref<80x64xf32, #tpu.memory_space<vmem>>) target(%dma_start3A_350 : memref<10240x64xf32, #tpu.memory_space<vmem_shared>>) offsets(%dma_start3A_347 : memref<80xi32, #tpu.memory_space<vmem>>) semaphore(%arg34 : memref<!tpu.dma_semaphore, #tpu.memory_space<semaphore_mem>>) {add = true}
      %ge3A_351 = arith.constant 1 : i32
      %ge3A_352 = arith.cmpi sge, %add3A_336, %ge3A_351 : i32
      %convert_element_type3A_353 = arith.extui %ge3A_352 : i1 to i32
      %cond3A_354 = arith.constant 0 : i32
      %cond3A_355 = arith.cmpi ne, %convert_element_type3A_353, %cond3A_354 : i32
      scf.if %cond3A_355 {
        %dma_wait3A_528 = arith.constant 1 : i32
        %dma_wait3A_529 = arith.constant 0 : i32
        %dma_wait3A_530 = tpu.memref_slice %arg8[%dma_wait3A_528, %dma_wait3A_529] : memref<2x80xi32, #tpu.memory_space<vmem>> -> memref<1x80xi32, #tpu.memory_space<vmem>>
        %dma_wait3A_531 = tpu.memref_squeeze %dma_wait3A_530 : memref<1x80xi32, #tpu.memory_space<vmem>> -> memref<80xi32, #tpu.memory_space<vmem>>
        %dma_wait3A_532 = arith.constant 0 : i32
        %dma_wait3A_533 = arith.constant 0 : i32
        %dma_wait3A_534 = tpu.memref_slice %arg18[%dma_wait3A_532, %dma_wait3A_533] : memref<10240x64xf32, #tpu.memory_space<vmem_shared>> -> memref<10240x64xf32, #tpu.memory_space<vmem_shared>>
        tpu.wait_indirect_dma semaphore(%arg33 : memref<!tpu.dma_semaphore, #tpu.memory_space<semaphore_mem>>) src(%arg16 : memref<80x64xf32, #tpu.memory_space<vmem>>) dst(%dma_wait3A_534 : memref<10240x64xf32, #tpu.memory_space<vmem_shared>>)
      } else {
      }
      %add3A_356 = arith.constant 8 : i32
      %add3A_357 = arith.addi %add3A_336, %add3A_356 : i32
      %sub3A_358 = arith.constant 3 : i32
      %sub3A_359 = arith.subi %add3A_357, %sub3A_358 : i32
      %lt3A_360 = arith.constant 125 : i32
      %lt3A_361 = arith.cmpi slt, %sub3A_359, %lt3A_360 : i32
      %convert_element_type3A_362 = arith.extui %lt3A_361 : i1 to i32
      %cond3A_363 = arith.constant 0 : i32
      %cond3A_364 = arith.cmpi ne, %convert_element_type3A_362, %cond3A_363 : i32
      scf.if %cond3A_364 {
        %add3A_528 = arith.constant 8 : i32
        %add3A_529 = arith.addi %add3A_336, %add3A_528 : i32
        %sub3A_530 = arith.constant 3 : i32
        %sub3A_531 = arith.subi %add3A_529, %sub3A_530 : i32
        %mul3A_532 = arith.constant 80 : i32
        %mul3A_533 = arith.muli %sub3A_531, %mul3A_532 : i32
        %add3A_534 = arith.addi %mul3A_2, %mul3A_533 : i32
        %dma_start3A_535 = arith.constant 0 : i32
        %dma_start3A_536 = tpu.memref_slice %arg3[%dma_start3A_535, %add3A_534] : memref<2x320000xi32, #tpu.memory_space<hbm>> -> memref<2x80xi32, #tpu.memory_space<hbm>>
        %dma_start3A_537 = arith.constant 0 : i32
        %dma_start3A_538 = tpu.memref_slice %arg3[%dma_start3A_537, %add3A_534] : memref<2x320000xi32, #tpu.memory_space<hbm>> -> memref<2x80xi32, #tpu.memory_space<hbm>>
        tpu.enqueue_dma source(%dma_start3A_538 : memref<2x80xi32, #tpu.memory_space<hbm>>) target(%arg6 : memref<2x80xi32, #tpu.memory_space<vmem>>) target_semaphore(%arg19 : memref<!tpu.dma_semaphore, #tpu.memory_space<semaphore_mem>>)
      } else {
      }
      %add3A_365 = arith.constant 3 : i32
      %add3A_366 = arith.addi %add3A_336, %add3A_365 : i32
      %lt3A_367 = arith.constant 125 : i32
      %lt3A_368 = arith.cmpi slt, %add3A_366, %lt3A_367 : i32
      %convert_element_type3A_369 = arith.extui %lt3A_368 : i1 to i32
      %cond3A_370 = arith.constant 0 : i32
      %cond3A_371 = arith.cmpi ne, %convert_element_type3A_369, %cond3A_370 : i32
      scf.if %cond3A_371 {
        %add3A_528 = arith.constant 3 : i32
        %add3A_529 = arith.addi %add3A_336, %add3A_528 : i32
        %mul3A_530 = arith.constant 80 : i32
        %mul3A_531 = arith.muli %add3A_529, %mul3A_530 : i32
        %add3A_532 = arith.addi %mul3A_2, %mul3A_531 : i32
        %dma_wait3A_533 = arith.constant 0 : i32
        %dma_wait3A_534 = tpu.memref_slice %arg3[%dma_wait3A_533, %add3A_532] : memref<2x320000xi32, #tpu.memory_space<hbm>> -> memref<2x80xi32, #tpu.memory_space<hbm>>
        %dma_wait3A_535 = arith.constant 0 : i32
        %dma_wait3A_536 = tpu.memref_slice %arg3[%dma_wait3A_535, %add3A_532] : memref<2x320000xi32, #tpu.memory_space<hbm>> -> memref<2x80xi32, #tpu.memory_space<hbm>>
        tpu.wait_dma2 semaphore(%arg25 : memref<!tpu.dma_semaphore, #tpu.memory_space<semaphore_mem>>) src(%dma_wait3A_536 : memref<2x80xi32, #tpu.memory_space<hbm>>) dst(%arg12 : memref<2x80xi32, #tpu.memory_space<vmem>>)
        %dma_start3A_537 = arith.constant 0 : i32
        %dma_start3A_538 = arith.constant 0 : i32
        %dma_start3A_539 = tpu.memref_slice %arg12[%dma_start3A_537, %dma_start3A_538] : memref<2x80xi32, #tpu.memory_space<vmem>> -> memref<1x80xi32, #tpu.memory_space<vmem>>
        %dma_start3A_540 = tpu.memref_squeeze %dma_start3A_539 : memref<1x80xi32, #tpu.memory_space<vmem>> -> memref<80xi32, #tpu.memory_space<vmem>>
        %dma_start3A_541 = arith.constant 0 : i32
        %dma_start3A_542 = arith.constant 0 : i32
        %dma_start3A_543 = tpu.memref_slice %arg2[%dma_start3A_541, %dma_start3A_542] : memref<10000x64xf32, #tpu.memory_space<hbm>> -> memref<10000x64xf32, #tpu.memory_space<hbm>>
        tpu.enqueue_indirect_dma source(%dma_start3A_543 : memref<10000x64xf32, #tpu.memory_space<hbm>>) target(%arg16 : memref<80x64xf32, #tpu.memory_space<vmem>>) offsets(%dma_start3A_540 : memref<80xi32, #tpu.memory_space<vmem>>) semaphore(%arg29 : memref<!tpu.dma_semaphore, #tpu.memory_space<semaphore_mem>>)
      } else {
      }
      %mul3A_372 = arith.constant 8 : i32
      %mul3A_373 = arith.muli %scan3A_220, %mul3A_372 : i32
      %add3A_374 = arith.constant 4 : i32
      %add3A_375 = arith.addi %mul3A_373, %add3A_374 : i32
      %dma_wait3A_376 = arith.constant 0 : i32
      %dma_wait3A_377 = arith.constant 0 : i32
      %dma_wait3A_378 = tpu.memref_slice %arg10[%dma_wait3A_376, %dma_wait3A_377] : memref<2x80xi32, #tpu.memory_space<vmem>> -> memref<1x80xi32, #tpu.memory_space<vmem>>
      %dma_wait3A_379 = tpu.memref_squeeze %dma_wait3A_378 : memref<1x80xi32, #tpu.memory_space<vmem>> -> memref<80xi32, #tpu.memory_space<vmem>>
      %dma_wait3A_380 = arith.constant 0 : i32
      %dma_wait3A_381 = arith.constant 0 : i32
      %dma_wait3A_382 = tpu.memref_slice %arg2[%dma_wait3A_380, %dma_wait3A_381] : memref<10000x64xf32, #tpu.memory_space<hbm>> -> memref<10000x64xf32, #tpu.memory_space<hbm>>
      tpu.wait_indirect_dma semaphore(%arg27 : memref<!tpu.dma_semaphore, #tpu.memory_space<semaphore_mem>>) src(%dma_wait3A_382 : memref<10000x64xf32, #tpu.memory_space<hbm>>) dst(%arg14 : memref<80x64xf32, #tpu.memory_space<vmem>>)
      %dma_start3A_383 = arith.constant 1 : i32
      %dma_start3A_384 = arith.constant 0 : i32
      %dma_start3A_385 = tpu.memref_slice %arg10[%dma_start3A_383, %dma_start3A_384] : memref<2x80xi32, #tpu.memory_space<vmem>> -> memref<1x80xi32, #tpu.memory_space<vmem>>
      %dma_start3A_386 = tpu.memref_squeeze %dma_start3A_385 : memref<1x80xi32, #tpu.memory_space<vmem>> -> memref<80xi32, #tpu.memory_space<vmem>>
      %dma_start3A_387 = arith.constant 0 : i32
      %dma_start3A_388 = arith.constant 0 : i32
      %dma_start3A_389 = tpu.memref_slice %arg18[%dma_start3A_387, %dma_start3A_388] : memref<10240x64xf32, #tpu.memory_space<vmem_shared>> -> memref<10240x64xf32, #tpu.memory_space<vmem_shared>>
      tpu.enqueue_indirect_dma source(%arg14 : memref<80x64xf32, #tpu.memory_space<vmem>>) target(%dma_start3A_389 : memref<10240x64xf32, #tpu.memory_space<vmem_shared>>) offsets(%dma_start3A_386 : memref<80xi32, #tpu.memory_space<vmem>>) semaphore(%arg31 : memref<!tpu.dma_semaphore, #tpu.memory_space<semaphore_mem>>) {add = true}
      %ge3A_390 = arith.constant 1 : i32
      %ge3A_391 = arith.cmpi sge, %add3A_375, %ge3A_390 : i32
      %convert_element_type3A_392 = arith.extui %ge3A_391 : i1 to i32
      %cond3A_393 = arith.constant 0 : i32
      %cond3A_394 = arith.cmpi ne, %convert_element_type3A_392, %cond3A_393 : i32
      scf.if %cond3A_394 {
        %dma_wait3A_528 = arith.constant 1 : i32
        %dma_wait3A_529 = arith.constant 0 : i32
        %dma_wait3A_530 = tpu.memref_slice %arg9[%dma_wait3A_528, %dma_wait3A_529] : memref<2x80xi32, #tpu.memory_space<vmem>> -> memref<1x80xi32, #tpu.memory_space<vmem>>
        %dma_wait3A_531 = tpu.memref_squeeze %dma_wait3A_530 : memref<1x80xi32, #tpu.memory_space<vmem>> -> memref<80xi32, #tpu.memory_space<vmem>>
        %dma_wait3A_532 = arith.constant 0 : i32
        %dma_wait3A_533 = arith.constant 0 : i32
        %dma_wait3A_534 = tpu.memref_slice %arg18[%dma_wait3A_532, %dma_wait3A_533] : memref<10240x64xf32, #tpu.memory_space<vmem_shared>> -> memref<10240x64xf32, #tpu.memory_space<vmem_shared>>
        tpu.wait_indirect_dma semaphore(%arg34 : memref<!tpu.dma_semaphore, #tpu.memory_space<semaphore_mem>>) src(%arg17 : memref<80x64xf32, #tpu.memory_space<vmem>>) dst(%dma_wait3A_534 : memref<10240x64xf32, #tpu.memory_space<vmem_shared>>)
      } else {
      }
      %add3A_395 = arith.constant 8 : i32
      %add3A_396 = arith.addi %add3A_375, %add3A_395 : i32
      %sub3A_397 = arith.constant 3 : i32
      %sub3A_398 = arith.subi %add3A_396, %sub3A_397 : i32
      %lt3A_399 = arith.constant 125 : i32
      %lt3A_400 = arith.cmpi slt, %sub3A_398, %lt3A_399 : i32
      %convert_element_type3A_401 = arith.extui %lt3A_400 : i1 to i32
      %cond3A_402 = arith.constant 0 : i32
      %cond3A_403 = arith.cmpi ne, %convert_element_type3A_401, %cond3A_402 : i32
      scf.if %cond3A_403 {
        %add3A_528 = arith.constant 8 : i32
        %add3A_529 = arith.addi %add3A_375, %add3A_528 : i32
        %sub3A_530 = arith.constant 3 : i32
        %sub3A_531 = arith.subi %add3A_529, %sub3A_530 : i32
        %mul3A_532 = arith.constant 80 : i32
        %mul3A_533 = arith.muli %sub3A_531, %mul3A_532 : i32
        %add3A_534 = arith.addi %mul3A_2, %mul3A_533 : i32
        %dma_start3A_535 = arith.constant 0 : i32
        %dma_start3A_536 = tpu.memref_slice %arg3[%dma_start3A_535, %add3A_534] : memref<2x320000xi32, #tpu.memory_space<hbm>> -> memref<2x80xi32, #tpu.memory_space<hbm>>
        %dma_start3A_537 = arith.constant 0 : i32
        %dma_start3A_538 = tpu.memref_slice %arg3[%dma_start3A_537, %add3A_534] : memref<2x320000xi32, #tpu.memory_space<hbm>> -> memref<2x80xi32, #tpu.memory_space<hbm>>
        tpu.enqueue_dma source(%dma_start3A_538 : memref<2x80xi32, #tpu.memory_space<hbm>>) target(%arg7 : memref<2x80xi32, #tpu.memory_space<vmem>>) target_semaphore(%arg20 : memref<!tpu.dma_semaphore, #tpu.memory_space<semaphore_mem>>)
      } else {
      }
      %add3A_404 = arith.constant 3 : i32
      %add3A_405 = arith.addi %add3A_375, %add3A_404 : i32
      %lt3A_406 = arith.constant 125 : i32
      %lt3A_407 = arith.cmpi slt, %add3A_405, %lt3A_406 : i32
      %convert_element_type3A_408 = arith.extui %lt3A_407 : i1 to i32
      %cond3A_409 = arith.constant 0 : i32
      %cond3A_410 = arith.cmpi ne, %convert_element_type3A_408, %cond3A_409 : i32
      scf.if %cond3A_410 {
        %add3A_528 = arith.constant 3 : i32
        %add3A_529 = arith.addi %add3A_375, %add3A_528 : i32
        %mul3A_530 = arith.constant 80 : i32
        %mul3A_531 = arith.muli %add3A_529, %mul3A_530 : i32
        %add3A_532 = arith.addi %mul3A_2, %mul3A_531 : i32
        %dma_wait3A_533 = arith.constant 0 : i32
        %dma_wait3A_534 = tpu.memref_slice %arg3[%dma_wait3A_533, %add3A_532] : memref<2x320000xi32, #tpu.memory_space<hbm>> -> memref<2x80xi32, #tpu.memory_space<hbm>>
        %dma_wait3A_535 = arith.constant 0 : i32
        %dma_wait3A_536 = tpu.memref_slice %arg3[%dma_wait3A_535, %add3A_532] : memref<2x320000xi32, #tpu.memory_space<hbm>> -> memref<2x80xi32, #tpu.memory_space<hbm>>
        tpu.wait_dma2 semaphore(%arg26 : memref<!tpu.dma_semaphore, #tpu.memory_space<semaphore_mem>>) src(%dma_wait3A_536 : memref<2x80xi32, #tpu.memory_space<hbm>>) dst(%arg13 : memref<2x80xi32, #tpu.memory_space<vmem>>)
        %dma_start3A_537 = arith.constant 0 : i32
        %dma_start3A_538 = arith.constant 0 : i32
        %dma_start3A_539 = tpu.memref_slice %arg13[%dma_start3A_537, %dma_start3A_538] : memref<2x80xi32, #tpu.memory_space<vmem>> -> memref<1x80xi32, #tpu.memory_space<vmem>>
        %dma_start3A_540 = tpu.memref_squeeze %dma_start3A_539 : memref<1x80xi32, #tpu.memory_space<vmem>> -> memref<80xi32, #tpu.memory_space<vmem>>
        %dma_start3A_541 = arith.constant 0 : i32
        %dma_start3A_542 = arith.constant 0 : i32
        %dma_start3A_543 = tpu.memref_slice %arg2[%dma_start3A_541, %dma_start3A_542] : memref<10000x64xf32, #tpu.memory_space<hbm>> -> memref<10000x64xf32, #tpu.memory_space<hbm>>
        tpu.enqueue_indirect_dma source(%dma_start3A_543 : memref<10000x64xf32, #tpu.memory_space<hbm>>) target(%arg17 : memref<80x64xf32, #tpu.memory_space<vmem>>) offsets(%dma_start3A_540 : memref<80xi32, #tpu.memory_space<vmem>>) semaphore(%arg30 : memref<!tpu.dma_semaphore, #tpu.memory_space<semaphore_mem>>)
      } else {
      }
      %mul3A_411 = arith.constant 8 : i32
      %mul3A_412 = arith.muli %scan3A_220, %mul3A_411 : i32
      %add3A_413 = arith.constant 5 : i32
      %add3A_414 = arith.addi %mul3A_412, %add3A_413 : i32
      %dma_wait3A_415 = arith.constant 0 : i32
      %dma_wait3A_416 = arith.constant 0 : i32
      %dma_wait3A_417 = tpu.memref_slice %arg11[%dma_wait3A_415, %dma_wait3A_416] : memref<2x80xi32, #tpu.memory_space<vmem>> -> memref<1x80xi32, #tpu.memory_space<vmem>>
      %dma_wait3A_418 = tpu.memref_squeeze %dma_wait3A_417 : memref<1x80xi32, #tpu.memory_space<vmem>> -> memref<80xi32, #tpu.memory_space<vmem>>
      %dma_wait3A_419 = arith.constant 0 : i32
      %dma_wait3A_420 = arith.constant 0 : i32
      %dma_wait3A_421 = tpu.memref_slice %arg2[%dma_wait3A_419, %dma_wait3A_420] : memref<10000x64xf32, #tpu.memory_space<hbm>> -> memref<10000x64xf32, #tpu.memory_space<hbm>>
      tpu.wait_indirect_dma semaphore(%arg28 : memref<!tpu.dma_semaphore, #tpu.memory_space<semaphore_mem>>) src(%dma_wait3A_421 : memref<10000x64xf32, #tpu.memory_space<hbm>>) dst(%arg15 : memref<80x64xf32, #tpu.memory_space<vmem>>)
      %dma_start3A_422 = arith.constant 1 : i32
      %dma_start3A_423 = arith.constant 0 : i32
      %dma_start3A_424 = tpu.memref_slice %arg11[%dma_start3A_422, %dma_start3A_423] : memref<2x80xi32, #tpu.memory_space<vmem>> -> memref<1x80xi32, #tpu.memory_space<vmem>>
      %dma_start3A_425 = tpu.memref_squeeze %dma_start3A_424 : memref<1x80xi32, #tpu.memory_space<vmem>> -> memref<80xi32, #tpu.memory_space<vmem>>
      %dma_start3A_426 = arith.constant 0 : i32
      %dma_start3A_427 = arith.constant 0 : i32
      %dma_start3A_428 = tpu.memref_slice %arg18[%dma_start3A_426, %dma_start3A_427] : memref<10240x64xf32, #tpu.memory_space<vmem_shared>> -> memref<10240x64xf32, #tpu.memory_space<vmem_shared>>
      tpu.enqueue_indirect_dma source(%arg15 : memref<80x64xf32, #tpu.memory_space<vmem>>) target(%dma_start3A_428 : memref<10240x64xf32, #tpu.memory_space<vmem_shared>>) offsets(%dma_start3A_425 : memref<80xi32, #tpu.memory_space<vmem>>) semaphore(%arg32 : memref<!tpu.dma_semaphore, #tpu.memory_space<semaphore_mem>>) {add = true}
      %ge3A_429 = arith.constant 1 : i32
      %ge3A_430 = arith.cmpi sge, %add3A_414, %ge3A_429 : i32
      %convert_element_type3A_431 = arith.extui %ge3A_430 : i1 to i32
      %cond3A_432 = arith.constant 0 : i32
      %cond3A_433 = arith.cmpi ne, %convert_element_type3A_431, %cond3A_432 : i32
      scf.if %cond3A_433 {
        %dma_wait3A_528 = arith.constant 1 : i32
        %dma_wait3A_529 = arith.constant 0 : i32
        %dma_wait3A_530 = tpu.memref_slice %arg10[%dma_wait3A_528, %dma_wait3A_529] : memref<2x80xi32, #tpu.memory_space<vmem>> -> memref<1x80xi32, #tpu.memory_space<vmem>>
        %dma_wait3A_531 = tpu.memref_squeeze %dma_wait3A_530 : memref<1x80xi32, #tpu.memory_space<vmem>> -> memref<80xi32, #tpu.memory_space<vmem>>
        %dma_wait3A_532 = arith.constant 0 : i32
        %dma_wait3A_533 = arith.constant 0 : i32
        %dma_wait3A_534 = tpu.memref_slice %arg18[%dma_wait3A_532, %dma_wait3A_533] : memref<10240x64xf32, #tpu.memory_space<vmem_shared>> -> memref<10240x64xf32, #tpu.memory_space<vmem_shared>>
        tpu.wait_indirect_dma semaphore(%arg31 : memref<!tpu.dma_semaphore, #tpu.memory_space<semaphore_mem>>) src(%arg14 : memref<80x64xf32, #tpu.memory_space<vmem>>) dst(%dma_wait3A_534 : memref<10240x64xf32, #tpu.memory_space<vmem_shared>>)
      } else {
      }
      %add3A_434 = arith.constant 8 : i32
      %add3A_435 = arith.addi %add3A_414, %add3A_434 : i32
      %sub3A_436 = arith.constant 3 : i32
      %sub3A_437 = arith.subi %add3A_435, %sub3A_436 : i32
      %lt3A_438 = arith.constant 125 : i32
      %lt3A_439 = arith.cmpi slt, %sub3A_437, %lt3A_438 : i32
      %convert_element_type3A_440 = arith.extui %lt3A_439 : i1 to i32
      %cond3A_441 = arith.constant 0 : i32
      %cond3A_442 = arith.cmpi ne, %convert_element_type3A_440, %cond3A_441 : i32
      scf.if %cond3A_442 {
        %add3A_528 = arith.constant 8 : i32
        %add3A_529 = arith.addi %add3A_414, %add3A_528 : i32
        %sub3A_530 = arith.constant 3 : i32
        %sub3A_531 = arith.subi %add3A_529, %sub3A_530 : i32
        %mul3A_532 = arith.constant 80 : i32
        %mul3A_533 = arith.muli %sub3A_531, %mul3A_532 : i32
        %add3A_534 = arith.addi %mul3A_2, %mul3A_533 : i32
        %dma_start3A_535 = arith.constant 0 : i32
        %dma_start3A_536 = tpu.memref_slice %arg3[%dma_start3A_535, %add3A_534] : memref<2x320000xi32, #tpu.memory_space<hbm>> -> memref<2x80xi32, #tpu.memory_space<hbm>>
        %dma_start3A_537 = arith.constant 0 : i32
        %dma_start3A_538 = tpu.memref_slice %arg3[%dma_start3A_537, %add3A_534] : memref<2x320000xi32, #tpu.memory_space<hbm>> -> memref<2x80xi32, #tpu.memory_space<hbm>>
        tpu.enqueue_dma source(%dma_start3A_538 : memref<2x80xi32, #tpu.memory_space<hbm>>) target(%arg8 : memref<2x80xi32, #tpu.memory_space<vmem>>) target_semaphore(%arg21 : memref<!tpu.dma_semaphore, #tpu.memory_space<semaphore_mem>>)
      } else {
      }
      %add3A_443 = arith.constant 3 : i32
      %add3A_444 = arith.addi %add3A_414, %add3A_443 : i32
      %lt3A_445 = arith.constant 125 : i32
      %lt3A_446 = arith.cmpi slt, %add3A_444, %lt3A_445 : i32
      %convert_element_type3A_447 = arith.extui %lt3A_446 : i1 to i32
      %cond3A_448 = arith.constant 0 : i32
      %cond3A_449 = arith.cmpi ne, %convert_element_type3A_447, %cond3A_448 : i32
      scf.if %cond3A_449 {
        %add3A_528 = arith.constant 3 : i32
        %add3A_529 = arith.addi %add3A_414, %add3A_528 : i32
        %mul3A_530 = arith.constant 80 : i32
        %mul3A_531 = arith.muli %add3A_529, %mul3A_530 : i32
        %add3A_532 = arith.addi %mul3A_2, %mul3A_531 : i32
        %dma_wait3A_533 = arith.constant 0 : i32
        %dma_wait3A_534 = tpu.memref_slice %arg3[%dma_wait3A_533, %add3A_532] : memref<2x320000xi32, #tpu.memory_space<hbm>> -> memref<2x80xi32, #tpu.memory_space<hbm>>
        %dma_wait3A_535 = arith.constant 0 : i32
        %dma_wait3A_536 = tpu.memref_slice %arg3[%dma_wait3A_535, %add3A_532] : memref<2x320000xi32, #tpu.memory_space<hbm>> -> memref<2x80xi32, #tpu.memory_space<hbm>>
        tpu.wait_dma2 semaphore(%arg19 : memref<!tpu.dma_semaphore, #tpu.memory_space<semaphore_mem>>) src(%dma_wait3A_536 : memref<2x80xi32, #tpu.memory_space<hbm>>) dst(%arg6 : memref<2x80xi32, #tpu.memory_space<vmem>>)
        %dma_start3A_537 = arith.constant 0 : i32
        %dma_start3A_538 = arith.constant 0 : i32
        %dma_start3A_539 = tpu.memref_slice %arg6[%dma_start3A_537, %dma_start3A_538] : memref<2x80xi32, #tpu.memory_space<vmem>> -> memref<1x80xi32, #tpu.memory_space<vmem>>
        %dma_start3A_540 = tpu.memref_squeeze %dma_start3A_539 : memref<1x80xi32, #tpu.memory_space<vmem>> -> memref<80xi32, #tpu.memory_space<vmem>>
        %dma_start3A_541 = arith.constant 0 : i32
        %dma_start3A_542 = arith.constant 0 : i32
        %dma_start3A_543 = tpu.memref_slice %arg2[%dma_start3A_541, %dma_start3A_542] : memref<10000x64xf32, #tpu.memory_space<hbm>> -> memref<10000x64xf32, #tpu.memory_space<hbm>>
        tpu.enqueue_indirect_dma source(%dma_start3A_543 : memref<10000x64xf32, #tpu.memory_space<hbm>>) target(%arg14 : memref<80x64xf32, #tpu.memory_space<vmem>>) offsets(%dma_start3A_540 : memref<80xi32, #tpu.memory_space<vmem>>) semaphore(%arg27 : memref<!tpu.dma_semaphore, #tpu.memory_space<semaphore_mem>>)
      } else {
      }
      %mul3A_450 = arith.constant 8 : i32
      %mul3A_451 = arith.muli %scan3A_220, %mul3A_450 : i32
      %add3A_452 = arith.constant 6 : i32
      %add3A_453 = arith.addi %mul3A_451, %add3A_452 : i32
      %dma_wait3A_454 = arith.constant 0 : i32
      %dma_wait3A_455 = arith.constant 0 : i32
      %dma_wait3A_456 = tpu.memref_slice %arg12[%dma_wait3A_454, %dma_wait3A_455] : memref<2x80xi32, #tpu.memory_space<vmem>> -> memref<1x80xi32, #tpu.memory_space<vmem>>
      %dma_wait3A_457 = tpu.memref_squeeze %dma_wait3A_456 : memref<1x80xi32, #tpu.memory_space<vmem>> -> memref<80xi32, #tpu.memory_space<vmem>>
      %dma_wait3A_458 = arith.constant 0 : i32
      %dma_wait3A_459 = arith.constant 0 : i32
      %dma_wait3A_460 = tpu.memref_slice %arg2[%dma_wait3A_458, %dma_wait3A_459] : memref<10000x64xf32, #tpu.memory_space<hbm>> -> memref<10000x64xf32, #tpu.memory_space<hbm>>
      tpu.wait_indirect_dma semaphore(%arg29 : memref<!tpu.dma_semaphore, #tpu.memory_space<semaphore_mem>>) src(%dma_wait3A_460 : memref<10000x64xf32, #tpu.memory_space<hbm>>) dst(%arg16 : memref<80x64xf32, #tpu.memory_space<vmem>>)
      %dma_start3A_461 = arith.constant 1 : i32
      %dma_start3A_462 = arith.constant 0 : i32
      %dma_start3A_463 = tpu.memref_slice %arg12[%dma_start3A_461, %dma_start3A_462] : memref<2x80xi32, #tpu.memory_space<vmem>> -> memref<1x80xi32, #tpu.memory_space<vmem>>
      %dma_start3A_464 = tpu.memref_squeeze %dma_start3A_463 : memref<1x80xi32, #tpu.memory_space<vmem>> -> memref<80xi32, #tpu.memory_space<vmem>>
      %dma_start3A_465 = arith.constant 0 : i32
      %dma_start3A_466 = arith.constant 0 : i32
      %dma_start3A_467 = tpu.memref_slice %arg18[%dma_start3A_465, %dma_start3A_466] : memref<10240x64xf32, #tpu.memory_space<vmem_shared>> -> memref<10240x64xf32, #tpu.memory_space<vmem_shared>>
      tpu.enqueue_indirect_dma source(%arg16 : memref<80x64xf32, #tpu.memory_space<vmem>>) target(%dma_start3A_467 : memref<10240x64xf32, #tpu.memory_space<vmem_shared>>) offsets(%dma_start3A_464 : memref<80xi32, #tpu.memory_space<vmem>>) semaphore(%arg33 : memref<!tpu.dma_semaphore, #tpu.memory_space<semaphore_mem>>) {add = true}
      %ge3A_468 = arith.constant 1 : i32
      %ge3A_469 = arith.cmpi sge, %add3A_453, %ge3A_468 : i32
      %convert_element_type3A_470 = arith.extui %ge3A_469 : i1 to i32
      %cond3A_471 = arith.constant 0 : i32
      %cond3A_472 = arith.cmpi ne, %convert_element_type3A_470, %cond3A_471 : i32
      scf.if %cond3A_472 {
        %dma_wait3A_528 = arith.constant 1 : i32
        %dma_wait3A_529 = arith.constant 0 : i32
        %dma_wait3A_530 = tpu.memref_slice %arg11[%dma_wait3A_528, %dma_wait3A_529] : memref<2x80xi32, #tpu.memory_space<vmem>> -> memref<1x80xi32, #tpu.memory_space<vmem>>
        %dma_wait3A_531 = tpu.memref_squeeze %dma_wait3A_530 : memref<1x80xi32, #tpu.memory_space<vmem>> -> memref<80xi32, #tpu.memory_space<vmem>>
        %dma_wait3A_532 = arith.constant 0 : i32
        %dma_wait3A_533 = arith.constant 0 : i32
        %dma_wait3A_534 = tpu.memref_slice %arg18[%dma_wait3A_532, %dma_wait3A_533] : memref<10240x64xf32, #tpu.memory_space<vmem_shared>> -> memref<10240x64xf32, #tpu.memory_space<vmem_shared>>
        tpu.wait_indirect_dma semaphore(%arg32 : memref<!tpu.dma_semaphore, #tpu.memory_space<semaphore_mem>>) src(%arg15 : memref<80x64xf32, #tpu.memory_space<vmem>>) dst(%dma_wait3A_534 : memref<10240x64xf32, #tpu.memory_space<vmem_shared>>)
      } else {
      }
      %add3A_473 = arith.constant 8 : i32
      %add3A_474 = arith.addi %add3A_453, %add3A_473 : i32
      %sub3A_475 = arith.constant 3 : i32
      %sub3A_476 = arith.subi %add3A_474, %sub3A_475 : i32
      %lt3A_477 = arith.constant 125 : i32
      %lt3A_478 = arith.cmpi slt, %sub3A_476, %lt3A_477 : i32
      %convert_element_type3A_479 = arith.extui %lt3A_478 : i1 to i32
      %cond3A_480 = arith.constant 0 : i32
      %cond3A_481 = arith.cmpi ne, %convert_element_type3A_479, %cond3A_480 : i32
      scf.if %cond3A_481 {
        %add3A_528 = arith.constant 8 : i32
        %add3A_529 = arith.addi %add3A_453, %add3A_528 : i32
        %sub3A_530 = arith.constant 3 : i32
        %sub3A_531 = arith.subi %add3A_529, %sub3A_530 : i32
        %mul3A_532 = arith.constant 80 : i32
        %mul3A_533 = arith.muli %sub3A_531, %mul3A_532 : i32
        %add3A_534 = arith.addi %mul3A_2, %mul3A_533 : i32
        %dma_start3A_535 = arith.constant 0 : i32
        %dma_start3A_536 = tpu.memref_slice %arg3[%dma_start3A_535, %add3A_534] : memref<2x320000xi32, #tpu.memory_space<hbm>> -> memref<2x80xi32, #tpu.memory_space<hbm>>
        %dma_start3A_537 = arith.constant 0 : i32
        %dma_start3A_538 = tpu.memref_slice %arg3[%dma_start3A_537, %add3A_534] : memref<2x320000xi32, #tpu.memory_space<hbm>> -> memref<2x80xi32, #tpu.memory_space<hbm>>
        tpu.enqueue_dma source(%dma_start3A_538 : memref<2x80xi32, #tpu.memory_space<hbm>>) target(%arg9 : memref<2x80xi32, #tpu.memory_space<vmem>>) target_semaphore(%arg22 : memref<!tpu.dma_semaphore, #tpu.memory_space<semaphore_mem>>)
      } else {
      }
      %add3A_482 = arith.constant 3 : i32
      %add3A_483 = arith.addi %add3A_453, %add3A_482 : i32
      %lt3A_484 = arith.constant 125 : i32
      %lt3A_485 = arith.cmpi slt, %add3A_483, %lt3A_484 : i32
      %convert_element_type3A_486 = arith.extui %lt3A_485 : i1 to i32
      %cond3A_487 = arith.constant 0 : i32
      %cond3A_488 = arith.cmpi ne, %convert_element_type3A_486, %cond3A_487 : i32
      scf.if %cond3A_488 {
        %add3A_528 = arith.constant 3 : i32
        %add3A_529 = arith.addi %add3A_453, %add3A_528 : i32
        %mul3A_530 = arith.constant 80 : i32
        %mul3A_531 = arith.muli %add3A_529, %mul3A_530 : i32
        %add3A_532 = arith.addi %mul3A_2, %mul3A_531 : i32
        %dma_wait3A_533 = arith.constant 0 : i32
        %dma_wait3A_534 = tpu.memref_slice %arg3[%dma_wait3A_533, %add3A_532] : memref<2x320000xi32, #tpu.memory_space<hbm>> -> memref<2x80xi32, #tpu.memory_space<hbm>>
        %dma_wait3A_535 = arith.constant 0 : i32
        %dma_wait3A_536 = tpu.memref_slice %arg3[%dma_wait3A_535, %add3A_532] : memref<2x320000xi32, #tpu.memory_space<hbm>> -> memref<2x80xi32, #tpu.memory_space<hbm>>
        tpu.wait_dma2 semaphore(%arg20 : memref<!tpu.dma_semaphore, #tpu.memory_space<semaphore_mem>>) src(%dma_wait3A_536 : memref<2x80xi32, #tpu.memory_space<hbm>>) dst(%arg7 : memref<2x80xi32, #tpu.memory_space<vmem>>)
        %dma_start3A_537 = arith.constant 0 : i32
        %dma_start3A_538 = arith.constant 0 : i32
        %dma_start3A_539 = tpu.memref_slice %arg7[%dma_start3A_537, %dma_start3A_538] : memref<2x80xi32, #tpu.memory_space<vmem>> -> memref<1x80xi32, #tpu.memory_space<vmem>>
        %dma_start3A_540 = tpu.memref_squeeze %dma_start3A_539 : memref<1x80xi32, #tpu.memory_space<vmem>> -> memref<80xi32, #tpu.memory_space<vmem>>
        %dma_start3A_541 = arith.constant 0 : i32
        %dma_start3A_542 = arith.constant 0 : i32
        %dma_start3A_543 = tpu.memref_slice %arg2[%dma_start3A_541, %dma_start3A_542] : memref<10000x64xf32, #tpu.memory_space<hbm>> -> memref<10000x64xf32, #tpu.memory_space<hbm>>
        tpu.enqueue_indirect_dma source(%dma_start3A_543 : memref<10000x64xf32, #tpu.memory_space<hbm>>) target(%arg15 : memref<80x64xf32, #tpu.memory_space<vmem>>) offsets(%dma_start3A_540 : memref<80xi32, #tpu.memory_space<vmem>>) semaphore(%arg28 : memref<!tpu.dma_semaphore, #tpu.memory_space<semaphore_mem>>)
      } else {
      }
      %mul3A_489 = arith.constant 8 : i32
      %mul3A_490 = arith.muli %scan3A_220, %mul3A_489 : i32
      %add3A_491 = arith.constant 7 : i32
      %add3A_492 = arith.addi %mul3A_490, %add3A_491 : i32
      %dma_wait3A_493 = arith.constant 0 : i32
      %dma_wait3A_494 = arith.constant 0 : i32
      %dma_wait3A_495 = tpu.memref_slice %arg13[%dma_wait3A_493, %dma_wait3A_494] : memref<2x80xi32, #tpu.memory_space<vmem>> -> memref<1x80xi32, #tpu.memory_space<vmem>>
      %dma_wait3A_496 = tpu.memref_squeeze %dma_wait3A_495 : memref<1x80xi32, #tpu.memory_space<vmem>> -> memref<80xi32, #tpu.memory_space<vmem>>
      %dma_wait3A_497 = arith.constant 0 : i32
      %dma_wait3A_498 = arith.constant 0 : i32
      %dma_wait3A_499 = tpu.memref_slice %arg2[%dma_wait3A_497, %dma_wait3A_498] : memref<10000x64xf32, #tpu.memory_space<hbm>> -> memref<10000x64xf32, #tpu.memory_space<hbm>>
      tpu.wait_indirect_dma semaphore(%arg30 : memref<!tpu.dma_semaphore, #tpu.memory_space<semaphore_mem>>) src(%dma_wait3A_499 : memref<10000x64xf32, #tpu.memory_space<hbm>>) dst(%arg17 : memref<80x64xf32, #tpu.memory_space<vmem>>)
      %dma_start3A_500 = arith.constant 1 : i32
      %dma_start3A_501 = arith.constant 0 : i32
      %dma_start3A_502 = tpu.memref_slice %arg13[%dma_start3A_500, %dma_start3A_501] : memref<2x80xi32, #tpu.memory_space<vmem>> -> memref<1x80xi32, #tpu.memory_space<vmem>>
      %dma_start3A_503 = tpu.memref_squeeze %dma_start3A_502 : memref<1x80xi32, #tpu.memory_space<vmem>> -> memref<80xi32, #tpu.memory_space<vmem>>
      %dma_start3A_504 = arith.constant 0 : i32
      %dma_start3A_505 = arith.constant 0 : i32
      %dma_start3A_506 = tpu.memref_slice %arg18[%dma_start3A_504, %dma_start3A_505] : memref<10240x64xf32, #tpu.memory_space<vmem_shared>> -> memref<10240x64xf32, #tpu.memory_space<vmem_shared>>
      tpu.enqueue_indirect_dma source(%arg17 : memref<80x64xf32, #tpu.memory_space<vmem>>) target(%dma_start3A_506 : memref<10240x64xf32, #tpu.memory_space<vmem_shared>>) offsets(%dma_start3A_503 : memref<80xi32, #tpu.memory_space<vmem>>) semaphore(%arg34 : memref<!tpu.dma_semaphore, #tpu.memory_space<semaphore_mem>>) {add = true}
      %ge3A_507 = arith.constant 1 : i32
      %ge3A_508 = arith.cmpi sge, %add3A_492, %ge3A_507 : i32
      %convert_element_type3A_509 = arith.extui %ge3A_508 : i1 to i32
      %cond3A_510 = arith.constant 0 : i32
      %cond3A_511 = arith.cmpi ne, %convert_element_type3A_509, %cond3A_510 : i32
      scf.if %cond3A_511 {
        %dma_wait3A_528 = arith.constant 1 : i32
        %dma_wait3A_529 = arith.constant 0 : i32
        %dma_wait3A_530 = tpu.memref_slice %arg12[%dma_wait3A_528, %dma_wait3A_529] : memref<2x80xi32, #tpu.memory_space<vmem>> -> memref<1x80xi32, #tpu.memory_space<vmem>>
        %dma_wait3A_531 = tpu.memref_squeeze %dma_wait3A_530 : memref<1x80xi32, #tpu.memory_space<vmem>> -> memref<80xi32, #tpu.memory_space<vmem>>
        %dma_wait3A_532 = arith.constant 0 : i32
        %dma_wait3A_533 = arith.constant 0 : i32
        %dma_wait3A_534 = tpu.memref_slice %arg18[%dma_wait3A_532, %dma_wait3A_533] : memref<10240x64xf32, #tpu.memory_space<vmem_shared>> -> memref<10240x64xf32, #tpu.memory_space<vmem_shared>>
        tpu.wait_indirect_dma semaphore(%arg33 : memref<!tpu.dma_semaphore, #tpu.memory_space<semaphore_mem>>) src(%arg16 : memref<80x64xf32, #tpu.memory_space<vmem>>) dst(%dma_wait3A_534 : memref<10240x64xf32, #tpu.memory_space<vmem_shared>>)
      } else {
      }
      %add3A_512 = arith.constant 8 : i32
      %add3A_513 = arith.addi %add3A_492, %add3A_512 : i32
      %sub3A_514 = arith.constant 3 : i32
      %sub3A_515 = arith.subi %add3A_513, %sub3A_514 : i32
      %lt3A_516 = arith.constant 125 : i32
      %lt3A_517 = arith.cmpi slt, %sub3A_515, %lt3A_516 : i32
      %convert_element_type3A_518 = arith.extui %lt3A_517 : i1 to i32
      %cond3A_519 = arith.constant 0 : i32
      %cond3A_520 = arith.cmpi ne, %convert_element_type3A_518, %cond3A_519 : i32
      scf.if %cond3A_520 {
        %add3A_528 = arith.constant 8 : i32
        %add3A_529 = arith.addi %add3A_492, %add3A_528 : i32
        %sub3A_530 = arith.constant 3 : i32
        %sub3A_531 = arith.subi %add3A_529, %sub3A_530 : i32
        %mul3A_532 = arith.constant 80 : i32
        %mul3A_533 = arith.muli %sub3A_531, %mul3A_532 : i32
        %add3A_534 = arith.addi %mul3A_2, %mul3A_533 : i32
        %dma_start3A_535 = arith.constant 0 : i32
        %dma_start3A_536 = tpu.memref_slice %arg3[%dma_start3A_535, %add3A_534] : memref<2x320000xi32, #tpu.memory_space<hbm>> -> memref<2x80xi32, #tpu.memory_space<hbm>>
        %dma_start3A_537 = arith.constant 0 : i32
        %dma_start3A_538 = tpu.memref_slice %arg3[%dma_start3A_537, %add3A_534] : memref<2x320000xi32, #tpu.memory_space<hbm>> -> memref<2x80xi32, #tpu.memory_space<hbm>>
        tpu.enqueue_dma source(%dma_start3A_538 : memref<2x80xi32, #tpu.memory_space<hbm>>) target(%arg10 : memref<2x80xi32, #tpu.memory_space<vmem>>) target_semaphore(%arg23 : memref<!tpu.dma_semaphore, #tpu.memory_space<semaphore_mem>>)
      } else {
      }
      %add3A_521 = arith.constant 3 : i32
      %add3A_522 = arith.addi %add3A_492, %add3A_521 : i32
      %lt3A_523 = arith.constant 125 : i32
      %lt3A_524 = arith.cmpi slt, %add3A_522, %lt3A_523 : i32
      %convert_element_type3A_525 = arith.extui %lt3A_524 : i1 to i32
      %cond3A_526 = arith.constant 0 : i32
      %cond3A_527 = arith.cmpi ne, %convert_element_type3A_525, %cond3A_526 : i32
      scf.if %cond3A_527 {
        %add3A_528 = arith.constant 3 : i32
        %add3A_529 = arith.addi %add3A_492, %add3A_528 : i32
        %mul3A_530 = arith.constant 80 : i32
        %mul3A_531 = arith.muli %add3A_529, %mul3A_530 : i32
        %add3A_532 = arith.addi %mul3A_2, %mul3A_531 : i32
        %dma_wait3A_533 = arith.constant 0 : i32
        %dma_wait3A_534 = tpu.memref_slice %arg3[%dma_wait3A_533, %add3A_532] : memref<2x320000xi32, #tpu.memory_space<hbm>> -> memref<2x80xi32, #tpu.memory_space<hbm>>
        %dma_wait3A_535 = arith.constant 0 : i32
        %dma_wait3A_536 = tpu.memref_slice %arg3[%dma_wait3A_535, %add3A_532] : memref<2x320000xi32, #tpu.memory_space<hbm>> -> memref<2x80xi32, #tpu.memory_space<hbm>>
        tpu.wait_dma2 semaphore(%arg21 : memref<!tpu.dma_semaphore, #tpu.memory_space<semaphore_mem>>) src(%dma_wait3A_536 : memref<2x80xi32, #tpu.memory_space<hbm>>) dst(%arg8 : memref<2x80xi32, #tpu.memory_space<vmem>>)
        %dma_start3A_537 = arith.constant 0 : i32
        %dma_start3A_538 = arith.constant 0 : i32
        %dma_start3A_539 = tpu.memref_slice %arg8[%dma_start3A_537, %dma_start3A_538] : memref<2x80xi32, #tpu.memory_space<vmem>> -> memref<1x80xi32, #tpu.memory_space<vmem>>
        %dma_start3A_540 = tpu.memref_squeeze %dma_start3A_539 : memref<1x80xi32, #tpu.memory_space<vmem>> -> memref<80xi32, #tpu.memory_space<vmem>>
        %dma_start3A_541 = arith.constant 0 : i32
        %dma_start3A_542 = arith.constant 0 : i32
        %dma_start3A_543 = tpu.memref_slice %arg2[%dma_start3A_541, %dma_start3A_542] : memref<10000x64xf32, #tpu.memory_space<hbm>> -> memref<10000x64xf32, #tpu.memory_space<hbm>>
        tpu.enqueue_indirect_dma source(%dma_start3A_543 : memref<10000x64xf32, #tpu.memory_space<hbm>>) target(%arg16 : memref<80x64xf32, #tpu.memory_space<vmem>>) offsets(%dma_start3A_540 : memref<80xi32, #tpu.memory_space<vmem>>) semaphore(%arg29 : memref<!tpu.dma_semaphore, #tpu.memory_space<semaphore_mem>>)
      } else {
      }
    }
    %scan3A_76 = arith.constant 15 : i32
    %dma_wait3A_77 = arith.constant 0 : i32
    %dma_wait3A_78 = arith.constant 0 : i32
    %dma_wait3A_79 = tpu.memref_slice %arg6[%dma_wait3A_77, %dma_wait3A_78] : memref<2x80xi32, #tpu.memory_space<vmem>> -> memref<1x80xi32, #tpu.memory_space<vmem>>
    %dma_wait3A_80 = tpu.memref_squeeze %dma_wait3A_79 : memref<1x80xi32, #tpu.memory_space<vmem>> -> memref<80xi32, #tpu.memory_space<vmem>>
    %dma_wait3A_81 = arith.constant 0 : i32
    %dma_wait3A_82 = arith.constant 0 : i32
    %dma_wait3A_83 = tpu.memref_slice %arg2[%dma_wait3A_81, %dma_wait3A_82] : memref<10000x64xf32, #tpu.memory_space<hbm>> -> memref<10000x64xf32, #tpu.memory_space<hbm>>
    tpu.wait_indirect_dma semaphore(%arg27 : memref<!tpu.dma_semaphore, #tpu.memory_space<semaphore_mem>>) src(%dma_wait3A_83 : memref<10000x64xf32, #tpu.memory_space<hbm>>) dst(%arg14 : memref<80x64xf32, #tpu.memory_space<vmem>>)
    %dma_start3A_84 = arith.constant 1 : i32
    %dma_start3A_85 = arith.constant 0 : i32
    %dma_start3A_86 = tpu.memref_slice %arg6[%dma_start3A_84, %dma_start3A_85] : memref<2x80xi32, #tpu.memory_space<vmem>> -> memref<1x80xi32, #tpu.memory_space<vmem>>
    %dma_start3A_87 = tpu.memref_squeeze %dma_start3A_86 : memref<1x80xi32, #tpu.memory_space<vmem>> -> memref<80xi32, #tpu.memory_space<vmem>>
    %dma_start3A_88 = arith.constant 0 : i32
    %dma_start3A_89 = arith.constant 0 : i32
    %dma_start3A_90 = tpu.memref_slice %arg18[%dma_start3A_88, %dma_start3A_89] : memref<10240x64xf32, #tpu.memory_space<vmem_shared>> -> memref<10240x64xf32, #tpu.memory_space<vmem_shared>>
    tpu.enqueue_indirect_dma source(%arg14 : memref<80x64xf32, #tpu.memory_space<vmem>>) target(%dma_start3A_90 : memref<10240x64xf32, #tpu.memory_space<vmem_shared>>) offsets(%dma_start3A_87 : memref<80xi32, #tpu.memory_space<vmem>>) semaphore(%arg31 : memref<!tpu.dma_semaphore, #tpu.memory_space<semaphore_mem>>) {add = true}
    %dma_wait3A_91 = arith.constant 1 : i32
    %dma_wait3A_92 = arith.constant 0 : i32
    %dma_wait3A_93 = tpu.memref_slice %arg13[%dma_wait3A_91, %dma_wait3A_92] : memref<2x80xi32, #tpu.memory_space<vmem>> -> memref<1x80xi32, #tpu.memory_space<vmem>>
    %dma_wait3A_94 = tpu.memref_squeeze %dma_wait3A_93 : memref<1x80xi32, #tpu.memory_space<vmem>> -> memref<80xi32, #tpu.memory_space<vmem>>
    %dma_wait3A_95 = arith.constant 0 : i32
    %dma_wait3A_96 = arith.constant 0 : i32
    %dma_wait3A_97 = tpu.memref_slice %arg18[%dma_wait3A_95, %dma_wait3A_96] : memref<10240x64xf32, #tpu.memory_space<vmem_shared>> -> memref<10240x64xf32, #tpu.memory_space<vmem_shared>>
    tpu.wait_indirect_dma semaphore(%arg34 : memref<!tpu.dma_semaphore, #tpu.memory_space<semaphore_mem>>) src(%arg17 : memref<80x64xf32, #tpu.memory_space<vmem>>) dst(%dma_wait3A_97 : memref<10240x64xf32, #tpu.memory_space<vmem_shared>>)
    %add3A_98 = arith.constant 9840 : i32
    %add3A_99 = arith.addi %mul3A_2, %add3A_98 : i32
    %dma_wait3A_100 = arith.constant 0 : i32
    %dma_wait3A_101 = tpu.memref_slice %arg3[%dma_wait3A_100, %add3A_99] : memref<2x320000xi32, #tpu.memory_space<hbm>> -> memref<2x80xi32, #tpu.memory_space<hbm>>
    %dma_wait3A_102 = arith.constant 0 : i32
    %dma_wait3A_103 = tpu.memref_slice %arg3[%dma_wait3A_102, %add3A_99] : memref<2x320000xi32, #tpu.memory_space<hbm>> -> memref<2x80xi32, #tpu.memory_space<hbm>>
    tpu.wait_dma2 semaphore(%arg22 : memref<!tpu.dma_semaphore, #tpu.memory_space<semaphore_mem>>) src(%dma_wait3A_103 : memref<2x80xi32, #tpu.memory_space<hbm>>) dst(%arg9 : memref<2x80xi32, #tpu.memory_space<vmem>>)
    %dma_start3A_104 = arith.constant 0 : i32
    %dma_start3A_105 = arith.constant 0 : i32
    %dma_start3A_106 = tpu.memref_slice %arg9[%dma_start3A_104, %dma_start3A_105] : memref<2x80xi32, #tpu.memory_space<vmem>> -> memref<1x80xi32, #tpu.memory_space<vmem>>
    %dma_start3A_107 = tpu.memref_squeeze %dma_start3A_106 : memref<1x80xi32, #tpu.memory_space<vmem>> -> memref<80xi32, #tpu.memory_space<vmem>>
    %dma_start3A_108 = arith.constant 0 : i32
    %dma_start3A_109 = arith.constant 0 : i32
    %dma_start3A_110 = tpu.memref_slice %arg2[%dma_start3A_108, %dma_start3A_109] : memref<10000x64xf32, #tpu.memory_space<hbm>> -> memref<10000x64xf32, #tpu.memory_space<hbm>>
    tpu.enqueue_indirect_dma source(%dma_start3A_110 : memref<10000x64xf32, #tpu.memory_space<hbm>>) target(%arg17 : memref<80x64xf32, #tpu.memory_space<vmem>>) offsets(%dma_start3A_107 : memref<80xi32, #tpu.memory_space<vmem>>) semaphore(%arg30 : memref<!tpu.dma_semaphore, #tpu.memory_space<semaphore_mem>>)
    %dma_wait3A_111 = arith.constant 0 : i32
    %dma_wait3A_112 = arith.constant 0 : i32
    %dma_wait3A_113 = tpu.memref_slice %arg7[%dma_wait3A_111, %dma_wait3A_112] : memref<2x80xi32, #tpu.memory_space<vmem>> -> memref<1x80xi32, #tpu.memory_space<vmem>>
    %dma_wait3A_114 = tpu.memref_squeeze %dma_wait3A_113 : memref<1x80xi32, #tpu.memory_space<vmem>> -> memref<80xi32, #tpu.memory_space<vmem>>
    %dma_wait3A_115 = arith.constant 0 : i32
    %dma_wait3A_116 = arith.constant 0 : i32
    %dma_wait3A_117 = tpu.memref_slice %arg2[%dma_wait3A_115, %dma_wait3A_116] : memref<10000x64xf32, #tpu.memory_space<hbm>> -> memref<10000x64xf32, #tpu.memory_space<hbm>>
    tpu.wait_indirect_dma semaphore(%arg28 : memref<!tpu.dma_semaphore, #tpu.memory_space<semaphore_mem>>) src(%dma_wait3A_117 : memref<10000x64xf32, #tpu.memory_space<hbm>>) dst(%arg15 : memref<80x64xf32, #tpu.memory_space<vmem>>)
    %dma_start3A_118 = arith.constant 1 : i32
    %dma_start3A_119 = arith.constant 0 : i32
    %dma_start3A_120 = tpu.memref_slice %arg7[%dma_start3A_118, %dma_start3A_119] : memref<2x80xi32, #tpu.memory_space<vmem>> -> memref<1x80xi32, #tpu.memory_space<vmem>>
    %dma_start3A_121 = tpu.memref_squeeze %dma_start3A_120 : memref<1x80xi32, #tpu.memory_space<vmem>> -> memref<80xi32, #tpu.memory_space<vmem>>
    %dma_start3A_122 = arith.constant 0 : i32
    %dma_start3A_123 = arith.constant 0 : i32
    %dma_start3A_124 = tpu.memref_slice %arg18[%dma_start3A_122, %dma_start3A_123] : memref<10240x64xf32, #tpu.memory_space<vmem_shared>> -> memref<10240x64xf32, #tpu.memory_space<vmem_shared>>
    tpu.enqueue_indirect_dma source(%arg15 : memref<80x64xf32, #tpu.memory_space<vmem>>) target(%dma_start3A_124 : memref<10240x64xf32, #tpu.memory_space<vmem_shared>>) offsets(%dma_start3A_121 : memref<80xi32, #tpu.memory_space<vmem>>) semaphore(%arg32 : memref<!tpu.dma_semaphore, #tpu.memory_space<semaphore_mem>>) {add = true}
    %dma_wait3A_125 = arith.constant 1 : i32
    %dma_wait3A_126 = arith.constant 0 : i32
    %dma_wait3A_127 = tpu.memref_slice %arg6[%dma_wait3A_125, %dma_wait3A_126] : memref<2x80xi32, #tpu.memory_space<vmem>> -> memref<1x80xi32, #tpu.memory_space<vmem>>
    %dma_wait3A_128 = tpu.memref_squeeze %dma_wait3A_127 : memref<1x80xi32, #tpu.memory_space<vmem>> -> memref<80xi32, #tpu.memory_space<vmem>>
    %dma_wait3A_129 = arith.constant 0 : i32
    %dma_wait3A_130 = arith.constant 0 : i32
    %dma_wait3A_131 = tpu.memref_slice %arg18[%dma_wait3A_129, %dma_wait3A_130] : memref<10240x64xf32, #tpu.memory_space<vmem_shared>> -> memref<10240x64xf32, #tpu.memory_space<vmem_shared>>
    tpu.wait_indirect_dma semaphore(%arg31 : memref<!tpu.dma_semaphore, #tpu.memory_space<semaphore_mem>>) src(%arg14 : memref<80x64xf32, #tpu.memory_space<vmem>>) dst(%dma_wait3A_131 : memref<10240x64xf32, #tpu.memory_space<vmem_shared>>)
    %add3A_132 = arith.constant 9920 : i32
    %add3A_133 = arith.addi %mul3A_2, %add3A_132 : i32
    %dma_wait3A_134 = arith.constant 0 : i32
    %dma_wait3A_135 = tpu.memref_slice %arg3[%dma_wait3A_134, %add3A_133] : memref<2x320000xi32, #tpu.memory_space<hbm>> -> memref<2x80xi32, #tpu.memory_space<hbm>>
    %dma_wait3A_136 = arith.constant 0 : i32
    %dma_wait3A_137 = tpu.memref_slice %arg3[%dma_wait3A_136, %add3A_133] : memref<2x320000xi32, #tpu.memory_space<hbm>> -> memref<2x80xi32, #tpu.memory_space<hbm>>
    tpu.wait_dma2 semaphore(%arg23 : memref<!tpu.dma_semaphore, #tpu.memory_space<semaphore_mem>>) src(%dma_wait3A_137 : memref<2x80xi32, #tpu.memory_space<hbm>>) dst(%arg10 : memref<2x80xi32, #tpu.memory_space<vmem>>)
    %dma_start3A_138 = arith.constant 0 : i32
    %dma_start3A_139 = arith.constant 0 : i32
    %dma_start3A_140 = tpu.memref_slice %arg10[%dma_start3A_138, %dma_start3A_139] : memref<2x80xi32, #tpu.memory_space<vmem>> -> memref<1x80xi32, #tpu.memory_space<vmem>>
    %dma_start3A_141 = tpu.memref_squeeze %dma_start3A_140 : memref<1x80xi32, #tpu.memory_space<vmem>> -> memref<80xi32, #tpu.memory_space<vmem>>
    %dma_start3A_142 = arith.constant 0 : i32
    %dma_start3A_143 = arith.constant 0 : i32
    %dma_start3A_144 = tpu.memref_slice %arg2[%dma_start3A_142, %dma_start3A_143] : memref<10000x64xf32, #tpu.memory_space<hbm>> -> memref<10000x64xf32, #tpu.memory_space<hbm>>
    tpu.enqueue_indirect_dma source(%dma_start3A_144 : memref<10000x64xf32, #tpu.memory_space<hbm>>) target(%arg14 : memref<80x64xf32, #tpu.memory_space<vmem>>) offsets(%dma_start3A_141 : memref<80xi32, #tpu.memory_space<vmem>>) semaphore(%arg27 : memref<!tpu.dma_semaphore, #tpu.memory_space<semaphore_mem>>)
    %dma_wait3A_145 = arith.constant 0 : i32
    %dma_wait3A_146 = arith.constant 0 : i32
    %dma_wait3A_147 = tpu.memref_slice %arg8[%dma_wait3A_145, %dma_wait3A_146] : memref<2x80xi32, #tpu.memory_space<vmem>> -> memref<1x80xi32, #tpu.memory_space<vmem>>
    %dma_wait3A_148 = tpu.memref_squeeze %dma_wait3A_147 : memref<1x80xi32, #tpu.memory_space<vmem>> -> memref<80xi32, #tpu.memory_space<vmem>>
    %dma_wait3A_149 = arith.constant 0 : i32
    %dma_wait3A_150 = arith.constant 0 : i32
    %dma_wait3A_151 = tpu.memref_slice %arg2[%dma_wait3A_149, %dma_wait3A_150] : memref<10000x64xf32, #tpu.memory_space<hbm>> -> memref<10000x64xf32, #tpu.memory_space<hbm>>
    tpu.wait_indirect_dma semaphore(%arg29 : memref<!tpu.dma_semaphore, #tpu.memory_space<semaphore_mem>>) src(%dma_wait3A_151 : memref<10000x64xf32, #tpu.memory_space<hbm>>) dst(%arg16 : memref<80x64xf32, #tpu.memory_space<vmem>>)
    %dma_start3A_152 = arith.constant 1 : i32
    %dma_start3A_153 = arith.constant 0 : i32
    %dma_start3A_154 = tpu.memref_slice %arg8[%dma_start3A_152, %dma_start3A_153] : memref<2x80xi32, #tpu.memory_space<vmem>> -> memref<1x80xi32, #tpu.memory_space<vmem>>
    %dma_start3A_155 = tpu.memref_squeeze %dma_start3A_154 : memref<1x80xi32, #tpu.memory_space<vmem>> -> memref<80xi32, #tpu.memory_space<vmem>>
    %dma_start3A_156 = arith.constant 0 : i32
    %dma_start3A_157 = arith.constant 0 : i32
    %dma_start3A_158 = tpu.memref_slice %arg18[%dma_start3A_156, %dma_start3A_157] : memref<10240x64xf32, #tpu.memory_space<vmem_shared>> -> memref<10240x64xf32, #tpu.memory_space<vmem_shared>>
    tpu.enqueue_indirect_dma source(%arg16 : memref<80x64xf32, #tpu.memory_space<vmem>>) target(%dma_start3A_158 : memref<10240x64xf32, #tpu.memory_space<vmem_shared>>) offsets(%dma_start3A_155 : memref<80xi32, #tpu.memory_space<vmem>>) semaphore(%arg33 : memref<!tpu.dma_semaphore, #tpu.memory_space<semaphore_mem>>) {add = true}
    %dma_wait3A_159 = arith.constant 1 : i32
    %dma_wait3A_160 = arith.constant 0 : i32
    %dma_wait3A_161 = tpu.memref_slice %arg7[%dma_wait3A_159, %dma_wait3A_160] : memref<2x80xi32, #tpu.memory_space<vmem>> -> memref<1x80xi32, #tpu.memory_space<vmem>>
    %dma_wait3A_162 = tpu.memref_squeeze %dma_wait3A_161 : memref<1x80xi32, #tpu.memory_space<vmem>> -> memref<80xi32, #tpu.memory_space<vmem>>
    %dma_wait3A_163 = arith.constant 0 : i32
    %dma_wait3A_164 = arith.constant 0 : i32
    %dma_wait3A_165 = tpu.memref_slice %arg18[%dma_wait3A_163, %dma_wait3A_164] : memref<10240x64xf32, #tpu.memory_space<vmem_shared>> -> memref<10240x64xf32, #tpu.memory_space<vmem_shared>>
    tpu.wait_indirect_dma semaphore(%arg32 : memref<!tpu.dma_semaphore, #tpu.memory_space<semaphore_mem>>) src(%arg15 : memref<80x64xf32, #tpu.memory_space<vmem>>) dst(%dma_wait3A_165 : memref<10240x64xf32, #tpu.memory_space<vmem_shared>>)
    %dma_wait3A_166 = arith.constant 0 : i32
    %dma_wait3A_167 = arith.constant 0 : i32
    %dma_wait3A_168 = tpu.memref_slice %arg9[%dma_wait3A_166, %dma_wait3A_167] : memref<2x80xi32, #tpu.memory_space<vmem>> -> memref<1x80xi32, #tpu.memory_space<vmem>>
    %dma_wait3A_169 = tpu.memref_squeeze %dma_wait3A_168 : memref<1x80xi32, #tpu.memory_space<vmem>> -> memref<80xi32, #tpu.memory_space<vmem>>
    %dma_wait3A_170 = arith.constant 0 : i32
    %dma_wait3A_171 = arith.constant 0 : i32
    %dma_wait3A_172 = tpu.memref_slice %arg2[%dma_wait3A_170, %dma_wait3A_171] : memref<10000x64xf32, #tpu.memory_space<hbm>> -> memref<10000x64xf32, #tpu.memory_space<hbm>>
    tpu.wait_indirect_dma semaphore(%arg30 : memref<!tpu.dma_semaphore, #tpu.memory_space<semaphore_mem>>) src(%dma_wait3A_172 : memref<10000x64xf32, #tpu.memory_space<hbm>>) dst(%arg17 : memref<80x64xf32, #tpu.memory_space<vmem>>)
    %dma_start3A_173 = arith.constant 1 : i32
    %dma_start3A_174 = arith.constant 0 : i32
    %dma_start3A_175 = tpu.memref_slice %arg9[%dma_start3A_173, %dma_start3A_174] : memref<2x80xi32, #tpu.memory_space<vmem>> -> memref<1x80xi32, #tpu.memory_space<vmem>>
    %dma_start3A_176 = tpu.memref_squeeze %dma_start3A_175 : memref<1x80xi32, #tpu.memory_space<vmem>> -> memref<80xi32, #tpu.memory_space<vmem>>
    %dma_start3A_177 = arith.constant 0 : i32
    %dma_start3A_178 = arith.constant 0 : i32
    %dma_start3A_179 = tpu.memref_slice %arg18[%dma_start3A_177, %dma_start3A_178] : memref<10240x64xf32, #tpu.memory_space<vmem_shared>> -> memref<10240x64xf32, #tpu.memory_space<vmem_shared>>
    tpu.enqueue_indirect_dma source(%arg17 : memref<80x64xf32, #tpu.memory_space<vmem>>) target(%dma_start3A_179 : memref<10240x64xf32, #tpu.memory_space<vmem_shared>>) offsets(%dma_start3A_176 : memref<80xi32, #tpu.memory_space<vmem>>) semaphore(%arg34 : memref<!tpu.dma_semaphore, #tpu.memory_space<semaphore_mem>>) {add = true}
    %dma_wait3A_180 = arith.constant 1 : i32
    %dma_wait3A_181 = arith.constant 0 : i32
    %dma_wait3A_182 = tpu.memref_slice %arg8[%dma_wait3A_180, %dma_wait3A_181] : memref<2x80xi32, #tpu.memory_space<vmem>> -> memref<1x80xi32, #tpu.memory_space<vmem>>
    %dma_wait3A_183 = tpu.memref_squeeze %dma_wait3A_182 : memref<1x80xi32, #tpu.memory_space<vmem>> -> memref<80xi32, #tpu.memory_space<vmem>>
    %dma_wait3A_184 = arith.constant 0 : i32
    %dma_wait3A_185 = arith.constant 0 : i32
    %dma_wait3A_186 = tpu.memref_slice %arg18[%dma_wait3A_184, %dma_wait3A_185] : memref<10240x64xf32, #tpu.memory_space<vmem_shared>> -> memref<10240x64xf32, #tpu.memory_space<vmem_shared>>
    tpu.wait_indirect_dma semaphore(%arg33 : memref<!tpu.dma_semaphore, #tpu.memory_space<semaphore_mem>>) src(%arg16 : memref<80x64xf32, #tpu.memory_space<vmem>>) dst(%dma_wait3A_186 : memref<10240x64xf32, #tpu.memory_space<vmem_shared>>)
    %dma_wait3A_187 = arith.constant 0 : i32
    %dma_wait3A_188 = arith.constant 0 : i32
    %dma_wait3A_189 = tpu.memref_slice %arg10[%dma_wait3A_187, %dma_wait3A_188] : memref<2x80xi32, #tpu.memory_space<vmem>> -> memref<1x80xi32, #tpu.memory_space<vmem>>
    %dma_wait3A_190 = tpu.memref_squeeze %dma_wait3A_189 : memref<1x80xi32, #tpu.memory_space<vmem>> -> memref<80xi32, #tpu.memory_space<vmem>>
    %dma_wait3A_191 = arith.constant 0 : i32
    %dma_wait3A_192 = arith.constant 0 : i32
    %dma_wait3A_193 = tpu.memref_slice %arg2[%dma_wait3A_191, %dma_wait3A_192] : memref<10000x64xf32, #tpu.memory_space<hbm>> -> memref<10000x64xf32, #tpu.memory_space<hbm>>
    tpu.wait_indirect_dma semaphore(%arg27 : memref<!tpu.dma_semaphore, #tpu.memory_space<semaphore_mem>>) src(%dma_wait3A_193 : memref<10000x64xf32, #tpu.memory_space<hbm>>) dst(%arg14 : memref<80x64xf32, #tpu.memory_space<vmem>>)
    %dma_start3A_194 = arith.constant 1 : i32
    %dma_start3A_195 = arith.constant 0 : i32
    %dma_start3A_196 = tpu.memref_slice %arg10[%dma_start3A_194, %dma_start3A_195] : memref<2x80xi32, #tpu.memory_space<vmem>> -> memref<1x80xi32, #tpu.memory_space<vmem>>
    %dma_start3A_197 = tpu.memref_squeeze %dma_start3A_196 : memref<1x80xi32, #tpu.memory_space<vmem>> -> memref<80xi32, #tpu.memory_space<vmem>>
    %dma_start3A_198 = arith.constant 0 : i32
    %dma_start3A_199 = arith.constant 0 : i32
    %dma_start3A_200 = tpu.memref_slice %arg18[%dma_start3A_198, %dma_start3A_199] : memref<10240x64xf32, #tpu.memory_space<vmem_shared>> -> memref<10240x64xf32, #tpu.memory_space<vmem_shared>>
    tpu.enqueue_indirect_dma source(%arg14 : memref<80x64xf32, #tpu.memory_space<vmem>>) target(%dma_start3A_200 : memref<10240x64xf32, #tpu.memory_space<vmem_shared>>) offsets(%dma_start3A_197 : memref<80xi32, #tpu.memory_space<vmem>>) semaphore(%arg31 : memref<!tpu.dma_semaphore, #tpu.memory_space<semaphore_mem>>) {add = true}
    %dma_wait3A_201 = arith.constant 1 : i32
    %dma_wait3A_202 = arith.constant 0 : i32
    %dma_wait3A_203 = tpu.memref_slice %arg9[%dma_wait3A_201, %dma_wait3A_202] : memref<2x80xi32, #tpu.memory_space<vmem>> -> memref<1x80xi32, #tpu.memory_space<vmem>>
    %dma_wait3A_204 = tpu.memref_squeeze %dma_wait3A_203 : memref<1x80xi32, #tpu.memory_space<vmem>> -> memref<80xi32, #tpu.memory_space<vmem>>
    %dma_wait3A_205 = arith.constant 0 : i32
    %dma_wait3A_206 = arith.constant 0 : i32
    %dma_wait3A_207 = tpu.memref_slice %arg18[%dma_wait3A_205, %dma_wait3A_206] : memref<10240x64xf32, #tpu.memory_space<vmem_shared>> -> memref<10240x64xf32, #tpu.memory_space<vmem_shared>>
    tpu.wait_indirect_dma semaphore(%arg34 : memref<!tpu.dma_semaphore, #tpu.memory_space<semaphore_mem>>) src(%arg17 : memref<80x64xf32, #tpu.memory_space<vmem>>) dst(%dma_wait3A_207 : memref<10240x64xf32, #tpu.memory_space<vmem_shared>>)
    %dma_wait3A_208 = arith.constant 1 : i32
    %dma_wait3A_209 = arith.constant 0 : i32
    %dma_wait3A_210 = tpu.memref_slice %arg10[%dma_wait3A_208, %dma_wait3A_209] : memref<2x80xi32, #tpu.memory_space<vmem>> -> memref<1x80xi32, #tpu.memory_space<vmem>>
    %dma_wait3A_211 = tpu.memref_squeeze %dma_wait3A_210 : memref<1x80xi32, #tpu.memory_space<vmem>> -> memref<80xi32, #tpu.memory_space<vmem>>
    %dma_wait3A_212 = arith.constant 0 : i32
    %dma_wait3A_213 = arith.constant 0 : i32
    %dma_wait3A_214 = tpu.memref_slice %arg18[%dma_wait3A_212, %dma_wait3A_213] : memref<10240x64xf32, #tpu.memory_space<vmem_shared>> -> memref<10240x64xf32, #tpu.memory_space<vmem_shared>>
    tpu.wait_indirect_dma semaphore(%arg31 : memref<!tpu.dma_semaphore, #tpu.memory_space<semaphore_mem>>) src(%arg14 : memref<80x64xf32, #tpu.memory_space<vmem>>) dst(%dma_wait3A_214 : memref<10240x64xf32, #tpu.memory_space<vmem_shared>>)
    %barrier3A_215 = arith.constant 0 : index
    tpu.barrier barrier_id(%barrier3A_215)
    %mul3A_216 = arith.constant 640 : i32
    %mul3A_217 = arith.muli %arg1, %mul3A_216 : i32
    %mul3A_218 = arith.constant 640 : i32
    %mul3A_219 = arith.muli %arg1, %mul3A_218 : i32
    "tpu.region"() ({
      %run_scoped3A = tpu.sem_alloc : memref<!tpu.dma_semaphore, #tpu.memory_space<semaphore_mem>>
      %dma_start3A_220 = arith.constant 0 : i32
      %dma_start3A_221 = tpu.memref_slice %arg5[%arg0, %mul3A_219, %dma_start3A_220] : memref<2x10240x64xf32, #tpu.memory_space<hbm>> -> memref<1x640x64xf32, #tpu.memory_space<hbm>>
      %dma_start3A_222 = tpu.memref_squeeze %dma_start3A_221 : memref<1x640x64xf32, #tpu.memory_space<hbm>> -> memref<640x64xf32, #tpu.memory_space<hbm>>
      %dma_start3A_223 = arith.constant 0 : i32
      %dma_start3A_224 = tpu.memref_slice %arg18[%mul3A_217, %dma_start3A_223] : memref<10240x64xf32, #tpu.memory_space<vmem_shared>> -> memref<640x64xf32, #tpu.memory_space<vmem_shared>>
      tpu.enqueue_dma source(%dma_start3A_224 : memref<640x64xf32, #tpu.memory_space<vmem_shared>>) target(%dma_start3A_222 : memref<640x64xf32, #tpu.memory_space<hbm>>) target_semaphore(%run_scoped3A : memref<!tpu.dma_semaphore, #tpu.memory_space<semaphore_mem>>)
      %dma_wait3A_225 = arith.constant 0 : i32
      %dma_wait3A_226 = tpu.memref_slice %arg5[%arg0, %mul3A_219, %dma_wait3A_225] : memref<2x10240x64xf32, #tpu.memory_space<hbm>> -> memref<1x640x64xf32, #tpu.memory_space<hbm>>
      %dma_wait3A_227 = tpu.memref_squeeze %dma_wait3A_226 : memref<1x640x64xf32, #tpu.memory_space<hbm>> -> memref<640x64xf32, #tpu.memory_space<hbm>>
      %dma_wait3A_228 = arith.constant 0 : i32
      %dma_wait3A_229 = tpu.memref_slice %arg18[%mul3A_217, %dma_wait3A_228] : memref<10240x64xf32, #tpu.memory_space<vmem_shared>> -> memref<640x64xf32, #tpu.memory_space<vmem_shared>>
      tpu.wait_dma2 semaphore(%run_scoped3A : memref<!tpu.dma_semaphore, #tpu.memory_space<semaphore_mem>>) src(%dma_wait3A_229 : memref<640x64xf32, #tpu.memory_space<vmem_shared>>) dst(%dma_wait3A_227 : memref<640x64xf32, #tpu.memory_space<hbm>>)
      tpu.yield
    }) : () -> ()
    return
  }
}

#map = affine_map<(d0, d1) -> (0, 0)>
#map1 = affine_map<(d0, d1) -> (0, 0, 0)>
module attributes {stable_mosaic.version = 14 : i64} {
  func.func @edge_kernel(%arg0: i32, %arg1: i32, %arg2: memref<10000x128xf32, #tpu.memory_space<hbm>>, %arg3: memref<2x320000xi32, #tpu.memory_space<hbm>>, %arg4: memref<640x128xf32, #tpu.memory_space<hbm>>, %arg5: memref<2x10240x128xf32, #tpu.memory_space<hbm>>, %arg6: memref<2x80xi32, #tpu.memory_space<vmem>>, %arg7: memref<2x80xi32, #tpu.memory_space<vmem>>, %arg8: memref<2x80xi32, #tpu.memory_space<vmem>>, %arg9: memref<2x80xi32, #tpu.memory_space<vmem>>, %arg10: memref<2x80xi32, #tpu.memory_space<vmem>>, %arg11: memref<2x80xi32, #tpu.memory_space<vmem>>, %arg12: memref<2x80xi32, #tpu.memory_space<vmem>>, %arg13: memref<2x80xi32, #tpu.memory_space<vmem>>, %arg14: memref<80x128xf32, #tpu.memory_space<vmem>>, %arg15: memref<80x128xf32, #tpu.memory_space<vmem>>, %arg16: memref<80x128xf32, #tpu.memory_space<vmem>>, %arg17: memref<80x128xf32, #tpu.memory_space<vmem>>, %arg18: memref<10240x128xf32, #tpu.memory_space<vmem_shared>>, %arg19: memref<!tpu.dma_semaphore, #tpu.memory_space<semaphore_mem>>, %arg20: memref<!tpu.dma_semaphore, #tpu.memory_space<semaphore_mem>>, %arg21: memref<!tpu.dma_semaphore, #tpu.memory_space<semaphore_mem>>, %arg22: memref<!tpu.dma_semaphore, #tpu.memory_space<semaphore_mem>>, %arg23: memref<!tpu.dma_semaphore, #tpu.memory_space<semaphore_mem>>, %arg24: memref<!tpu.dma_semaphore, #tpu.memory_space<semaphore_mem>>, %arg25: memref<!tpu.dma_semaphore, #tpu.memory_space<semaphore_mem>>, %arg26: memref<!tpu.dma_semaphore, #tpu.memory_space<semaphore_mem>>, %arg27: memref<!tpu.dma_semaphore, #tpu.memory_space<semaphore_mem>>, %arg28: memref<!tpu.dma_semaphore, #tpu.memory_space<semaphore_mem>>, %arg29: memref<!tpu.dma_semaphore, #tpu.memory_space<semaphore_mem>>, %arg30: memref<!tpu.dma_semaphore, #tpu.memory_space<semaphore_mem>>, %arg31: memref<!tpu.dma_semaphore, #tpu.memory_space<semaphore_mem>>, %arg32: memref<!tpu.dma_semaphore, #tpu.memory_space<semaphore_mem>>, %arg33: memref<!tpu.dma_semaphore, #tpu.memory_space<semaphore_mem>>, %arg34: memref<!tpu.dma_semaphore, #tpu.memory_space<semaphore_mem>>) attributes {dimension_semantics = [#tpu.dimension_semantics<core_parallel>, #tpu.dimension_semantics<subcore_parallel>], iteration_bounds = array<i64: 2, 16>, scalar_prefetch = 0 : i64, scratch_operands = 29 : i64, tpu.core_type = #tpu.core_type<sc_vector_subcore>, window_params = [{transform_indices = #map}, {transform_indices = #map}, {transform_indices = #map}, {transform_indices = #map1}]} {
    %mul3A = arith.constant 16 : i32
    %mul3A_0 = arith.muli %arg0, %mul3A : i32
    %add3A = arith.addi %mul3A_0, %arg1 : i32
    %mul3A_1 = arith.constant 10000 : i32
    %mul3A_2 = arith.muli %add3A, %mul3A_1 : i32
    %mul3A_3 = arith.constant 640 : i32
    %mul3A_4 = arith.muli %arg1, %mul3A_3 : i32
    "tpu.region"() ({
      %run_scoped3A = tpu.sem_alloc : memref<!tpu.dma_semaphore, #tpu.memory_space<semaphore_mem>>
      %dma_start3A_220 = arith.constant 0 : i32
      %dma_start3A_221 = tpu.memref_slice %arg18[%mul3A_4, %dma_start3A_220] : memref<10240x128xf32, #tpu.memory_space<vmem_shared>> -> memref<640x128xf32, #tpu.memory_space<vmem_shared>>
      tpu.enqueue_dma source(%arg4 : memref<640x128xf32, #tpu.memory_space<hbm>>) target(%dma_start3A_221 : memref<640x128xf32, #tpu.memory_space<vmem_shared>>) target_semaphore(%run_scoped3A : memref<!tpu.dma_semaphore, #tpu.memory_space<semaphore_mem>>)
      %dma_wait3A_222 = arith.constant 0 : i32
      %dma_wait3A_223 = tpu.memref_slice %arg18[%mul3A_4, %dma_wait3A_222] : memref<10240x128xf32, #tpu.memory_space<vmem_shared>> -> memref<640x128xf32, #tpu.memory_space<vmem_shared>>
      tpu.wait_dma2 semaphore(%run_scoped3A : memref<!tpu.dma_semaphore, #tpu.memory_space<semaphore_mem>>) src(%arg4 : memref<640x128xf32, #tpu.memory_space<hbm>>) dst(%dma_wait3A_223 : memref<640x128xf32, #tpu.memory_space<vmem_shared>>)
      tpu.yield
    }) : () -> ()
    %barrier3A = arith.constant 0 : index
    tpu.barrier barrier_id(%barrier3A)
    %add3A_5 = arith.constant 0 : i32
    %add3A_6 = arith.addi %mul3A_2, %add3A_5 : i32
    %dma_start3A = arith.constant 0 : i32
    %dma_start3A_7 = tpu.memref_slice %arg3[%dma_start3A, %add3A_6] : memref<2x320000xi32, #tpu.memory_space<hbm>> -> memref<2x80xi32, #tpu.memory_space<hbm>>
    %dma_start3A_8 = arith.constant 0 : i32
    %dma_start3A_9 = tpu.memref_slice %arg3[%dma_start3A_8, %add3A_6] : memref<2x320000xi32, #tpu.memory_space<hbm>> -> memref<2x80xi32, #tpu.memory_space<hbm>>
    tpu.enqueue_dma source(%dma_start3A_9 : memref<2x80xi32, #tpu.memory_space<hbm>>) target(%arg6 : memref<2x80xi32, #tpu.memory_space<vmem>>) target_semaphore(%arg19 : memref<!tpu.dma_semaphore, #tpu.memory_space<semaphore_mem>>)
    %add3A_10 = arith.constant 80 : i32
    %add3A_11 = arith.addi %mul3A_2, %add3A_10 : i32
    %dma_start3A_12 = arith.constant 0 : i32
    %dma_start3A_13 = tpu.memref_slice %arg3[%dma_start3A_12, %add3A_11] : memref<2x320000xi32, #tpu.memory_space<hbm>> -> memref<2x80xi32, #tpu.memory_space<hbm>>
    %dma_start3A_14 = arith.constant 0 : i32
    %dma_start3A_15 = tpu.memref_slice %arg3[%dma_start3A_14, %add3A_11] : memref<2x320000xi32, #tpu.memory_space<hbm>> -> memref<2x80xi32, #tpu.memory_space<hbm>>
    tpu.enqueue_dma source(%dma_start3A_15 : memref<2x80xi32, #tpu.memory_space<hbm>>) target(%arg7 : memref<2x80xi32, #tpu.memory_space<vmem>>) target_semaphore(%arg20 : memref<!tpu.dma_semaphore, #tpu.memory_space<semaphore_mem>>)
    %add3A_16 = arith.constant 160 : i32
    %add3A_17 = arith.addi %mul3A_2, %add3A_16 : i32
    %dma_start3A_18 = arith.constant 0 : i32
    %dma_start3A_19 = tpu.memref_slice %arg3[%dma_start3A_18, %add3A_17] : memref<2x320000xi32, #tpu.memory_space<hbm>> -> memref<2x80xi32, #tpu.memory_space<hbm>>
    %dma_start3A_20 = arith.constant 0 : i32
    %dma_start3A_21 = tpu.memref_slice %arg3[%dma_start3A_20, %add3A_17] : memref<2x320000xi32, #tpu.memory_space<hbm>> -> memref<2x80xi32, #tpu.memory_space<hbm>>
    tpu.enqueue_dma source(%dma_start3A_21 : memref<2x80xi32, #tpu.memory_space<hbm>>) target(%arg8 : memref<2x80xi32, #tpu.memory_space<vmem>>) target_semaphore(%arg21 : memref<!tpu.dma_semaphore, #tpu.memory_space<semaphore_mem>>)
    %add3A_22 = arith.constant 240 : i32
    %add3A_23 = arith.addi %mul3A_2, %add3A_22 : i32
    %dma_start3A_24 = arith.constant 0 : i32
    %dma_start3A_25 = tpu.memref_slice %arg3[%dma_start3A_24, %add3A_23] : memref<2x320000xi32, #tpu.memory_space<hbm>> -> memref<2x80xi32, #tpu.memory_space<hbm>>
    %dma_start3A_26 = arith.constant 0 : i32
    %dma_start3A_27 = tpu.memref_slice %arg3[%dma_start3A_26, %add3A_23] : memref<2x320000xi32, #tpu.memory_space<hbm>> -> memref<2x80xi32, #tpu.memory_space<hbm>>
    tpu.enqueue_dma source(%dma_start3A_27 : memref<2x80xi32, #tpu.memory_space<hbm>>) target(%arg9 : memref<2x80xi32, #tpu.memory_space<vmem>>) target_semaphore(%arg22 : memref<!tpu.dma_semaphore, #tpu.memory_space<semaphore_mem>>)
    %add3A_28 = arith.constant 320 : i32
    %add3A_29 = arith.addi %mul3A_2, %add3A_28 : i32
    %dma_start3A_30 = arith.constant 0 : i32
    %dma_start3A_31 = tpu.memref_slice %arg3[%dma_start3A_30, %add3A_29] : memref<2x320000xi32, #tpu.memory_space<hbm>> -> memref<2x80xi32, #tpu.memory_space<hbm>>
    %dma_start3A_32 = arith.constant 0 : i32
    %dma_start3A_33 = tpu.memref_slice %arg3[%dma_start3A_32, %add3A_29] : memref<2x320000xi32, #tpu.memory_space<hbm>> -> memref<2x80xi32, #tpu.memory_space<hbm>>
    tpu.enqueue_dma source(%dma_start3A_33 : memref<2x80xi32, #tpu.memory_space<hbm>>) target(%arg10 : memref<2x80xi32, #tpu.memory_space<vmem>>) target_semaphore(%arg23 : memref<!tpu.dma_semaphore, #tpu.memory_space<semaphore_mem>>)
    %add3A_34 = arith.constant 0 : i32
    %add3A_35 = arith.addi %mul3A_2, %add3A_34 : i32
    %dma_wait3A = arith.constant 0 : i32
    %dma_wait3A_36 = tpu.memref_slice %arg3[%dma_wait3A, %add3A_35] : memref<2x320000xi32, #tpu.memory_space<hbm>> -> memref<2x80xi32, #tpu.memory_space<hbm>>
    %dma_wait3A_37 = arith.constant 0 : i32
    %dma_wait3A_38 = tpu.memref_slice %arg3[%dma_wait3A_37, %add3A_35] : memref<2x320000xi32, #tpu.memory_space<hbm>> -> memref<2x80xi32, #tpu.memory_space<hbm>>
    tpu.wait_dma2 semaphore(%arg19 : memref<!tpu.dma_semaphore, #tpu.memory_space<semaphore_mem>>) src(%dma_wait3A_38 : memref<2x80xi32, #tpu.memory_space<hbm>>) dst(%arg6 : memref<2x80xi32, #tpu.memory_space<vmem>>)
    %dma_start3A_39 = arith.constant 0 : i32
    %dma_start3A_40 = arith.constant 0 : i32
    %dma_start3A_41 = tpu.memref_slice %arg6[%dma_start3A_39, %dma_start3A_40] : memref<2x80xi32, #tpu.memory_space<vmem>> -> memref<1x80xi32, #tpu.memory_space<vmem>>
    %dma_start3A_42 = tpu.memref_squeeze %dma_start3A_41 : memref<1x80xi32, #tpu.memory_space<vmem>> -> memref<80xi32, #tpu.memory_space<vmem>>
    %dma_start3A_43 = arith.constant 0 : i32
    %dma_start3A_44 = arith.constant 0 : i32
    %dma_start3A_45 = tpu.memref_slice %arg2[%dma_start3A_43, %dma_start3A_44] : memref<10000x128xf32, #tpu.memory_space<hbm>> -> memref<10000x128xf32, #tpu.memory_space<hbm>>
    tpu.enqueue_indirect_dma source(%dma_start3A_45 : memref<10000x128xf32, #tpu.memory_space<hbm>>) target(%arg14 : memref<80x128xf32, #tpu.memory_space<vmem>>) offsets(%dma_start3A_42 : memref<80xi32, #tpu.memory_space<vmem>>) semaphore(%arg27 : memref<!tpu.dma_semaphore, #tpu.memory_space<semaphore_mem>>)
    %add3A_46 = arith.constant 80 : i32
    %add3A_47 = arith.addi %mul3A_2, %add3A_46 : i32
    %dma_wait3A_48 = arith.constant 0 : i32
    %dma_wait3A_49 = tpu.memref_slice %arg3[%dma_wait3A_48, %add3A_47] : memref<2x320000xi32, #tpu.memory_space<hbm>> -> memref<2x80xi32, #tpu.memory_space<hbm>>
    %dma_wait3A_50 = arith.constant 0 : i32
    %dma_wait3A_51 = tpu.memref_slice %arg3[%dma_wait3A_50, %add3A_47] : memref<2x320000xi32, #tpu.memory_space<hbm>> -> memref<2x80xi32, #tpu.memory_space<hbm>>
    tpu.wait_dma2 semaphore(%arg20 : memref<!tpu.dma_semaphore, #tpu.memory_space<semaphore_mem>>) src(%dma_wait3A_51 : memref<2x80xi32, #tpu.memory_space<hbm>>) dst(%arg7 : memref<2x80xi32, #tpu.memory_space<vmem>>)
    %dma_start3A_52 = arith.constant 0 : i32
    %dma_start3A_53 = arith.constant 0 : i32
    %dma_start3A_54 = tpu.memref_slice %arg7[%dma_start3A_52, %dma_start3A_53] : memref<2x80xi32, #tpu.memory_space<vmem>> -> memref<1x80xi32, #tpu.memory_space<vmem>>
    %dma_start3A_55 = tpu.memref_squeeze %dma_start3A_54 : memref<1x80xi32, #tpu.memory_space<vmem>> -> memref<80xi32, #tpu.memory_space<vmem>>
    %dma_start3A_56 = arith.constant 0 : i32
    %dma_start3A_57 = arith.constant 0 : i32
    %dma_start3A_58 = tpu.memref_slice %arg2[%dma_start3A_56, %dma_start3A_57] : memref<10000x128xf32, #tpu.memory_space<hbm>> -> memref<10000x128xf32, #tpu.memory_space<hbm>>
    tpu.enqueue_indirect_dma source(%dma_start3A_58 : memref<10000x128xf32, #tpu.memory_space<hbm>>) target(%arg15 : memref<80x128xf32, #tpu.memory_space<vmem>>) offsets(%dma_start3A_55 : memref<80xi32, #tpu.memory_space<vmem>>) semaphore(%arg28 : memref<!tpu.dma_semaphore, #tpu.memory_space<semaphore_mem>>)
    %add3A_59 = arith.constant 160 : i32
    %add3A_60 = arith.addi %mul3A_2, %add3A_59 : i32
    %dma_wait3A_61 = arith.constant 0 : i32
    %dma_wait3A_62 = tpu.memref_slice %arg3[%dma_wait3A_61, %add3A_60] : memref<2x320000xi32, #tpu.memory_space<hbm>> -> memref<2x80xi32, #tpu.memory_space<hbm>>
    %dma_wait3A_63 = arith.constant 0 : i32
    %dma_wait3A_64 = tpu.memref_slice %arg3[%dma_wait3A_63, %add3A_60] : memref<2x320000xi32, #tpu.memory_space<hbm>> -> memref<2x80xi32, #tpu.memory_space<hbm>>
    tpu.wait_dma2 semaphore(%arg21 : memref<!tpu.dma_semaphore, #tpu.memory_space<semaphore_mem>>) src(%dma_wait3A_64 : memref<2x80xi32, #tpu.memory_space<hbm>>) dst(%arg8 : memref<2x80xi32, #tpu.memory_space<vmem>>)
    %dma_start3A_65 = arith.constant 0 : i32
    %dma_start3A_66 = arith.constant 0 : i32
    %dma_start3A_67 = tpu.memref_slice %arg8[%dma_start3A_65, %dma_start3A_66] : memref<2x80xi32, #tpu.memory_space<vmem>> -> memref<1x80xi32, #tpu.memory_space<vmem>>
    %dma_start3A_68 = tpu.memref_squeeze %dma_start3A_67 : memref<1x80xi32, #tpu.memory_space<vmem>> -> memref<80xi32, #tpu.memory_space<vmem>>
    %dma_start3A_69 = arith.constant 0 : i32
    %dma_start3A_70 = arith.constant 0 : i32
    %dma_start3A_71 = tpu.memref_slice %arg2[%dma_start3A_69, %dma_start3A_70] : memref<10000x128xf32, #tpu.memory_space<hbm>> -> memref<10000x128xf32, #tpu.memory_space<hbm>>
    tpu.enqueue_indirect_dma source(%dma_start3A_71 : memref<10000x128xf32, #tpu.memory_space<hbm>>) target(%arg16 : memref<80x128xf32, #tpu.memory_space<vmem>>) offsets(%dma_start3A_68 : memref<80xi32, #tpu.memory_space<vmem>>) semaphore(%arg29 : memref<!tpu.dma_semaphore, #tpu.memory_space<semaphore_mem>>)
    %scan3A = arith.constant 0 : i32
    %scan3A_72 = arith.constant 0 : i32
    %scan3A_73 = arith.constant 15 : i32
    %scan3A_74 = arith.addi %scan3A_72, %scan3A_73 : i32
    %scan3A_75 = arith.constant 1 : i32
    scf.for %scan3A_220 = %scan3A_72 to %scan3A_74 step %scan3A_75  : i32 {
      %mul3A_221 = arith.constant 8 : i32
      %mul3A_222 = arith.muli %scan3A_220, %mul3A_221 : i32
      %add3A_223 = arith.constant 0 : i32
      %add3A_224 = arith.addi %mul3A_222, %add3A_223 : i32
      %dma_wait3A_225 = arith.constant 0 : i32
      %dma_wait3A_226 = arith.constant 0 : i32
      %dma_wait3A_227 = tpu.memref_slice %arg6[%dma_wait3A_225, %dma_wait3A_226] : memref<2x80xi32, #tpu.memory_space<vmem>> -> memref<1x80xi32, #tpu.memory_space<vmem>>
      %dma_wait3A_228 = tpu.memref_squeeze %dma_wait3A_227 : memref<1x80xi32, #tpu.memory_space<vmem>> -> memref<80xi32, #tpu.memory_space<vmem>>
      %dma_wait3A_229 = arith.constant 0 : i32
      %dma_wait3A_230 = arith.constant 0 : i32
      %dma_wait3A_231 = tpu.memref_slice %arg2[%dma_wait3A_229, %dma_wait3A_230] : memref<10000x128xf32, #tpu.memory_space<hbm>> -> memref<10000x128xf32, #tpu.memory_space<hbm>>
      tpu.wait_indirect_dma semaphore(%arg27 : memref<!tpu.dma_semaphore, #tpu.memory_space<semaphore_mem>>) src(%dma_wait3A_231 : memref<10000x128xf32, #tpu.memory_space<hbm>>) dst(%arg14 : memref<80x128xf32, #tpu.memory_space<vmem>>)
      %dma_start3A_232 = arith.constant 1 : i32
      %dma_start3A_233 = arith.constant 0 : i32
      %dma_start3A_234 = tpu.memref_slice %arg6[%dma_start3A_232, %dma_start3A_233] : memref<2x80xi32, #tpu.memory_space<vmem>> -> memref<1x80xi32, #tpu.memory_space<vmem>>
      %dma_start3A_235 = tpu.memref_squeeze %dma_start3A_234 : memref<1x80xi32, #tpu.memory_space<vmem>> -> memref<80xi32, #tpu.memory_space<vmem>>
      %dma_start3A_236 = arith.constant 0 : i32
      %dma_start3A_237 = arith.constant 0 : i32
      %dma_start3A_238 = tpu.memref_slice %arg18[%dma_start3A_236, %dma_start3A_237] : memref<10240x128xf32, #tpu.memory_space<vmem_shared>> -> memref<10240x128xf32, #tpu.memory_space<vmem_shared>>
      tpu.enqueue_indirect_dma source(%arg14 : memref<80x128xf32, #tpu.memory_space<vmem>>) target(%dma_start3A_238 : memref<10240x128xf32, #tpu.memory_space<vmem_shared>>) offsets(%dma_start3A_235 : memref<80xi32, #tpu.memory_space<vmem>>) semaphore(%arg31 : memref<!tpu.dma_semaphore, #tpu.memory_space<semaphore_mem>>) {add = true}
      %ge3A = arith.constant 1 : i32
      %ge3A_239 = arith.cmpi sge, %add3A_224, %ge3A : i32
      %convert_element_type3A = arith.extui %ge3A_239 : i1 to i32
      %cond3A = arith.constant 0 : i32
      %cond3A_240 = arith.cmpi ne, %convert_element_type3A, %cond3A : i32
      scf.if %cond3A_240 {
        %dma_wait3A_528 = arith.constant 1 : i32
        %dma_wait3A_529 = arith.constant 0 : i32
        %dma_wait3A_530 = tpu.memref_slice %arg13[%dma_wait3A_528, %dma_wait3A_529] : memref<2x80xi32, #tpu.memory_space<vmem>> -> memref<1x80xi32, #tpu.memory_space<vmem>>
        %dma_wait3A_531 = tpu.memref_squeeze %dma_wait3A_530 : memref<1x80xi32, #tpu.memory_space<vmem>> -> memref<80xi32, #tpu.memory_space<vmem>>
        %dma_wait3A_532 = arith.constant 0 : i32
        %dma_wait3A_533 = arith.constant 0 : i32
        %dma_wait3A_534 = tpu.memref_slice %arg18[%dma_wait3A_532, %dma_wait3A_533] : memref<10240x128xf32, #tpu.memory_space<vmem_shared>> -> memref<10240x128xf32, #tpu.memory_space<vmem_shared>>
        tpu.wait_indirect_dma semaphore(%arg34 : memref<!tpu.dma_semaphore, #tpu.memory_space<semaphore_mem>>) src(%arg17 : memref<80x128xf32, #tpu.memory_space<vmem>>) dst(%dma_wait3A_534 : memref<10240x128xf32, #tpu.memory_space<vmem_shared>>)
      } else {
      }
      %add3A_241 = arith.constant 8 : i32
      %add3A_242 = arith.addi %add3A_224, %add3A_241 : i32
      %sub3A = arith.constant 3 : i32
      %sub3A_243 = arith.subi %add3A_242, %sub3A : i32
      %lt3A = arith.constant 125 : i32
      %lt3A_244 = arith.cmpi slt, %sub3A_243, %lt3A : i32
      %convert_element_type3A_245 = arith.extui %lt3A_244 : i1 to i32
      %cond3A_246 = arith.constant 0 : i32
      %cond3A_247 = arith.cmpi ne, %convert_element_type3A_245, %cond3A_246 : i32
      scf.if %cond3A_247 {
        %add3A_528 = arith.constant 8 : i32
        %add3A_529 = arith.addi %add3A_224, %add3A_528 : i32
        %sub3A_530 = arith.constant 3 : i32
        %sub3A_531 = arith.subi %add3A_529, %sub3A_530 : i32
        %mul3A_532 = arith.constant 80 : i32
        %mul3A_533 = arith.muli %sub3A_531, %mul3A_532 : i32
        %add3A_534 = arith.addi %mul3A_2, %mul3A_533 : i32
        %dma_start3A_535 = arith.constant 0 : i32
        %dma_start3A_536 = tpu.memref_slice %arg3[%dma_start3A_535, %add3A_534] : memref<2x320000xi32, #tpu.memory_space<hbm>> -> memref<2x80xi32, #tpu.memory_space<hbm>>
        %dma_start3A_537 = arith.constant 0 : i32
        %dma_start3A_538 = tpu.memref_slice %arg3[%dma_start3A_537, %add3A_534] : memref<2x320000xi32, #tpu.memory_space<hbm>> -> memref<2x80xi32, #tpu.memory_space<hbm>>
        tpu.enqueue_dma source(%dma_start3A_538 : memref<2x80xi32, #tpu.memory_space<hbm>>) target(%arg11 : memref<2x80xi32, #tpu.memory_space<vmem>>) target_semaphore(%arg24 : memref<!tpu.dma_semaphore, #tpu.memory_space<semaphore_mem>>)
      } else {
      }
      %add3A_248 = arith.constant 3 : i32
      %add3A_249 = arith.addi %add3A_224, %add3A_248 : i32
      %lt3A_250 = arith.constant 125 : i32
      %lt3A_251 = arith.cmpi slt, %add3A_249, %lt3A_250 : i32
      %convert_element_type3A_252 = arith.extui %lt3A_251 : i1 to i32
      %cond3A_253 = arith.constant 0 : i32
      %cond3A_254 = arith.cmpi ne, %convert_element_type3A_252, %cond3A_253 : i32
      scf.if %cond3A_254 {
        %add3A_528 = arith.constant 3 : i32
        %add3A_529 = arith.addi %add3A_224, %add3A_528 : i32
        %mul3A_530 = arith.constant 80 : i32
        %mul3A_531 = arith.muli %add3A_529, %mul3A_530 : i32
        %add3A_532 = arith.addi %mul3A_2, %mul3A_531 : i32
        %dma_wait3A_533 = arith.constant 0 : i32
        %dma_wait3A_534 = tpu.memref_slice %arg3[%dma_wait3A_533, %add3A_532] : memref<2x320000xi32, #tpu.memory_space<hbm>> -> memref<2x80xi32, #tpu.memory_space<hbm>>
        %dma_wait3A_535 = arith.constant 0 : i32
        %dma_wait3A_536 = tpu.memref_slice %arg3[%dma_wait3A_535, %add3A_532] : memref<2x320000xi32, #tpu.memory_space<hbm>> -> memref<2x80xi32, #tpu.memory_space<hbm>>
        tpu.wait_dma2 semaphore(%arg22 : memref<!tpu.dma_semaphore, #tpu.memory_space<semaphore_mem>>) src(%dma_wait3A_536 : memref<2x80xi32, #tpu.memory_space<hbm>>) dst(%arg9 : memref<2x80xi32, #tpu.memory_space<vmem>>)
        %dma_start3A_537 = arith.constant 0 : i32
        %dma_start3A_538 = arith.constant 0 : i32
        %dma_start3A_539 = tpu.memref_slice %arg9[%dma_start3A_537, %dma_start3A_538] : memref<2x80xi32, #tpu.memory_space<vmem>> -> memref<1x80xi32, #tpu.memory_space<vmem>>
        %dma_start3A_540 = tpu.memref_squeeze %dma_start3A_539 : memref<1x80xi32, #tpu.memory_space<vmem>> -> memref<80xi32, #tpu.memory_space<vmem>>
        %dma_start3A_541 = arith.constant 0 : i32
        %dma_start3A_542 = arith.constant 0 : i32
        %dma_start3A_543 = tpu.memref_slice %arg2[%dma_start3A_541, %dma_start3A_542] : memref<10000x128xf32, #tpu.memory_space<hbm>> -> memref<10000x128xf32, #tpu.memory_space<hbm>>
        tpu.enqueue_indirect_dma source(%dma_start3A_543 : memref<10000x128xf32, #tpu.memory_space<hbm>>) target(%arg17 : memref<80x128xf32, #tpu.memory_space<vmem>>) offsets(%dma_start3A_540 : memref<80xi32, #tpu.memory_space<vmem>>) semaphore(%arg30 : memref<!tpu.dma_semaphore, #tpu.memory_space<semaphore_mem>>)
      } else {
      }
      %mul3A_255 = arith.constant 8 : i32
      %mul3A_256 = arith.muli %scan3A_220, %mul3A_255 : i32
      %add3A_257 = arith.constant 1 : i32
      %add3A_258 = arith.addi %mul3A_256, %add3A_257 : i32
      %dma_wait3A_259 = arith.constant 0 : i32
      %dma_wait3A_260 = arith.constant 0 : i32
      %dma_wait3A_261 = tpu.memref_slice %arg7[%dma_wait3A_259, %dma_wait3A_260] : memref<2x80xi32, #tpu.memory_space<vmem>> -> memref<1x80xi32, #tpu.memory_space<vmem>>
      %dma_wait3A_262 = tpu.memref_squeeze %dma_wait3A_261 : memref<1x80xi32, #tpu.memory_space<vmem>> -> memref<80xi32, #tpu.memory_space<vmem>>
      %dma_wait3A_263 = arith.constant 0 : i32
      %dma_wait3A_264 = arith.constant 0 : i32
      %dma_wait3A_265 = tpu.memref_slice %arg2[%dma_wait3A_263, %dma_wait3A_264] : memref<10000x128xf32, #tpu.memory_space<hbm>> -> memref<10000x128xf32, #tpu.memory_space<hbm>>
      tpu.wait_indirect_dma semaphore(%arg28 : memref<!tpu.dma_semaphore, #tpu.memory_space<semaphore_mem>>) src(%dma_wait3A_265 : memref<10000x128xf32, #tpu.memory_space<hbm>>) dst(%arg15 : memref<80x128xf32, #tpu.memory_space<vmem>>)
      %dma_start3A_266 = arith.constant 1 : i32
      %dma_start3A_267 = arith.constant 0 : i32
      %dma_start3A_268 = tpu.memref_slice %arg7[%dma_start3A_266, %dma_start3A_267] : memref<2x80xi32, #tpu.memory_space<vmem>> -> memref<1x80xi32, #tpu.memory_space<vmem>>
      %dma_start3A_269 = tpu.memref_squeeze %dma_start3A_268 : memref<1x80xi32, #tpu.memory_space<vmem>> -> memref<80xi32, #tpu.memory_space<vmem>>
      %dma_start3A_270 = arith.constant 0 : i32
      %dma_start3A_271 = arith.constant 0 : i32
      %dma_start3A_272 = tpu.memref_slice %arg18[%dma_start3A_270, %dma_start3A_271] : memref<10240x128xf32, #tpu.memory_space<vmem_shared>> -> memref<10240x128xf32, #tpu.memory_space<vmem_shared>>
      tpu.enqueue_indirect_dma source(%arg15 : memref<80x128xf32, #tpu.memory_space<vmem>>) target(%dma_start3A_272 : memref<10240x128xf32, #tpu.memory_space<vmem_shared>>) offsets(%dma_start3A_269 : memref<80xi32, #tpu.memory_space<vmem>>) semaphore(%arg32 : memref<!tpu.dma_semaphore, #tpu.memory_space<semaphore_mem>>) {add = true}
      %ge3A_273 = arith.constant 1 : i32
      %ge3A_274 = arith.cmpi sge, %add3A_258, %ge3A_273 : i32
      %convert_element_type3A_275 = arith.extui %ge3A_274 : i1 to i32
      %cond3A_276 = arith.constant 0 : i32
      %cond3A_277 = arith.cmpi ne, %convert_element_type3A_275, %cond3A_276 : i32
      scf.if %cond3A_277 {
        %dma_wait3A_528 = arith.constant 1 : i32
        %dma_wait3A_529 = arith.constant 0 : i32
        %dma_wait3A_530 = tpu.memref_slice %arg6[%dma_wait3A_528, %dma_wait3A_529] : memref<2x80xi32, #tpu.memory_space<vmem>> -> memref<1x80xi32, #tpu.memory_space<vmem>>
        %dma_wait3A_531 = tpu.memref_squeeze %dma_wait3A_530 : memref<1x80xi32, #tpu.memory_space<vmem>> -> memref<80xi32, #tpu.memory_space<vmem>>
        %dma_wait3A_532 = arith.constant 0 : i32
        %dma_wait3A_533 = arith.constant 0 : i32
        %dma_wait3A_534 = tpu.memref_slice %arg18[%dma_wait3A_532, %dma_wait3A_533] : memref<10240x128xf32, #tpu.memory_space<vmem_shared>> -> memref<10240x128xf32, #tpu.memory_space<vmem_shared>>
        tpu.wait_indirect_dma semaphore(%arg31 : memref<!tpu.dma_semaphore, #tpu.memory_space<semaphore_mem>>) src(%arg14 : memref<80x128xf32, #tpu.memory_space<vmem>>) dst(%dma_wait3A_534 : memref<10240x128xf32, #tpu.memory_space<vmem_shared>>)
      } else {
      }
      %add3A_278 = arith.constant 8 : i32
      %add3A_279 = arith.addi %add3A_258, %add3A_278 : i32
      %sub3A_280 = arith.constant 3 : i32
      %sub3A_281 = arith.subi %add3A_279, %sub3A_280 : i32
      %lt3A_282 = arith.constant 125 : i32
      %lt3A_283 = arith.cmpi slt, %sub3A_281, %lt3A_282 : i32
      %convert_element_type3A_284 = arith.extui %lt3A_283 : i1 to i32
      %cond3A_285 = arith.constant 0 : i32
      %cond3A_286 = arith.cmpi ne, %convert_element_type3A_284, %cond3A_285 : i32
      scf.if %cond3A_286 {
        %add3A_528 = arith.constant 8 : i32
        %add3A_529 = arith.addi %add3A_258, %add3A_528 : i32
        %sub3A_530 = arith.constant 3 : i32
        %sub3A_531 = arith.subi %add3A_529, %sub3A_530 : i32
        %mul3A_532 = arith.constant 80 : i32
        %mul3A_533 = arith.muli %sub3A_531, %mul3A_532 : i32
        %add3A_534 = arith.addi %mul3A_2, %mul3A_533 : i32
        %dma_start3A_535 = arith.constant 0 : i32
        %dma_start3A_536 = tpu.memref_slice %arg3[%dma_start3A_535, %add3A_534] : memref<2x320000xi32, #tpu.memory_space<hbm>> -> memref<2x80xi32, #tpu.memory_space<hbm>>
        %dma_start3A_537 = arith.constant 0 : i32
        %dma_start3A_538 = tpu.memref_slice %arg3[%dma_start3A_537, %add3A_534] : memref<2x320000xi32, #tpu.memory_space<hbm>> -> memref<2x80xi32, #tpu.memory_space<hbm>>
        tpu.enqueue_dma source(%dma_start3A_538 : memref<2x80xi32, #tpu.memory_space<hbm>>) target(%arg12 : memref<2x80xi32, #tpu.memory_space<vmem>>) target_semaphore(%arg25 : memref<!tpu.dma_semaphore, #tpu.memory_space<semaphore_mem>>)
      } else {
      }
      %add3A_287 = arith.constant 3 : i32
      %add3A_288 = arith.addi %add3A_258, %add3A_287 : i32
      %lt3A_289 = arith.constant 125 : i32
      %lt3A_290 = arith.cmpi slt, %add3A_288, %lt3A_289 : i32
      %convert_element_type3A_291 = arith.extui %lt3A_290 : i1 to i32
      %cond3A_292 = arith.constant 0 : i32
      %cond3A_293 = arith.cmpi ne, %convert_element_type3A_291, %cond3A_292 : i32
      scf.if %cond3A_293 {
        %add3A_528 = arith.constant 3 : i32
        %add3A_529 = arith.addi %add3A_258, %add3A_528 : i32
        %mul3A_530 = arith.constant 80 : i32
        %mul3A_531 = arith.muli %add3A_529, %mul3A_530 : i32
        %add3A_532 = arith.addi %mul3A_2, %mul3A_531 : i32
        %dma_wait3A_533 = arith.constant 0 : i32
        %dma_wait3A_534 = tpu.memref_slice %arg3[%dma_wait3A_533, %add3A_532] : memref<2x320000xi32, #tpu.memory_space<hbm>> -> memref<2x80xi32, #tpu.memory_space<hbm>>
        %dma_wait3A_535 = arith.constant 0 : i32
        %dma_wait3A_536 = tpu.memref_slice %arg3[%dma_wait3A_535, %add3A_532] : memref<2x320000xi32, #tpu.memory_space<hbm>> -> memref<2x80xi32, #tpu.memory_space<hbm>>
        tpu.wait_dma2 semaphore(%arg23 : memref<!tpu.dma_semaphore, #tpu.memory_space<semaphore_mem>>) src(%dma_wait3A_536 : memref<2x80xi32, #tpu.memory_space<hbm>>) dst(%arg10 : memref<2x80xi32, #tpu.memory_space<vmem>>)
        %dma_start3A_537 = arith.constant 0 : i32
        %dma_start3A_538 = arith.constant 0 : i32
        %dma_start3A_539 = tpu.memref_slice %arg10[%dma_start3A_537, %dma_start3A_538] : memref<2x80xi32, #tpu.memory_space<vmem>> -> memref<1x80xi32, #tpu.memory_space<vmem>>
        %dma_start3A_540 = tpu.memref_squeeze %dma_start3A_539 : memref<1x80xi32, #tpu.memory_space<vmem>> -> memref<80xi32, #tpu.memory_space<vmem>>
        %dma_start3A_541 = arith.constant 0 : i32
        %dma_start3A_542 = arith.constant 0 : i32
        %dma_start3A_543 = tpu.memref_slice %arg2[%dma_start3A_541, %dma_start3A_542] : memref<10000x128xf32, #tpu.memory_space<hbm>> -> memref<10000x128xf32, #tpu.memory_space<hbm>>
        tpu.enqueue_indirect_dma source(%dma_start3A_543 : memref<10000x128xf32, #tpu.memory_space<hbm>>) target(%arg14 : memref<80x128xf32, #tpu.memory_space<vmem>>) offsets(%dma_start3A_540 : memref<80xi32, #tpu.memory_space<vmem>>) semaphore(%arg27 : memref<!tpu.dma_semaphore, #tpu.memory_space<semaphore_mem>>)
      } else {
      }
      %mul3A_294 = arith.constant 8 : i32
      %mul3A_295 = arith.muli %scan3A_220, %mul3A_294 : i32
      %add3A_296 = arith.constant 2 : i32
      %add3A_297 = arith.addi %mul3A_295, %add3A_296 : i32
      %dma_wait3A_298 = arith.constant 0 : i32
      %dma_wait3A_299 = arith.constant 0 : i32
      %dma_wait3A_300 = tpu.memref_slice %arg8[%dma_wait3A_298, %dma_wait3A_299] : memref<2x80xi32, #tpu.memory_space<vmem>> -> memref<1x80xi32, #tpu.memory_space<vmem>>
      %dma_wait3A_301 = tpu.memref_squeeze %dma_wait3A_300 : memref<1x80xi32, #tpu.memory_space<vmem>> -> memref<80xi32, #tpu.memory_space<vmem>>
      %dma_wait3A_302 = arith.constant 0 : i32
      %dma_wait3A_303 = arith.constant 0 : i32
      %dma_wait3A_304 = tpu.memref_slice %arg2[%dma_wait3A_302, %dma_wait3A_303] : memref<10000x128xf32, #tpu.memory_space<hbm>> -> memref<10000x128xf32, #tpu.memory_space<hbm>>
      tpu.wait_indirect_dma semaphore(%arg29 : memref<!tpu.dma_semaphore, #tpu.memory_space<semaphore_mem>>) src(%dma_wait3A_304 : memref<10000x128xf32, #tpu.memory_space<hbm>>) dst(%arg16 : memref<80x128xf32, #tpu.memory_space<vmem>>)
      %dma_start3A_305 = arith.constant 1 : i32
      %dma_start3A_306 = arith.constant 0 : i32
      %dma_start3A_307 = tpu.memref_slice %arg8[%dma_start3A_305, %dma_start3A_306] : memref<2x80xi32, #tpu.memory_space<vmem>> -> memref<1x80xi32, #tpu.memory_space<vmem>>
      %dma_start3A_308 = tpu.memref_squeeze %dma_start3A_307 : memref<1x80xi32, #tpu.memory_space<vmem>> -> memref<80xi32, #tpu.memory_space<vmem>>
      %dma_start3A_309 = arith.constant 0 : i32
      %dma_start3A_310 = arith.constant 0 : i32
      %dma_start3A_311 = tpu.memref_slice %arg18[%dma_start3A_309, %dma_start3A_310] : memref<10240x128xf32, #tpu.memory_space<vmem_shared>> -> memref<10240x128xf32, #tpu.memory_space<vmem_shared>>
      tpu.enqueue_indirect_dma source(%arg16 : memref<80x128xf32, #tpu.memory_space<vmem>>) target(%dma_start3A_311 : memref<10240x128xf32, #tpu.memory_space<vmem_shared>>) offsets(%dma_start3A_308 : memref<80xi32, #tpu.memory_space<vmem>>) semaphore(%arg33 : memref<!tpu.dma_semaphore, #tpu.memory_space<semaphore_mem>>) {add = true}
      %ge3A_312 = arith.constant 1 : i32
      %ge3A_313 = arith.cmpi sge, %add3A_297, %ge3A_312 : i32
      %convert_element_type3A_314 = arith.extui %ge3A_313 : i1 to i32
      %cond3A_315 = arith.constant 0 : i32
      %cond3A_316 = arith.cmpi ne, %convert_element_type3A_314, %cond3A_315 : i32
      scf.if %cond3A_316 {
        %dma_wait3A_528 = arith.constant 1 : i32
        %dma_wait3A_529 = arith.constant 0 : i32
        %dma_wait3A_530 = tpu.memref_slice %arg7[%dma_wait3A_528, %dma_wait3A_529] : memref<2x80xi32, #tpu.memory_space<vmem>> -> memref<1x80xi32, #tpu.memory_space<vmem>>
        %dma_wait3A_531 = tpu.memref_squeeze %dma_wait3A_530 : memref<1x80xi32, #tpu.memory_space<vmem>> -> memref<80xi32, #tpu.memory_space<vmem>>
        %dma_wait3A_532 = arith.constant 0 : i32
        %dma_wait3A_533 = arith.constant 0 : i32
        %dma_wait3A_534 = tpu.memref_slice %arg18[%dma_wait3A_532, %dma_wait3A_533] : memref<10240x128xf32, #tpu.memory_space<vmem_shared>> -> memref<10240x128xf32, #tpu.memory_space<vmem_shared>>
        tpu.wait_indirect_dma semaphore(%arg32 : memref<!tpu.dma_semaphore, #tpu.memory_space<semaphore_mem>>) src(%arg15 : memref<80x128xf32, #tpu.memory_space<vmem>>) dst(%dma_wait3A_534 : memref<10240x128xf32, #tpu.memory_space<vmem_shared>>)
      } else {
      }
      %add3A_317 = arith.constant 8 : i32
      %add3A_318 = arith.addi %add3A_297, %add3A_317 : i32
      %sub3A_319 = arith.constant 3 : i32
      %sub3A_320 = arith.subi %add3A_318, %sub3A_319 : i32
      %lt3A_321 = arith.constant 125 : i32
      %lt3A_322 = arith.cmpi slt, %sub3A_320, %lt3A_321 : i32
      %convert_element_type3A_323 = arith.extui %lt3A_322 : i1 to i32
      %cond3A_324 = arith.constant 0 : i32
      %cond3A_325 = arith.cmpi ne, %convert_element_type3A_323, %cond3A_324 : i32
      scf.if %cond3A_325 {
        %add3A_528 = arith.constant 8 : i32
        %add3A_529 = arith.addi %add3A_297, %add3A_528 : i32
        %sub3A_530 = arith.constant 3 : i32
        %sub3A_531 = arith.subi %add3A_529, %sub3A_530 : i32
        %mul3A_532 = arith.constant 80 : i32
        %mul3A_533 = arith.muli %sub3A_531, %mul3A_532 : i32
        %add3A_534 = arith.addi %mul3A_2, %mul3A_533 : i32
        %dma_start3A_535 = arith.constant 0 : i32
        %dma_start3A_536 = tpu.memref_slice %arg3[%dma_start3A_535, %add3A_534] : memref<2x320000xi32, #tpu.memory_space<hbm>> -> memref<2x80xi32, #tpu.memory_space<hbm>>
        %dma_start3A_537 = arith.constant 0 : i32
        %dma_start3A_538 = tpu.memref_slice %arg3[%dma_start3A_537, %add3A_534] : memref<2x320000xi32, #tpu.memory_space<hbm>> -> memref<2x80xi32, #tpu.memory_space<hbm>>
        tpu.enqueue_dma source(%dma_start3A_538 : memref<2x80xi32, #tpu.memory_space<hbm>>) target(%arg13 : memref<2x80xi32, #tpu.memory_space<vmem>>) target_semaphore(%arg26 : memref<!tpu.dma_semaphore, #tpu.memory_space<semaphore_mem>>)
      } else {
      }
      %add3A_326 = arith.constant 3 : i32
      %add3A_327 = arith.addi %add3A_297, %add3A_326 : i32
      %lt3A_328 = arith.constant 125 : i32
      %lt3A_329 = arith.cmpi slt, %add3A_327, %lt3A_328 : i32
      %convert_element_type3A_330 = arith.extui %lt3A_329 : i1 to i32
      %cond3A_331 = arith.constant 0 : i32
      %cond3A_332 = arith.cmpi ne, %convert_element_type3A_330, %cond3A_331 : i32
      scf.if %cond3A_332 {
        %add3A_528 = arith.constant 3 : i32
        %add3A_529 = arith.addi %add3A_297, %add3A_528 : i32
        %mul3A_530 = arith.constant 80 : i32
        %mul3A_531 = arith.muli %add3A_529, %mul3A_530 : i32
        %add3A_532 = arith.addi %mul3A_2, %mul3A_531 : i32
        %dma_wait3A_533 = arith.constant 0 : i32
        %dma_wait3A_534 = tpu.memref_slice %arg3[%dma_wait3A_533, %add3A_532] : memref<2x320000xi32, #tpu.memory_space<hbm>> -> memref<2x80xi32, #tpu.memory_space<hbm>>
        %dma_wait3A_535 = arith.constant 0 : i32
        %dma_wait3A_536 = tpu.memref_slice %arg3[%dma_wait3A_535, %add3A_532] : memref<2x320000xi32, #tpu.memory_space<hbm>> -> memref<2x80xi32, #tpu.memory_space<hbm>>
        tpu.wait_dma2 semaphore(%arg24 : memref<!tpu.dma_semaphore, #tpu.memory_space<semaphore_mem>>) src(%dma_wait3A_536 : memref<2x80xi32, #tpu.memory_space<hbm>>) dst(%arg11 : memref<2x80xi32, #tpu.memory_space<vmem>>)
        %dma_start3A_537 = arith.constant 0 : i32
        %dma_start3A_538 = arith.constant 0 : i32
        %dma_start3A_539 = tpu.memref_slice %arg11[%dma_start3A_537, %dma_start3A_538] : memref<2x80xi32, #tpu.memory_space<vmem>> -> memref<1x80xi32, #tpu.memory_space<vmem>>
        %dma_start3A_540 = tpu.memref_squeeze %dma_start3A_539 : memref<1x80xi32, #tpu.memory_space<vmem>> -> memref<80xi32, #tpu.memory_space<vmem>>
        %dma_start3A_541 = arith.constant 0 : i32
        %dma_start3A_542 = arith.constant 0 : i32
        %dma_start3A_543 = tpu.memref_slice %arg2[%dma_start3A_541, %dma_start3A_542] : memref<10000x128xf32, #tpu.memory_space<hbm>> -> memref<10000x128xf32, #tpu.memory_space<hbm>>
        tpu.enqueue_indirect_dma source(%dma_start3A_543 : memref<10000x128xf32, #tpu.memory_space<hbm>>) target(%arg15 : memref<80x128xf32, #tpu.memory_space<vmem>>) offsets(%dma_start3A_540 : memref<80xi32, #tpu.memory_space<vmem>>) semaphore(%arg28 : memref<!tpu.dma_semaphore, #tpu.memory_space<semaphore_mem>>)
      } else {
      }
      %mul3A_333 = arith.constant 8 : i32
      %mul3A_334 = arith.muli %scan3A_220, %mul3A_333 : i32
      %add3A_335 = arith.constant 3 : i32
      %add3A_336 = arith.addi %mul3A_334, %add3A_335 : i32
      %dma_wait3A_337 = arith.constant 0 : i32
      %dma_wait3A_338 = arith.constant 0 : i32
      %dma_wait3A_339 = tpu.memref_slice %arg9[%dma_wait3A_337, %dma_wait3A_338] : memref<2x80xi32, #tpu.memory_space<vmem>> -> memref<1x80xi32, #tpu.memory_space<vmem>>
      %dma_wait3A_340 = tpu.memref_squeeze %dma_wait3A_339 : memref<1x80xi32, #tpu.memory_space<vmem>> -> memref<80xi32, #tpu.memory_space<vmem>>
      %dma_wait3A_341 = arith.constant 0 : i32
      %dma_wait3A_342 = arith.constant 0 : i32
      %dma_wait3A_343 = tpu.memref_slice %arg2[%dma_wait3A_341, %dma_wait3A_342] : memref<10000x128xf32, #tpu.memory_space<hbm>> -> memref<10000x128xf32, #tpu.memory_space<hbm>>
      tpu.wait_indirect_dma semaphore(%arg30 : memref<!tpu.dma_semaphore, #tpu.memory_space<semaphore_mem>>) src(%dma_wait3A_343 : memref<10000x128xf32, #tpu.memory_space<hbm>>) dst(%arg17 : memref<80x128xf32, #tpu.memory_space<vmem>>)
      %dma_start3A_344 = arith.constant 1 : i32
      %dma_start3A_345 = arith.constant 0 : i32
      %dma_start3A_346 = tpu.memref_slice %arg9[%dma_start3A_344, %dma_start3A_345] : memref<2x80xi32, #tpu.memory_space<vmem>> -> memref<1x80xi32, #tpu.memory_space<vmem>>
      %dma_start3A_347 = tpu.memref_squeeze %dma_start3A_346 : memref<1x80xi32, #tpu.memory_space<vmem>> -> memref<80xi32, #tpu.memory_space<vmem>>
      %dma_start3A_348 = arith.constant 0 : i32
      %dma_start3A_349 = arith.constant 0 : i32
      %dma_start3A_350 = tpu.memref_slice %arg18[%dma_start3A_348, %dma_start3A_349] : memref<10240x128xf32, #tpu.memory_space<vmem_shared>> -> memref<10240x128xf32, #tpu.memory_space<vmem_shared>>
      tpu.enqueue_indirect_dma source(%arg17 : memref<80x128xf32, #tpu.memory_space<vmem>>) target(%dma_start3A_350 : memref<10240x128xf32, #tpu.memory_space<vmem_shared>>) offsets(%dma_start3A_347 : memref<80xi32, #tpu.memory_space<vmem>>) semaphore(%arg34 : memref<!tpu.dma_semaphore, #tpu.memory_space<semaphore_mem>>) {add = true}
      %ge3A_351 = arith.constant 1 : i32
      %ge3A_352 = arith.cmpi sge, %add3A_336, %ge3A_351 : i32
      %convert_element_type3A_353 = arith.extui %ge3A_352 : i1 to i32
      %cond3A_354 = arith.constant 0 : i32
      %cond3A_355 = arith.cmpi ne, %convert_element_type3A_353, %cond3A_354 : i32
      scf.if %cond3A_355 {
        %dma_wait3A_528 = arith.constant 1 : i32
        %dma_wait3A_529 = arith.constant 0 : i32
        %dma_wait3A_530 = tpu.memref_slice %arg8[%dma_wait3A_528, %dma_wait3A_529] : memref<2x80xi32, #tpu.memory_space<vmem>> -> memref<1x80xi32, #tpu.memory_space<vmem>>
        %dma_wait3A_531 = tpu.memref_squeeze %dma_wait3A_530 : memref<1x80xi32, #tpu.memory_space<vmem>> -> memref<80xi32, #tpu.memory_space<vmem>>
        %dma_wait3A_532 = arith.constant 0 : i32
        %dma_wait3A_533 = arith.constant 0 : i32
        %dma_wait3A_534 = tpu.memref_slice %arg18[%dma_wait3A_532, %dma_wait3A_533] : memref<10240x128xf32, #tpu.memory_space<vmem_shared>> -> memref<10240x128xf32, #tpu.memory_space<vmem_shared>>
        tpu.wait_indirect_dma semaphore(%arg33 : memref<!tpu.dma_semaphore, #tpu.memory_space<semaphore_mem>>) src(%arg16 : memref<80x128xf32, #tpu.memory_space<vmem>>) dst(%dma_wait3A_534 : memref<10240x128xf32, #tpu.memory_space<vmem_shared>>)
      } else {
      }
      %add3A_356 = arith.constant 8 : i32
      %add3A_357 = arith.addi %add3A_336, %add3A_356 : i32
      %sub3A_358 = arith.constant 3 : i32
      %sub3A_359 = arith.subi %add3A_357, %sub3A_358 : i32
      %lt3A_360 = arith.constant 125 : i32
      %lt3A_361 = arith.cmpi slt, %sub3A_359, %lt3A_360 : i32
      %convert_element_type3A_362 = arith.extui %lt3A_361 : i1 to i32
      %cond3A_363 = arith.constant 0 : i32
      %cond3A_364 = arith.cmpi ne, %convert_element_type3A_362, %cond3A_363 : i32
      scf.if %cond3A_364 {
        %add3A_528 = arith.constant 8 : i32
        %add3A_529 = arith.addi %add3A_336, %add3A_528 : i32
        %sub3A_530 = arith.constant 3 : i32
        %sub3A_531 = arith.subi %add3A_529, %sub3A_530 : i32
        %mul3A_532 = arith.constant 80 : i32
        %mul3A_533 = arith.muli %sub3A_531, %mul3A_532 : i32
        %add3A_534 = arith.addi %mul3A_2, %mul3A_533 : i32
        %dma_start3A_535 = arith.constant 0 : i32
        %dma_start3A_536 = tpu.memref_slice %arg3[%dma_start3A_535, %add3A_534] : memref<2x320000xi32, #tpu.memory_space<hbm>> -> memref<2x80xi32, #tpu.memory_space<hbm>>
        %dma_start3A_537 = arith.constant 0 : i32
        %dma_start3A_538 = tpu.memref_slice %arg3[%dma_start3A_537, %add3A_534] : memref<2x320000xi32, #tpu.memory_space<hbm>> -> memref<2x80xi32, #tpu.memory_space<hbm>>
        tpu.enqueue_dma source(%dma_start3A_538 : memref<2x80xi32, #tpu.memory_space<hbm>>) target(%arg6 : memref<2x80xi32, #tpu.memory_space<vmem>>) target_semaphore(%arg19 : memref<!tpu.dma_semaphore, #tpu.memory_space<semaphore_mem>>)
      } else {
      }
      %add3A_365 = arith.constant 3 : i32
      %add3A_366 = arith.addi %add3A_336, %add3A_365 : i32
      %lt3A_367 = arith.constant 125 : i32
      %lt3A_368 = arith.cmpi slt, %add3A_366, %lt3A_367 : i32
      %convert_element_type3A_369 = arith.extui %lt3A_368 : i1 to i32
      %cond3A_370 = arith.constant 0 : i32
      %cond3A_371 = arith.cmpi ne, %convert_element_type3A_369, %cond3A_370 : i32
      scf.if %cond3A_371 {
        %add3A_528 = arith.constant 3 : i32
        %add3A_529 = arith.addi %add3A_336, %add3A_528 : i32
        %mul3A_530 = arith.constant 80 : i32
        %mul3A_531 = arith.muli %add3A_529, %mul3A_530 : i32
        %add3A_532 = arith.addi %mul3A_2, %mul3A_531 : i32
        %dma_wait3A_533 = arith.constant 0 : i32
        %dma_wait3A_534 = tpu.memref_slice %arg3[%dma_wait3A_533, %add3A_532] : memref<2x320000xi32, #tpu.memory_space<hbm>> -> memref<2x80xi32, #tpu.memory_space<hbm>>
        %dma_wait3A_535 = arith.constant 0 : i32
        %dma_wait3A_536 = tpu.memref_slice %arg3[%dma_wait3A_535, %add3A_532] : memref<2x320000xi32, #tpu.memory_space<hbm>> -> memref<2x80xi32, #tpu.memory_space<hbm>>
        tpu.wait_dma2 semaphore(%arg25 : memref<!tpu.dma_semaphore, #tpu.memory_space<semaphore_mem>>) src(%dma_wait3A_536 : memref<2x80xi32, #tpu.memory_space<hbm>>) dst(%arg12 : memref<2x80xi32, #tpu.memory_space<vmem>>)
        %dma_start3A_537 = arith.constant 0 : i32
        %dma_start3A_538 = arith.constant 0 : i32
        %dma_start3A_539 = tpu.memref_slice %arg12[%dma_start3A_537, %dma_start3A_538] : memref<2x80xi32, #tpu.memory_space<vmem>> -> memref<1x80xi32, #tpu.memory_space<vmem>>
        %dma_start3A_540 = tpu.memref_squeeze %dma_start3A_539 : memref<1x80xi32, #tpu.memory_space<vmem>> -> memref<80xi32, #tpu.memory_space<vmem>>
        %dma_start3A_541 = arith.constant 0 : i32
        %dma_start3A_542 = arith.constant 0 : i32
        %dma_start3A_543 = tpu.memref_slice %arg2[%dma_start3A_541, %dma_start3A_542] : memref<10000x128xf32, #tpu.memory_space<hbm>> -> memref<10000x128xf32, #tpu.memory_space<hbm>>
        tpu.enqueue_indirect_dma source(%dma_start3A_543 : memref<10000x128xf32, #tpu.memory_space<hbm>>) target(%arg16 : memref<80x128xf32, #tpu.memory_space<vmem>>) offsets(%dma_start3A_540 : memref<80xi32, #tpu.memory_space<vmem>>) semaphore(%arg29 : memref<!tpu.dma_semaphore, #tpu.memory_space<semaphore_mem>>)
      } else {
      }
      %mul3A_372 = arith.constant 8 : i32
      %mul3A_373 = arith.muli %scan3A_220, %mul3A_372 : i32
      %add3A_374 = arith.constant 4 : i32
      %add3A_375 = arith.addi %mul3A_373, %add3A_374 : i32
      %dma_wait3A_376 = arith.constant 0 : i32
      %dma_wait3A_377 = arith.constant 0 : i32
      %dma_wait3A_378 = tpu.memref_slice %arg10[%dma_wait3A_376, %dma_wait3A_377] : memref<2x80xi32, #tpu.memory_space<vmem>> -> memref<1x80xi32, #tpu.memory_space<vmem>>
      %dma_wait3A_379 = tpu.memref_squeeze %dma_wait3A_378 : memref<1x80xi32, #tpu.memory_space<vmem>> -> memref<80xi32, #tpu.memory_space<vmem>>
      %dma_wait3A_380 = arith.constant 0 : i32
      %dma_wait3A_381 = arith.constant 0 : i32
      %dma_wait3A_382 = tpu.memref_slice %arg2[%dma_wait3A_380, %dma_wait3A_381] : memref<10000x128xf32, #tpu.memory_space<hbm>> -> memref<10000x128xf32, #tpu.memory_space<hbm>>
      tpu.wait_indirect_dma semaphore(%arg27 : memref<!tpu.dma_semaphore, #tpu.memory_space<semaphore_mem>>) src(%dma_wait3A_382 : memref<10000x128xf32, #tpu.memory_space<hbm>>) dst(%arg14 : memref<80x128xf32, #tpu.memory_space<vmem>>)
      %dma_start3A_383 = arith.constant 1 : i32
      %dma_start3A_384 = arith.constant 0 : i32
      %dma_start3A_385 = tpu.memref_slice %arg10[%dma_start3A_383, %dma_start3A_384] : memref<2x80xi32, #tpu.memory_space<vmem>> -> memref<1x80xi32, #tpu.memory_space<vmem>>
      %dma_start3A_386 = tpu.memref_squeeze %dma_start3A_385 : memref<1x80xi32, #tpu.memory_space<vmem>> -> memref<80xi32, #tpu.memory_space<vmem>>
      %dma_start3A_387 = arith.constant 0 : i32
      %dma_start3A_388 = arith.constant 0 : i32
      %dma_start3A_389 = tpu.memref_slice %arg18[%dma_start3A_387, %dma_start3A_388] : memref<10240x128xf32, #tpu.memory_space<vmem_shared>> -> memref<10240x128xf32, #tpu.memory_space<vmem_shared>>
      tpu.enqueue_indirect_dma source(%arg14 : memref<80x128xf32, #tpu.memory_space<vmem>>) target(%dma_start3A_389 : memref<10240x128xf32, #tpu.memory_space<vmem_shared>>) offsets(%dma_start3A_386 : memref<80xi32, #tpu.memory_space<vmem>>) semaphore(%arg31 : memref<!tpu.dma_semaphore, #tpu.memory_space<semaphore_mem>>) {add = true}
      %ge3A_390 = arith.constant 1 : i32
      %ge3A_391 = arith.cmpi sge, %add3A_375, %ge3A_390 : i32
      %convert_element_type3A_392 = arith.extui %ge3A_391 : i1 to i32
      %cond3A_393 = arith.constant 0 : i32
      %cond3A_394 = arith.cmpi ne, %convert_element_type3A_392, %cond3A_393 : i32
      scf.if %cond3A_394 {
        %dma_wait3A_528 = arith.constant 1 : i32
        %dma_wait3A_529 = arith.constant 0 : i32
        %dma_wait3A_530 = tpu.memref_slice %arg9[%dma_wait3A_528, %dma_wait3A_529] : memref<2x80xi32, #tpu.memory_space<vmem>> -> memref<1x80xi32, #tpu.memory_space<vmem>>
        %dma_wait3A_531 = tpu.memref_squeeze %dma_wait3A_530 : memref<1x80xi32, #tpu.memory_space<vmem>> -> memref<80xi32, #tpu.memory_space<vmem>>
        %dma_wait3A_532 = arith.constant 0 : i32
        %dma_wait3A_533 = arith.constant 0 : i32
        %dma_wait3A_534 = tpu.memref_slice %arg18[%dma_wait3A_532, %dma_wait3A_533] : memref<10240x128xf32, #tpu.memory_space<vmem_shared>> -> memref<10240x128xf32, #tpu.memory_space<vmem_shared>>
        tpu.wait_indirect_dma semaphore(%arg34 : memref<!tpu.dma_semaphore, #tpu.memory_space<semaphore_mem>>) src(%arg17 : memref<80x128xf32, #tpu.memory_space<vmem>>) dst(%dma_wait3A_534 : memref<10240x128xf32, #tpu.memory_space<vmem_shared>>)
      } else {
      }
      %add3A_395 = arith.constant 8 : i32
      %add3A_396 = arith.addi %add3A_375, %add3A_395 : i32
      %sub3A_397 = arith.constant 3 : i32
      %sub3A_398 = arith.subi %add3A_396, %sub3A_397 : i32
      %lt3A_399 = arith.constant 125 : i32
      %lt3A_400 = arith.cmpi slt, %sub3A_398, %lt3A_399 : i32
      %convert_element_type3A_401 = arith.extui %lt3A_400 : i1 to i32
      %cond3A_402 = arith.constant 0 : i32
      %cond3A_403 = arith.cmpi ne, %convert_element_type3A_401, %cond3A_402 : i32
      scf.if %cond3A_403 {
        %add3A_528 = arith.constant 8 : i32
        %add3A_529 = arith.addi %add3A_375, %add3A_528 : i32
        %sub3A_530 = arith.constant 3 : i32
        %sub3A_531 = arith.subi %add3A_529, %sub3A_530 : i32
        %mul3A_532 = arith.constant 80 : i32
        %mul3A_533 = arith.muli %sub3A_531, %mul3A_532 : i32
        %add3A_534 = arith.addi %mul3A_2, %mul3A_533 : i32
        %dma_start3A_535 = arith.constant 0 : i32
        %dma_start3A_536 = tpu.memref_slice %arg3[%dma_start3A_535, %add3A_534] : memref<2x320000xi32, #tpu.memory_space<hbm>> -> memref<2x80xi32, #tpu.memory_space<hbm>>
        %dma_start3A_537 = arith.constant 0 : i32
        %dma_start3A_538 = tpu.memref_slice %arg3[%dma_start3A_537, %add3A_534] : memref<2x320000xi32, #tpu.memory_space<hbm>> -> memref<2x80xi32, #tpu.memory_space<hbm>>
        tpu.enqueue_dma source(%dma_start3A_538 : memref<2x80xi32, #tpu.memory_space<hbm>>) target(%arg7 : memref<2x80xi32, #tpu.memory_space<vmem>>) target_semaphore(%arg20 : memref<!tpu.dma_semaphore, #tpu.memory_space<semaphore_mem>>)
      } else {
      }
      %add3A_404 = arith.constant 3 : i32
      %add3A_405 = arith.addi %add3A_375, %add3A_404 : i32
      %lt3A_406 = arith.constant 125 : i32
      %lt3A_407 = arith.cmpi slt, %add3A_405, %lt3A_406 : i32
      %convert_element_type3A_408 = arith.extui %lt3A_407 : i1 to i32
      %cond3A_409 = arith.constant 0 : i32
      %cond3A_410 = arith.cmpi ne, %convert_element_type3A_408, %cond3A_409 : i32
      scf.if %cond3A_410 {
        %add3A_528 = arith.constant 3 : i32
        %add3A_529 = arith.addi %add3A_375, %add3A_528 : i32
        %mul3A_530 = arith.constant 80 : i32
        %mul3A_531 = arith.muli %add3A_529, %mul3A_530 : i32
        %add3A_532 = arith.addi %mul3A_2, %mul3A_531 : i32
        %dma_wait3A_533 = arith.constant 0 : i32
        %dma_wait3A_534 = tpu.memref_slice %arg3[%dma_wait3A_533, %add3A_532] : memref<2x320000xi32, #tpu.memory_space<hbm>> -> memref<2x80xi32, #tpu.memory_space<hbm>>
        %dma_wait3A_535 = arith.constant 0 : i32
        %dma_wait3A_536 = tpu.memref_slice %arg3[%dma_wait3A_535, %add3A_532] : memref<2x320000xi32, #tpu.memory_space<hbm>> -> memref<2x80xi32, #tpu.memory_space<hbm>>
        tpu.wait_dma2 semaphore(%arg26 : memref<!tpu.dma_semaphore, #tpu.memory_space<semaphore_mem>>) src(%dma_wait3A_536 : memref<2x80xi32, #tpu.memory_space<hbm>>) dst(%arg13 : memref<2x80xi32, #tpu.memory_space<vmem>>)
        %dma_start3A_537 = arith.constant 0 : i32
        %dma_start3A_538 = arith.constant 0 : i32
        %dma_start3A_539 = tpu.memref_slice %arg13[%dma_start3A_537, %dma_start3A_538] : memref<2x80xi32, #tpu.memory_space<vmem>> -> memref<1x80xi32, #tpu.memory_space<vmem>>
        %dma_start3A_540 = tpu.memref_squeeze %dma_start3A_539 : memref<1x80xi32, #tpu.memory_space<vmem>> -> memref<80xi32, #tpu.memory_space<vmem>>
        %dma_start3A_541 = arith.constant 0 : i32
        %dma_start3A_542 = arith.constant 0 : i32
        %dma_start3A_543 = tpu.memref_slice %arg2[%dma_start3A_541, %dma_start3A_542] : memref<10000x128xf32, #tpu.memory_space<hbm>> -> memref<10000x128xf32, #tpu.memory_space<hbm>>
        tpu.enqueue_indirect_dma source(%dma_start3A_543 : memref<10000x128xf32, #tpu.memory_space<hbm>>) target(%arg17 : memref<80x128xf32, #tpu.memory_space<vmem>>) offsets(%dma_start3A_540 : memref<80xi32, #tpu.memory_space<vmem>>) semaphore(%arg30 : memref<!tpu.dma_semaphore, #tpu.memory_space<semaphore_mem>>)
      } else {
      }
      %mul3A_411 = arith.constant 8 : i32
      %mul3A_412 = arith.muli %scan3A_220, %mul3A_411 : i32
      %add3A_413 = arith.constant 5 : i32
      %add3A_414 = arith.addi %mul3A_412, %add3A_413 : i32
      %dma_wait3A_415 = arith.constant 0 : i32
      %dma_wait3A_416 = arith.constant 0 : i32
      %dma_wait3A_417 = tpu.memref_slice %arg11[%dma_wait3A_415, %dma_wait3A_416] : memref<2x80xi32, #tpu.memory_space<vmem>> -> memref<1x80xi32, #tpu.memory_space<vmem>>
      %dma_wait3A_418 = tpu.memref_squeeze %dma_wait3A_417 : memref<1x80xi32, #tpu.memory_space<vmem>> -> memref<80xi32, #tpu.memory_space<vmem>>
      %dma_wait3A_419 = arith.constant 0 : i32
      %dma_wait3A_420 = arith.constant 0 : i32
      %dma_wait3A_421 = tpu.memref_slice %arg2[%dma_wait3A_419, %dma_wait3A_420] : memref<10000x128xf32, #tpu.memory_space<hbm>> -> memref<10000x128xf32, #tpu.memory_space<hbm>>
      tpu.wait_indirect_dma semaphore(%arg28 : memref<!tpu.dma_semaphore, #tpu.memory_space<semaphore_mem>>) src(%dma_wait3A_421 : memref<10000x128xf32, #tpu.memory_space<hbm>>) dst(%arg15 : memref<80x128xf32, #tpu.memory_space<vmem>>)
      %dma_start3A_422 = arith.constant 1 : i32
      %dma_start3A_423 = arith.constant 0 : i32
      %dma_start3A_424 = tpu.memref_slice %arg11[%dma_start3A_422, %dma_start3A_423] : memref<2x80xi32, #tpu.memory_space<vmem>> -> memref<1x80xi32, #tpu.memory_space<vmem>>
      %dma_start3A_425 = tpu.memref_squeeze %dma_start3A_424 : memref<1x80xi32, #tpu.memory_space<vmem>> -> memref<80xi32, #tpu.memory_space<vmem>>
      %dma_start3A_426 = arith.constant 0 : i32
      %dma_start3A_427 = arith.constant 0 : i32
      %dma_start3A_428 = tpu.memref_slice %arg18[%dma_start3A_426, %dma_start3A_427] : memref<10240x128xf32, #tpu.memory_space<vmem_shared>> -> memref<10240x128xf32, #tpu.memory_space<vmem_shared>>
      tpu.enqueue_indirect_dma source(%arg15 : memref<80x128xf32, #tpu.memory_space<vmem>>) target(%dma_start3A_428 : memref<10240x128xf32, #tpu.memory_space<vmem_shared>>) offsets(%dma_start3A_425 : memref<80xi32, #tpu.memory_space<vmem>>) semaphore(%arg32 : memref<!tpu.dma_semaphore, #tpu.memory_space<semaphore_mem>>) {add = true}
      %ge3A_429 = arith.constant 1 : i32
      %ge3A_430 = arith.cmpi sge, %add3A_414, %ge3A_429 : i32
      %convert_element_type3A_431 = arith.extui %ge3A_430 : i1 to i32
      %cond3A_432 = arith.constant 0 : i32
      %cond3A_433 = arith.cmpi ne, %convert_element_type3A_431, %cond3A_432 : i32
      scf.if %cond3A_433 {
        %dma_wait3A_528 = arith.constant 1 : i32
        %dma_wait3A_529 = arith.constant 0 : i32
        %dma_wait3A_530 = tpu.memref_slice %arg10[%dma_wait3A_528, %dma_wait3A_529] : memref<2x80xi32, #tpu.memory_space<vmem>> -> memref<1x80xi32, #tpu.memory_space<vmem>>
        %dma_wait3A_531 = tpu.memref_squeeze %dma_wait3A_530 : memref<1x80xi32, #tpu.memory_space<vmem>> -> memref<80xi32, #tpu.memory_space<vmem>>
        %dma_wait3A_532 = arith.constant 0 : i32
        %dma_wait3A_533 = arith.constant 0 : i32
        %dma_wait3A_534 = tpu.memref_slice %arg18[%dma_wait3A_532, %dma_wait3A_533] : memref<10240x128xf32, #tpu.memory_space<vmem_shared>> -> memref<10240x128xf32, #tpu.memory_space<vmem_shared>>
        tpu.wait_indirect_dma semaphore(%arg31 : memref<!tpu.dma_semaphore, #tpu.memory_space<semaphore_mem>>) src(%arg14 : memref<80x128xf32, #tpu.memory_space<vmem>>) dst(%dma_wait3A_534 : memref<10240x128xf32, #tpu.memory_space<vmem_shared>>)
      } else {
      }
      %add3A_434 = arith.constant 8 : i32
      %add3A_435 = arith.addi %add3A_414, %add3A_434 : i32
      %sub3A_436 = arith.constant 3 : i32
      %sub3A_437 = arith.subi %add3A_435, %sub3A_436 : i32
      %lt3A_438 = arith.constant 125 : i32
      %lt3A_439 = arith.cmpi slt, %sub3A_437, %lt3A_438 : i32
      %convert_element_type3A_440 = arith.extui %lt3A_439 : i1 to i32
      %cond3A_441 = arith.constant 0 : i32
      %cond3A_442 = arith.cmpi ne, %convert_element_type3A_440, %cond3A_441 : i32
      scf.if %cond3A_442 {
        %add3A_528 = arith.constant 8 : i32
        %add3A_529 = arith.addi %add3A_414, %add3A_528 : i32
        %sub3A_530 = arith.constant 3 : i32
        %sub3A_531 = arith.subi %add3A_529, %sub3A_530 : i32
        %mul3A_532 = arith.constant 80 : i32
        %mul3A_533 = arith.muli %sub3A_531, %mul3A_532 : i32
        %add3A_534 = arith.addi %mul3A_2, %mul3A_533 : i32
        %dma_start3A_535 = arith.constant 0 : i32
        %dma_start3A_536 = tpu.memref_slice %arg3[%dma_start3A_535, %add3A_534] : memref<2x320000xi32, #tpu.memory_space<hbm>> -> memref<2x80xi32, #tpu.memory_space<hbm>>
        %dma_start3A_537 = arith.constant 0 : i32
        %dma_start3A_538 = tpu.memref_slice %arg3[%dma_start3A_537, %add3A_534] : memref<2x320000xi32, #tpu.memory_space<hbm>> -> memref<2x80xi32, #tpu.memory_space<hbm>>
        tpu.enqueue_dma source(%dma_start3A_538 : memref<2x80xi32, #tpu.memory_space<hbm>>) target(%arg8 : memref<2x80xi32, #tpu.memory_space<vmem>>) target_semaphore(%arg21 : memref<!tpu.dma_semaphore, #tpu.memory_space<semaphore_mem>>)
      } else {
      }
      %add3A_443 = arith.constant 3 : i32
      %add3A_444 = arith.addi %add3A_414, %add3A_443 : i32
      %lt3A_445 = arith.constant 125 : i32
      %lt3A_446 = arith.cmpi slt, %add3A_444, %lt3A_445 : i32
      %convert_element_type3A_447 = arith.extui %lt3A_446 : i1 to i32
      %cond3A_448 = arith.constant 0 : i32
      %cond3A_449 = arith.cmpi ne, %convert_element_type3A_447, %cond3A_448 : i32
      scf.if %cond3A_449 {
        %add3A_528 = arith.constant 3 : i32
        %add3A_529 = arith.addi %add3A_414, %add3A_528 : i32
        %mul3A_530 = arith.constant 80 : i32
        %mul3A_531 = arith.muli %add3A_529, %mul3A_530 : i32
        %add3A_532 = arith.addi %mul3A_2, %mul3A_531 : i32
        %dma_wait3A_533 = arith.constant 0 : i32
        %dma_wait3A_534 = tpu.memref_slice %arg3[%dma_wait3A_533, %add3A_532] : memref<2x320000xi32, #tpu.memory_space<hbm>> -> memref<2x80xi32, #tpu.memory_space<hbm>>
        %dma_wait3A_535 = arith.constant 0 : i32
        %dma_wait3A_536 = tpu.memref_slice %arg3[%dma_wait3A_535, %add3A_532] : memref<2x320000xi32, #tpu.memory_space<hbm>> -> memref<2x80xi32, #tpu.memory_space<hbm>>
        tpu.wait_dma2 semaphore(%arg19 : memref<!tpu.dma_semaphore, #tpu.memory_space<semaphore_mem>>) src(%dma_wait3A_536 : memref<2x80xi32, #tpu.memory_space<hbm>>) dst(%arg6 : memref<2x80xi32, #tpu.memory_space<vmem>>)
        %dma_start3A_537 = arith.constant 0 : i32
        %dma_start3A_538 = arith.constant 0 : i32
        %dma_start3A_539 = tpu.memref_slice %arg6[%dma_start3A_537, %dma_start3A_538] : memref<2x80xi32, #tpu.memory_space<vmem>> -> memref<1x80xi32, #tpu.memory_space<vmem>>
        %dma_start3A_540 = tpu.memref_squeeze %dma_start3A_539 : memref<1x80xi32, #tpu.memory_space<vmem>> -> memref<80xi32, #tpu.memory_space<vmem>>
        %dma_start3A_541 = arith.constant 0 : i32
        %dma_start3A_542 = arith.constant 0 : i32
        %dma_start3A_543 = tpu.memref_slice %arg2[%dma_start3A_541, %dma_start3A_542] : memref<10000x128xf32, #tpu.memory_space<hbm>> -> memref<10000x128xf32, #tpu.memory_space<hbm>>
        tpu.enqueue_indirect_dma source(%dma_start3A_543 : memref<10000x128xf32, #tpu.memory_space<hbm>>) target(%arg14 : memref<80x128xf32, #tpu.memory_space<vmem>>) offsets(%dma_start3A_540 : memref<80xi32, #tpu.memory_space<vmem>>) semaphore(%arg27 : memref<!tpu.dma_semaphore, #tpu.memory_space<semaphore_mem>>)
      } else {
      }
      %mul3A_450 = arith.constant 8 : i32
      %mul3A_451 = arith.muli %scan3A_220, %mul3A_450 : i32
      %add3A_452 = arith.constant 6 : i32
      %add3A_453 = arith.addi %mul3A_451, %add3A_452 : i32
      %dma_wait3A_454 = arith.constant 0 : i32
      %dma_wait3A_455 = arith.constant 0 : i32
      %dma_wait3A_456 = tpu.memref_slice %arg12[%dma_wait3A_454, %dma_wait3A_455] : memref<2x80xi32, #tpu.memory_space<vmem>> -> memref<1x80xi32, #tpu.memory_space<vmem>>
      %dma_wait3A_457 = tpu.memref_squeeze %dma_wait3A_456 : memref<1x80xi32, #tpu.memory_space<vmem>> -> memref<80xi32, #tpu.memory_space<vmem>>
      %dma_wait3A_458 = arith.constant 0 : i32
      %dma_wait3A_459 = arith.constant 0 : i32
      %dma_wait3A_460 = tpu.memref_slice %arg2[%dma_wait3A_458, %dma_wait3A_459] : memref<10000x128xf32, #tpu.memory_space<hbm>> -> memref<10000x128xf32, #tpu.memory_space<hbm>>
      tpu.wait_indirect_dma semaphore(%arg29 : memref<!tpu.dma_semaphore, #tpu.memory_space<semaphore_mem>>) src(%dma_wait3A_460 : memref<10000x128xf32, #tpu.memory_space<hbm>>) dst(%arg16 : memref<80x128xf32, #tpu.memory_space<vmem>>)
      %dma_start3A_461 = arith.constant 1 : i32
      %dma_start3A_462 = arith.constant 0 : i32
      %dma_start3A_463 = tpu.memref_slice %arg12[%dma_start3A_461, %dma_start3A_462] : memref<2x80xi32, #tpu.memory_space<vmem>> -> memref<1x80xi32, #tpu.memory_space<vmem>>
      %dma_start3A_464 = tpu.memref_squeeze %dma_start3A_463 : memref<1x80xi32, #tpu.memory_space<vmem>> -> memref<80xi32, #tpu.memory_space<vmem>>
      %dma_start3A_465 = arith.constant 0 : i32
      %dma_start3A_466 = arith.constant 0 : i32
      %dma_start3A_467 = tpu.memref_slice %arg18[%dma_start3A_465, %dma_start3A_466] : memref<10240x128xf32, #tpu.memory_space<vmem_shared>> -> memref<10240x128xf32, #tpu.memory_space<vmem_shared>>
      tpu.enqueue_indirect_dma source(%arg16 : memref<80x128xf32, #tpu.memory_space<vmem>>) target(%dma_start3A_467 : memref<10240x128xf32, #tpu.memory_space<vmem_shared>>) offsets(%dma_start3A_464 : memref<80xi32, #tpu.memory_space<vmem>>) semaphore(%arg33 : memref<!tpu.dma_semaphore, #tpu.memory_space<semaphore_mem>>) {add = true}
      %ge3A_468 = arith.constant 1 : i32
      %ge3A_469 = arith.cmpi sge, %add3A_453, %ge3A_468 : i32
      %convert_element_type3A_470 = arith.extui %ge3A_469 : i1 to i32
      %cond3A_471 = arith.constant 0 : i32
      %cond3A_472 = arith.cmpi ne, %convert_element_type3A_470, %cond3A_471 : i32
      scf.if %cond3A_472 {
        %dma_wait3A_528 = arith.constant 1 : i32
        %dma_wait3A_529 = arith.constant 0 : i32
        %dma_wait3A_530 = tpu.memref_slice %arg11[%dma_wait3A_528, %dma_wait3A_529] : memref<2x80xi32, #tpu.memory_space<vmem>> -> memref<1x80xi32, #tpu.memory_space<vmem>>
        %dma_wait3A_531 = tpu.memref_squeeze %dma_wait3A_530 : memref<1x80xi32, #tpu.memory_space<vmem>> -> memref<80xi32, #tpu.memory_space<vmem>>
        %dma_wait3A_532 = arith.constant 0 : i32
        %dma_wait3A_533 = arith.constant 0 : i32
        %dma_wait3A_534 = tpu.memref_slice %arg18[%dma_wait3A_532, %dma_wait3A_533] : memref<10240x128xf32, #tpu.memory_space<vmem_shared>> -> memref<10240x128xf32, #tpu.memory_space<vmem_shared>>
        tpu.wait_indirect_dma semaphore(%arg32 : memref<!tpu.dma_semaphore, #tpu.memory_space<semaphore_mem>>) src(%arg15 : memref<80x128xf32, #tpu.memory_space<vmem>>) dst(%dma_wait3A_534 : memref<10240x128xf32, #tpu.memory_space<vmem_shared>>)
      } else {
      }
      %add3A_473 = arith.constant 8 : i32
      %add3A_474 = arith.addi %add3A_453, %add3A_473 : i32
      %sub3A_475 = arith.constant 3 : i32
      %sub3A_476 = arith.subi %add3A_474, %sub3A_475 : i32
      %lt3A_477 = arith.constant 125 : i32
      %lt3A_478 = arith.cmpi slt, %sub3A_476, %lt3A_477 : i32
      %convert_element_type3A_479 = arith.extui %lt3A_478 : i1 to i32
      %cond3A_480 = arith.constant 0 : i32
      %cond3A_481 = arith.cmpi ne, %convert_element_type3A_479, %cond3A_480 : i32
      scf.if %cond3A_481 {
        %add3A_528 = arith.constant 8 : i32
        %add3A_529 = arith.addi %add3A_453, %add3A_528 : i32
        %sub3A_530 = arith.constant 3 : i32
        %sub3A_531 = arith.subi %add3A_529, %sub3A_530 : i32
        %mul3A_532 = arith.constant 80 : i32
        %mul3A_533 = arith.muli %sub3A_531, %mul3A_532 : i32
        %add3A_534 = arith.addi %mul3A_2, %mul3A_533 : i32
        %dma_start3A_535 = arith.constant 0 : i32
        %dma_start3A_536 = tpu.memref_slice %arg3[%dma_start3A_535, %add3A_534] : memref<2x320000xi32, #tpu.memory_space<hbm>> -> memref<2x80xi32, #tpu.memory_space<hbm>>
        %dma_start3A_537 = arith.constant 0 : i32
        %dma_start3A_538 = tpu.memref_slice %arg3[%dma_start3A_537, %add3A_534] : memref<2x320000xi32, #tpu.memory_space<hbm>> -> memref<2x80xi32, #tpu.memory_space<hbm>>
        tpu.enqueue_dma source(%dma_start3A_538 : memref<2x80xi32, #tpu.memory_space<hbm>>) target(%arg9 : memref<2x80xi32, #tpu.memory_space<vmem>>) target_semaphore(%arg22 : memref<!tpu.dma_semaphore, #tpu.memory_space<semaphore_mem>>)
      } else {
      }
      %add3A_482 = arith.constant 3 : i32
      %add3A_483 = arith.addi %add3A_453, %add3A_482 : i32
      %lt3A_484 = arith.constant 125 : i32
      %lt3A_485 = arith.cmpi slt, %add3A_483, %lt3A_484 : i32
      %convert_element_type3A_486 = arith.extui %lt3A_485 : i1 to i32
      %cond3A_487 = arith.constant 0 : i32
      %cond3A_488 = arith.cmpi ne, %convert_element_type3A_486, %cond3A_487 : i32
      scf.if %cond3A_488 {
        %add3A_528 = arith.constant 3 : i32
        %add3A_529 = arith.addi %add3A_453, %add3A_528 : i32
        %mul3A_530 = arith.constant 80 : i32
        %mul3A_531 = arith.muli %add3A_529, %mul3A_530 : i32
        %add3A_532 = arith.addi %mul3A_2, %mul3A_531 : i32
        %dma_wait3A_533 = arith.constant 0 : i32
        %dma_wait3A_534 = tpu.memref_slice %arg3[%dma_wait3A_533, %add3A_532] : memref<2x320000xi32, #tpu.memory_space<hbm>> -> memref<2x80xi32, #tpu.memory_space<hbm>>
        %dma_wait3A_535 = arith.constant 0 : i32
        %dma_wait3A_536 = tpu.memref_slice %arg3[%dma_wait3A_535, %add3A_532] : memref<2x320000xi32, #tpu.memory_space<hbm>> -> memref<2x80xi32, #tpu.memory_space<hbm>>
        tpu.wait_dma2 semaphore(%arg20 : memref<!tpu.dma_semaphore, #tpu.memory_space<semaphore_mem>>) src(%dma_wait3A_536 : memref<2x80xi32, #tpu.memory_space<hbm>>) dst(%arg7 : memref<2x80xi32, #tpu.memory_space<vmem>>)
        %dma_start3A_537 = arith.constant 0 : i32
        %dma_start3A_538 = arith.constant 0 : i32
        %dma_start3A_539 = tpu.memref_slice %arg7[%dma_start3A_537, %dma_start3A_538] : memref<2x80xi32, #tpu.memory_space<vmem>> -> memref<1x80xi32, #tpu.memory_space<vmem>>
        %dma_start3A_540 = tpu.memref_squeeze %dma_start3A_539 : memref<1x80xi32, #tpu.memory_space<vmem>> -> memref<80xi32, #tpu.memory_space<vmem>>
        %dma_start3A_541 = arith.constant 0 : i32
        %dma_start3A_542 = arith.constant 0 : i32
        %dma_start3A_543 = tpu.memref_slice %arg2[%dma_start3A_541, %dma_start3A_542] : memref<10000x128xf32, #tpu.memory_space<hbm>> -> memref<10000x128xf32, #tpu.memory_space<hbm>>
        tpu.enqueue_indirect_dma source(%dma_start3A_543 : memref<10000x128xf32, #tpu.memory_space<hbm>>) target(%arg15 : memref<80x128xf32, #tpu.memory_space<vmem>>) offsets(%dma_start3A_540 : memref<80xi32, #tpu.memory_space<vmem>>) semaphore(%arg28 : memref<!tpu.dma_semaphore, #tpu.memory_space<semaphore_mem>>)
      } else {
      }
      %mul3A_489 = arith.constant 8 : i32
      %mul3A_490 = arith.muli %scan3A_220, %mul3A_489 : i32
      %add3A_491 = arith.constant 7 : i32
      %add3A_492 = arith.addi %mul3A_490, %add3A_491 : i32
      %dma_wait3A_493 = arith.constant 0 : i32
      %dma_wait3A_494 = arith.constant 0 : i32
      %dma_wait3A_495 = tpu.memref_slice %arg13[%dma_wait3A_493, %dma_wait3A_494] : memref<2x80xi32, #tpu.memory_space<vmem>> -> memref<1x80xi32, #tpu.memory_space<vmem>>
      %dma_wait3A_496 = tpu.memref_squeeze %dma_wait3A_495 : memref<1x80xi32, #tpu.memory_space<vmem>> -> memref<80xi32, #tpu.memory_space<vmem>>
      %dma_wait3A_497 = arith.constant 0 : i32
      %dma_wait3A_498 = arith.constant 0 : i32
      %dma_wait3A_499 = tpu.memref_slice %arg2[%dma_wait3A_497, %dma_wait3A_498] : memref<10000x128xf32, #tpu.memory_space<hbm>> -> memref<10000x128xf32, #tpu.memory_space<hbm>>
      tpu.wait_indirect_dma semaphore(%arg30 : memref<!tpu.dma_semaphore, #tpu.memory_space<semaphore_mem>>) src(%dma_wait3A_499 : memref<10000x128xf32, #tpu.memory_space<hbm>>) dst(%arg17 : memref<80x128xf32, #tpu.memory_space<vmem>>)
      %dma_start3A_500 = arith.constant 1 : i32
      %dma_start3A_501 = arith.constant 0 : i32
      %dma_start3A_502 = tpu.memref_slice %arg13[%dma_start3A_500, %dma_start3A_501] : memref<2x80xi32, #tpu.memory_space<vmem>> -> memref<1x80xi32, #tpu.memory_space<vmem>>
      %dma_start3A_503 = tpu.memref_squeeze %dma_start3A_502 : memref<1x80xi32, #tpu.memory_space<vmem>> -> memref<80xi32, #tpu.memory_space<vmem>>
      %dma_start3A_504 = arith.constant 0 : i32
      %dma_start3A_505 = arith.constant 0 : i32
      %dma_start3A_506 = tpu.memref_slice %arg18[%dma_start3A_504, %dma_start3A_505] : memref<10240x128xf32, #tpu.memory_space<vmem_shared>> -> memref<10240x128xf32, #tpu.memory_space<vmem_shared>>
      tpu.enqueue_indirect_dma source(%arg17 : memref<80x128xf32, #tpu.memory_space<vmem>>) target(%dma_start3A_506 : memref<10240x128xf32, #tpu.memory_space<vmem_shared>>) offsets(%dma_start3A_503 : memref<80xi32, #tpu.memory_space<vmem>>) semaphore(%arg34 : memref<!tpu.dma_semaphore, #tpu.memory_space<semaphore_mem>>) {add = true}
      %ge3A_507 = arith.constant 1 : i32
      %ge3A_508 = arith.cmpi sge, %add3A_492, %ge3A_507 : i32
      %convert_element_type3A_509 = arith.extui %ge3A_508 : i1 to i32
      %cond3A_510 = arith.constant 0 : i32
      %cond3A_511 = arith.cmpi ne, %convert_element_type3A_509, %cond3A_510 : i32
      scf.if %cond3A_511 {
        %dma_wait3A_528 = arith.constant 1 : i32
        %dma_wait3A_529 = arith.constant 0 : i32
        %dma_wait3A_530 = tpu.memref_slice %arg12[%dma_wait3A_528, %dma_wait3A_529] : memref<2x80xi32, #tpu.memory_space<vmem>> -> memref<1x80xi32, #tpu.memory_space<vmem>>
        %dma_wait3A_531 = tpu.memref_squeeze %dma_wait3A_530 : memref<1x80xi32, #tpu.memory_space<vmem>> -> memref<80xi32, #tpu.memory_space<vmem>>
        %dma_wait3A_532 = arith.constant 0 : i32
        %dma_wait3A_533 = arith.constant 0 : i32
        %dma_wait3A_534 = tpu.memref_slice %arg18[%dma_wait3A_532, %dma_wait3A_533] : memref<10240x128xf32, #tpu.memory_space<vmem_shared>> -> memref<10240x128xf32, #tpu.memory_space<vmem_shared>>
        tpu.wait_indirect_dma semaphore(%arg33 : memref<!tpu.dma_semaphore, #tpu.memory_space<semaphore_mem>>) src(%arg16 : memref<80x128xf32, #tpu.memory_space<vmem>>) dst(%dma_wait3A_534 : memref<10240x128xf32, #tpu.memory_space<vmem_shared>>)
      } else {
      }
      %add3A_512 = arith.constant 8 : i32
      %add3A_513 = arith.addi %add3A_492, %add3A_512 : i32
      %sub3A_514 = arith.constant 3 : i32
      %sub3A_515 = arith.subi %add3A_513, %sub3A_514 : i32
      %lt3A_516 = arith.constant 125 : i32
      %lt3A_517 = arith.cmpi slt, %sub3A_515, %lt3A_516 : i32
      %convert_element_type3A_518 = arith.extui %lt3A_517 : i1 to i32
      %cond3A_519 = arith.constant 0 : i32
      %cond3A_520 = arith.cmpi ne, %convert_element_type3A_518, %cond3A_519 : i32
      scf.if %cond3A_520 {
        %add3A_528 = arith.constant 8 : i32
        %add3A_529 = arith.addi %add3A_492, %add3A_528 : i32
        %sub3A_530 = arith.constant 3 : i32
        %sub3A_531 = arith.subi %add3A_529, %sub3A_530 : i32
        %mul3A_532 = arith.constant 80 : i32
        %mul3A_533 = arith.muli %sub3A_531, %mul3A_532 : i32
        %add3A_534 = arith.addi %mul3A_2, %mul3A_533 : i32
        %dma_start3A_535 = arith.constant 0 : i32
        %dma_start3A_536 = tpu.memref_slice %arg3[%dma_start3A_535, %add3A_534] : memref<2x320000xi32, #tpu.memory_space<hbm>> -> memref<2x80xi32, #tpu.memory_space<hbm>>
        %dma_start3A_537 = arith.constant 0 : i32
        %dma_start3A_538 = tpu.memref_slice %arg3[%dma_start3A_537, %add3A_534] : memref<2x320000xi32, #tpu.memory_space<hbm>> -> memref<2x80xi32, #tpu.memory_space<hbm>>
        tpu.enqueue_dma source(%dma_start3A_538 : memref<2x80xi32, #tpu.memory_space<hbm>>) target(%arg10 : memref<2x80xi32, #tpu.memory_space<vmem>>) target_semaphore(%arg23 : memref<!tpu.dma_semaphore, #tpu.memory_space<semaphore_mem>>)
      } else {
      }
      %add3A_521 = arith.constant 3 : i32
      %add3A_522 = arith.addi %add3A_492, %add3A_521 : i32
      %lt3A_523 = arith.constant 125 : i32
      %lt3A_524 = arith.cmpi slt, %add3A_522, %lt3A_523 : i32
      %convert_element_type3A_525 = arith.extui %lt3A_524 : i1 to i32
      %cond3A_526 = arith.constant 0 : i32
      %cond3A_527 = arith.cmpi ne, %convert_element_type3A_525, %cond3A_526 : i32
      scf.if %cond3A_527 {
        %add3A_528 = arith.constant 3 : i32
        %add3A_529 = arith.addi %add3A_492, %add3A_528 : i32
        %mul3A_530 = arith.constant 80 : i32
        %mul3A_531 = arith.muli %add3A_529, %mul3A_530 : i32
        %add3A_532 = arith.addi %mul3A_2, %mul3A_531 : i32
        %dma_wait3A_533 = arith.constant 0 : i32
        %dma_wait3A_534 = tpu.memref_slice %arg3[%dma_wait3A_533, %add3A_532] : memref<2x320000xi32, #tpu.memory_space<hbm>> -> memref<2x80xi32, #tpu.memory_space<hbm>>
        %dma_wait3A_535 = arith.constant 0 : i32
        %dma_wait3A_536 = tpu.memref_slice %arg3[%dma_wait3A_535, %add3A_532] : memref<2x320000xi32, #tpu.memory_space<hbm>> -> memref<2x80xi32, #tpu.memory_space<hbm>>
        tpu.wait_dma2 semaphore(%arg21 : memref<!tpu.dma_semaphore, #tpu.memory_space<semaphore_mem>>) src(%dma_wait3A_536 : memref<2x80xi32, #tpu.memory_space<hbm>>) dst(%arg8 : memref<2x80xi32, #tpu.memory_space<vmem>>)
        %dma_start3A_537 = arith.constant 0 : i32
        %dma_start3A_538 = arith.constant 0 : i32
        %dma_start3A_539 = tpu.memref_slice %arg8[%dma_start3A_537, %dma_start3A_538] : memref<2x80xi32, #tpu.memory_space<vmem>> -> memref<1x80xi32, #tpu.memory_space<vmem>>
        %dma_start3A_540 = tpu.memref_squeeze %dma_start3A_539 : memref<1x80xi32, #tpu.memory_space<vmem>> -> memref<80xi32, #tpu.memory_space<vmem>>
        %dma_start3A_541 = arith.constant 0 : i32
        %dma_start3A_542 = arith.constant 0 : i32
        %dma_start3A_543 = tpu.memref_slice %arg2[%dma_start3A_541, %dma_start3A_542] : memref<10000x128xf32, #tpu.memory_space<hbm>> -> memref<10000x128xf32, #tpu.memory_space<hbm>>
        tpu.enqueue_indirect_dma source(%dma_start3A_543 : memref<10000x128xf32, #tpu.memory_space<hbm>>) target(%arg16 : memref<80x128xf32, #tpu.memory_space<vmem>>) offsets(%dma_start3A_540 : memref<80xi32, #tpu.memory_space<vmem>>) semaphore(%arg29 : memref<!tpu.dma_semaphore, #tpu.memory_space<semaphore_mem>>)
      } else {
      }
    }
    %scan3A_76 = arith.constant 15 : i32
    %dma_wait3A_77 = arith.constant 0 : i32
    %dma_wait3A_78 = arith.constant 0 : i32
    %dma_wait3A_79 = tpu.memref_slice %arg6[%dma_wait3A_77, %dma_wait3A_78] : memref<2x80xi32, #tpu.memory_space<vmem>> -> memref<1x80xi32, #tpu.memory_space<vmem>>
    %dma_wait3A_80 = tpu.memref_squeeze %dma_wait3A_79 : memref<1x80xi32, #tpu.memory_space<vmem>> -> memref<80xi32, #tpu.memory_space<vmem>>
    %dma_wait3A_81 = arith.constant 0 : i32
    %dma_wait3A_82 = arith.constant 0 : i32
    %dma_wait3A_83 = tpu.memref_slice %arg2[%dma_wait3A_81, %dma_wait3A_82] : memref<10000x128xf32, #tpu.memory_space<hbm>> -> memref<10000x128xf32, #tpu.memory_space<hbm>>
    tpu.wait_indirect_dma semaphore(%arg27 : memref<!tpu.dma_semaphore, #tpu.memory_space<semaphore_mem>>) src(%dma_wait3A_83 : memref<10000x128xf32, #tpu.memory_space<hbm>>) dst(%arg14 : memref<80x128xf32, #tpu.memory_space<vmem>>)
    %dma_start3A_84 = arith.constant 1 : i32
    %dma_start3A_85 = arith.constant 0 : i32
    %dma_start3A_86 = tpu.memref_slice %arg6[%dma_start3A_84, %dma_start3A_85] : memref<2x80xi32, #tpu.memory_space<vmem>> -> memref<1x80xi32, #tpu.memory_space<vmem>>
    %dma_start3A_87 = tpu.memref_squeeze %dma_start3A_86 : memref<1x80xi32, #tpu.memory_space<vmem>> -> memref<80xi32, #tpu.memory_space<vmem>>
    %dma_start3A_88 = arith.constant 0 : i32
    %dma_start3A_89 = arith.constant 0 : i32
    %dma_start3A_90 = tpu.memref_slice %arg18[%dma_start3A_88, %dma_start3A_89] : memref<10240x128xf32, #tpu.memory_space<vmem_shared>> -> memref<10240x128xf32, #tpu.memory_space<vmem_shared>>
    tpu.enqueue_indirect_dma source(%arg14 : memref<80x128xf32, #tpu.memory_space<vmem>>) target(%dma_start3A_90 : memref<10240x128xf32, #tpu.memory_space<vmem_shared>>) offsets(%dma_start3A_87 : memref<80xi32, #tpu.memory_space<vmem>>) semaphore(%arg31 : memref<!tpu.dma_semaphore, #tpu.memory_space<semaphore_mem>>) {add = true}
    %dma_wait3A_91 = arith.constant 1 : i32
    %dma_wait3A_92 = arith.constant 0 : i32
    %dma_wait3A_93 = tpu.memref_slice %arg13[%dma_wait3A_91, %dma_wait3A_92] : memref<2x80xi32, #tpu.memory_space<vmem>> -> memref<1x80xi32, #tpu.memory_space<vmem>>
    %dma_wait3A_94 = tpu.memref_squeeze %dma_wait3A_93 : memref<1x80xi32, #tpu.memory_space<vmem>> -> memref<80xi32, #tpu.memory_space<vmem>>
    %dma_wait3A_95 = arith.constant 0 : i32
    %dma_wait3A_96 = arith.constant 0 : i32
    %dma_wait3A_97 = tpu.memref_slice %arg18[%dma_wait3A_95, %dma_wait3A_96] : memref<10240x128xf32, #tpu.memory_space<vmem_shared>> -> memref<10240x128xf32, #tpu.memory_space<vmem_shared>>
    tpu.wait_indirect_dma semaphore(%arg34 : memref<!tpu.dma_semaphore, #tpu.memory_space<semaphore_mem>>) src(%arg17 : memref<80x128xf32, #tpu.memory_space<vmem>>) dst(%dma_wait3A_97 : memref<10240x128xf32, #tpu.memory_space<vmem_shared>>)
    %add3A_98 = arith.constant 9840 : i32
    %add3A_99 = arith.addi %mul3A_2, %add3A_98 : i32
    %dma_wait3A_100 = arith.constant 0 : i32
    %dma_wait3A_101 = tpu.memref_slice %arg3[%dma_wait3A_100, %add3A_99] : memref<2x320000xi32, #tpu.memory_space<hbm>> -> memref<2x80xi32, #tpu.memory_space<hbm>>
    %dma_wait3A_102 = arith.constant 0 : i32
    %dma_wait3A_103 = tpu.memref_slice %arg3[%dma_wait3A_102, %add3A_99] : memref<2x320000xi32, #tpu.memory_space<hbm>> -> memref<2x80xi32, #tpu.memory_space<hbm>>
    tpu.wait_dma2 semaphore(%arg22 : memref<!tpu.dma_semaphore, #tpu.memory_space<semaphore_mem>>) src(%dma_wait3A_103 : memref<2x80xi32, #tpu.memory_space<hbm>>) dst(%arg9 : memref<2x80xi32, #tpu.memory_space<vmem>>)
    %dma_start3A_104 = arith.constant 0 : i32
    %dma_start3A_105 = arith.constant 0 : i32
    %dma_start3A_106 = tpu.memref_slice %arg9[%dma_start3A_104, %dma_start3A_105] : memref<2x80xi32, #tpu.memory_space<vmem>> -> memref<1x80xi32, #tpu.memory_space<vmem>>
    %dma_start3A_107 = tpu.memref_squeeze %dma_start3A_106 : memref<1x80xi32, #tpu.memory_space<vmem>> -> memref<80xi32, #tpu.memory_space<vmem>>
    %dma_start3A_108 = arith.constant 0 : i32
    %dma_start3A_109 = arith.constant 0 : i32
    %dma_start3A_110 = tpu.memref_slice %arg2[%dma_start3A_108, %dma_start3A_109] : memref<10000x128xf32, #tpu.memory_space<hbm>> -> memref<10000x128xf32, #tpu.memory_space<hbm>>
    tpu.enqueue_indirect_dma source(%dma_start3A_110 : memref<10000x128xf32, #tpu.memory_space<hbm>>) target(%arg17 : memref<80x128xf32, #tpu.memory_space<vmem>>) offsets(%dma_start3A_107 : memref<80xi32, #tpu.memory_space<vmem>>) semaphore(%arg30 : memref<!tpu.dma_semaphore, #tpu.memory_space<semaphore_mem>>)
    %dma_wait3A_111 = arith.constant 0 : i32
    %dma_wait3A_112 = arith.constant 0 : i32
    %dma_wait3A_113 = tpu.memref_slice %arg7[%dma_wait3A_111, %dma_wait3A_112] : memref<2x80xi32, #tpu.memory_space<vmem>> -> memref<1x80xi32, #tpu.memory_space<vmem>>
    %dma_wait3A_114 = tpu.memref_squeeze %dma_wait3A_113 : memref<1x80xi32, #tpu.memory_space<vmem>> -> memref<80xi32, #tpu.memory_space<vmem>>
    %dma_wait3A_115 = arith.constant 0 : i32
    %dma_wait3A_116 = arith.constant 0 : i32
    %dma_wait3A_117 = tpu.memref_slice %arg2[%dma_wait3A_115, %dma_wait3A_116] : memref<10000x128xf32, #tpu.memory_space<hbm>> -> memref<10000x128xf32, #tpu.memory_space<hbm>>
    tpu.wait_indirect_dma semaphore(%arg28 : memref<!tpu.dma_semaphore, #tpu.memory_space<semaphore_mem>>) src(%dma_wait3A_117 : memref<10000x128xf32, #tpu.memory_space<hbm>>) dst(%arg15 : memref<80x128xf32, #tpu.memory_space<vmem>>)
    %dma_start3A_118 = arith.constant 1 : i32
    %dma_start3A_119 = arith.constant 0 : i32
    %dma_start3A_120 = tpu.memref_slice %arg7[%dma_start3A_118, %dma_start3A_119] : memref<2x80xi32, #tpu.memory_space<vmem>> -> memref<1x80xi32, #tpu.memory_space<vmem>>
    %dma_start3A_121 = tpu.memref_squeeze %dma_start3A_120 : memref<1x80xi32, #tpu.memory_space<vmem>> -> memref<80xi32, #tpu.memory_space<vmem>>
    %dma_start3A_122 = arith.constant 0 : i32
    %dma_start3A_123 = arith.constant 0 : i32
    %dma_start3A_124 = tpu.memref_slice %arg18[%dma_start3A_122, %dma_start3A_123] : memref<10240x128xf32, #tpu.memory_space<vmem_shared>> -> memref<10240x128xf32, #tpu.memory_space<vmem_shared>>
    tpu.enqueue_indirect_dma source(%arg15 : memref<80x128xf32, #tpu.memory_space<vmem>>) target(%dma_start3A_124 : memref<10240x128xf32, #tpu.memory_space<vmem_shared>>) offsets(%dma_start3A_121 : memref<80xi32, #tpu.memory_space<vmem>>) semaphore(%arg32 : memref<!tpu.dma_semaphore, #tpu.memory_space<semaphore_mem>>) {add = true}
    %dma_wait3A_125 = arith.constant 1 : i32
    %dma_wait3A_126 = arith.constant 0 : i32
    %dma_wait3A_127 = tpu.memref_slice %arg6[%dma_wait3A_125, %dma_wait3A_126] : memref<2x80xi32, #tpu.memory_space<vmem>> -> memref<1x80xi32, #tpu.memory_space<vmem>>
    %dma_wait3A_128 = tpu.memref_squeeze %dma_wait3A_127 : memref<1x80xi32, #tpu.memory_space<vmem>> -> memref<80xi32, #tpu.memory_space<vmem>>
    %dma_wait3A_129 = arith.constant 0 : i32
    %dma_wait3A_130 = arith.constant 0 : i32
    %dma_wait3A_131 = tpu.memref_slice %arg18[%dma_wait3A_129, %dma_wait3A_130] : memref<10240x128xf32, #tpu.memory_space<vmem_shared>> -> memref<10240x128xf32, #tpu.memory_space<vmem_shared>>
    tpu.wait_indirect_dma semaphore(%arg31 : memref<!tpu.dma_semaphore, #tpu.memory_space<semaphore_mem>>) src(%arg14 : memref<80x128xf32, #tpu.memory_space<vmem>>) dst(%dma_wait3A_131 : memref<10240x128xf32, #tpu.memory_space<vmem_shared>>)
    %add3A_132 = arith.constant 9920 : i32
    %add3A_133 = arith.addi %mul3A_2, %add3A_132 : i32
    %dma_wait3A_134 = arith.constant 0 : i32
    %dma_wait3A_135 = tpu.memref_slice %arg3[%dma_wait3A_134, %add3A_133] : memref<2x320000xi32, #tpu.memory_space<hbm>> -> memref<2x80xi32, #tpu.memory_space<hbm>>
    %dma_wait3A_136 = arith.constant 0 : i32
    %dma_wait3A_137 = tpu.memref_slice %arg3[%dma_wait3A_136, %add3A_133] : memref<2x320000xi32, #tpu.memory_space<hbm>> -> memref<2x80xi32, #tpu.memory_space<hbm>>
    tpu.wait_dma2 semaphore(%arg23 : memref<!tpu.dma_semaphore, #tpu.memory_space<semaphore_mem>>) src(%dma_wait3A_137 : memref<2x80xi32, #tpu.memory_space<hbm>>) dst(%arg10 : memref<2x80xi32, #tpu.memory_space<vmem>>)
    %dma_start3A_138 = arith.constant 0 : i32
    %dma_start3A_139 = arith.constant 0 : i32
    %dma_start3A_140 = tpu.memref_slice %arg10[%dma_start3A_138, %dma_start3A_139] : memref<2x80xi32, #tpu.memory_space<vmem>> -> memref<1x80xi32, #tpu.memory_space<vmem>>
    %dma_start3A_141 = tpu.memref_squeeze %dma_start3A_140 : memref<1x80xi32, #tpu.memory_space<vmem>> -> memref<80xi32, #tpu.memory_space<vmem>>
    %dma_start3A_142 = arith.constant 0 : i32
    %dma_start3A_143 = arith.constant 0 : i32
    %dma_start3A_144 = tpu.memref_slice %arg2[%dma_start3A_142, %dma_start3A_143] : memref<10000x128xf32, #tpu.memory_space<hbm>> -> memref<10000x128xf32, #tpu.memory_space<hbm>>
    tpu.enqueue_indirect_dma source(%dma_start3A_144 : memref<10000x128xf32, #tpu.memory_space<hbm>>) target(%arg14 : memref<80x128xf32, #tpu.memory_space<vmem>>) offsets(%dma_start3A_141 : memref<80xi32, #tpu.memory_space<vmem>>) semaphore(%arg27 : memref<!tpu.dma_semaphore, #tpu.memory_space<semaphore_mem>>)
    %dma_wait3A_145 = arith.constant 0 : i32
    %dma_wait3A_146 = arith.constant 0 : i32
    %dma_wait3A_147 = tpu.memref_slice %arg8[%dma_wait3A_145, %dma_wait3A_146] : memref<2x80xi32, #tpu.memory_space<vmem>> -> memref<1x80xi32, #tpu.memory_space<vmem>>
    %dma_wait3A_148 = tpu.memref_squeeze %dma_wait3A_147 : memref<1x80xi32, #tpu.memory_space<vmem>> -> memref<80xi32, #tpu.memory_space<vmem>>
    %dma_wait3A_149 = arith.constant 0 : i32
    %dma_wait3A_150 = arith.constant 0 : i32
    %dma_wait3A_151 = tpu.memref_slice %arg2[%dma_wait3A_149, %dma_wait3A_150] : memref<10000x128xf32, #tpu.memory_space<hbm>> -> memref<10000x128xf32, #tpu.memory_space<hbm>>
    tpu.wait_indirect_dma semaphore(%arg29 : memref<!tpu.dma_semaphore, #tpu.memory_space<semaphore_mem>>) src(%dma_wait3A_151 : memref<10000x128xf32, #tpu.memory_space<hbm>>) dst(%arg16 : memref<80x128xf32, #tpu.memory_space<vmem>>)
    %dma_start3A_152 = arith.constant 1 : i32
    %dma_start3A_153 = arith.constant 0 : i32
    %dma_start3A_154 = tpu.memref_slice %arg8[%dma_start3A_152, %dma_start3A_153] : memref<2x80xi32, #tpu.memory_space<vmem>> -> memref<1x80xi32, #tpu.memory_space<vmem>>
    %dma_start3A_155 = tpu.memref_squeeze %dma_start3A_154 : memref<1x80xi32, #tpu.memory_space<vmem>> -> memref<80xi32, #tpu.memory_space<vmem>>
    %dma_start3A_156 = arith.constant 0 : i32
    %dma_start3A_157 = arith.constant 0 : i32
    %dma_start3A_158 = tpu.memref_slice %arg18[%dma_start3A_156, %dma_start3A_157] : memref<10240x128xf32, #tpu.memory_space<vmem_shared>> -> memref<10240x128xf32, #tpu.memory_space<vmem_shared>>
    tpu.enqueue_indirect_dma source(%arg16 : memref<80x128xf32, #tpu.memory_space<vmem>>) target(%dma_start3A_158 : memref<10240x128xf32, #tpu.memory_space<vmem_shared>>) offsets(%dma_start3A_155 : memref<80xi32, #tpu.memory_space<vmem>>) semaphore(%arg33 : memref<!tpu.dma_semaphore, #tpu.memory_space<semaphore_mem>>) {add = true}
    %dma_wait3A_159 = arith.constant 1 : i32
    %dma_wait3A_160 = arith.constant 0 : i32
    %dma_wait3A_161 = tpu.memref_slice %arg7[%dma_wait3A_159, %dma_wait3A_160] : memref<2x80xi32, #tpu.memory_space<vmem>> -> memref<1x80xi32, #tpu.memory_space<vmem>>
    %dma_wait3A_162 = tpu.memref_squeeze %dma_wait3A_161 : memref<1x80xi32, #tpu.memory_space<vmem>> -> memref<80xi32, #tpu.memory_space<vmem>>
    %dma_wait3A_163 = arith.constant 0 : i32
    %dma_wait3A_164 = arith.constant 0 : i32
    %dma_wait3A_165 = tpu.memref_slice %arg18[%dma_wait3A_163, %dma_wait3A_164] : memref<10240x128xf32, #tpu.memory_space<vmem_shared>> -> memref<10240x128xf32, #tpu.memory_space<vmem_shared>>
    tpu.wait_indirect_dma semaphore(%arg32 : memref<!tpu.dma_semaphore, #tpu.memory_space<semaphore_mem>>) src(%arg15 : memref<80x128xf32, #tpu.memory_space<vmem>>) dst(%dma_wait3A_165 : memref<10240x128xf32, #tpu.memory_space<vmem_shared>>)
    %dma_wait3A_166 = arith.constant 0 : i32
    %dma_wait3A_167 = arith.constant 0 : i32
    %dma_wait3A_168 = tpu.memref_slice %arg9[%dma_wait3A_166, %dma_wait3A_167] : memref<2x80xi32, #tpu.memory_space<vmem>> -> memref<1x80xi32, #tpu.memory_space<vmem>>
    %dma_wait3A_169 = tpu.memref_squeeze %dma_wait3A_168 : memref<1x80xi32, #tpu.memory_space<vmem>> -> memref<80xi32, #tpu.memory_space<vmem>>
    %dma_wait3A_170 = arith.constant 0 : i32
    %dma_wait3A_171 = arith.constant 0 : i32
    %dma_wait3A_172 = tpu.memref_slice %arg2[%dma_wait3A_170, %dma_wait3A_171] : memref<10000x128xf32, #tpu.memory_space<hbm>> -> memref<10000x128xf32, #tpu.memory_space<hbm>>
    tpu.wait_indirect_dma semaphore(%arg30 : memref<!tpu.dma_semaphore, #tpu.memory_space<semaphore_mem>>) src(%dma_wait3A_172 : memref<10000x128xf32, #tpu.memory_space<hbm>>) dst(%arg17 : memref<80x128xf32, #tpu.memory_space<vmem>>)
    %dma_start3A_173 = arith.constant 1 : i32
    %dma_start3A_174 = arith.constant 0 : i32
    %dma_start3A_175 = tpu.memref_slice %arg9[%dma_start3A_173, %dma_start3A_174] : memref<2x80xi32, #tpu.memory_space<vmem>> -> memref<1x80xi32, #tpu.memory_space<vmem>>
    %dma_start3A_176 = tpu.memref_squeeze %dma_start3A_175 : memref<1x80xi32, #tpu.memory_space<vmem>> -> memref<80xi32, #tpu.memory_space<vmem>>
    %dma_start3A_177 = arith.constant 0 : i32
    %dma_start3A_178 = arith.constant 0 : i32
    %dma_start3A_179 = tpu.memref_slice %arg18[%dma_start3A_177, %dma_start3A_178] : memref<10240x128xf32, #tpu.memory_space<vmem_shared>> -> memref<10240x128xf32, #tpu.memory_space<vmem_shared>>
    tpu.enqueue_indirect_dma source(%arg17 : memref<80x128xf32, #tpu.memory_space<vmem>>) target(%dma_start3A_179 : memref<10240x128xf32, #tpu.memory_space<vmem_shared>>) offsets(%dma_start3A_176 : memref<80xi32, #tpu.memory_space<vmem>>) semaphore(%arg34 : memref<!tpu.dma_semaphore, #tpu.memory_space<semaphore_mem>>) {add = true}
    %dma_wait3A_180 = arith.constant 1 : i32
    %dma_wait3A_181 = arith.constant 0 : i32
    %dma_wait3A_182 = tpu.memref_slice %arg8[%dma_wait3A_180, %dma_wait3A_181] : memref<2x80xi32, #tpu.memory_space<vmem>> -> memref<1x80xi32, #tpu.memory_space<vmem>>
    %dma_wait3A_183 = tpu.memref_squeeze %dma_wait3A_182 : memref<1x80xi32, #tpu.memory_space<vmem>> -> memref<80xi32, #tpu.memory_space<vmem>>
    %dma_wait3A_184 = arith.constant 0 : i32
    %dma_wait3A_185 = arith.constant 0 : i32
    %dma_wait3A_186 = tpu.memref_slice %arg18[%dma_wait3A_184, %dma_wait3A_185] : memref<10240x128xf32, #tpu.memory_space<vmem_shared>> -> memref<10240x128xf32, #tpu.memory_space<vmem_shared>>
    tpu.wait_indirect_dma semaphore(%arg33 : memref<!tpu.dma_semaphore, #tpu.memory_space<semaphore_mem>>) src(%arg16 : memref<80x128xf32, #tpu.memory_space<vmem>>) dst(%dma_wait3A_186 : memref<10240x128xf32, #tpu.memory_space<vmem_shared>>)
    %dma_wait3A_187 = arith.constant 0 : i32
    %dma_wait3A_188 = arith.constant 0 : i32
    %dma_wait3A_189 = tpu.memref_slice %arg10[%dma_wait3A_187, %dma_wait3A_188] : memref<2x80xi32, #tpu.memory_space<vmem>> -> memref<1x80xi32, #tpu.memory_space<vmem>>
    %dma_wait3A_190 = tpu.memref_squeeze %dma_wait3A_189 : memref<1x80xi32, #tpu.memory_space<vmem>> -> memref<80xi32, #tpu.memory_space<vmem>>
    %dma_wait3A_191 = arith.constant 0 : i32
    %dma_wait3A_192 = arith.constant 0 : i32
    %dma_wait3A_193 = tpu.memref_slice %arg2[%dma_wait3A_191, %dma_wait3A_192] : memref<10000x128xf32, #tpu.memory_space<hbm>> -> memref<10000x128xf32, #tpu.memory_space<hbm>>
    tpu.wait_indirect_dma semaphore(%arg27 : memref<!tpu.dma_semaphore, #tpu.memory_space<semaphore_mem>>) src(%dma_wait3A_193 : memref<10000x128xf32, #tpu.memory_space<hbm>>) dst(%arg14 : memref<80x128xf32, #tpu.memory_space<vmem>>)
    %dma_start3A_194 = arith.constant 1 : i32
    %dma_start3A_195 = arith.constant 0 : i32
    %dma_start3A_196 = tpu.memref_slice %arg10[%dma_start3A_194, %dma_start3A_195] : memref<2x80xi32, #tpu.memory_space<vmem>> -> memref<1x80xi32, #tpu.memory_space<vmem>>
    %dma_start3A_197 = tpu.memref_squeeze %dma_start3A_196 : memref<1x80xi32, #tpu.memory_space<vmem>> -> memref<80xi32, #tpu.memory_space<vmem>>
    %dma_start3A_198 = arith.constant 0 : i32
    %dma_start3A_199 = arith.constant 0 : i32
    %dma_start3A_200 = tpu.memref_slice %arg18[%dma_start3A_198, %dma_start3A_199] : memref<10240x128xf32, #tpu.memory_space<vmem_shared>> -> memref<10240x128xf32, #tpu.memory_space<vmem_shared>>
    tpu.enqueue_indirect_dma source(%arg14 : memref<80x128xf32, #tpu.memory_space<vmem>>) target(%dma_start3A_200 : memref<10240x128xf32, #tpu.memory_space<vmem_shared>>) offsets(%dma_start3A_197 : memref<80xi32, #tpu.memory_space<vmem>>) semaphore(%arg31 : memref<!tpu.dma_semaphore, #tpu.memory_space<semaphore_mem>>) {add = true}
    %dma_wait3A_201 = arith.constant 1 : i32
    %dma_wait3A_202 = arith.constant 0 : i32
    %dma_wait3A_203 = tpu.memref_slice %arg9[%dma_wait3A_201, %dma_wait3A_202] : memref<2x80xi32, #tpu.memory_space<vmem>> -> memref<1x80xi32, #tpu.memory_space<vmem>>
    %dma_wait3A_204 = tpu.memref_squeeze %dma_wait3A_203 : memref<1x80xi32, #tpu.memory_space<vmem>> -> memref<80xi32, #tpu.memory_space<vmem>>
    %dma_wait3A_205 = arith.constant 0 : i32
    %dma_wait3A_206 = arith.constant 0 : i32
    %dma_wait3A_207 = tpu.memref_slice %arg18[%dma_wait3A_205, %dma_wait3A_206] : memref<10240x128xf32, #tpu.memory_space<vmem_shared>> -> memref<10240x128xf32, #tpu.memory_space<vmem_shared>>
    tpu.wait_indirect_dma semaphore(%arg34 : memref<!tpu.dma_semaphore, #tpu.memory_space<semaphore_mem>>) src(%arg17 : memref<80x128xf32, #tpu.memory_space<vmem>>) dst(%dma_wait3A_207 : memref<10240x128xf32, #tpu.memory_space<vmem_shared>>)
    %dma_wait3A_208 = arith.constant 1 : i32
    %dma_wait3A_209 = arith.constant 0 : i32
    %dma_wait3A_210 = tpu.memref_slice %arg10[%dma_wait3A_208, %dma_wait3A_209] : memref<2x80xi32, #tpu.memory_space<vmem>> -> memref<1x80xi32, #tpu.memory_space<vmem>>
    %dma_wait3A_211 = tpu.memref_squeeze %dma_wait3A_210 : memref<1x80xi32, #tpu.memory_space<vmem>> -> memref<80xi32, #tpu.memory_space<vmem>>
    %dma_wait3A_212 = arith.constant 0 : i32
    %dma_wait3A_213 = arith.constant 0 : i32
    %dma_wait3A_214 = tpu.memref_slice %arg18[%dma_wait3A_212, %dma_wait3A_213] : memref<10240x128xf32, #tpu.memory_space<vmem_shared>> -> memref<10240x128xf32, #tpu.memory_space<vmem_shared>>
    tpu.wait_indirect_dma semaphore(%arg31 : memref<!tpu.dma_semaphore, #tpu.memory_space<semaphore_mem>>) src(%arg14 : memref<80x128xf32, #tpu.memory_space<vmem>>) dst(%dma_wait3A_214 : memref<10240x128xf32, #tpu.memory_space<vmem_shared>>)
    %barrier3A_215 = arith.constant 0 : index
    tpu.barrier barrier_id(%barrier3A_215)
    %mul3A_216 = arith.constant 640 : i32
    %mul3A_217 = arith.muli %arg1, %mul3A_216 : i32
    %mul3A_218 = arith.constant 640 : i32
    %mul3A_219 = arith.muli %arg1, %mul3A_218 : i32
    "tpu.region"() ({
      %run_scoped3A = tpu.sem_alloc : memref<!tpu.dma_semaphore, #tpu.memory_space<semaphore_mem>>
      %dma_start3A_220 = arith.constant 0 : i32
      %dma_start3A_221 = tpu.memref_slice %arg5[%arg0, %mul3A_219, %dma_start3A_220] : memref<2x10240x128xf32, #tpu.memory_space<hbm>> -> memref<1x640x128xf32, #tpu.memory_space<hbm>>
      %dma_start3A_222 = tpu.memref_squeeze %dma_start3A_221 : memref<1x640x128xf32, #tpu.memory_space<hbm>> -> memref<640x128xf32, #tpu.memory_space<hbm>>
      %dma_start3A_223 = arith.constant 0 : i32
      %dma_start3A_224 = tpu.memref_slice %arg18[%mul3A_217, %dma_start3A_223] : memref<10240x128xf32, #tpu.memory_space<vmem_shared>> -> memref<640x128xf32, #tpu.memory_space<vmem_shared>>
      tpu.enqueue_dma source(%dma_start3A_224 : memref<640x128xf32, #tpu.memory_space<vmem_shared>>) target(%dma_start3A_222 : memref<640x128xf32, #tpu.memory_space<hbm>>) target_semaphore(%run_scoped3A : memref<!tpu.dma_semaphore, #tpu.memory_space<semaphore_mem>>)
      %dma_wait3A_225 = arith.constant 0 : i32
      %dma_wait3A_226 = tpu.memref_slice %arg5[%arg0, %mul3A_219, %dma_wait3A_225] : memref<2x10240x128xf32, #tpu.memory_space<hbm>> -> memref<1x640x128xf32, #tpu.memory_space<hbm>>
      %dma_wait3A_227 = tpu.memref_squeeze %dma_wait3A_226 : memref<1x640x128xf32, #tpu.memory_space<hbm>> -> memref<640x128xf32, #tpu.memory_space<hbm>>
      %dma_wait3A_228 = arith.constant 0 : i32
      %dma_wait3A_229 = tpu.memref_slice %arg18[%mul3A_217, %dma_wait3A_228] : memref<10240x128xf32, #tpu.memory_space<vmem_shared>> -> memref<640x128xf32, #tpu.memory_space<vmem_shared>>
      tpu.wait_dma2 semaphore(%run_scoped3A : memref<!tpu.dma_semaphore, #tpu.memory_space<semaphore_mem>>) src(%dma_wait3A_229 : memref<640x128xf32, #tpu.memory_space<vmem_shared>>) dst(%dma_wait3A_227 : memref<640x128xf32, #tpu.memory_space<hbm>>)
      tpu.yield
    }) : () -> ()
    return
  }
}

module attributes {stable_mosaic.version = 14 : i64} {
  func.func @_mm_body(%arg0: i32, %arg1: memref<400x128xf32, #tpu.memory_space<vmem>>, %arg2: memref<128x128xf32, #tpu.memory_space<vmem>>, %arg3: memref<128x128xf32, #tpu.memory_space<vmem>>, %arg4: memref<1x128xf32, #tpu.memory_space<vmem>>, %arg5: memref<400x128xf32, #tpu.memory_space<vmem>>, %arg6: memref<400x128xf32, #tpu.memory_space<vmem>>) attributes {dimension_semantics = [#tpu.dimension_semantics<arbitrary>], iteration_bounds = array<i64: 25>, scalar_prefetch = 0 : i64, scratch_operands = 0 : i64, tpu.core_type = #tpu.core_type<tc>, window_params = [{transform_indices = @transform_0, window_bounds = array<i64: 400, 128>}, {pipeline_mode = #tpu.pipeline_mode<synchronous>, transform_indices = @transform_1, window_bounds = array<i64: 128, 128>}, {pipeline_mode = #tpu.pipeline_mode<synchronous>, transform_indices = @transform_2, window_bounds = array<i64: 128, 128>}, {pipeline_mode = #tpu.pipeline_mode<synchronous>, transform_indices = @transform_3, window_bounds = array<i64: 1, 128>}, {transform_indices = @transform_4, window_bounds = array<i64: 400, 128>}, {transform_indices = @transform_5, window_bounds = array<i64: 400, 128>}]} {
    %get3A = arith.constant 0 : index
    %get3A_0 = arith.constant 0 : index
    %get3A_1 = vector.load %arg1[%get3A, %get3A_0] : memref<400x128xf32, #tpu.memory_space<vmem>>, vector<400x128xf32>
    %get3A_2 = arith.constant 0 : index
    %get3A_3 = arith.constant 0 : index
    %get3A_4 = vector.load %arg2[%get3A_2, %get3A_3] : memref<128x128xf32, #tpu.memory_space<vmem>>, vector<128x128xf32>
    %dot_general3A = arith.constant dense<0.000000e+00> : vector<400x128xf32>
    %dot_general3A_5 = tpu.matmul %get3A_1, %get3A_4, %dot_general3A {dimension_numbers = #tpu.dot_dimension_numbers<[1], [0], [0], [1], [0, 0, 1, 1], [], []>, transpose_lhs_hint = false} : vector<400x128xf32>, vector<128x128xf32>, vector<400x128xf32> -> vector<400x128xf32>
    %swap3A = arith.constant 0 : index
    %swap3A_6 = arith.constant 0 : index
    %swap3A_7 = vector.load %arg5[%swap3A, %swap3A_6] : memref<400x128xf32, #tpu.memory_space<vmem>>, vector<400x128xf32>
    tpu.vector_store %arg5[%swap3A, %swap3A_6], %dot_general3A_5 {strides = array<i32>} : memref<400x128xf32, #tpu.memory_space<vmem>>, vector<400x128xf32>,
    %get3A_8 = arith.constant 0 : index
    %get3A_9 = arith.constant 0 : index
    %get3A_10 = vector.load %arg3[%get3A_8, %get3A_9] : memref<128x128xf32, #tpu.memory_space<vmem>>, vector<128x128xf32>
    %dot_general3A_11 = arith.constant dense<0.000000e+00> : vector<400x128xf32>
    %dot_general3A_12 = tpu.matmul %get3A_1, %get3A_10, %dot_general3A_11 {dimension_numbers = #tpu.dot_dimension_numbers<[1], [0], [0], [1], [0, 0, 1, 1], [], []>, transpose_lhs_hint = false} : vector<400x128xf32>, vector<128x128xf32>, vector<400x128xf32> -> vector<400x128xf32>
    %get3A_13 = arith.constant 0 : index
    %get3A_14 = arith.constant 0 : index
    %get3A_15 = vector.load %arg4[%get3A_13, %get3A_14] : memref<1x128xf32, #tpu.memory_space<vmem>>, vector<1x128xf32>
    %add3A = vector.broadcast %get3A_15 : vector<1x128xf32> to vector<400x128xf32>
    %add3A_16 = arith.addf %dot_general3A_12, %add3A : vector<400x128xf32>
    %swap3A_17 = arith.constant 0 : index
    %swap3A_18 = arith.constant 0 : index
    %swap3A_19 = vector.load %arg6[%swap3A_17, %swap3A_18] : memref<400x128xf32, #tpu.memory_space<vmem>>, vector<400x128xf32>
    tpu.vector_store %arg6[%swap3A_17, %swap3A_18], %add3A_16 {strides = array<i32>} : memref<400x128xf32, #tpu.memory_space<vmem>>, vector<400x128xf32>,
    return
  }
  func.func @transform_0(%arg0: i32) -> (i32, i32) {
    %c0_i32 = arith.constant 0 : i32
    %c0_i32_0 = arith.constant 0 : i32
    return %arg0, %c0_i32 : i32, i32
  }
  func.func @transform_1(%arg0: i32) -> (i32, i32) {
    %c0_i32 = arith.constant 0 : i32
    %c0_i32_0 = arith.constant 0 : i32
    %c0_i32_1 = arith.constant 0 : i32
    return %c0_i32, %c0_i32_0 : i32, i32
  }
  func.func @transform_2(%arg0: i32) -> (i32, i32) {
    %c0_i32 = arith.constant 0 : i32
    %c0_i32_0 = arith.constant 0 : i32
    %c0_i32_1 = arith.constant 0 : i32
    return %c0_i32, %c0_i32_0 : i32, i32
  }
  func.func @transform_3(%arg0: i32) -> (i32, i32) {
    %c0_i32 = arith.constant 0 : i32
    %c0_i32_0 = arith.constant 0 : i32
    %c0_i32_1 = arith.constant 0 : i32
    return %c0_i32, %c0_i32_0 : i32, i32
  }
  func.func @transform_4(%arg0: i32) -> (i32, i32) {
    %c0_i32 = arith.constant 0 : i32
    %c0_i32_0 = arith.constant 0 : i32
    return %arg0, %c0_i32 : i32, i32
  }
  func.func @transform_5(%arg0: i32) -> (i32, i32) {
    %c0_i32 = arith.constant 0 : i32
    %c0_i32_0 = arith.constant 0 : i32
    return %arg0, %c0_i32 : i32, i32
  }
}

module attributes {stable_mosaic.version = 14 : i64} {
  func.func @_scale_body(%arg0: i32, %arg1: memref<400x128xf32, #tpu.memory_space<vmem>>, %arg2: memref<2x400x16xf32, #tpu.memory_space<vmem>>, %arg3: memref<400x128xf32, #tpu.memory_space<vmem>>) attributes {dimension_semantics = [#tpu.dimension_semantics<arbitrary>], iteration_bounds = array<i64: 25>, scalar_prefetch = 0 : i64, scratch_operands = 0 : i64, tpu.core_type = #tpu.core_type<tc>, window_params = [{transform_indices = @transform_0, window_bounds = array<i64: 400, 128>}, {transform_indices = @transform_1, window_bounds = array<i64: 2, 400, 16>}, {transform_indices = @transform_2, window_bounds = array<i64: 400, 128>}]} {
    %get3A = arith.constant 0 : index
    %get3A_0 = arith.constant 0 : index
    %get3A_1 = vector.load %arg1[%get3A, %get3A_0] : memref<400x128xf32, #tpu.memory_space<vmem>>, vector<400x128xf32>
    %get3A_2 = arith.constant 0 : index
    %get3A_3 = arith.constant 0 : index
    %get3A_4 = arith.constant 0 : index
    %get3A_5 = vector.load %arg2[%get3A_2, %get3A_3, %get3A_4] : memref<2x400x16xf32, #tpu.memory_space<vmem>>, vector<1x400x1xf32>
    %get3A_6 = vector.shape_cast %get3A_5 : vector<1x400x1xf32> to vector<400x1xf32>
    %get3A_7 = arith.constant 1 : index
    %get3A_8 = arith.constant 0 : index
    %get3A_9 = arith.constant 0 : index
    %get3A_10 = vector.load %arg2[%get3A_7, %get3A_8, %get3A_9] : memref<2x400x16xf32, #tpu.memory_space<vmem>>, vector<1x400x1xf32>
    %get3A_11 = vector.shape_cast %get3A_10 : vector<1x400x1xf32> to vector<400x1xf32>
    %add3A = arith.addf %get3A_6, %get3A_11 : vector<400x1xf32>
    %gt3A = arith.constant 0.000000e+00 : f32
    %gt3A_12 = vector.broadcast %gt3A : f32 to vector<400x1xf32>
    %gt3A_13 = arith.cmpf ogt, %add3A, %gt3A_12 : vector<400x1xf32>
    %rsqrt3A = math.rsqrt %add3A : vector<400x1xf32>
    %jit3A = arith.constant 0.000000e+00 : f32
    %broadcast_in_dim3A = vector.broadcast %jit3A : f32 to vector<400x1xf32>
    %select_n3A = arith.select %gt3A_13, %rsqrt3A, %broadcast_in_dim3A : vector<400x1xi1>, vector<400x1xf32>
    %mul3A = vector.broadcast %select_n3A : vector<400x1xf32> to vector<400x128xf32>
    %mul3A_14 = arith.mulf %get3A_1, %mul3A : vector<400x128xf32>
    %swap3A = arith.constant 0 : index
    %swap3A_15 = arith.constant 0 : index
    %swap3A_16 = vector.load %arg3[%swap3A, %swap3A_15] : memref<400x128xf32, #tpu.memory_space<vmem>>, vector<400x128xf32>
    tpu.vector_store %arg3[%swap3A, %swap3A_15], %mul3A_14 {strides = array<i32>} : memref<400x128xf32, #tpu.memory_space<vmem>>, vector<400x128xf32>,
    return
  }
  func.func @transform_0(%arg0: i32) -> (i32, i32) {
    %c0_i32 = arith.constant 0 : i32
    %c0_i32_0 = arith.constant 0 : i32
    return %arg0, %c0_i32 : i32, i32
  }
  func.func @transform_1(%arg0: i32) -> (i32, i32, i32) {
    %c0_i32 = arith.constant 0 : i32
    %c0_i32_0 = arith.constant 0 : i32
    %c0_i32_1 = arith.constant 0 : i32
    return %c0_i32, %arg0, %c0_i32_0 : i32, i32, i32
  }
  func.func @transform_2(%arg0: i32) -> (i32, i32) {
    %c0_i32 = arith.constant 0 : i32
    %c0_i32_0 = arith.constant 0 : i32
    return %arg0, %c0_i32 : i32, i32
  }
}

module attributes {stable_mosaic.version = 14 : i64} {
  func.func @_mid_body(%arg0: i32, %arg1: memref<2x400x128xf32, #tpu.memory_space<vmem>>, %arg2: memref<400x128xf32, #tpu.memory_space<vmem>>, %arg3: memref<2x400x16xf32, #tpu.memory_space<vmem>>, %arg4: memref<128x128xf32, #tpu.memory_space<vmem>>, %arg5: memref<128x128xf32, #tpu.memory_space<vmem>>, %arg6: memref<1x128xf32, #tpu.memory_space<vmem>>, %arg7: memref<400x128xf32, #tpu.memory_space<vmem>>, %arg8: memref<400x128xf32, #tpu.memory_space<vmem>>) attributes {dimension_semantics = [#tpu.dimension_semantics<arbitrary>], iteration_bounds = array<i64: 25>, scalar_prefetch = 0 : i64, scratch_operands = 0 : i64, tpu.core_type = #tpu.core_type<tc>, window_params = [{transform_indices = @transform_0, window_bounds = array<i64: 2, 400, 128>}, {transform_indices = @transform_1, window_bounds = array<i64: 400, 128>}, {transform_indices = @transform_2, window_bounds = array<i64: 2, 400, 16>}, {pipeline_mode = #tpu.pipeline_mode<synchronous>, transform_indices = @transform_3, window_bounds = array<i64: 128, 128>}, {pipeline_mode = #tpu.pipeline_mode<synchronous>, transform_indices = @transform_4, window_bounds = array<i64: 128, 128>}, {pipeline_mode = #tpu.pipeline_mode<synchronous>, transform_indices = @transform_5, window_bounds = array<i64: 1, 128>}, {transform_indices = @transform_6, window_bounds = array<i64: 400, 128>}, {transform_indices = @transform_7, window_bounds = array<i64: 400, 128>}]} {
    %get3A = arith.constant 0 : index
    %get3A_0 = arith.constant 0 : index
    %get3A_1 = arith.constant 0 : index
    %get3A_2 = vector.load %arg3[%get3A, %get3A_0, %get3A_1] : memref<2x400x16xf32, #tpu.memory_space<vmem>>, vector<1x400x1xf32>
    %get3A_3 = vector.shape_cast %get3A_2 : vector<1x400x1xf32> to vector<400x1xf32>
    %get3A_4 = arith.constant 1 : index
    %get3A_5 = arith.constant 0 : index
    %get3A_6 = arith.constant 0 : index
    %get3A_7 = vector.load %arg3[%get3A_4, %get3A_5, %get3A_6] : memref<2x400x16xf32, #tpu.memory_space<vmem>>, vector<1x400x1xf32>
    %get3A_8 = vector.shape_cast %get3A_7 : vector<1x400x1xf32> to vector<400x1xf32>
    %add3A = arith.addf %get3A_3, %get3A_8 : vector<400x1xf32>
    %gt3A = arith.constant 0.000000e+00 : f32
    %gt3A_9 = vector.broadcast %gt3A : f32 to vector<400x1xf32>
    %gt3A_10 = arith.cmpf ogt, %add3A, %gt3A_9 : vector<400x1xf32>
    %rsqrt3A = math.rsqrt %add3A : vector<400x1xf32>
    %jit3A = arith.constant 0.000000e+00 : f32
    %broadcast_in_dim3A = vector.broadcast %jit3A : f32 to vector<400x1xf32>
    %select_n3A = arith.select %gt3A_10, %rsqrt3A, %broadcast_in_dim3A : vector<400x1xi1>, vector<400x1xf32>
    %get3A_11 = arith.constant 0 : index
    %get3A_12 = arith.constant 0 : index
    %get3A_13 = arith.constant 0 : index
    %get3A_14 = vector.load %arg1[%get3A_11, %get3A_12, %get3A_13] : memref<2x400x128xf32, #tpu.memory_space<vmem>>, vector<1x400x128xf32>
    %get3A_15 = vector.shape_cast %get3A_14 : vector<1x400x128xf32> to vector<400x128xf32>
    %get3A_16 = arith.constant 1 : index
    %get3A_17 = arith.constant 0 : index
    %get3A_18 = arith.constant 0 : index
    %get3A_19 = vector.load %arg1[%get3A_16, %get3A_17, %get3A_18] : memref<2x400x128xf32, #tpu.memory_space<vmem>>, vector<1x400x128xf32>
    %get3A_20 = vector.shape_cast %get3A_19 : vector<1x400x128xf32> to vector<400x128xf32>
    %add3A_21 = arith.addf %get3A_15, %get3A_20 : vector<400x128xf32>
    %mul3A = vector.broadcast %select_n3A : vector<400x1xf32> to vector<400x128xf32>
    %mul3A_22 = arith.mulf %add3A_21, %mul3A : vector<400x128xf32>
    %get3A_23 = arith.constant 0 : index
    %get3A_24 = arith.constant 0 : index
    %get3A_25 = vector.load %arg2[%get3A_23, %get3A_24] : memref<400x128xf32, #tpu.memory_space<vmem>>, vector<400x128xf32>
    %add3A_26 = arith.addf %mul3A_22, %get3A_25 : vector<400x128xf32>
    %max3A = arith.constant 0.000000e+00 : f32
    %max3A_27 = vector.broadcast %max3A : f32 to vector<400x128xf32>
    %max3A_28 = arith.maximumf %add3A_26, %max3A_27 : vector<400x128xf32>
    %get3A_29 = arith.constant 0 : index
    %get3A_30 = arith.constant 0 : index
    %get3A_31 = vector.load %arg4[%get3A_29, %get3A_30] : memref<128x128xf32, #tpu.memory_space<vmem>>, vector<128x128xf32>
    %dot_general3A = arith.constant dense<0.000000e+00> : vector<400x128xf32>
    %dot_general3A_32 = tpu.matmul %max3A_28, %get3A_31, %dot_general3A {dimension_numbers = #tpu.dot_dimension_numbers<[1], [0], [0], [1], [0, 0, 1, 1], [], []>, transpose_lhs_hint = false} : vector<400x128xf32>, vector<128x128xf32>, vector<400x128xf32> -> vector<400x128xf32>
    %mul3A_33 = vector.broadcast %select_n3A : vector<400x1xf32> to vector<400x128xf32>
    %mul3A_34 = arith.mulf %dot_general3A_32, %mul3A_33 : vector<400x128xf32>
    %swap3A = arith.constant 0 : index
    %swap3A_35 = arith.constant 0 : index
    %swap3A_36 = vector.load %arg7[%swap3A, %swap3A_35] : memref<400x128xf32, #tpu.memory_space<vmem>>, vector<400x128xf32>
    tpu.vector_store %arg7[%swap3A, %swap3A_35], %mul3A_34 {strides = array<i32>} : memref<400x128xf32, #tpu.memory_space<vmem>>, vector<400x128xf32>,
    %get3A_37 = arith.constant 0 : index
    %get3A_38 = arith.constant 0 : index
    %get3A_39 = vector.load %arg5[%get3A_37, %get3A_38] : memref<128x128xf32, #tpu.memory_space<vmem>>, vector<128x128xf32>
    %dot_general3A_40 = arith.constant dense<0.000000e+00> : vector<400x128xf32>
    %dot_general3A_41 = tpu.matmul %max3A_28, %get3A_39, %dot_general3A_40 {dimension_numbers = #tpu.dot_dimension_numbers<[1], [0], [0], [1], [0, 0, 1, 1], [], []>, transpose_lhs_hint = false} : vector<400x128xf32>, vector<128x128xf32>, vector<400x128xf32> -> vector<400x128xf32>
    %get3A_42 = arith.constant 0 : index
    %get3A_43 = arith.constant 0 : index
    %get3A_44 = vector.load %arg6[%get3A_42, %get3A_43] : memref<1x128xf32, #tpu.memory_space<vmem>>, vector<1x128xf32>
    %add3A_45 = vector.broadcast %get3A_44 : vector<1x128xf32> to vector<400x128xf32>
    %add3A_46 = arith.addf %dot_general3A_41, %add3A_45 : vector<400x128xf32>
    %swap3A_47 = arith.constant 0 : index
    %swap3A_48 = arith.constant 0 : index
    %swap3A_49 = vector.load %arg8[%swap3A_47, %swap3A_48] : memref<400x128xf32, #tpu.memory_space<vmem>>, vector<400x128xf32>
    tpu.vector_store %arg8[%swap3A_47, %swap3A_48], %add3A_46 {strides = array<i32>} : memref<400x128xf32, #tpu.memory_space<vmem>>, vector<400x128xf32>,
    return
  }
  func.func @transform_0(%arg0: i32) -> (i32, i32, i32) {
    %c0_i32 = arith.constant 0 : i32
    %c0_i32_0 = arith.constant 0 : i32
    %c0_i32_1 = arith.constant 0 : i32
    return %c0_i32, %arg0, %c0_i32_0 : i32, i32, i32
  }
  func.func @transform_1(%arg0: i32) -> (i32, i32) {
    %c0_i32 = arith.constant 0 : i32
    %c0_i32_0 = arith.constant 0 : i32
    return %arg0, %c0_i32 : i32, i32
  }
  func.func @transform_2(%arg0: i32) -> (i32, i32, i32) {
    %c0_i32 = arith.constant 0 : i32
    %c0_i32_0 = arith.constant 0 : i32
    %c0_i32_1 = arith.constant 0 : i32
    return %c0_i32, %arg0, %c0_i32_0 : i32, i32, i32
  }
  func.func @transform_3(%arg0: i32) -> (i32, i32) {
    %c0_i32 = arith.constant 0 : i32
    %c0_i32_0 = arith.constant 0 : i32
    %c0_i32_1 = arith.constant 0 : i32
    return %c0_i32, %c0_i32_0 : i32, i32
  }
  func.func @transform_4(%arg0: i32) -> (i32, i32) {
    %c0_i32 = arith.constant 0 : i32
    %c0_i32_0 = arith.constant 0 : i32
    %c0_i32_1 = arith.constant 0 : i32
    return %c0_i32, %c0_i32_0 : i32, i32
  }
  func.func @transform_5(%arg0: i32) -> (i32, i32) {
    %c0_i32 = arith.constant 0 : i32
    %c0_i32_0 = arith.constant 0 : i32
    %c0_i32_1 = arith.constant 0 : i32
    return %c0_i32, %c0_i32_0 : i32, i32
  }
  func.func @transform_6(%arg0: i32) -> (i32, i32) {
    %c0_i32 = arith.constant 0 : i32
    %c0_i32_0 = arith.constant 0 : i32
    return %arg0, %c0_i32 : i32, i32
  }
  func.func @transform_7(%arg0: i32) -> (i32, i32) {
    %c0_i32 = arith.constant 0 : i32
    %c0_i32_0 = arith.constant 0 : i32
    return %arg0, %c0_i32 : i32, i32
  }
}

module attributes {stable_mosaic.version = 14 : i64} {
  func.func @_mid_body(%arg0: i32, %arg1: memref<2x400x128xf32, #tpu.memory_space<vmem>>, %arg2: memref<400x128xf32, #tpu.memory_space<vmem>>, %arg3: memref<2x400x16xf32, #tpu.memory_space<vmem>>, %arg4: memref<128x64xf32, #tpu.memory_space<vmem>>, %arg5: memref<128x64xf32, #tpu.memory_space<vmem>>, %arg6: memref<1x64xf32, #tpu.memory_space<vmem>>, %arg7: memref<400x64xf32, #tpu.memory_space<vmem>>, %arg8: memref<400x64xf32, #tpu.memory_space<vmem>>) attributes {dimension_semantics = [#tpu.dimension_semantics<arbitrary>], iteration_bounds = array<i64: 25>, scalar_prefetch = 0 : i64, scratch_operands = 0 : i64, tpu.core_type = #tpu.core_type<tc>, window_params = [{transform_indices = @transform_0, window_bounds = array<i64: 2, 400, 128>}, {transform_indices = @transform_1, window_bounds = array<i64: 400, 128>}, {transform_indices = @transform_2, window_bounds = array<i64: 2, 400, 16>}, {pipeline_mode = #tpu.pipeline_mode<synchronous>, transform_indices = @transform_3, window_bounds = array<i64: 128, 64>}, {pipeline_mode = #tpu.pipeline_mode<synchronous>, transform_indices = @transform_4, window_bounds = array<i64: 128, 64>}, {pipeline_mode = #tpu.pipeline_mode<synchronous>, transform_indices = @transform_5, window_bounds = array<i64: 1, 64>}, {transform_indices = @transform_6, window_bounds = array<i64: 400, 64>}, {transform_indices = @transform_7, window_bounds = array<i64: 400, 64>}]} {
    %get3A = arith.constant 0 : index
    %get3A_0 = arith.constant 0 : index
    %get3A_1 = arith.constant 0 : index
    %get3A_2 = vector.load %arg3[%get3A, %get3A_0, %get3A_1] : memref<2x400x16xf32, #tpu.memory_space<vmem>>, vector<1x400x1xf32>
    %get3A_3 = vector.shape_cast %get3A_2 : vector<1x400x1xf32> to vector<400x1xf32>
    %get3A_4 = arith.constant 1 : index
    %get3A_5 = arith.constant 0 : index
    %get3A_6 = arith.constant 0 : index
    %get3A_7 = vector.load %arg3[%get3A_4, %get3A_5, %get3A_6] : memref<2x400x16xf32, #tpu.memory_space<vmem>>, vector<1x400x1xf32>
    %get3A_8 = vector.shape_cast %get3A_7 : vector<1x400x1xf32> to vector<400x1xf32>
    %add3A = arith.addf %get3A_3, %get3A_8 : vector<400x1xf32>
    %gt3A = arith.constant 0.000000e+00 : f32
    %gt3A_9 = vector.broadcast %gt3A : f32 to vector<400x1xf32>
    %gt3A_10 = arith.cmpf ogt, %add3A, %gt3A_9 : vector<400x1xf32>
    %rsqrt3A = math.rsqrt %add3A : vector<400x1xf32>
    %jit3A = arith.constant 0.000000e+00 : f32
    %broadcast_in_dim3A = vector.broadcast %jit3A : f32 to vector<400x1xf32>
    %select_n3A = arith.select %gt3A_10, %rsqrt3A, %broadcast_in_dim3A : vector<400x1xi1>, vector<400x1xf32>
    %get3A_11 = arith.constant 0 : index
    %get3A_12 = arith.constant 0 : index
    %get3A_13 = arith.constant 0 : index
    %get3A_14 = vector.load %arg1[%get3A_11, %get3A_12, %get3A_13] : memref<2x400x128xf32, #tpu.memory_space<vmem>>, vector<1x400x128xf32>
    %get3A_15 = vector.shape_cast %get3A_14 : vector<1x400x128xf32> to vector<400x128xf32>
    %get3A_16 = arith.constant 1 : index
    %get3A_17 = arith.constant 0 : index
    %get3A_18 = arith.constant 0 : index
    %get3A_19 = vector.load %arg1[%get3A_16, %get3A_17, %get3A_18] : memref<2x400x128xf32, #tpu.memory_space<vmem>>, vector<1x400x128xf32>
    %get3A_20 = vector.shape_cast %get3A_19 : vector<1x400x128xf32> to vector<400x128xf32>
    %add3A_21 = arith.addf %get3A_15, %get3A_20 : vector<400x128xf32>
    %mul3A = vector.broadcast %select_n3A : vector<400x1xf32> to vector<400x128xf32>
    %mul3A_22 = arith.mulf %add3A_21, %mul3A : vector<400x128xf32>
    %get3A_23 = arith.constant 0 : index
    %get3A_24 = arith.constant 0 : index
    %get3A_25 = vector.load %arg2[%get3A_23, %get3A_24] : memref<400x128xf32, #tpu.memory_space<vmem>>, vector<400x128xf32>
    %add3A_26 = arith.addf %mul3A_22, %get3A_25 : vector<400x128xf32>
    %max3A = arith.constant 0.000000e+00 : f32
    %max3A_27 = vector.broadcast %max3A : f32 to vector<400x128xf32>
    %max3A_28 = arith.maximumf %add3A_26, %max3A_27 : vector<400x128xf32>
    %get3A_29 = arith.constant 0 : index
    %get3A_30 = arith.constant 0 : index
    %get3A_31 = vector.load %arg4[%get3A_29, %get3A_30] : memref<128x64xf32, #tpu.memory_space<vmem>>, vector<128x64xf32>
    %dot_general3A = arith.constant dense<0.000000e+00> : vector<400x64xf32>
    %dot_general3A_32 = tpu.matmul %max3A_28, %get3A_31, %dot_general3A {dimension_numbers = #tpu.dot_dimension_numbers<[1], [0], [0], [1], [0, 0, 1, 1], [], []>, transpose_lhs_hint = false} : vector<400x128xf32>, vector<128x64xf32>, vector<400x64xf32> -> vector<400x64xf32>
    %mul3A_33 = vector.broadcast %select_n3A : vector<400x1xf32> to vector<400x64xf32>
    %mul3A_34 = arith.mulf %dot_general3A_32, %mul3A_33 : vector<400x64xf32>
    %swap3A = arith.constant 0 : index
    %swap3A_35 = arith.constant 0 : index
    %swap3A_36 = vector.load %arg7[%swap3A, %swap3A_35] : memref<400x64xf32, #tpu.memory_space<vmem>>, vector<400x64xf32>
    tpu.vector_store %arg7[%swap3A, %swap3A_35], %mul3A_34 {strides = array<i32>} : memref<400x64xf32, #tpu.memory_space<vmem>>, vector<400x64xf32>,
    %get3A_37 = arith.constant 0 : index
    %get3A_38 = arith.constant 0 : index
    %get3A_39 = vector.load %arg5[%get3A_37, %get3A_38] : memref<128x64xf32, #tpu.memory_space<vmem>>, vector<128x64xf32>
    %dot_general3A_40 = arith.constant dense<0.000000e+00> : vector<400x64xf32>
    %dot_general3A_41 = tpu.matmul %max3A_28, %get3A_39, %dot_general3A_40 {dimension_numbers = #tpu.dot_dimension_numbers<[1], [0], [0], [1], [0, 0, 1, 1], [], []>, transpose_lhs_hint = false} : vector<400x128xf32>, vector<128x64xf32>, vector<400x64xf32> -> vector<400x64xf32>
    %get3A_42 = arith.constant 0 : index
    %get3A_43 = arith.constant 0 : index
    %get3A_44 = vector.load %arg6[%get3A_42, %get3A_43] : memref<1x64xf32, #tpu.memory_space<vmem>>, vector<1x64xf32>
    %add3A_45 = vector.broadcast %get3A_44 : vector<1x64xf32> to vector<400x64xf32>
    %add3A_46 = arith.addf %dot_general3A_41, %add3A_45 : vector<400x64xf32>
    %swap3A_47 = arith.constant 0 : index
    %swap3A_48 = arith.constant 0 : index
    %swap3A_49 = vector.load %arg8[%swap3A_47, %swap3A_48] : memref<400x64xf32, #tpu.memory_space<vmem>>, vector<400x64xf32>
    tpu.vector_store %arg8[%swap3A_47, %swap3A_48], %add3A_46 {strides = array<i32>} : memref<400x64xf32, #tpu.memory_space<vmem>>, vector<400x64xf32>,
    return
  }
  func.func @transform_0(%arg0: i32) -> (i32, i32, i32) {
    %c0_i32 = arith.constant 0 : i32
    %c0_i32_0 = arith.constant 0 : i32
    %c0_i32_1 = arith.constant 0 : i32
    return %c0_i32, %arg0, %c0_i32_0 : i32, i32, i32
  }
  func.func @transform_1(%arg0: i32) -> (i32, i32) {
    %c0_i32 = arith.constant 0 : i32
    %c0_i32_0 = arith.constant 0 : i32
    return %arg0, %c0_i32 : i32, i32
  }
  func.func @transform_2(%arg0: i32) -> (i32, i32, i32) {
    %c0_i32 = arith.constant 0 : i32
    %c0_i32_0 = arith.constant 0 : i32
    %c0_i32_1 = arith.constant 0 : i32
    return %c0_i32, %arg0, %c0_i32_0 : i32, i32, i32
  }
  func.func @transform_3(%arg0: i32) -> (i32, i32) {
    %c0_i32 = arith.constant 0 : i32
    %c0_i32_0 = arith.constant 0 : i32
    %c0_i32_1 = arith.constant 0 : i32
    return %c0_i32, %c0_i32_0 : i32, i32
  }
  func.func @transform_4(%arg0: i32) -> (i32, i32) {
    %c0_i32 = arith.constant 0 : i32
    %c0_i32_0 = arith.constant 0 : i32
    %c0_i32_1 = arith.constant 0 : i32
    return %c0_i32, %c0_i32_0 : i32, i32
  }
  func.func @transform_5(%arg0: i32) -> (i32, i32) {
    %c0_i32 = arith.constant 0 : i32
    %c0_i32_0 = arith.constant 0 : i32
    %c0_i32_1 = arith.constant 0 : i32
    return %c0_i32, %c0_i32_0 : i32, i32
  }
  func.func @transform_6(%arg0: i32) -> (i32, i32) {
    %c0_i32 = arith.constant 0 : i32
    %c0_i32_0 = arith.constant 0 : i32
    return %arg0, %c0_i32 : i32, i32
  }
  func.func @transform_7(%arg0: i32) -> (i32, i32) {
    %c0_i32 = arith.constant 0 : i32
    %c0_i32_0 = arith.constant 0 : i32
    return %arg0, %c0_i32 : i32, i32
  }
}

module attributes {stable_mosaic.version = 14 : i64} {
  func.func @_post_body(%arg0: i32, %arg1: memref<2x400x64xf32, #tpu.memory_space<vmem>>, %arg2: memref<400x64xf32, #tpu.memory_space<vmem>>, %arg3: memref<2x400x16xf32, #tpu.memory_space<vmem>>, %arg4: memref<400x64xf32, #tpu.memory_space<vmem>>) attributes {dimension_semantics = [#tpu.dimension_semantics<arbitrary>], iteration_bounds = array<i64: 25>, scalar_prefetch = 0 : i64, scratch_operands = 0 : i64, tpu.core_type = #tpu.core_type<tc>, window_params = [{transform_indices = @transform_0, window_bounds = array<i64: 2, 400, 64>}, {transform_indices = @transform_1, window_bounds = array<i64: 400, 64>}, {transform_indices = @transform_2, window_bounds = array<i64: 2, 400, 16>}, {transform_indices = @transform_3, window_bounds = array<i64: 400, 64>}]} {
    %get3A = arith.constant 0 : index
    %get3A_0 = arith.constant 0 : index
    %get3A_1 = arith.constant 0 : index
    %get3A_2 = vector.load %arg3[%get3A, %get3A_0, %get3A_1] : memref<2x400x16xf32, #tpu.memory_space<vmem>>, vector<1x400x1xf32>
    %get3A_3 = vector.shape_cast %get3A_2 : vector<1x400x1xf32> to vector<400x1xf32>
    %get3A_4 = arith.constant 1 : index
    %get3A_5 = arith.constant 0 : index
    %get3A_6 = arith.constant 0 : index
    %get3A_7 = vector.load %arg3[%get3A_4, %get3A_5, %get3A_6] : memref<2x400x16xf32, #tpu.memory_space<vmem>>, vector<1x400x1xf32>
    %get3A_8 = vector.shape_cast %get3A_7 : vector<1x400x1xf32> to vector<400x1xf32>
    %add3A = arith.addf %get3A_3, %get3A_8 : vector<400x1xf32>
    %gt3A = arith.constant 0.000000e+00 : f32
    %gt3A_9 = vector.broadcast %gt3A : f32 to vector<400x1xf32>
    %gt3A_10 = arith.cmpf ogt, %add3A, %gt3A_9 : vector<400x1xf32>
    %rsqrt3A = math.rsqrt %add3A : vector<400x1xf32>
    %jit3A = arith.constant 0.000000e+00 : f32
    %broadcast_in_dim3A = vector.broadcast %jit3A : f32 to vector<400x1xf32>
    %select_n3A = arith.select %gt3A_10, %rsqrt3A, %broadcast_in_dim3A : vector<400x1xi1>, vector<400x1xf32>
    %get3A_11 = arith.constant 0 : index
    %get3A_12 = arith.constant 0 : index
    %get3A_13 = arith.constant 0 : index
    %get3A_14 = vector.load %arg1[%get3A_11, %get3A_12, %get3A_13] : memref<2x400x64xf32, #tpu.memory_space<vmem>>, vector<1x400x64xf32>
    %get3A_15 = vector.shape_cast %get3A_14 : vector<1x400x64xf32> to vector<400x64xf32>
    %get3A_16 = arith.constant 1 : index
    %get3A_17 = arith.constant 0 : index
    %get3A_18 = arith.constant 0 : index
    %get3A_19 = vector.load %arg1[%get3A_16, %get3A_17, %get3A_18] : memref<2x400x64xf32, #tpu.memory_space<vmem>>, vector<1x400x64xf32>
    %get3A_20 = vector.shape_cast %get3A_19 : vector<1x400x64xf32> to vector<400x64xf32>
    %add3A_21 = arith.addf %get3A_15, %get3A_20 : vector<400x64xf32>
    %mul3A = vector.broadcast %select_n3A : vector<400x1xf32> to vector<400x64xf32>
    %mul3A_22 = arith.mulf %add3A_21, %mul3A : vector<400x64xf32>
    %get3A_23 = arith.constant 0 : index
    %get3A_24 = arith.constant 0 : index
    %get3A_25 = vector.load %arg2[%get3A_23, %get3A_24] : memref<400x64xf32, #tpu.memory_space<vmem>>, vector<400x64xf32>
    %add3A_26 = arith.addf %mul3A_22, %get3A_25 : vector<400x64xf32>
    %max3A = arith.constant 0.000000e+00 : f32
    %max3A_27 = vector.broadcast %max3A : f32 to vector<400x64xf32>
    %max3A_28 = arith.maximumf %add3A_26, %max3A_27 : vector<400x64xf32>
    %logistic3A = arith.negf %max3A_28 : vector<400x64xf32>
    %logistic3A_29 = math.exp %logistic3A : vector<400x64xf32>
    %logistic3A_30 = arith.constant 1.000000e+00 : f32
    %logistic3A_31 = vector.broadcast %logistic3A_30 : f32 to vector<400x64xf32>
    %logistic3A_32 = arith.addf %logistic3A_31, %logistic3A_29 : vector<400x64xf32>
    %logistic3A_33 = arith.divf %logistic3A_31, %logistic3A_32 : vector<400x64xf32>
    %swap3A = arith.constant 0 : index
    %swap3A_34 = arith.constant 0 : index
    %swap3A_35 = vector.load %arg4[%swap3A, %swap3A_34] : memref<400x64xf32, #tpu.memory_space<vmem>>, vector<400x64xf32>
    tpu.vector_store %arg4[%swap3A, %swap3A_34], %logistic3A_33 {strides = array<i32>} : memref<400x64xf32, #tpu.memory_space<vmem>>, vector<400x64xf32>,
    return
  }
  func.func @transform_0(%arg0: i32) -> (i32, i32, i32) {
    %c0_i32 = arith.constant 0 : i32
    %c0_i32_0 = arith.constant 0 : i32
    %c0_i32_1 = arith.constant 0 : i32
    return %c0_i32, %arg0, %c0_i32_0 : i32, i32, i32
  }
  func.func @transform_1(%arg0: i32) -> (i32, i32) {
    %c0_i32 = arith.constant 0 : i32
    %c0_i32_0 = arith.constant 0 : i32
    return %arg0, %c0_i32 : i32, i32
  }
  func.func @transform_2(%arg0: i32) -> (i32, i32, i32) {
    %c0_i32 = arith.constant 0 : i32
    %c0_i32_0 = arith.constant 0 : i32
    %c0_i32_1 = arith.constant 0 : i32
    return %c0_i32, %arg0, %c0_i32_0 : i32, i32, i32
  }
  func.func @transform_3(%arg0: i32) -> (i32, i32) {
    %c0_i32 = arith.constant 0 : i32
    %c0_i32_0 = arith.constant 0 : i32
    return %arg0, %c0_i32 : i32, i32
  }
}

</mosaic_0001>

<sc_bundles>
// kernel: kernel.11.cloned.1.call-start
scs
__scs_entry_jumppad:
0x0: {  	(pc) =	sbr.rel $0x88, $3  }
0x1: {  	(tag) =	ssettag $0x0;
	lr =	simm.s32 $0x1  }
0x2: {  	[smem:$0x3F96] =	sst lr;
	_ =	strace $0xD0000000  }
0x3: {  	_ = 	snop  }
0x4: {  	_ = 	snop  }
0x5: {  	_ = 	snop  }
0x6: {  	_ = 	snop  }
0x7: {  	_ = 	snop  }
__scs_overlays_trampoline_lowered:
0x8: {  	[smem:$0x3FA5] =	sst s0  }
0x9: {  	[smem:$0x3FA6] =	sst s1  }
0xa: {  	[smem:$0x3FA7] =	sst s2  }
0xb: {  	[smem:$0x3FA8] =	sst s3  }
0xc: {  	[smem:$0x3FA9] =	sst s4  }
0xd: {  	[smem:$0x3FAA] =	sst s5  }
0xe: {  	[smem:$0x3FAB] =	sst s6  }
0xf: {  	[smem:$0x3FAC] =	sst s7  }
0x10: {  	[smem:$0x3FAD] =	sst s8  }
0x11: {  	[smem:$0x3FAE] =	sst s9;
	s0 =	simm.s32 @!p0 $0x0  }
0x12: {  	s1 =	sld [smem:$0x3F94];
	s0 =	simm.s32 @p0 $0x1  }
0x13: {  	[smem:$0x3FAF] =	sst s0;
	s0 =	simm.s32 @!p1 $0x0  }
0x14: {  	s2 =	sld [smem:$0x3F93];
	s0 =	simm.s32 @p1 $0x1  }
0x15: {  	[smem:$0x3FB0] =	sst s0;
	s0 =	simm.s32 @!p2 $0x0  }
0x16: {  	s3 =	sld [smem:$0x3FDB];
	s0 =	simm.s32 @p2 $0x1  }
0x17: {  	s4 =	simm.s32 $0x1BF5;
	[smem:$0x3FB2] =	sst s0  }
0x18: {  	s0 =	sld [smem:$0x3F95];
	_ =	swait.ge [sflag:s4], $0x0  }
0x19: {  	s7 =	sld [smem:$0x3F96]  }
0x1a: {  	s8 =	sadd.s32 $0xFFFFE003, lr  }
0x1b: {  	s9 =	sadd.s32 $0xFFFFFEF7, lr;
	s5 =	simm.s32 $0xFFFFFFFF;
	p2 =	slt.u32 s8, $0xFFFFF086  }
0x1c: {  	p1 =	slt.u32 s9, $0xF7A;
	s5 =	simm.s32 @!p2 $0x0  }
0x1d: {  	s5 =	simm.s32 @p1 $0x1;
	p0 =	seq.s32 s7, s2  }
0x1e: {  	s7 =	smul.u32 @!p0 $0xF7A, s2;
	p2 =	seq.s32 @!p0 s5, $0x0  }
0x1f: {  	s9 =	smul.u32 $0xF7A, s1;
	s8 =	simm.s32 @!p0 $0x1BF5;
	p2 =	por !p2, p0  }
0x20: {  	[sflag:s8] =	ssyncset.s32 @!p0 $0xFFFFF086;
	s6 =	sadd.s32 @!p0 s3, s7;
	s7 =	simm.s32 @!p0 $0x108  }
0x21: {  	s3 =	sadd.s32 s3, s9;
	s6 =	sadd.s32 @!p0 $0x88, s6;
	s7 =	simm.s32 @p2 $0x1082  }
0x22: {  	[simem:s7], [sflag:s8] =	dma.local @!p0 [hbm:s6], $0xF7A  }
0x23: {  	s9 =	sor.u32 $0xD0000000, s2;
	s6 =	simm.s32 $0x108;
	_ =	swait.ge @!p0 [sflag:s8], $0x0  }
0x24: {  	s3 =	sadd.s32 $0x88, s3;
	s6 =	simm.s32 @!p1 $0x1082;
	[sflag:s4] =	ssyncset.s32 $0xFFFFF086  }
0x25: {  	[simem:s6], [sflag:s4] =	dma.local [hbm:s3], $0xF7A  }
0x26: {  	[smem:$0x3F96] =	sst s1;
	(tag) =	ssettag s2;
	_ =	strace s9  }
0x27: {  	s1 =	sld [smem:$0x3FA6]  }
0x28: {  	s2 =	sld [smem:$0x3FA7]  }
0x29: {  	s4 =	sld [smem:$0x3FA9]  }
0x2a: {  	p0 =	seq.s32 s5, $0x0;
	s5 =	sld [smem:$0x3FAA]  }
0x2b: {  	s6 =	sld [smem:$0x3FAB]  }
0x2c: {  	s7 =	sld [smem:$0x3FAC]  }
0x2d: {  	s3 =	simm.s32 $0x108;
	s8 =	sld [smem:$0x3FAD]  }
0x2e: {  	s3 =	simm.s32 @!p0 $0x1082;
	s9 =	sld [smem:$0x3FAE]  }
0x2f: {  	lr =	sadd.s32 s0, s3;
	s0 =	sld [smem:$0x3FA5]  }
0x30: {  	s3 =	sld [smem:$0x3FA8]  }
0x31: {  	[smem:$0x3FB1] =	sst s10  }
0x32: {  	s10 =	sld [smem:$0x3FAF];
	_ =	sdelay $0x3  }
0x33: {  	p0 =	seq.s32 s10, $0x1;
	s10 =	sld [smem:$0x3FB1];
	_ =	sdelay $0x3  }
0x34: {  	[smem:$0x3FB1] =	sst s10  }
0x35: {  	s10 =	sld [smem:$0x3FB0];
	_ =	sdelay $0x3  }
0x36: {  	p1 =	seq.s32 s10, $0x1;
	s10 =	sld [smem:$0x3FB1];
	_ =	sdelay $0x3  }
0x37: {  	[smem:$0x3FB1] =	sst s10  }
0x38: {  	s10 =	sld [smem:$0x3FB2]  }
0x39: {  	_ = 	snop;
	(pc) =	sbr.ind lr, $3  }
0x3a: {  	_ = 	snop  }
0x3b: {  	_ = 	snop  }
0x3c: {  	p2 =	seq.s32 s10, $0x1;
	s10 =	sld [smem:$0x3FB1]  }
0x3d: {  	_ =	shalt  }
0x3e: {  	_ =	shalt  }
0x3f: {  	_ =	shalt  }
0x40: {  	_ =	shalt  }
0x41: {  	_ =	shalt  }
0x42: {  	_ =	shalt  }
0x43: {  	_ =	shalt  }
0x44: {  	_ =	shalt  }
0x45: {  	_ =	shalt  }
0x46: {  	_ =	shalt  }
0x47: {  	_ =	shalt  }
0x48: {  	_ =	shalt  }
0x49: {  	_ =	shalt  }
0x4a: {  	_ =	shalt  }
0x4b: {  	_ =	shalt  }
0x4c: {  	_ =	shalt  }
0x4d: {  	_ =	shalt  }
0x4e: {  	_ =	shalt  }
0x4f: {  	_ =	shalt  }
0x50: {  	_ =	shalt  }
0x51: {  	_ =	shalt  }
0x52: {  	_ =	shalt  }
0x53: {  	_ =	shalt  }
0x54: {  	_ =	shalt  }
0x55: {  	_ =	shalt  }
0x56: {  	_ =	shalt  }
0x57: {  	_ =	shalt  }
0x58: {  	_ =	shalt  }
0x59: {  	_ =	shalt  }
0x5a: {  	_ =	shalt  }
0x5b: {  	_ =	shalt  }
0x5c: {  	_ =	shalt  }
0x5d: {  	_ =	shalt  }
0x5e: {  	_ =	shalt  }
0x5f: {  	_ =	shalt  }
0x60: {  	_ =	shalt  }
0x61: {  	_ =	shalt  }
0x62: {  	_ =	shalt  }
0x63: {  	_ =	shalt  }
0x64: {  	_ =	shalt  }
0x65: {  	_ =	shalt  }
0x66: {  	_ =	shalt  }
0x67: {  	_ =	shalt  }
0x68: {  	_ =	shalt  }
0x69: {  	_ =	shalt  }
0x6a: {  	_ =	shalt  }
0x6b: {  	_ =	shalt  }
0x6c: {  	_ =	shalt  }
0x6d: {  	_ =	shalt  }
0x6e: {  	_ =	shalt  }
0x6f: {  	_ =	shalt  }
0x70: {  	_ =	shalt  }
0x71: {  	_ =	shalt  }
0x72: {  	_ =	shalt  }
0x73: {  	_ =	shalt  }
0x74: {  	_ =	shalt  }
0x75: {  	_ =	shalt  }
0x76: {  	_ =	shalt  }
0x77: {  	_ =	shalt  }
0x78: {  	_ =	shalt  }
0x79: {  	_ =	shalt  }
0x7a: {  	_ =	shalt  }
0x7b: {  	_ =	shalt  }
0x7c: {  	_ =	shalt  }
0x7d: {  	_ =	shalt  }
0x7e: {  	_ =	shalt  }
0x7f: {  	_ =	shalt  }
0x80: {  	_ =	shalt  }
0x81: {  	_ =	shalt  }
0x82: {  	_ =	shalt  }
0x83: {  	_ =	shalt  }
0x84: {  	_ =	shalt  }
0x85: {  	_ =	shalt  }
0x86: {  	_ =	shalt  }
0x87: {  	_ =	shalt  }
.Lfunc_end0:
.L_simem_size_0:
called_computation_lowered:
.L_overlay_start_0:
0x88: {  	s2 =	sld [smem:$0x3FD9]  }
0x89: {  	s3 =	sld [smem:$0x3FFE];
	_ =	sdelay $0x1  }
0x8a: {  	s1 =	srdreg.scid  }
0x8b: {  	s0 =	sand.u32 $0x1, s1  }
0x8c: {  	s17 =	sshll.u32 s0, $0xA;
	s2 =	sadd.s32 s3, s2  }
0x8d: {  	s2 =	sadd.s32 s2, s17  }
0x8e: {  	[smem:$0x3FBD] =	sst s2  }
0x8f: {  	_ = 	snop  }
0x90: {  	s2 =	sld [smem:$0x3FD0];
	(tm) =	ssettm $0x1  }
0x91: {  	s18 =	sld [smem:$0x3FFB];
	_ =	sdelay $0x3  }
0x92: {  	_ =	strace s18  }
0x93: {  	s3 =	sld [smem:$0x3FFC];
	_ =	sdelay $0x3  }
0x94: {  	_ =	strace s3  }
0x95: {  	s3 =	sld [smem:$0x3FFD];
	_ =	sdelay $0x3  }
0x96: {  	_ =	strace s3  }
0x97: {  	_ =	strace $0x8FFFFFFF  }
0x98: {  	s19 =	sld [smem:$0x3FDB];
	_ =	sdelay $0x1  }
0x99: {  	s4 =	simm.s32 $_scs_section_size  }
0x9a: {  	s5 =	simm.s32 $_size__tile_overlayer_lowered;
	s6 =	simm.s32 $_tile_overlayer_lowered  }
0x9b: {  	s22 =	simm.s32 $0x1BFF;
	s21 =	sshll.u32 s6, $0x1;
	s3 =	sadd.s32 s4, s19  }
0x9c: {  	s7 =	simm.s32 $0x0;
	s20 =	sshll.u32 s5, $0x1;
	s5 =	sadd.s32 s21, s3  }
0x9d: {  	[timem:s7], [sflag:s22] =	dma.local [hbm:s5], s20  }
0x9e: {  	_ =	swait.ge [sflag:s22], s20  }
0x9f: {  	s4 =	ssub.s32 $0x0, s20;
	[sflag:s22] =	ssyncset.done $0x0  }
0xa0: {  	[sflag:s22] =	ssyncadd.s32 s4;
	_ =	sdelay $0x1  }
0xa1: {  	s23 =	simm.s32 $0x1B8B  }
0xa2: {  	_ =	swait.ge [sflag:s23], $0x1  }
0xa3: {  	[sflag:s23] =	ssyncset.done $0x0  }
0xa4: {  	s25 =	simm.s32 $0x1B8E;
	s24 =	sld [smem:$0x3FFE];
	[sflag:s23] =	ssyncadd.s32 $0xFFFFFFFF  }
0xa5: {  	s26 =	simm.s32 $execute0_lowered;
	[smem:$0x3FD2] =	sst s25  }
0xa6: {  	s5 =	sshll.u32 s26, $0x1;
	_ =	strace $0x80000046;
	[dreg:$0x1] =	wrdreg $0xFFFFFFFF  }
0xa7: {  	s28 =	simm.s32 $_size_execute0_lowered;
	s3 =	sadd.s32 s3, s5;
	[dreg:$0x0] =	wrdreg $0x0  }
0xa8: {  	s5 =	sshll.u32 s28, $0x1;
	[dreg:$0x2] =	wrdreg s3  }
0xa9: {  	[dreg:$0x3] =	wrdreg s5  }
0xaa: {  	[dreg:$0x4] =	wrdreg $0xC0  }
0xab: {  	_ =	task [dreg:s7], $0x5FFFF  }
0xac: {  	[dreg:$0x1] =	wrdreg $0xFFFFFFFF  }
0xad: {  	[dreg:$0x0] =	wrdreg $0x60  }
0xae: {  	[dreg:$0x2] =	wrdreg s2  }
0xaf: {  	[dreg:$0x3] =	wrdreg s24  }
0xb0: {  	[dreg:$0x4] =	wrdreg $0x7800  }
0xb1: {  	[dreg:$0x5] =	wrdreg $0x9  }
0xb2: {  	_ =	task.clear_ibuf [dreg:s7], $0x6FFFF;
	_ =	strace $0x90000046  }
0xb3: {  	s29 =	simm.s32 $0x9;
	_ =	strace $0x80000048  }
0xb4: {  	_ =	swait.ge [sflag:s29], $0x1  }
0xb5: {  	[sflag:s29] =	ssyncadd.s32 $0xFFFFFFFF  }
0xb6: {  	_ =	strace $0x90000048  }
0xb7: {  	_ =	sfence  }
0xb8: {  	s30 =	sld [smem:$0x0];
	_ =	sdelay $0x2  }
0xb9: {  	s31 =	sshll.u32 s1, $0xD;
	s1 =	sshrl.u32 s1, $0x2  }
0xba: {  	s3 =	sand.u32 $0x4000, s31;
	s1 =	sadd.s32 s1, s30  }
0xbb: {  	s0 =	sor.u32 s3, s0;
	s1 =	sshll.u32 s1, $0x11  }
0xbc: {  	s0 =	sor.u32 s1, s0  }
0xbd: {  	s0 =	sadd.s32 $0x8F2B, s0  }
0xbe: {  	[sflag:s0] =	ssyncadd.remote.s32 $0x1  }
0xbf: {  	_ =	sfence.sel $0xFFFF  }
0xc0: {  	[dreg:$0x0] =	wrdreg $0xFFFFFFFF;
	(pc) =	sbr.abs _section_cstart, $3  }
0xc1: {  	[dreg:$0x1] =	wrdreg $0xFFFFFFFF  }
0xc2: {  	_ =	task.clear_ibuf [dreg:s7], $0x2FFFF;
	_ =	strace $0x9FFFFFFF  }
0xc3: {  	(tm) =	ssettm $0x7FFFFFFF  }
tec
execute0_lowered:
.L_overlay_start_1:
0x0: {  	(tag) =	ssettag $0x1  }
0x1: {  	s1 =	rddreg [dreg:$0x0]  }
0x2: {  	s0 =	rddreg [dreg:$0x1]  }
0x3: {  	s3 =	rddreg [dreg:$0x2]  }
0x4: {  	s2 =	srdreg.scid;
	s9 =	stileid.u32  }
0x5: {  	s4 =	simm.s32 $0x0;
	s28 =	simm.s32 $0xA0;
	s29 =	simm.s32 $0xF0  }
0x6: {  	s30 =	simm.s32 $0x140;
	s31 =	simm.s32 $0x190;
	s11 =	simm.s32 $0x4  }
0x7: {  	s12 =	simm.s32 $0xA;
	s2 =	sand.u32 $0x1, s2;
	s5 =	smul.u32 $0x2800, s9  }
0x8: {  	[smem:$0x7FF] =	sst s4;
	s8 =	sadd.s32 $0x3C00, s0;
	s14 =	sadd.s32 $0x3600, s0  }
0x9: {  	s16 =	sshll.u32 s9, $0x6;
	s6 =	smul.u32 $0x28000, s2;
	_ =	strace $0x80000047  }
0xa: {  	s7 =	sshll.u32 s2, $0x4;
	[dreg:$0x4] =	wrdreg s8;
	s2 =	ssub.s32 $0x2, s2  }
0xb: {  	[dreg:$0x5] =	wrdreg s14;
	s14 =	simm.s32 $0xB;
	s8 =	simm.s32 $0x7  }
0xc: {  	s7 =	sor.u32 s9, s7;
	s15 =	sshrl.u32 s2, $0x1;
	s9 =	simm.s32 $0x3  }
0xd: {  	s6 =	sadd.s32 s5, s6;
	s13 =	smul.u32 $0x2710, s7;
	s2 =	ssub.s32 s2, s15  }
0xe: {  	s5 =	sadd.s32 s5, s3;
	s6 =	sshrl.u32 s6, $0x3;
	s26 =	smax.u32 s2, $0x1  }
0xf: {  	s2 =	simm.s32 $0x1E0;
	s0 =	sadd.s32 s6, s0;
	s7 =	sadd.s32 $0x4E200, s13  }
0x10: {  	s10 =	sshrl.u32 s13, $0x3;
	s6 =	sor.u32 $0x1C0D, s16;
	[dreg:$0x10] =	wrdreg s26  }
0x11: {  	s24 =	sadd.s32 $0x4E480, s13;
	s16 =	sadd.s32 $0x4E4D0, s13;
	[dreg:$0x6] =	wrdreg s6  }
0x12: {  	s25 =	sadd.s32 $0x4E610, s13;
	s26 =	simm.s32 $0x50;
	[dreg:$0xd] =	wrdreg s24  }
0x13: {  	s17 =	sshrl.u32 s7, $0x3;
	[dreg:$0xe] =	wrdreg s25;
	s0 =	sadd.s32 $0x3E00, s0  }
0x14: {  	s19 =	sadd.s32 s1, s10;
	s24 =	sshrl.u32 s5, $0x3;
	[dreg:$0xf] =	wrdreg s0  }
0x15: {  	s25 =	simm.s32 $0x280;
	s18 =	sadd.s32 s1, s17;
	[dreg:$0x11] =	wrdreg s24  }
0x16: {  	s5 =	simm.s32 $0x2;
	s20 =	sadd.s32 $0x9C4A, s19;
	[dreg:$0x7] =	wrdreg s18  }
0x17: {  	s10 =	simm.s32 $0x9;
	s21 =	sadd.s32 $0x9C54, s19;
	[dreg:$0x8] =	wrdreg s20  }
0x18: {  	s22 =	sadd.s32 $0x9C5E, s19;
	s23 =	sadd.s32 $0x9C68, s19;
	[dreg:$0x9] =	wrdreg s21  }
.Ltmp0:
0x19: {  	s6 =	sadd.s32 $0x9C72, s19;
	[dreg:$0xa] =	wrdreg s22;
	(pc) =	sbr.rel .LBB2_1-.Ltmp0, $4  }
0x1a: {  	s17 =	sadd.s32 $0x4E520, s13;
	s19 =	sadd.s32 $0x4E5C0, s13;
	[dreg:$0xb] =	wrdreg s23  }
0x1b: {  	s0 =	simm.s32 $0x1;
	[dreg:$0xc] =	wrdreg s6;
	s18 =	sadd.s32 $0x4E570, s13  }
0x1c: {  	s6 =	simm.s32 $0x230;
	s13 =	simm.s32 $0x5;
	s21 =	simm.s32 $0x6  }
0x1d: {  	s22 =	simm.s32 $0xC;
	s23 =	simm.s32 $0x8;
	s20 =	simm.s32 $0x0  }
.LBB2_4:
0x1e: {  	_ =	swait.ge [sflag:s0], $0x50  }
0x1f: {  	[sflag:s0] =	ssyncset.done $0x0  }
0x20: {  	[sflag:s0] =	ssyncadd.s32 $0xFFFFFFB0  }
0x21: {  	[spmem:s3] =	stream.indirect.scatter.add.f32 [tilespmem:s25], [sflag:$0x9], $0x10, s4, s26, $0xb8;
	[tilespmem:$0x2F80] =	vst v63  }
0x22: {  	_ =	swait.ge [sflag:s14], $0x500  }
0x23: {  	[sflag:s14] =	ssyncset.done $0x0  }
0x24: {  	[sflag:s14] =	ssyncadd.s32 $0xFFFFFB00  }
0x25: {  	_ =	swait.ge [sflag:s5], $0x50  }
0x26: {  	[sflag:s5] =	ssyncset.done $0x0  }
0x27: {  	[sflag:s5] =	ssyncadd.s32 $0xFFFFFFB0  }
0x28: {  	[spmem:s3] =	stream.indirect.scatter.add.f32 [tilespmem:s25], [sflag:$0xA], $0x10, s26, s26, $0xb8;
	[tilespmem:$0x2F80] =	vst v63  }
0x29: {  	_ =	swait.ge [sflag:s22], $0x500  }
0x2a: {  	[sflag:s22] =	ssyncset.done $0x0  }
0x2b: {  	[sflag:s22] =	ssyncadd.s32 $0xFFFFFB00  }
0x2c: {  	_ =	swait.ge [sflag:s9], $0x50  }
0x2d: {  	[sflag:s9] =	ssyncset.done $0x0  }
0x2e: {  	[sflag:s9] =	ssyncadd.s32 $0xFFFFFFB0  }
0x2f: {  	[spmem:s3] =	stream.indirect.scatter.add.f32 [tilespmem:s25], [sflag:$0xB], $0x10, s28, s26, $0xb8;
	[tilespmem:$0x2F80] =	vst v63  }
0x30: {  	_ =	swait.ge [sflag:s10], $0x500  }
0x31: {  	[sflag:s10] =	ssyncset.done $0x0  }
0x32: {  	[sflag:s10] =	ssyncadd.s32 $0xFFFFFB00  }
0x33: {  	_ =	swait.ge [sflag:s11], $0x50  }
0x34: {  	[sflag:s11] =	ssyncset.done $0x0  }
0x35: {  	[sflag:s11] =	ssyncadd.s32 $0xFFFFFFB0  }
0x36: {  	[spmem:s3] =	stream.indirect.scatter.add.f32 [tilespmem:s25], [sflag:$0xC], $0x10, s29, s26, $0xb8;
	[tilespmem:$0x2F80] =	vst v63  }
0x37: {  	_ =	swait.ge [sflag:s12], $0x500  }
0x38: {  	[sflag:s12] =	ssyncset.done $0x0  }
0x39: {  	[sflag:s12] =	ssyncadd.s32 $0xFFFFFB00  }
0x3a: {  	_ =	swait.ge [sflag:s13], $0x50  }
0x3b: {  	[sflag:s13] =	ssyncset.done $0x0  }
0x3c: {  	[sflag:s13] =	ssyncadd.s32 $0xFFFFFFB0  }
0x3d: {  	[spmem:s3] =	stream.indirect.scatter.add.f32 [tilespmem:s25], [sflag:$0x9], $0x10, s30, s26, $0xb8;
	[tilespmem:$0x2F80] =	vst v63  }
0x3e: {  	_ =	swait.ge [sflag:s14], $0x500  }
0x3f: {  	[sflag:s14] =	ssyncset.done $0x0  }
0x40: {  	[sflag:s14] =	ssyncadd.s32 $0xFFFFFB00  }
0x41: {  	_ =	swait.ge [sflag:s22], $0x500  }
0x42: {  	[sflag:s22] =	ssyncset.done $0x0  }
0x43: {  	[sflag:s22] =	ssyncadd.s32 $0xFFFFFB00  }
0x44: {  	_ =	swait.ge [sflag:s10], $0x500  }
0x45: {  	[sflag:s10] =	ssyncset.done $0x0  }
0x46: {  	[sflag:s10] =	ssyncadd.s32 $0xFFFFFB00  }
0x47: {  	[bflag:$0x0] =	sbarrier.arrive $0xFFFF  }
0x48: {  	s20 =	rddreg [dreg:$0x6]  }
0x49: {  	s15 =	rddreg [dreg:$0xf]  }
0x4a: {  	s24 =	rddreg [dreg:$0x11]  }
0x4b: {  	[hbm:s15], [sflag:s20] =	dma.local [spmem:s24], $0x500  }
0x4c: {  	s15 =	simm.s32 $0xD  }
0x4d: {  	_ =	swait.ge [sflag:s15], $0x500  }
0x4e: {  	s20 =	rddreg [dreg:$0x12]  }
0x4f: {  	[sflag:s15] =	ssyncset.done $0x0;
	s15 =	rddreg [dreg:$0x10];
	s20 =	sadd.s32 $0x1, s20  }
0x50: {  	p0 =	sne.s32 s20, s15  }
.Ltmp1:
0x51: {  	_ = 	snop;
	(pc) =	sbr.rel @!p0 .LBB2_5-.Ltmp1, $3  }
0x52: {  	_ =	sdelay $0x1  }
0x53: {  	s15 =	simm.s32 $0xD  }
0x54: {  	[sflag:s15] =	ssyncadd.s32 $0xFFFFFB00  }
.LBB2_1:
0x55: {  	[dreg:$0x12] =	wrdreg s20  }
0x56: {  	s15 =	rddreg [dreg:$0x5]  }
0x57: {  	s20 =	smov.u32 s24;
	s24 =	rddreg [dreg:$0x6]  }
0x58: {  	[spmem:s20], [sflag:s24] =	dma.local [hbm:s15], $0x500  }
0x59: {  	s20 =	simm.s32 $0xD  }
0x5a: {  	_ =	swait.ge [sflag:s20], $0x500  }
0x5b: {  	[sflag:s20] =	ssyncset.done $0x0  }
0x5c: {  	s24 =	rddreg [dreg:$0x4];
	[sflag:s20] =	ssyncadd.s32 $0xFFFFFB00  }
0x5d: {  	[tilespmem:s25], [sflag:$0xD] =	stream.linear.gather [hbm4b:s24+s4], $0x500, $0x38;
	[tilespmem:$0x2F80] =	vst v63  }
0x5e: {  	_ =	swait.ge [sflag:s20], $0x500  }
0x5f: {  	[sflag:s20] =	ssyncset.done $0x0  }
0x60: {  	[sflag:s20] =	ssyncadd.s32 $0xFFFFFB00  }
0x61: {  	[bflag:$0x0] =	sbarrier.arrive $0xFFFF  }
0x62: {  	s20 =	rddreg [dreg:$0x7]  }
0x63: {  	[tilespmem:s4], [sflag:$0x1] =	stream.linear.gather [hbm4b:s20+s4], $0x50, $0x38;
	[tilespmem:$0x2F80] =	vst v63  }
0x64: {  	s24 =	rddreg [dreg:$0x8]  }
0x65: {  	[tilespmem:s26], [sflag:$0x2] =	stream.linear.gather [hbm4b:s24+s4], $0x50, $0x38;
	[tilespmem:$0x2F80] =	vst v63  }
0x66: {  	s20 =	rddreg [dreg:$0x9]  }
0x67: {  	[tilespmem:s28], [sflag:$0x3] =	stream.linear.gather [hbm4b:s20+s4], $0x50, $0x38;
	[tilespmem:$0x2F80] =	vst v63  }
0x68: {  	s24 =	rddreg [dreg:$0xa]  }
0x69: {  	[tilespmem:s29], [sflag:$0x4] =	stream.linear.gather [hbm4b:s24+s4], $0x50, $0x38;
	[tilespmem:$0x2F80] =	vst v63  }
0x6a: {  	s20 =	rddreg [dreg:$0xb]  }
0x6b: {  	[tilespmem:s30], [sflag:$0x5] =	stream.linear.gather [hbm4b:s20+s4], $0x50, $0x38;
	[tilespmem:$0x2F80] =	vst v63  }
0x6c: {  	s24 =	rddreg [dreg:$0xc];
	s20 =	simm.s32 $0x0  }
0x6d: {  	[tilespmem:s31], [sflag:$0x6] =	stream.linear.gather [hbm4b:s24+s4], $0x50, $0x38;
	[tilespmem:$0x2F80] =	vst v63  }
.LBB2_2:
0x6e: {  	_ =	swait.ge [sflag:s0], $0x50;
	p0 =	seq.s32 s20, $0x0  }
0x6f: {  	[sflag:s0] =	ssyncset.done $0x0;
	s24 =	sadd.s32 @!p0 $0x1E0, s20  }
0x70: {  	s15 =	simm.s32 @!p0 $0xB;
	[sflag:s0] =	ssyncadd.s32 $0xFFFFFFB0;
	s24 =	simm.s32 @p0 $0x1E0  }
0x71: {  	[spmem:s3] =	stream.indirect.scatter.add.f32 [tilespmem:s25], [sflag:$0x9], $0x10, s4, s26, $0xb8;
	[tilespmem:$0x2F80] =	vst v63  }
0x72: {  	s24 =	sadd.s32 s24, s7;
	_ =	swait.ge @!p0 [sflag:s15], $0x500  }
0x73: {  	s24 =	sshrl.u32 s24, $0x3;
	[sflag:s15] =	ssyncset.done @!p0 $0x0  }
0x74: {  	s24 =	sadd.s32 s1, s24;
	[sflag:s15] =	ssyncadd.s32 @!p0 $0xFFFFFB00  }
0x75: {  	[tilespmem:s2], [sflag:$0x7] =	stream.linear.gather [hbm4b:s24+s4], $0x50, $0x38;
	[tilespmem:$0x2F80] =	vst v63  }
0x76: {  	_ =	swait.ge [sflag:s5], $0x50  }
0x77: {  	s15 =	sadd.s32 @!p0 $0x230, s20;
	[sflag:s5] =	ssyncset.done $0x0  }
0x78: {  	s24 =	simm.s32 @!p0 $0xC;
	s15 =	simm.s32 @p0 $0x230;
	[sflag:s5] =	ssyncadd.s32 $0xFFFFFFB0  }
0x79: {  	[spmem:s3] =	stream.indirect.scatter.add.f32 [tilespmem:s25], [sflag:$0xA], $0x10, s26, s26, $0xb8;
	[tilespmem:$0x2F80] =	vst v63  }
0x7a: {  	s15 =	sadd.s32 s15, s7;
	_ =	swait.ge @!p0 [sflag:s24], $0x500  }
0x7b: {  	s15 =	sshrl.u32 s15, $0x3;
	[sflag:s24] =	ssyncset.done @!p0 $0x0  }
0x7c: {  	s15 =	sadd.s32 s1, s15;
	[sflag:s24] =	ssyncadd.s32 @!p0 $0xFFFFFB00  }
0x7d: {  	[tilespmem:s6], [sflag:$0x8] =	stream.linear.gather [hbm4b:s15+s4], $0x50, $0x38;
	[tilespmem:$0x2F80] =	vst v63  }
0x7e: {  	_ =	swait.ge [sflag:s9], $0x50  }
0x7f: {  	[sflag:s9] =	ssyncset.done $0x0  }
0x80: {  	[sflag:s9] =	ssyncadd.s32 $0xFFFFFFB0  }
0x81: {  	[spmem:s3] =	stream.indirect.scatter.add.f32 [tilespmem:s25], [sflag:$0xB], $0x10, s28, s26, $0xb8;
	[tilespmem:$0x2F80] =	vst v63  }
0x82: {  	s24 =	smov.u32 s20;
	_ =	swait.ge [sflag:s10], $0x500  }
0x83: {  	s24 =	simm.s32 @p0 $0x0;
	s15 =	rddreg [dreg:$0xd]  }
0x84: {  	s15 =	sadd.s32 s24, s15  }
0x85: {  	[sflag:s10] =	ssyncset.done $0x0;
	s15 =	sshrl.u32 s15, $0x3  }
0x86: {  	[sflag:s10] =	ssyncadd.s32 $0xFFFFFB00;
	s15 =	sadd.s32 s1, s15  }
0x87: {  	[tilespmem:s4], [sflag:$0x1] =	stream.linear.gather [hbm4b:s15+s4], $0x50, $0x38;
	[tilespmem:$0x2F80] =	vst v63  }
0x88: {  	_ =	swait.ge [sflag:s11], $0x50  }
0x89: {  	[sflag:s11] =	ssyncset.done $0x0  }
0x8a: {  	[sflag:s11] =	ssyncadd.s32 $0xFFFFFFB0  }
0x8b: {  	[spmem:s3] =	stream.indirect.scatter.add.f32 [tilespmem:s25], [sflag:$0xC], $0x10, s29, s26, $0xb8;
	[tilespmem:$0x2F80] =	vst v63  }
0x8c: {  	s15 =	sadd.s32 s24, s16;
	_ =	swait.ge [sflag:s12], $0x500  }
0x8d: {  	s15 =	sshrl.u32 s15, $0x3;
	[sflag:s12] =	ssyncset.done $0x0  }
0x8e: {  	s15 =	sadd.s32 s1, s15;
	[sflag:s12] =	ssyncadd.s32 $0xFFFFFB00  }
0x8f: {  	[tilespmem:s26], [sflag:$0x2] =	stream.linear.gather [hbm4b:s15+s4], $0x50, $0x38;
	[tilespmem:$0x2F80] =	vst v63  }
0x90: {  	_ =	swait.ge [sflag:s13], $0x50  }
0x91: {  	[sflag:s13] =	ssyncset.done $0x0  }
0x92: {  	[sflag:s13] =	ssyncadd.s32 $0xFFFFFFB0  }
0x93: {  	[spmem:s3] =	stream.indirect.scatter.add.f32 [tilespmem:s25], [sflag:$0x9], $0x10, s30, s26, $0xb8;
	[tilespmem:$0x2F80] =	vst v63  }
0x94: {  	s15 =	sadd.s32 s24, s17;
	_ =	swait.ge [sflag:s14], $0x500  }
0x95: {  	s15 =	sshrl.u32 s15, $0x3;
	[sflag:s14] =	ssyncset.done $0x0  }
0x96: {  	s15 =	sadd.s32 s1, s15;
	[sflag:s14] =	ssyncadd.s32 $0xFFFFFB00  }
0x97: {  	[tilespmem:s28], [sflag:$0x3] =	stream.linear.gather [hbm4b:s15+s4], $0x50, $0x38;
	[tilespmem:$0x2F80] =	vst v63  }
0x98: {  	_ =	swait.ge [sflag:s21], $0x50  }
0x99: {  	[sflag:s21] =	ssyncset.done $0x0  }
0x9a: {  	[sflag:s21] =	ssyncadd.s32 $0xFFFFFFB0  }
0x9b: {  	[spmem:s3] =	stream.indirect.scatter.add.f32 [tilespmem:s25], [sflag:$0xA], $0x10, s31, s26, $0xb8;
	[tilespmem:$0x2F80] =	vst v63  }
0x9c: {  	s15 =	sadd.s32 s24, s18;
	_ =	swait.ge [sflag:s22], $0x500  }
0x9d: {  	s15 =	sshrl.u32 s15, $0x3;
	[sflag:s22] =	ssyncset.done $0x0  }
0x9e: {  	s15 =	sadd.s32 s1, s15;
	[sflag:s22] =	ssyncadd.s32 $0xFFFFFB00  }
0x9f: {  	[tilespmem:s29], [sflag:$0x4] =	stream.linear.gather [hbm4b:s15+s4], $0x50, $0x38;
	[tilespmem:$0x2F80] =	vst v63  }
0xa0: {  	_ =	swait.ge [sflag:s8], $0x50  }
0xa1: {  	[sflag:s8] =	ssyncset.done $0x0  }
0xa2: {  	[sflag:s8] =	ssyncadd.s32 $0xFFFFFFB0  }
0xa3: {  	[spmem:s3] =	stream.indirect.scatter.add.f32 [tilespmem:s25], [sflag:$0xB], $0x10, s2, s26, $0xb8;
	[tilespmem:$0x2F80] =	vst v63  }
0xa4: {  	s15 =	sadd.s32 s24, s19;
	_ =	swait.ge [sflag:s10], $0x500  }
0xa5: {  	s15 =	sshrl.u32 s15, $0x3;
	[sflag:s10] =	ssyncset.done $0x0  }
0xa6: {  	s15 =	sadd.s32 s1, s15;
	[sflag:s10] =	ssyncadd.s32 $0xFFFFFB00  }
0xa7: {  	[tilespmem:s30], [sflag:$0x5] =	stream.linear.gather [hbm4b:s15+s4], $0x50, $0x38;
	[tilespmem:$0x2F80] =	vst v63  }
0xa8: {  	_ =	swait.ge [sflag:s23], $0x50  }
0xa9: {  	p0 =	seq.s32 s20, $0x2300;
	[sflag:s23] =	ssyncset.done $0x0  }
.Ltmp2:
0xaa: {  	[sflag:s23] =	ssyncadd.s32 $0xFFFFFFB0;
	(pc) =	sbr.rel @p0 .LBB2_4-.Ltmp2, $4  }
0xab: {  	[spmem:s3] =	stream.indirect.scatter.add.f32 [tilespmem:s25], [sflag:$0xC], $0x10, s6, s26, $0xb8;
	[tilespmem:$0x2F80] =	vst v63  }
0xac: {  	_ =	swait.ge [sflag:s12], $0x500  }
0xad: {  	[sflag:s12] =	ssyncset.done $0x0  }
0xae: {  	[sflag:s12] =	ssyncadd.s32 $0xFFFFFB00  }
.Ltmp3:
0xaf: {  	s15 =	rddreg [dreg:$0xe];
	(pc) =	sbr.rel .LBB2_2-.Ltmp3, $4  }
0xb0: {  	s15 =	sadd.s32 s24, s15  }
0xb1: {  	s15 =	sshrl.u32 s15, $0x3  }
0xb2: {  	s20 =	sadd.s32 $0x280, s20;
	s15 =	sadd.s32 s1, s15  }
0xb3: {  	[tilespmem:s31], [sflag:$0x6] =	stream.linear.gather [hbm4b:s15+s4], $0x50, $0x38;
	[tilespmem:$0x2F80] =	vst v63  }
.LBB2_5:
0xb4: {  	_ =	sfence.sel $0x180000  }
0xb5: {  	[bflag:$0x0] =	sbarrier.arrive $0xFFFF  }
0xb6: {  	_ =	strace $0x90000047  }
0xb7: {  	s0 =	stileid.u32;
	[bflag:$0x2] =	sbarrier.arrive $0xFFFF  }
0xb8: {  	p0 =	sne.s32 s0, $0x0;
	s0 =	rddreg [dreg:$0x3]  }
0xb9: {  	s0 =	sadd.s32 @!p0 $0x100000, s0  }
0xba: {  	[sflag:s0] =	ssyncadd.tile.s32 @!p0 $0x1;
	_ =	shalt  }
.Lfunc_end2:
_tile_overlayer_lowered:
.L_overlay_start_2:
0xbb: {  	(tag) =	ssettag $0x2  }
0xbc: {  	s0 =	rddreg [dreg:$0x0];
	s2 =	stileid.u32  }
0xbd: {  	s1 =	rddreg [dreg:$0x1];
	p0 =	sne.s32 s2, $0x0  }
0xbe: {  	s3 =	rddreg [dreg:$0x2];
	[bflag:$0x3] =	sbarrier.arrive $0xFFFF;
	s2 =	simm.s32 @!p0 $0x1C0D  }
0xbf: {  	[timem:s3], [sflag:s2] =	dma.local @!p0 [hbm:s0], s1  }
0xc0: {  	s0 =	simm.s32 @!p0 $0xD  }
0xc1: {  	_ =	swait.ge @!p0 [sflag:s0], s1  }
0xc2: {  	s1 =	ssub.s32 @!p0 $0x0, s1;
	[sflag:s0] =	ssyncset.done @!p0 $0x0  }
0xc3: {  	[sflag:s0] =	ssyncadd.s32 @!p0 s1  }
0xc4: {  	[bflag:$0x3] =	sbarrier.arrive $0xFFFF  }
0xc5: {  	_ =	shalt  }

// kernel: kernel.14.cloned.1.call-start
scs
__scs_entry_jumppad:
0x0: {  	(pc) =	sbr.rel $0x88, $3  }
0x1: {  	(tag) =	ssettag $0x0;
	lr =	simm.s32 $0x1  }
0x2: {  	[smem:$0x3F96] =	sst lr;
	_ =	strace $0xD0000000  }
0x3: {  	_ = 	snop  }
0x4: {  	_ = 	snop  }
0x5: {  	_ = 	snop  }
0x6: {  	_ = 	snop  }
0x7: {  	_ = 	snop  }
__scs_overlays_trampoline_lowered:
0x8: {  	[smem:$0x3FA5] =	sst s0  }
0x9: {  	[smem:$0x3FA6] =	sst s1  }
0xa: {  	[smem:$0x3FA7] =	sst s2  }
0xb: {  	[smem:$0x3FA8] =	sst s3  }
0xc: {  	[smem:$0x3FA9] =	sst s4  }
0xd: {  	[smem:$0x3FAA] =	sst s5  }
0xe: {  	[smem:$0x3FAB] =	sst s6  }
0xf: {  	[smem:$0x3FAC] =	sst s7  }
0x10: {  	[smem:$0x3FAD] =	sst s8  }
0x11: {  	[smem:$0x3FAE] =	sst s9;
	s0 =	simm.s32 @!p0 $0x0  }
0x12: {  	s1 =	sld [smem:$0x3F94];
	s0 =	simm.s32 @p0 $0x1  }
0x13: {  	[smem:$0x3FAF] =	sst s0;
	s0 =	simm.s32 @!p1 $0x0  }
0x14: {  	s2 =	sld [smem:$0x3F93];
	s0 =	simm.s32 @p1 $0x1  }
0x15: {  	[smem:$0x3FB0] =	sst s0;
	s0 =	simm.s32 @!p2 $0x0  }
0x16: {  	s3 =	sld [smem:$0x3FDB];
	s0 =	simm.s32 @p2 $0x1  }
0x17: {  	s4 =	simm.s32 $0x1BF5;
	[smem:$0x3FB2] =	sst s0  }
0x18: {  	s0 =	sld [smem:$0x3F95];
	_ =	swait.ge [sflag:s4], $0x0  }
0x19: {  	s7 =	sld [smem:$0x3F96]  }
0x1a: {  	s8 =	sadd.s32 $0xFFFFE003, lr  }
0x1b: {  	s9 =	sadd.s32 $0xFFFFFEF7, lr;
	s5 =	simm.s32 $0xFFFFFFFF;
	p2 =	slt.u32 s8, $0xFFFFF086  }
0x1c: {  	p1 =	slt.u32 s9, $0xF7A;
	s5 =	simm.s32 @!p2 $0x0  }
0x1d: {  	s5 =	simm.s32 @p1 $0x1;
	p0 =	seq.s32 s7, s2  }
0x1e: {  	s7 =	smul.u32 @!p0 $0xF7A, s2;
	p2 =	seq.s32 @!p0 s5, $0x0  }
0x1f: {  	s9 =	smul.u32 $0xF7A, s1;
	s8 =	simm.s32 @!p0 $0x1BF5;
	p2 =	por !p2, p0  }
0x20: {  	[sflag:s8] =	ssyncset.s32 @!p0 $0xFFFFF086;
	s6 =	sadd.s32 @!p0 s3, s7;
	s7 =	simm.s32 @!p0 $0x108  }
0x21: {  	s3 =	sadd.s32 s3, s9;
	s6 =	sadd.s32 @!p0 $0x88, s6;
	s7 =	simm.s32 @p2 $0x1082  }
0x22: {  	[simem:s7], [sflag:s8] =	dma.local @!p0 [hbm:s6], $0xF7A  }
0x23: {  	s9 =	sor.u32 $0xD0000000, s2;
	s6 =	simm.s32 $0x108;
	_ =	swait.ge @!p0 [sflag:s8], $0x0  }
0x24: {  	s3 =	sadd.s32 $0x88, s3;
	s6 =	simm.s32 @!p1 $0x1082;
	[sflag:s4] =	ssyncset.s32 $0xFFFFF086  }
0x25: {  	[simem:s6], [sflag:s4] =	dma.local [hbm:s3], $0xF7A  }
0x26: {  	[smem:$0x3F96] =	sst s1;
	(tag) =	ssettag s2;
	_ =	strace s9  }
0x27: {  	s1 =	sld [smem:$0x3FA6]  }
0x28: {  	s2 =	sld [smem:$0x3FA7]  }
0x29: {  	s4 =	sld [smem:$0x3FA9]  }
0x2a: {  	p0 =	seq.s32 s5, $0x0;
	s5 =	sld [smem:$0x3FAA]  }
0x2b: {  	s6 =	sld [smem:$0x3FAB]  }
0x2c: {  	s7 =	sld [smem:$0x3FAC]  }
0x2d: {  	s3 =	simm.s32 $0x108;
	s8 =	sld [smem:$0x3FAD]  }
0x2e: {  	s3 =	simm.s32 @!p0 $0x1082;
	s9 =	sld [smem:$0x3FAE]  }
0x2f: {  	lr =	sadd.s32 s0, s3;
	s0 =	sld [smem:$0x3FA5]  }
0x30: {  	s3 =	sld [smem:$0x3FA8]  }
0x31: {  	[smem:$0x3FB1] =	sst s10  }
0x32: {  	s10 =	sld [smem:$0x3FAF];
	_ =	sdelay $0x3  }
0x33: {  	p0 =	seq.s32 s10, $0x1;
	s10 =	sld [smem:$0x3FB1];
	_ =	sdelay $0x3  }
0x34: {  	[smem:$0x3FB1] =	sst s10  }
0x35: {  	s10 =	sld [smem:$0x3FB0];
	_ =	sdelay $0x3  }
0x36: {  	p1 =	seq.s32 s10, $0x1;
	s10 =	sld [smem:$0x3FB1];
	_ =	sdelay $0x3  }
0x37: {  	[smem:$0x3FB1] =	sst s10  }
0x38: {  	s10 =	sld [smem:$0x3FB2]  }
0x39: {  	_ = 	snop;
	(pc) =	sbr.ind lr, $3  }
0x3a: {  	_ = 	snop  }
0x3b: {  	_ = 	snop  }
0x3c: {  	p2 =	seq.s32 s10, $0x1;
	s10 =	sld [smem:$0x3FB1]  }
0x3d: {  	_ =	shalt  }
0x3e: {  	_ =	shalt  }
0x3f: {  	_ =	shalt  }
0x40: {  	_ =	shalt  }
0x41: {  	_ =	shalt  }
0x42: {  	_ =	shalt  }
0x43: {  	_ =	shalt  }
0x44: {  	_ =	shalt  }
0x45: {  	_ =	shalt  }
0x46: {  	_ =	shalt  }
0x47: {  	_ =	shalt  }
0x48: {  	_ =	shalt  }
0x49: {  	_ =	shalt  }
0x4a: {  	_ =	shalt  }
0x4b: {  	_ =	shalt  }
0x4c: {  	_ =	shalt  }
0x4d: {  	_ =	shalt  }
0x4e: {  	_ =	shalt  }
0x4f: {  	_ =	shalt  }
0x50: {  	_ =	shalt  }
0x51: {  	_ =	shalt  }
0x52: {  	_ =	shalt  }
0x53: {  	_ =	shalt  }
0x54: {  	_ =	shalt  }
0x55: {  	_ =	shalt  }
0x56: {  	_ =	shalt  }
0x57: {  	_ =	shalt  }
0x58: {  	_ =	shalt  }
0x59: {  	_ =	shalt  }
0x5a: {  	_ =	shalt  }
0x5b: {  	_ =	shalt  }
0x5c: {  	_ =	shalt  }
0x5d: {  	_ =	shalt  }
0x5e: {  	_ =	shalt  }
0x5f: {  	_ =	shalt  }
0x60: {  	_ =	shalt  }
0x61: {  	_ =	shalt  }
0x62: {  	_ =	shalt  }
0x63: {  	_ =	shalt  }
0x64: {  	_ =	shalt  }
0x65: {  	_ =	shalt  }
0x66: {  	_ =	shalt  }
0x67: {  	_ =	shalt  }
0x68: {  	_ =	shalt  }
0x69: {  	_ =	shalt  }
0x6a: {  	_ =	shalt  }
0x6b: {  	_ =	shalt  }
0x6c: {  	_ =	shalt  }
0x6d: {  	_ =	shalt  }
0x6e: {  	_ =	shalt  }
0x6f: {  	_ =	shalt  }
0x70: {  	_ =	shalt  }
0x71: {  	_ =	shalt  }
0x72: {  	_ =	shalt  }
0x73: {  	_ =	shalt  }
0x74: {  	_ =	shalt  }
0x75: {  	_ =	shalt  }
0x76: {  	_ =	shalt  }
0x77: {  	_ =	shalt  }
0x78: {  	_ =	shalt  }
0x79: {  	_ =	shalt  }
0x7a: {  	_ =	shalt  }
0x7b: {  	_ =	shalt  }
0x7c: {  	_ =	shalt  }
0x7d: {  	_ =	shalt  }
0x7e: {  	_ =	shalt  }
0x7f: {  	_ =	shalt  }
0x80: {  	_ =	shalt  }
0x81: {  	_ =	shalt  }
0x82: {  	_ =	shalt  }
0x83: {  	_ =	shalt  }
0x84: {  	_ =	shalt  }
0x85: {  	_ =	shalt  }
0x86: {  	_ =	shalt  }
0x87: {  	_ =	shalt  }
.Lfunc_end0:
.L_simem_size_0:
called_computation.1_lowered:
.L_overlay_start_0:
0x88: {  	s2 =	sld [smem:$0x3FD9]  }
0x89: {  	s3 =	sld [smem:$0x3FFE];
	_ =	sdelay $0x1  }
0x8a: {  	s1 =	srdreg.scid  }
0x8b: {  	s0 =	sand.u32 $0x1, s1  }
0x8c: {  	s17 =	sshll.u32 s0, $0xA;
	s2 =	sadd.s32 s3, s2  }
0x8d: {  	s2 =	sadd.s32 s2, s17  }
0x8e: {  	[smem:$0x3FBD] =	sst s2  }
0x8f: {  	_ = 	snop  }
0x90: {  	s2 =	sld [smem:$0x3FD0];
	(tm) =	ssettm $0x1  }
0x91: {  	s18 =	sld [smem:$0x3FFB];
	_ =	sdelay $0x3  }
0x92: {  	_ =	strace s18  }
0x93: {  	s3 =	sld [smem:$0x3FFC];
	_ =	sdelay $0x3  }
0x94: {  	_ =	strace s3  }
0x95: {  	s3 =	sld [smem:$0x3FFD];
	_ =	sdelay $0x3  }
0x96: {  	_ =	strace s3  }
0x97: {  	_ =	strace $0x8FFFFFFF  }
0x98: {  	s19 =	sld [smem:$0x3FDB];
	_ =	sdelay $0x1  }
0x99: {  	s4 =	simm.s32 $_scs_section_size  }
0x9a: {  	s5 =	simm.s32 $_size__tile_overlayer_lowered;
	s6 =	simm.s32 $_tile_overlayer_lowered  }
0x9b: {  	s22 =	simm.s32 $0x1BFF;
	s21 =	sshll.u32 s6, $0x1;
	s3 =	sadd.s32 s4, s19  }
0x9c: {  	s7 =	simm.s32 $0x0;
	s20 =	sshll.u32 s5, $0x1;
	s5 =	sadd.s32 s21, s3  }
0x9d: {  	[timem:s7], [sflag:s22] =	dma.local [hbm:s5], s20  }
0x9e: {  	_ =	swait.ge [sflag:s22], s20  }
0x9f: {  	s4 =	ssub.s32 $0x0, s20;
	[sflag:s22] =	ssyncset.done $0x0  }
0xa0: {  	[sflag:s22] =	ssyncadd.s32 s4;
	_ =	sdelay $0x1  }
0xa1: {  	s23 =	simm.s32 $0x1B8B  }
0xa2: {  	_ =	swait.ge [sflag:s23], $0x1  }
0xa3: {  	[sflag:s23] =	ssyncset.done $0x0  }
0xa4: {  	s25 =	simm.s32 $0x1B8E;
	s24 =	sld [smem:$0x3FFE];
	[sflag:s23] =	ssyncadd.s32 $0xFFFFFFFF  }
0xa5: {  	s26 =	simm.s32 $execute0_lowered;
	[smem:$0x3FD2] =	sst s25  }
0xa6: {  	s5 =	sshll.u32 s26, $0x1;
	_ =	strace $0x80000049;
	[dreg:$0x1] =	wrdreg $0xFFFFFFFF  }
0xa7: {  	s28 =	simm.s32 $_size_execute0_lowered;
	s3 =	sadd.s32 s3, s5;
	[dreg:$0x0] =	wrdreg $0x0  }
0xa8: {  	s5 =	sshll.u32 s28, $0x1;
	[dreg:$0x2] =	wrdreg s3  }
0xa9: {  	[dreg:$0x3] =	wrdreg s5  }
0xaa: {  	[dreg:$0x4] =	wrdreg $0xC0  }
0xab: {  	_ =	task [dreg:s7], $0x5FFFF  }
0xac: {  	[dreg:$0x1] =	wrdreg $0xFFFFFFFF  }
0xad: {  	[dreg:$0x0] =	wrdreg $0x60  }
0xae: {  	[dreg:$0x2] =	wrdreg s24  }
0xaf: {  	[dreg:$0x3] =	wrdreg s2  }
0xb0: {  	[dreg:$0x4] =	wrdreg $0xA5000  }
0xb1: {  	[dreg:$0x5] =	wrdreg $0x9  }
0xb2: {  	_ =	task.clear_ibuf [dreg:s7], $0x6FFFF;
	_ =	strace $0x90000049  }
0xb3: {  	s29 =	simm.s32 $0x9;
	_ =	strace $0x8000004B  }
0xb4: {  	_ =	swait.ge [sflag:s29], $0x1  }
0xb5: {  	[sflag:s29] =	ssyncadd.s32 $0xFFFFFFFF  }
0xb6: {  	_ =	strace $0x9000004B  }
0xb7: {  	_ =	sfence  }
0xb8: {  	s30 =	sld [smem:$0x0];
	_ =	sdelay $0x2  }
0xb9: {  	s31 =	sshll.u32 s1, $0xD;
	s1 =	sshrl.u32 s1, $0x2  }
0xba: {  	s3 =	sand.u32 $0x4000, s31;
	s1 =	sadd.s32 s1, s30  }
0xbb: {  	s0 =	sor.u32 s3, s0;
	s1 =	sshll.u32 s1, $0x11  }
0xbc: {  	s0 =	sor.u32 s1, s0  }
0xbd: {  	s0 =	sadd.s32 $0x8F2B, s0  }
0xbe: {  	[sflag:s0] =	ssyncadd.remote.s32 $0x1  }
0xbf: {  	_ =	sfence.sel $0xFFFF  }
0xc0: {  	[dreg:$0x0] =	wrdreg $0xFFFFFFFF;
	(pc) =	sbr.abs _section_cstart, $3  }
0xc1: {  	[dreg:$0x1] =	wrdreg $0xFFFFFFFF  }
0xc2: {  	_ =	task.clear_ibuf [dreg:s7], $0x2FFFF;
	_ =	strace $0x9FFFFFFF  }
0xc3: {  	(tm) =	ssettm $0x7FFFFFFF  }
tec
execute0_lowered:
.L_overlay_start_1:
0x0: {  	(tag) =	ssettag $0x1  }
0x1: {  	s0 =	rddreg [dreg:$0x0]  }
0x2: {  	s1 =	rddreg [dreg:$0x1]  }
0x3: {  	s3 =	rddreg [dreg:$0x2];
	s23 =	simm.s32 $0x0;
	s2 =	srdreg.scid  }
0x4: {  	s9 =	stileid.u32;
	s26 =	simm.s32 $0x370;
	s28 =	simm.s32 $0x410  }
0x5: {  	s30 =	simm.s32 $0x4B0;
	s31 =	simm.s32 $0x9;
	s29 =	simm.s32 $0x7  }
0x6: {  	[smem:$0x7FF] =	sst s23;
	s2 =	sand.u32 $0x1, s2;
	s4 =	smul.u32 $0x14000, s9  }
0x7: {  	s5 =	sadd.s32 $0x53600, s0;
	s7 =	sadd.s32 $0x7A800, s0;
	s12 =	sshll.u32 s9, $0x6  }
0x8: {  	_ =	strace $0x8000004A;
	s6 =	smul.u32 $0x140000, s2;
	[dreg:$0xf] =	wrdreg s7  }
0x9: {  	s11 =	sshll.u32 s2, $0x4;
	s2 =	ssub.s32 $0x2, s2;
	[dreg:$0xb] =	wrdreg s26  }
0xa: {  	s14 =	sor.u32 $0x1C11, s12;
	[dreg:$0xc] =	wrdreg s28;
	s7 =	sor.u32 s9, s11  }
0xb: {  	[dreg:$0xd] =	wrdreg s30;
	s8 =	sshrl.u32 s2, $0x1;
	s10 =	smul.u32 $0x2710, s7  }
0xc: {  	s26 =	simm.s32 $0x1;
	[dreg:$0x10] =	wrdreg s14;
	s2 =	ssub.s32 s2, s8  }
0xd: {  	s12 =	simm.s32 $0xF;
	s25 =	smax.u32 s2, $0x1;
	[dreg:$0xe] =	wrdreg s10  }
0xe: {  	s11 =	simm.s32 $0xA;
	s13 =	sadd.s32 $0x1E0, s10;
	[dreg:$0x17] =	wrdreg s25  }
0xf: {  	s9 =	simm.s32 $0xB;
	s15 =	sadd.s32 $0x230, s10;
	[dreg:$0x4] =	wrdreg s13  }
0x10: {  	s6 =	sadd.s32 s4, s6;
	s16 =	sadd.s32 $0x280, s10;
	[dreg:$0x5] =	wrdreg s15  }
0x11: {  	s4 =	sadd.s32 s4, s3;
	s18 =	sadd.s32 $0x2D0, s10;
	[dreg:$0x6] =	wrdreg s16  }
0x12: {  	s8 =	simm.s32 $0xE;
	s20 =	sadd.s32 $0x320, s10;
	[dreg:$0x7] =	wrdreg s18  }
0x13: {  	s6 =	sshrl.u32 s6, $0x3;
	s22 =	sadd.s32 $0x370, s10;
	[dreg:$0x8] =	wrdreg s20  }
0x14: {  	s7 =	sshrl.u32 s10, $0x3;
	s24 =	sadd.s32 $0x3C0, s10;
	[dreg:$0x9] =	wrdreg s22  }
0x15: {  	s0 =	sadd.s32 s6, s0;
	s7 =	sadd.s32 s1, s7;
	[dreg:$0xa] =	wrdreg s24  }
0x16: {  	s6 =	simm.s32 $0x2;
	s0 =	sadd.s32 $0x7D000, s0;
	[dreg:$0x11] =	wrdreg s7  }
0x17: {  	s22 =	simm.s32 $0x11;
	s17 =	sadd.s32 $0xA, s7;
	[dreg:$0x16] =	wrdreg s0  }
0x18: {  	s18 =	simm.s32 $0x50;
	s19 =	sadd.s32 $0x14, s7;
	[dreg:$0x12] =	wrdreg s17  }
0x19: {  	s13 =	simm.s32 $0xD;
	s21 =	sadd.s32 $0x1E, s7;
	[dreg:$0x13] =	wrdreg s19  }
0x1a: {  	s20 =	simm.s32 $0x460;
	s7 =	sadd.s32 $0x28, s7;
	[dreg:$0x14] =	wrdreg s21  }
0x1b: {  	s15 =	simm.s32 $0x0;
	s0 =	simm.s32 $0xC;
	[dreg:$0x15] =	wrdreg s7  }
0x1c: {  	s21 =	sshrl.u32 s4, $0x3;
	s19 =	simm.s32 $0x4E200;
	s17 =	simm.s32 $0x320  }
0x1d: {  	s4 =	simm.s32 $0x3C0;
	s7 =	simm.s32 $0x6;
	[dreg:$0x18] =	wrdreg s21  }
.LBB2_1:
0x1e: {  	[dreg:$0x19] =	wrdreg s15  }
0x1f: {  	s2 =	rddreg [dreg:$0xf]  }
0x20: {  	[spmem:s21], [sflag:s14] =	dma.local [hbm:s2], $0x2800  }
0x21: {  	_ =	swait.ge [sflag:s22], $0x2800  }
0x22: {  	[sflag:s22] =	ssyncset.done $0x0  }
0x23: {  	[sflag:s22] =	ssyncadd.s32 $0xFFFFD800  }
0x24: {  	[bflag:$0x0] =	sbarrier.arrive $0xFFFF  }
0x25: {  	s14 =	rddreg [dreg:$0x11]  }
0x26: {  	[tilespmem:s23], [sflag:$0x1] =	stream.strided.gather [hbm4b:s14+s18], $0xA0, s19, s18, $0x38;
	[tilespmem:$0x1E500] =	vst v63  }
0x27: {  	s16 =	simm.s32 $0xA0;
	s15 =	rddreg [dreg:$0x12]  }
0x28: {  	[tilespmem:s16], [sflag:$0x2] =	stream.strided.gather [hbm4b:s15+s18], $0xA0, s19, s18, $0x38;
	[tilespmem:$0x1E500] =	vst v63  }
0x29: {  	s24 =	simm.s32 $0x140;
	s21 =	rddreg [dreg:$0x13]  }
0x2a: {  	[tilespmem:s24], [sflag:$0x3] =	stream.strided.gather [hbm4b:s21+s18], $0xA0, s19, s18, $0x38;
	[tilespmem:$0x1E500] =	vst v63  }
0x2b: {  	s10 =	simm.s32 $0x1E0;
	s22 =	rddreg [dreg:$0x14]  }
0x2c: {  	[tilespmem:s10], [sflag:$0x4] =	stream.strided.gather [hbm4b:s22+s18], $0xA0, s19, s18, $0x38;
	[tilespmem:$0x1E500] =	vst v63  }
0x2d: {  	s28 =	simm.s32 $0x280;
	s25 =	rddreg [dreg:$0x15]  }
0x2e: {  	[tilespmem:s28], [sflag:$0x5] =	stream.strided.gather [hbm4b:s25+s18], $0xA0, s19, s18, $0x38;
	[tilespmem:$0x1E500] =	vst v63  }
0x2f: {  	_ =	swait.ge [sflag:s26], $0xA0  }
0x30: {  	[sflag:s26] =	ssyncset.done $0x0  }
0x31: {  	s25 =	simm.s32 $0x500;
	[sflag:s26] =	ssyncadd.s32 $0xFFFFFF60  }
0x32: {  	[tilespmem:s25], [sflag:$0x9] =	stream.indirect.gather [hbm4b:s5+s18], $0x80, s23, s18, $0xb8;
	[tilespmem:$0x1E500] =	vst v63  }
0x33: {  	_ =	swait.ge [sflag:s6], $0xA0  }
0x34: {  	[sflag:s6] =	ssyncset.done $0x0  }
0x35: {  	s2 =	simm.s32 $0x3;
	s28 =	simm.s32 $0x2D00;
	[sflag:s6] =	ssyncadd.s32 $0xFFFFFF60  }
0x36: {  	[tilespmem:s28], [sflag:$0xA] =	stream.indirect.gather [hbm4b:s5+s18], $0x80, s16, s18, $0xb8;
	[tilespmem:$0x1E500] =	vst v63  }
0x37: {  	_ =	swait.ge [sflag:s2], $0xA0  }
0x38: {  	[sflag:s2] =	ssyncset.done $0x0  }
0x39: {  	s10 =	simm.s32 $0x5500;
	[sflag:s2] =	ssyncadd.s32 $0xFFFFFF60  }
0x3a: {  	[tilespmem:s10], [sflag:$0xB] =	stream.indirect.gather [hbm4b:s5+s18], $0x80, s24, s18, $0xb8;
	[tilespmem:$0x1E500] =	vst v63  }
0x3b: {  	_ =	swait.ge [sflag:s31], $0x2800  }
0x3c: {  	p0 =	por $0x1, $0x1;
	[sflag:s31] =	ssyncset.done $0x0  }
0x3d: {  	s22 =	simm.s32 @!p0 $0x10;
	[sflag:s31] =	ssyncadd.s32 $0xFFFFD800  }
0x3e: {  	[spmem:s3] =	stream.indirect.scatter.add.f32 [tilespmem:s25], [sflag:$0xD], $0x80, s18, s18, $0xb8;
	[tilespmem:$0x1E500] =	vst v63  }
0x3f: {  	s21 =	simm.s32 @!p0 $0x190;
	_ =	swait.ge @!p0 [sflag:s22], $0x2800  }
0x40: {  	s21 =	simm.s32 @p0 $0x190;
	s30 =	rddreg [dreg:$0xe]  }
0x41: {  	s21 =	sadd.s32 s30, s21  }
0x42: {  	[sflag:s22] =	ssyncset.done @!p0 $0x0;
	s21 =	sshrl.u32 s21, $0x3  }
0x43: {  	[sflag:s22] =	ssyncadd.s32 @!p0 $0xFFFFD800;
	s30 =	simm.s32 $0x4;
	s21 =	sadd.s32 s1, s21  }
0x44: {  	[tilespmem:s17], [sflag:$0x6] =	stream.strided.gather [hbm4b:s21+s18], $0xA0, s19, s18, $0x38;
	[tilespmem:$0x1E500] =	vst v63  }
0x45: {  	_ =	swait.ge [sflag:s30], $0xA0  }
0x46: {  	[sflag:s30] =	ssyncset.done $0x0  }
0x47: {  	s14 =	simm.s32 $0x1E0;
	[sflag:s30] =	ssyncadd.s32 $0xFFFFFF60;
	s30 =	simm.s32 $0x7D00  }
0x48: {  	[tilespmem:s30], [sflag:$0xC] =	stream.indirect.gather [hbm4b:s5+s18], $0x80, s14, s18, $0xb8;
	[tilespmem:$0x1E500] =	vst v63  }
0x49: {  	_ =	swait.ge [sflag:s11], $0x2800  }
0x4a: {  	[sflag:s11] =	ssyncset.done $0x0  }
0x4b: {  	s14 =	simm.s32 $0xF0;
	[sflag:s11] =	ssyncadd.s32 $0xFFFFD800  }
0x4c: {  	[spmem:s3] =	stream.indirect.scatter.add.f32 [tilespmem:s28], [sflag:$0xE], $0x80, s14, s18, $0xb8;
	[tilespmem:$0x1E500] =	vst v63  }
0x4d: {  	s21 =	simm.s32 $0x0;
	_ =	swait.ge [sflag:s13], $0x2800  }
0x4e: {  	s21 =	simm.s32 @p0 $0x0;
	s15 =	rddreg [dreg:$0x4]  }
0x4f: {  	s22 =	sadd.s32 s21, s15  }
0x50: {  	[sflag:s13] =	ssyncset.done $0x0;
	s22 =	sshrl.u32 s22, $0x3  }
0x51: {  	s14 =	simm.s32 $0x5;
	[sflag:s13] =	ssyncadd.s32 $0xFFFFD800;
	s22 =	sadd.s32 s1, s22  }
0x52: {  	[tilespmem:s4], [sflag:$0x7] =	stream.strided.gather [hbm4b:s22+s18], $0xA0, s19, s18, $0x38;
	[tilespmem:$0x1E500] =	vst v63  }
0x53: {  	_ =	swait.ge [sflag:s14], $0xA0  }
0x54: {  	[sflag:s14] =	ssyncset.done $0x0  }
0x55: {  	s15 =	simm.s32 $0x280;
	[sflag:s14] =	ssyncadd.s32 $0xFFFFFF60  }
0x56: {  	[tilespmem:s25], [sflag:$0x9] =	stream.indirect.gather [hbm4b:s5+s18], $0x80, s15, s18, $0xb8;
	[tilespmem:$0x1E500] =	vst v63  }
0x57: {  	_ =	swait.ge [sflag:s9], $0x2800  }
0x58: {  	[sflag:s9] =	ssyncset.done $0x0  }
0x59: {  	s22 =	simm.s32 $0x190;
	[sflag:s9] =	ssyncadd.s32 $0xFFFFD800  }
0x5a: {  	[spmem:s3] =	stream.indirect.scatter.add.f32 [tilespmem:s10], [sflag:$0xF], $0x80, s22, s18, $0xb8;
	[tilespmem:$0x1E500] =	vst v63  }
0x5b: {  	_ =	swait.ge [sflag:s8], $0x2800  }
0x5c: {  	s15 =	rddreg [dreg:$0x5]  }
0x5d: {  	s22 =	sadd.s32 s21, s15  }
0x5e: {  	[sflag:s8] =	ssyncset.done $0x0;
	s22 =	sshrl.u32 s22, $0x3  }
0x5f: {  	[sflag:s8] =	ssyncadd.s32 $0xFFFFD800;
	s22 =	sadd.s32 s1, s22  }
0x60: {  	[tilespmem:s20], [sflag:$0x8] =	stream.strided.gather [hbm4b:s22+s18], $0xA0, s19, s18, $0x38;
	[tilespmem:$0x1E500] =	vst v63  }
0x61: {  	_ =	swait.ge [sflag:s7], $0xA0  }
0x62: {  	[sflag:s7] =	ssyncset.done $0x0  }
0x63: {  	[sflag:s7] =	ssyncadd.s32 $0xFFFFFF60  }
0x64: {  	[tilespmem:s28], [sflag:$0xA] =	stream.indirect.gather [hbm4b:s5+s18], $0x80, s17, s18, $0xb8;
	[tilespmem:$0x1E500] =	vst v63  }
0x65: {  	_ =	swait.ge [sflag:s0], $0x2800  }
0x66: {  	[sflag:s0] =	ssyncset.done $0x0  }
0x67: {  	s22 =	simm.s32 $0x230;
	[sflag:s0] =	ssyncadd.s32 $0xFFFFD800  }
0x68: {  	[spmem:s3] =	stream.indirect.scatter.add.f32 [tilespmem:s30], [sflag:$0x10], $0x80, s22, s18, $0xb8;
	[tilespmem:$0x1E500] =	vst v63  }
0x69: {  	_ =	swait.ge [sflag:s12], $0x2800  }
0x6a: {  	s7 =	rddreg [dreg:$0x6]  }
0x6b: {  	s22 =	sadd.s32 s21, s7  }
0x6c: {  	[sflag:s12] =	ssyncset.done $0x0;
	s22 =	sshrl.u32 s22, $0x3  }
0x6d: {  	[sflag:s12] =	ssyncadd.s32 $0xFFFFD800;
	s22 =	sadd.s32 s1, s22  }
0x6e: {  	[tilespmem:s23], [sflag:$0x1] =	stream.strided.gather [hbm4b:s22+s18], $0xA0, s19, s18, $0x38;
	[tilespmem:$0x1E500] =	vst v63  }
0x6f: {  	_ =	swait.ge [sflag:s29], $0xA0  }
0x70: {  	[sflag:s29] =	ssyncset.done $0x0  }
0x71: {  	[sflag:s29] =	ssyncadd.s32 $0xFFFFFF60  }
0x72: {  	[tilespmem:s10], [sflag:$0xB] =	stream.indirect.gather [hbm4b:s5+s18], $0x80, s4, s18, $0xb8;
	[tilespmem:$0x1E500] =	vst v63  }
0x73: {  	_ =	swait.ge [sflag:s31], $0x2800  }
0x74: {  	[sflag:s31] =	ssyncset.done $0x0  }
0x75: {  	s15 =	simm.s32 $0x2D0;
	s17 =	simm.s32 $0x10;
	[sflag:s31] =	ssyncadd.s32 $0xFFFFD800  }
0x76: {  	[spmem:s3] =	stream.indirect.scatter.add.f32 [tilespmem:s25], [sflag:$0xD], $0x80, s15, s18, $0xb8;
	[tilespmem:$0x1E500] =	vst v63  }
0x77: {  	_ =	swait.ge [sflag:s17], $0x2800  }
0x78: {  	s7 =	rddreg [dreg:$0x7]  }
0x79: {  	s22 =	sadd.s32 s21, s7  }
0x7a: {  	[sflag:s17] =	ssyncset.done $0x0;
	s22 =	sshrl.u32 s22, $0x3  }
0x7b: {  	s15 =	simm.s32 $0x8;
	[sflag:s17] =	ssyncadd.s32 $0xFFFFD800;
	s22 =	sadd.s32 s1, s22  }
0x7c: {  	[tilespmem:s16], [sflag:$0x2] =	stream.strided.gather [hbm4b:s22+s18], $0xA0, s19, s18, $0x38;
	[tilespmem:$0x1E500] =	vst v63  }
0x7d: {  	_ =	swait.ge [sflag:s15], $0xA0  }
0x7e: {  	[sflag:s15] =	ssyncset.done $0x0  }
0x7f: {  	[sflag:s15] =	ssyncadd.s32 $0xFFFFFF60  }
0x80: {  	[tilespmem:s30], [sflag:$0xC] =	stream.indirect.gather [hbm4b:s5+s18], $0x80, s20, s18, $0xb8;
	[tilespmem:$0x1E500] =	vst v63  }
0x81: {  	_ =	swait.ge [sflag:s11], $0x2800  }
0x82: {  	[sflag:s11] =	ssyncset.done $0x0  }
0x83: {  	s17 =	rddreg [dreg:$0xb];
	[sflag:s11] =	ssyncadd.s32 $0xFFFFD800  }
0x84: {  	[spmem:s3] =	stream.indirect.scatter.add.f32 [tilespmem:s28], [sflag:$0xE], $0x80, s17, s18, $0xb8;
	[tilespmem:$0x1E500] =	vst v63  }
0x85: {  	_ =	swait.ge [sflag:s13], $0x2800  }
0x86: {  	s20 =	rddreg [dreg:$0x8]  }
0x87: {  	s22 =	sadd.s32 s21, s20  }
0x88: {  	[sflag:s13] =	ssyncset.done $0x0;
	s22 =	sshrl.u32 s22, $0x3  }
0x89: {  	[sflag:s13] =	ssyncadd.s32 $0xFFFFD800;
	s22 =	sadd.s32 s1, s22  }
0x8a: {  	[tilespmem:s24], [sflag:$0x3] =	stream.strided.gather [hbm4b:s22+s18], $0xA0, s19, s18, $0x38;
	[tilespmem:$0x1E500] =	vst v63  }
0x8b: {  	_ =	swait.ge [sflag:s26], $0xA0  }
0x8c: {  	[sflag:s26] =	ssyncset.done $0x0  }
0x8d: {  	[sflag:s26] =	ssyncadd.s32 $0xFFFFFF60  }
0x8e: {  	[tilespmem:s25], [sflag:$0x9] =	stream.indirect.gather [hbm4b:s5+s18], $0x80, s23, s18, $0xb8;
	[tilespmem:$0x1E500] =	vst v63  }
0x8f: {  	_ =	swait.ge [sflag:s9], $0x2800  }
0x90: {  	[sflag:s9] =	ssyncset.done $0x0  }
0x91: {  	s24 =	rddreg [dreg:$0xc];
	[sflag:s9] =	ssyncadd.s32 $0xFFFFD800  }
0x92: {  	[spmem:s3] =	stream.indirect.scatter.add.f32 [tilespmem:s10], [sflag:$0xF], $0x80, s24, s18, $0xb8;
	[tilespmem:$0x1E500] =	vst v63  }
0x93: {  	_ =	swait.ge [sflag:s8], $0x2800  }
0x94: {  	s25 =	rddreg [dreg:$0x9]  }
0x95: {  	s22 =	sadd.s32 s21, s25  }
0x96: {  	[sflag:s8] =	ssyncset.done $0x0;
	s22 =	sshrl.u32 s22, $0x3  }
0x97: {  	s26 =	simm.s32 $0x1E0;
	[sflag:s8] =	ssyncadd.s32 $0xFFFFD800;
	s22 =	sadd.s32 s1, s22  }
0x98: {  	[tilespmem:s26], [sflag:$0x4] =	stream.strided.gather [hbm4b:s22+s18], $0xA0, s19, s18, $0x38;
	[tilespmem:$0x1E500] =	vst v63  }
0x99: {  	_ =	swait.ge [sflag:s6], $0xA0  }
0x9a: {  	[sflag:s6] =	ssyncset.done $0x0  }
0x9b: {  	[sflag:s6] =	ssyncadd.s32 $0xFFFFFF60  }
0x9c: {  	[tilespmem:s28], [sflag:$0xA] =	stream.indirect.gather [hbm4b:s5+s18], $0x80, s16, s18, $0xb8;
	[tilespmem:$0x1E500] =	vst v63  }
0x9d: {  	_ =	swait.ge [sflag:s0], $0x2800  }
0x9e: {  	[sflag:s0] =	ssyncset.done $0x0  }
0x9f: {  	s28 =	rddreg [dreg:$0xd];
	[sflag:s0] =	ssyncadd.s32 $0xFFFFD800  }
0xa0: {  	[spmem:s3] =	stream.indirect.scatter.add.f32 [tilespmem:s30], [sflag:$0x10], $0x80, s28, s18, $0xb8;
	[tilespmem:$0x1E500] =	vst v63  }
0xa1: {  	_ =	swait.ge [sflag:s12], $0x2800  }
0xa2: {  	s30 =	rddreg [dreg:$0xa]  }
0xa3: {  	s21 =	sadd.s32 s21, s30  }
0xa4: {  	s14 =	simm.s32 $0x280;
	[sflag:s12] =	ssyncset.done $0x0;
	s21 =	sshrl.u32 s21, $0x3  }
0xa5: {  	s29 =	simm.s32 $0x1;
	[sflag:s12] =	ssyncadd.s32 $0xFFFFD800;
	s21 =	sadd.s32 s1, s21  }
0xa6: {  	[tilespmem:s14], [sflag:$0x5] =	stream.strided.gather [hbm4b:s21+s18], $0xA0, s19, s18, $0x38;
	[tilespmem:$0x1E500] =	vst v63  }
0xa7: {  	s7 =	simm.s32 $0x6;
	s17 =	simm.s32 $0x7;
	_ =	swait.ge [sflag:s2], $0xA0  }
0xa8: {  	s6 =	simm.s32 $0x2;
	s21 =	simm.s32 $0x280;
	[sflag:s2] =	ssyncset.done $0x0  }
.LBB2_2:
0xa9: {  	s15 =	simm.s32 $0x3  }
0xaa: {  	s16 =	simm.s32 $0x140;
	s10 =	simm.s32 $0x5500;
	[sflag:s15] =	ssyncadd.s32 $0xFFFFFF60  }
0xab: {  	[tilespmem:s10], [sflag:$0xB] =	stream.indirect.gather [hbm4b:s5+s18], $0x80, s16, s18, $0xb8;
	[tilespmem:$0x1E500] =	vst v63  }
0xac: {  	s22 =	smov.u32 s21;
	_ =	swait.ge [sflag:s31], $0x2800  }
0xad: {  	p1 =	seq.s32 s22, $0x0;
	[sflag:s31] =	ssyncset.done $0x0  }
0xae: {  	s28 =	simm.s32 $0x500;
	s2 =	simm.s32 @!p1 $0x10;
	[sflag:s31] =	ssyncadd.s32 $0xFFFFD800  }
0xaf: {  	[spmem:s3] =	stream.indirect.scatter.add.f32 [tilespmem:s28], [sflag:$0xD], $0x80, s18, s18, $0xb8;
	[tilespmem:$0x1E500] =	vst v63  }
0xb0: {  	s23 =	sadd.s32 @!p1 $0x190, s22;
	_ =	swait.ge @!p1 [sflag:s2], $0x2800  }
0xb1: {  	s23 =	simm.s32 @p1 $0x190;
	s14 =	rddreg [dreg:$0xe]  }
0xb2: {  	s23 =	sadd.s32 s14, s23  }
0xb3: {  	s4 =	simm.s32 $0x4;
	[sflag:s2] =	ssyncset.done @!p1 $0x0;
	s23 =	sshrl.u32 s23, $0x3  }
0xb4: {  	[sflag:s2] =	ssyncadd.s32 @!p1 $0xFFFFD800;
	s14 =	simm.s32 $0x320;
	s30 =	sadd.s32 s1, s23  }
0xb5: {  	[tilespmem:s14], [sflag:$0x6] =	stream.strided.gather [hbm4b:s30+s18], $0xA0, s19, s18, $0x38;
	[tilespmem:$0x1E500] =	vst v63  }
0xb6: {  	_ =	swait.ge [sflag:s4], $0xA0  }
0xb7: {  	[sflag:s4] =	ssyncset.done $0x0  }
0xb8: {  	s24 =	simm.s32 $0x1E0;
	[sflag:s4] =	ssyncadd.s32 $0xFFFFFF60;
	s4 =	simm.s32 $0x7D00  }
0xb9: {  	[tilespmem:s4], [sflag:$0xC] =	stream.indirect.gather [hbm4b:s5+s18], $0x80, s24, s18, $0xb8;
	[tilespmem:$0x1E500] =	vst v63  }
0xba: {  	_ =	swait.ge [sflag:s11], $0x2800  }
0xbb: {  	[sflag:s11] =	ssyncset.done $0x0  }
0xbc: {  	s20 =	simm.s32 $0xF0;
	s30 =	simm.s32 $0x2D00;
	[sflag:s11] =	ssyncadd.s32 $0xFFFFD800  }
0xbd: {  	[spmem:s3] =	stream.indirect.scatter.add.f32 [tilespmem:s30], [sflag:$0xE], $0x80, s20, s18, $0xb8;
	[tilespmem:$0x1E500] =	vst v63  }
0xbe: {  	_ =	swait.ge [sflag:s13], $0x2800  }
0xbf: {  	s22 =	simm.s32 @p1 $0x0;
	s25 =	rddreg [dreg:$0x4]  }
0xc0: {  	s2 =	sadd.s32 s22, s25  }
0xc1: {  	s26 =	simm.s32 $0x5;
	[sflag:s13] =	ssyncset.done $0x0;
	s2 =	sshrl.u32 s2, $0x3  }
0xc2: {  	s20 =	simm.s32 $0x3C0;
	[sflag:s13] =	ssyncadd.s32 $0xFFFFD800;
	s2 =	sadd.s32 s1, s2  }
0xc3: {  	[tilespmem:s20], [sflag:$0x7] =	stream.strided.gather [hbm4b:s2+s18], $0xA0, s19, s18, $0x38;
	[tilespmem:$0x1E500] =	vst v63  }
0xc4: {  	_ =	swait.ge [sflag:s26], $0xA0  }
0xc5: {  	[sflag:s26] =	ssyncset.done $0x0  }
0xc6: {  	[sflag:s26] =	ssyncadd.s32 $0xFFFFFF60;
	s26 =	simm.s32 $0x280  }
0xc7: {  	[tilespmem:s28], [sflag:$0x9] =	stream.indirect.gather [hbm4b:s5+s18], $0x80, s26, s18, $0xb8;
	[tilespmem:$0x1E500] =	vst v63  }
0xc8: {  	_ =	swait.ge [sflag:s9], $0x2800  }
0xc9: {  	[sflag:s9] =	ssyncset.done $0x0  }
0xca: {  	s25 =	simm.s32 $0x190;
	[sflag:s9] =	ssyncadd.s32 $0xFFFFD800  }
0xcb: {  	[spmem:s3] =	stream.indirect.scatter.add.f32 [tilespmem:s10], [sflag:$0xF], $0x80, s25, s18, $0xb8;
	[tilespmem:$0x1E500] =	vst v63  }
0xcc: {  	_ =	swait.ge [sflag:s8], $0x2800  }
0xcd: {  	s25 =	rddreg [dreg:$0x5]  }
0xce: {  	s2 =	sadd.s32 s22, s25  }
0xcf: {  	[sflag:s8] =	ssyncset.done $0x0;
	s2 =	sshrl.u32 s2, $0x3  }
0xd0: {  	[sflag:s8] =	ssyncadd.s32 $0xFFFFD800;
	s25 =	simm.s32 $0x460;
	s2 =	sadd.s32 s1, s2  }
0xd1: {  	[tilespmem:s25], [sflag:$0x8] =	stream.strided.gather [hbm4b:s2+s18], $0xA0, s19, s18, $0x38;
	[tilespmem:$0x1E500] =	vst v63  }
0xd2: {  	_ =	swait.ge [sflag:s7], $0xA0  }
0xd3: {  	[sflag:s7] =	ssyncset.done $0x0  }
0xd4: {  	[sflag:s7] =	ssyncadd.s32 $0xFFFFFF60  }
0xd5: {  	[tilespmem:s30], [sflag:$0xA] =	stream.indirect.gather [hbm4b:s5+s18], $0x80, s14, s18, $0xb8;
	[tilespmem:$0x1E500] =	vst v63  }
0xd6: {  	_ =	swait.ge [sflag:s0], $0x2800  }
0xd7: {  	[sflag:s0] =	ssyncset.done $0x0  }
0xd8: {  	s14 =	simm.s32 $0x230;
	[sflag:s0] =	ssyncadd.s32 $0xFFFFD800  }
0xd9: {  	[spmem:s3] =	stream.indirect.scatter.add.f32 [tilespmem:s4], [sflag:$0x10], $0x80, s14, s18, $0xb8;
	[tilespmem:$0x1E500] =	vst v63  }
0xda: {  	_ =	swait.ge [sflag:s12], $0x2800  }
0xdb: {  	s14 =	rddreg [dreg:$0x6]  }
0xdc: {  	s2 =	sadd.s32 s22, s14  }
0xdd: {  	[sflag:s12] =	ssyncset.done $0x0;
	s2 =	sshrl.u32 s2, $0x3  }
0xde: {  	s23 =	simm.s32 $0x0;
	[sflag:s12] =	ssyncadd.s32 $0xFFFFD800;
	s2 =	sadd.s32 s1, s2  }
0xdf: {  	[tilespmem:s23], [sflag:$0x1] =	stream.strided.gather [hbm4b:s2+s18], $0xA0, s19, s18, $0x38;
	[tilespmem:$0x1E500] =	vst v63  }
0xe0: {  	_ =	swait.ge [sflag:s17], $0xA0  }
0xe1: {  	[sflag:s17] =	ssyncset.done $0x0  }
0xe2: {  	[sflag:s17] =	ssyncadd.s32 $0xFFFFFF60  }
0xe3: {  	[tilespmem:s10], [sflag:$0xB] =	stream.indirect.gather [hbm4b:s5+s18], $0x80, s20, s18, $0xb8;
	[tilespmem:$0x1E500] =	vst v63  }
0xe4: {  	_ =	swait.ge [sflag:s31], $0x2800  }
0xe5: {  	[sflag:s31] =	ssyncset.done $0x0  }
0xe6: {  	s14 =	simm.s32 $0x2D0;
	[sflag:s31] =	ssyncadd.s32 $0xFFFFD800  }
0xe7: {  	[spmem:s3] =	stream.indirect.scatter.add.f32 [tilespmem:s28], [sflag:$0xD], $0x80, s14, s18, $0xb8;
	[tilespmem:$0x1E500] =	vst v63  }
0xe8: {  	s14 =	simm.s32 $0x10  }
0xe9: {  	_ =	swait.ge [sflag:s14], $0x2800  }
0xea: {  	s20 =	rddreg [dreg:$0x7]  }
0xeb: {  	[sflag:s14] =	ssyncset.done $0x0;
	s2 =	sadd.s32 s22, s20  }
0xec: {  	[sflag:s14] =	ssyncadd.s32 $0xFFFFD800;
	s2 =	sshrl.u32 s2, $0x3  }
0xed: {  	s20 =	simm.s32 $0xA0;
	s14 =	simm.s32 $0x8;
	s2 =	sadd.s32 s1, s2  }
0xee: {  	[tilespmem:s20], [sflag:$0x2] =	stream.strided.gather [hbm4b:s2+s18], $0xA0, s19, s18, $0x38;
	[tilespmem:$0x1E500] =	vst v63  }
0xef: {  	_ =	swait.ge [sflag:s14], $0xA0  }
0xf0: {  	[sflag:s14] =	ssyncset.done $0x0  }
0xf1: {  	[sflag:s14] =	ssyncadd.s32 $0xFFFFFF60  }
0xf2: {  	[tilespmem:s4], [sflag:$0xC] =	stream.indirect.gather [hbm4b:s5+s18], $0x80, s25, s18, $0xb8;
	[tilespmem:$0x1E500] =	vst v63  }
0xf3: {  	_ =	swait.ge [sflag:s11], $0x2800  }
0xf4: {  	[sflag:s11] =	ssyncset.done $0x0  }
0xf5: {  	s25 =	rddreg [dreg:$0xb];
	[sflag:s11] =	ssyncadd.s32 $0xFFFFD800  }
0xf6: {  	[spmem:s3] =	stream.indirect.scatter.add.f32 [tilespmem:s30], [sflag:$0xE], $0x80, s25, s18, $0xb8;
	[tilespmem:$0x1E500] =	vst v63  }
0xf7: {  	_ =	swait.ge [sflag:s13], $0x2800  }
0xf8: {  	s14 =	rddreg [dreg:$0x8]  }
0xf9: {  	s2 =	sadd.s32 s22, s14  }
0xfa: {  	[sflag:s13] =	ssyncset.done $0x0;
	s2 =	sshrl.u32 s2, $0x3  }
0xfb: {  	[sflag:s13] =	ssyncadd.s32 $0xFFFFD800;
	s2 =	sadd.s32 s1, s2  }
0xfc: {  	[tilespmem:s16], [sflag:$0x3] =	stream.strided.gather [hbm4b:s2+s18], $0xA0, s19, s18, $0x38;
	[tilespmem:$0x1E500] =	vst v63  }
0xfd: {  	_ =	swait.ge [sflag:s29], $0xA0  }
0xfe: {  	[sflag:s29] =	ssyncset.done $0x0  }
0xff: {  	[sflag:s29] =	ssyncadd.s32 $0xFFFFFF60  }
0x100: {  	[tilespmem:s28], [sflag:$0x9] =	stream.indirect.gather [hbm4b:s5+s18], $0x80, s23, s18, $0xb8;
	[tilespmem:$0x1E500] =	vst v63  }
0x101: {  	_ =	swait.ge [sflag:s9], $0x2800  }
0x102: {  	[sflag:s9] =	ssyncset.done $0x0  }
0x103: {  	s16 =	rddreg [dreg:$0xc];
	[sflag:s9] =	ssyncadd.s32 $0xFFFFD800  }
0x104: {  	[spmem:s3] =	stream.indirect.scatter.add.f32 [tilespmem:s10], [sflag:$0xF], $0x80, s16, s18, $0xb8;
	[tilespmem:$0x1E500] =	vst v63  }
0x105: {  	_ =	swait.ge [sflag:s8], $0x2800  }
0x106: {  	s25 =	rddreg [dreg:$0x9]  }
0x107: {  	s2 =	sadd.s32 s22, s25  }
0x108: {  	[sflag:s8] =	ssyncset.done $0x0;
	s2 =	sshrl.u32 s2, $0x3  }
0x109: {  	[sflag:s8] =	ssyncadd.s32 $0xFFFFD800;
	s2 =	sadd.s32 s1, s2  }
0x10a: {  	[tilespmem:s24], [sflag:$0x4] =	stream.strided.gather [hbm4b:s2+s18], $0xA0, s19, s18, $0x38;
	[tilespmem:$0x1E500] =	vst v63  }
0x10b: {  	_ =	swait.ge [sflag:s6], $0xA0  }
0x10c: {  	[sflag:s6] =	ssyncset.done $0x0  }
0x10d: {  	[sflag:s6] =	ssyncadd.s32 $0xFFFFFF60  }
0x10e: {  	[tilespmem:s30], [sflag:$0xA] =	stream.indirect.gather [hbm4b:s5+s18], $0x80, s20, s18, $0xb8;
	[tilespmem:$0x1E500] =	vst v63  }
0x10f: {  	_ =	swait.ge [sflag:s0], $0x2800  }
0x110: {  	[sflag:s0] =	ssyncset.done $0x0  }
0x111: {  	s28 =	rddreg [dreg:$0xd];
	[sflag:s0] =	ssyncadd.s32 $0xFFFFD800  }
0x112: {  	[spmem:s3] =	stream.indirect.scatter.add.f32 [tilespmem:s4], [sflag:$0x10], $0x80, s28, s18, $0xb8;
	[tilespmem:$0x1E500] =	vst v63  }
0x113: {  	_ =	swait.ge [sflag:s12], $0x2800  }
0x114: {  	s21 =	sadd.s32 $0x280, s21;
	s30 =	rddreg [dreg:$0xa]  }
0x115: {  	p0 =	sne.s32 s21, $0x2580;
	s2 =	sadd.s32 s22, s30  }
.Ltmp0:
0x116: {  	[sflag:s12] =	ssyncset.done $0x0;
	s2 =	sshrl.u32 s2, $0x3;
	(pc) =	sbr.rel @p0 .LBB2_2-.Ltmp0, $4  }
0x117: {  	s14 =	simm.s32 $0x140;
	[sflag:s12] =	ssyncadd.s32 $0xFFFFD800;
	s2 =	sadd.s32 s1, s2  }
0x118: {  	[tilespmem:s26], [sflag:$0x5] =	stream.strided.gather [hbm4b:s2+s18], $0xA0, s19, s18, $0x38;
	[tilespmem:$0x1E500] =	vst v63  }
0x119: {  	s16 =	simm.s32 $0x1E0;
	s24 =	simm.s32 $0x2D00;
	_ =	swait.ge [sflag:s15], $0xA0  }
0x11a: {  	s22 =	simm.s32 $0x280;
	s2 =	simm.s32 $0x3;
	[sflag:s15] =	ssyncset.done $0x0  }
0x11b: {  	[sflag:s2] =	ssyncadd.s32 $0xFFFFFF60;
	s7 =	simm.s32 $0x5500  }
0x11c: {  	[tilespmem:s7], [sflag:$0xB] =	stream.indirect.gather [hbm4b:s5+s18], $0x80, s14, s18, $0xb8;
	[tilespmem:$0x1E500] =	vst v63  }
0x11d: {  	_ =	swait.ge [sflag:s31], $0x2800  }
0x11e: {  	[sflag:s31] =	ssyncset.done $0x0  }
0x11f: {  	s6 =	simm.s32 $0x500;
	s4 =	simm.s32 $0x10;
	[sflag:s31] =	ssyncadd.s32 $0xFFFFD800  }
0x120: {  	[spmem:s3] =	stream.indirect.scatter.add.f32 [tilespmem:s6], [sflag:$0xD], $0x80, s18, s18, $0xb8;
	[tilespmem:$0x1E500] =	vst v63  }
0x121: {  	_ =	swait.ge [sflag:s4], $0x2800  }
0x122: {  	[sflag:s4] =	ssyncset.done $0x0  }
0x123: {  	s17 =	simm.s32 $0x4;
	[sflag:s4] =	ssyncadd.s32 $0xFFFFD800  }
0x124: {  	_ =	swait.ge [sflag:s17], $0xA0  }
0x125: {  	[sflag:s17] =	ssyncset.done $0x0  }
0x126: {  	s10 =	simm.s32 $0x7D00;
	[sflag:s17] =	ssyncadd.s32 $0xFFFFFF60  }
0x127: {  	[tilespmem:s10], [sflag:$0xC] =	stream.indirect.gather [hbm4b:s5+s18], $0x80, s16, s18, $0xb8;
	[tilespmem:$0x1E500] =	vst v63  }
0x128: {  	_ =	swait.ge [sflag:s11], $0x2800  }
0x129: {  	[sflag:s11] =	ssyncset.done $0x0  }
0x12a: {  	s20 =	simm.s32 $0xF0;
	[sflag:s11] =	ssyncadd.s32 $0xFFFFD800  }
0x12b: {  	[spmem:s3] =	stream.indirect.scatter.add.f32 [tilespmem:s24], [sflag:$0xE], $0x80, s20, s18, $0xb8;
	[tilespmem:$0x1E500] =	vst v63  }
0x12c: {  	_ =	swait.ge [sflag:s13], $0x2800  }
0x12d: {  	[sflag:s13] =	ssyncset.done $0x0  }
0x12e: {  	s21 =	simm.s32 $0x5;
	[sflag:s13] =	ssyncadd.s32 $0xFFFFD800  }
0x12f: {  	_ =	swait.ge [sflag:s21], $0xA0  }
0x130: {  	[sflag:s21] =	ssyncset.done $0x0  }
0x131: {  	[sflag:s21] =	ssyncadd.s32 $0xFFFFFF60  }
0x132: {  	[tilespmem:s6], [sflag:$0x9] =	stream.indirect.gather [hbm4b:s5+s18], $0x80, s22, s18, $0xb8;
	[tilespmem:$0x1E500] =	vst v63  }
0x133: {  	_ =	swait.ge [sflag:s9], $0x2800  }
0x134: {  	[sflag:s9] =	ssyncset.done $0x0  }
0x135: {  	s24 =	simm.s32 $0x190;
	[sflag:s9] =	ssyncadd.s32 $0xFFFFD800  }
0x136: {  	[spmem:s3] =	stream.indirect.scatter.add.f32 [tilespmem:s7], [sflag:$0xF], $0x80, s24, s18, $0xb8;
	[tilespmem:$0x1E500] =	vst v63  }
0x137: {  	_ =	swait.ge [sflag:s8], $0x2800  }
0x138: {  	[sflag:s8] =	ssyncset.done $0x0  }
0x139: {  	[sflag:s8] =	ssyncadd.s32 $0xFFFFD800  }
0x13a: {  	_ =	swait.ge [sflag:s0], $0x2800  }
0x13b: {  	[sflag:s0] =	ssyncset.done $0x0  }
0x13c: {  	s25 =	simm.s32 $0x230;
	[sflag:s0] =	ssyncadd.s32 $0xFFFFD800  }
0x13d: {  	[spmem:s3] =	stream.indirect.scatter.add.f32 [tilespmem:s10], [sflag:$0x10], $0x80, s25, s18, $0xb8;
	[tilespmem:$0x1E500] =	vst v63  }
0x13e: {  	_ =	swait.ge [sflag:s12], $0x2800  }
0x13f: {  	[sflag:s12] =	ssyncset.done $0x0  }
0x140: {  	[sflag:s12] =	ssyncadd.s32 $0xFFFFD800  }
0x141: {  	_ =	swait.ge [sflag:s31], $0x2800  }
0x142: {  	[sflag:s31] =	ssyncset.done $0x0  }
0x143: {  	s26 =	simm.s32 $0x2D0;
	[sflag:s31] =	ssyncadd.s32 $0xFFFFD800  }
0x144: {  	[spmem:s3] =	stream.indirect.scatter.add.f32 [tilespmem:s6], [sflag:$0xD], $0x80, s26, s18, $0xb8;
	[tilespmem:$0x1E500] =	vst v63  }
0x145: {  	_ =	swait.ge [sflag:s4], $0x2800  }
0x146: {  	[sflag:s4] =	ssyncset.done $0x0  }
0x147: {  	[sflag:s4] =	ssyncadd.s32 $0xFFFFD800  }
0x148: {  	_ =	swait.ge [sflag:s13], $0x2800  }
0x149: {  	[sflag:s13] =	ssyncset.done $0x0  }
0x14a: {  	[sflag:s13] =	ssyncadd.s32 $0xFFFFD800  }
0x14b: {  	[bflag:$0x0] =	sbarrier.arrive $0xFFFF  }
0x14c: {  	s14 =	rddreg [dreg:$0x10]  }
0x14d: {  	s28 =	rddreg [dreg:$0x16]  }
0x14e: {  	s22 =	simm.s32 $0x11;
	s21 =	rddreg [dreg:$0x18]  }
0x14f: {  	[hbm:s28], [sflag:s14] =	dma.local [spmem:s21], $0x2800  }
0x150: {  	_ =	swait.ge [sflag:s22], $0x2800  }
0x151: {  	s15 =	rddreg [dreg:$0x19]  }
0x152: {  	s30 =	rddreg [dreg:$0x17];
	s15 =	sadd.s32 $0x1, s15  }
0x153: {  	p0 =	sne.s32 s15, s30  }
.Ltmp1:
0x154: {  	_ = 	snop;
	(pc) =	sbr.rel @p0 .LBB2_1-.Ltmp1, $4  }
0x155: {  	_ = 	snop  }
0x156: {  	s29 =	simm.s32 $0x7;
	s17 =	simm.s32 $0x320;
	s20 =	simm.s32 $0x460  }
0x157: {  	s7 =	simm.s32 $0x6;
	s26 =	simm.s32 $0x1;
	[sflag:s22] =	ssyncset.done $0x0  }
0x158: {  	s6 =	simm.s32 $0x2;
	s4 =	simm.s32 $0x3C0;
	[sflag:s22] =	ssyncadd.s32 $0xFFFFD800  }
0x159: {  	_ =	sfence.sel $0x180000  }
0x15a: {  	[bflag:$0x0] =	sbarrier.arrive $0xFFFF  }
0x15b: {  	_ =	strace $0x9000004A  }
0x15c: {  	s0 =	stileid.u32;
	[bflag:$0x2] =	sbarrier.arrive $0xFFFF  }
0x15d: {  	p0 =	sne.s32 s0, $0x0;
	s0 =	rddreg [dreg:$0x3]  }
0x15e: {  	s0 =	sadd.s32 @!p0 $0x100000, s0  }
0x15f: {  	[sflag:s0] =	ssyncadd.tile.s32 @!p0 $0x1;
	_ =	shalt  }
.Lfunc_end2:
_tile_overlayer_lowered:
.L_overlay_start_2:
0x160: {  	(tag) =	ssettag $0x2  }
0x161: {  	s0 =	rddreg [dreg:$0x0];
	s2 =	stileid.u32  }
0x162: {  	s1 =	rddreg [dreg:$0x1];
	p0 =	sne.s32 s2, $0x0  }
0x163: {  	s3 =	rddreg [dreg:$0x2];
	[bflag:$0x3] =	sbarrier.arrive $0xFFFF;
	s2 =	simm.s32 @!p0 $0x1C11  }
0x164: {  	[timem:s3], [sflag:s2] =	dma.local @!p0 [hbm:s0], s1  }
0x165: {  	s0 =	simm.s32 @!p0 $0x11  }
0x166: {  	_ =	swait.ge @!p0 [sflag:s0], s1  }
0x167: {  	s1 =	ssub.s32 @!p0 $0x0, s1;
	[sflag:s0] =	ssyncset.done @!p0 $0x0  }
0x168: {  	[sflag:s0] =	ssyncadd.s32 @!p0 s1  }
0x169: {  	[bflag:$0x3] =	sbarrier.arrive $0xFFFF  }
0x16a: {  	_ =	shalt  }

// kernel: kernel.17.cloned.1.call-start
scs
__scs_entry_jumppad:
0x0: {  	(pc) =	sbr.rel $0x88, $3  }
0x1: {  	(tag) =	ssettag $0x0;
	lr =	simm.s32 $0x1  }
0x2: {  	[smem:$0x3F96] =	sst lr;
	_ =	strace $0xD0000000  }
0x3: {  	_ = 	snop  }
0x4: {  	_ = 	snop  }
0x5: {  	_ = 	snop  }
0x6: {  	_ = 	snop  }
0x7: {  	_ = 	snop  }
__scs_overlays_trampoline_lowered:
0x8: {  	[smem:$0x3FA5] =	sst s0  }
0x9: {  	[smem:$0x3FA6] =	sst s1  }
0xa: {  	[smem:$0x3FA7] =	sst s2  }
0xb: {  	[smem:$0x3FA8] =	sst s3  }
0xc: {  	[smem:$0x3FA9] =	sst s4  }
0xd: {  	[smem:$0x3FAA] =	sst s5  }
0xe: {  	[smem:$0x3FAB] =	sst s6  }
0xf: {  	[smem:$0x3FAC] =	sst s7  }
0x10: {  	[smem:$0x3FAD] =	sst s8  }
0x11: {  	[smem:$0x3FAE] =	sst s9;
	s0 =	simm.s32 @!p0 $0x0  }
0x12: {  	s1 =	sld [smem:$0x3F94];
	s0 =	simm.s32 @p0 $0x1  }
0x13: {  	[smem:$0x3FAF] =	sst s0;
	s0 =	simm.s32 @!p1 $0x0  }
0x14: {  	s2 =	sld [smem:$0x3F93];
	s0 =	simm.s32 @p1 $0x1  }
0x15: {  	[smem:$0x3FB0] =	sst s0;
	s0 =	simm.s32 @!p2 $0x0  }
0x16: {  	s3 =	sld [smem:$0x3FDB];
	s0 =	simm.s32 @p2 $0x1  }
0x17: {  	s4 =	simm.s32 $0x1BF5;
	[smem:$0x3FB2] =	sst s0  }
0x18: {  	s0 =	sld [smem:$0x3F95];
	_ =	swait.ge [sflag:s4], $0x0  }
0x19: {  	s7 =	sld [smem:$0x3F96]  }
0x1a: {  	s8 =	sadd.s32 $0xFFFFE003, lr  }
0x1b: {  	s9 =	sadd.s32 $0xFFFFFEF7, lr;
	s5 =	simm.s32 $0xFFFFFFFF;
	p2 =	slt.u32 s8, $0xFFFFF086  }
0x1c: {  	p1 =	slt.u32 s9, $0xF7A;
	s5 =	simm.s32 @!p2 $0x0  }
0x1d: {  	s5 =	simm.s32 @p1 $0x1;
	p0 =	seq.s32 s7, s2  }
0x1e: {  	s7 =	smul.u32 @!p0 $0xF7A, s2;
	p2 =	seq.s32 @!p0 s5, $0x0  }
0x1f: {  	s9 =	smul.u32 $0xF7A, s1;
	s8 =	simm.s32 @!p0 $0x1BF5;
	p2 =	por !p2, p0  }
0x20: {  	[sflag:s8] =	ssyncset.s32 @!p0 $0xFFFFF086;
	s6 =	sadd.s32 @!p0 s3, s7;
	s7 =	simm.s32 @!p0 $0x108  }
0x21: {  	s3 =	sadd.s32 s3, s9;
	s6 =	sadd.s32 @!p0 $0x88, s6;
	s7 =	simm.s32 @p2 $0x1082  }
0x22: {  	[simem:s7], [sflag:s8] =	dma.local @!p0 [hbm:s6], $0xF7A  }
0x23: {  	s9 =	sor.u32 $0xD0000000, s2;
	s6 =	simm.s32 $0x108;
	_ =	swait.ge @!p0 [sflag:s8], $0x0  }
0x24: {  	s3 =	sadd.s32 $0x88, s3;
	s6 =	simm.s32 @!p1 $0x1082;
	[sflag:s4] =	ssyncset.s32 $0xFFFFF086  }
0x25: {  	[simem:s6], [sflag:s4] =	dma.local [hbm:s3], $0xF7A  }
0x26: {  	[smem:$0x3F96] =	sst s1;
	(tag) =	ssettag s2;
	_ =	strace s9  }
0x27: {  	s1 =	sld [smem:$0x3FA6]  }
0x28: {  	s2 =	sld [smem:$0x3FA7]  }
0x29: {  	s4 =	sld [smem:$0x3FA9]  }
0x2a: {  	p0 =	seq.s32 s5, $0x0;
	s5 =	sld [smem:$0x3FAA]  }
0x2b: {  	s6 =	sld [smem:$0x3FAB]  }
0x2c: {  	s7 =	sld [smem:$0x3FAC]  }
0x2d: {  	s3 =	simm.s32 $0x108;
	s8 =	sld [smem:$0x3FAD]  }
0x2e: {  	s3 =	simm.s32 @!p0 $0x1082;
	s9 =	sld [smem:$0x3FAE]  }
0x2f: {  	lr =	sadd.s32 s0, s3;
	s0 =	sld [smem:$0x3FA5]  }
0x30: {  	s3 =	sld [smem:$0x3FA8]  }
0x31: {  	[smem:$0x3FB1] =	sst s10  }
0x32: {  	s10 =	sld [smem:$0x3FAF];
	_ =	sdelay $0x3  }
0x33: {  	p0 =	seq.s32 s10, $0x1;
	s10 =	sld [smem:$0x3FB1];
	_ =	sdelay $0x3  }
0x34: {  	[smem:$0x3FB1] =	sst s10  }
0x35: {  	s10 =	sld [smem:$0x3FB0];
	_ =	sdelay $0x3  }
0x36: {  	p1 =	seq.s32 s10, $0x1;
	s10 =	sld [smem:$0x3FB1];
	_ =	sdelay $0x3  }
0x37: {  	[smem:$0x3FB1] =	sst s10  }
0x38: {  	s10 =	sld [smem:$0x3FB2]  }
0x39: {  	_ = 	snop;
	(pc) =	sbr.ind lr, $3  }
0x3a: {  	_ = 	snop  }
0x3b: {  	_ = 	snop  }
0x3c: {  	p2 =	seq.s32 s10, $0x1;
	s10 =	sld [smem:$0x3FB1]  }
0x3d: {  	_ =	shalt  }
0x3e: {  	_ =	shalt  }
0x3f: {  	_ =	shalt  }
0x40: {  	_ =	shalt  }
0x41: {  	_ =	shalt  }
0x42: {  	_ =	shalt  }
0x43: {  	_ =	shalt  }
0x44: {  	_ =	shalt  }
0x45: {  	_ =	shalt  }
0x46: {  	_ =	shalt  }
0x47: {  	_ =	shalt  }
0x48: {  	_ =	shalt  }
0x49: {  	_ =	shalt  }
0x4a: {  	_ =	shalt  }
0x4b: {  	_ =	shalt  }
0x4c: {  	_ =	shalt  }
0x4d: {  	_ =	shalt  }
0x4e: {  	_ =	shalt  }
0x4f: {  	_ =	shalt  }
0x50: {  	_ =	shalt  }
0x51: {  	_ =	shalt  }
0x52: {  	_ =	shalt  }
0x53: {  	_ =	shalt  }
0x54: {  	_ =	shalt  }
0x55: {  	_ =	shalt  }
0x56: {  	_ =	shalt  }
0x57: {  	_ =	shalt  }
0x58: {  	_ =	shalt  }
0x59: {  	_ =	shalt  }
0x5a: {  	_ =	shalt  }
0x5b: {  	_ =	shalt  }
0x5c: {  	_ =	shalt  }
0x5d: {  	_ =	shalt  }
0x5e: {  	_ =	shalt  }
0x5f: {  	_ =	shalt  }
0x60: {  	_ =	shalt  }
0x61: {  	_ =	shalt  }
0x62: {  	_ =	shalt  }
0x63: {  	_ =	shalt  }
0x64: {  	_ =	shalt  }
0x65: {  	_ =	shalt  }
0x66: {  	_ =	shalt  }
0x67: {  	_ =	shalt  }
0x68: {  	_ =	shalt  }
0x69: {  	_ =	shalt  }
0x6a: {  	_ =	shalt  }
0x6b: {  	_ =	shalt  }
0x6c: {  	_ =	shalt  }
0x6d: {  	_ =	shalt  }
0x6e: {  	_ =	shalt  }
0x6f: {  	_ =	shalt  }
0x70: {  	_ =	shalt  }
0x71: {  	_ =	shalt  }
0x72: {  	_ =	shalt  }
0x73: {  	_ =	shalt  }
0x74: {  	_ =	shalt  }
0x75: {  	_ =	shalt  }
0x76: {  	_ =	shalt  }
0x77: {  	_ =	shalt  }
0x78: {  	_ =	shalt  }
0x79: {  	_ =	shalt  }
0x7a: {  	_ =	shalt  }
0x7b: {  	_ =	shalt  }
0x7c: {  	_ =	shalt  }
0x7d: {  	_ =	shalt  }
0x7e: {  	_ =	shalt  }
0x7f: {  	_ =	shalt  }
0x80: {  	_ =	shalt  }
0x81: {  	_ =	shalt  }
0x82: {  	_ =	shalt  }
0x83: {  	_ =	shalt  }
0x84: {  	_ =	shalt  }
0x85: {  	_ =	shalt  }
0x86: {  	_ =	shalt  }
0x87: {  	_ =	shalt  }
.Lfunc_end0:
.L_simem_size_0:
called_computation.2_lowered:
.L_overlay_start_0:
0x88: {  	s2 =	sld [smem:$0x3FD9]  }
0x89: {  	s3 =	sld [smem:$0x3FFE];
	_ =	sdelay $0x1  }
0x8a: {  	s1 =	srdreg.scid  }
0x8b: {  	s0 =	sand.u32 $0x1, s1  }
0x8c: {  	s17 =	sshll.u32 s0, $0xA;
	s2 =	sadd.s32 s3, s2  }
0x8d: {  	s2 =	sadd.s32 s2, s17  }
0x8e: {  	[smem:$0x3FBD] =	sst s2  }
0x8f: {  	_ = 	snop  }
0x90: {  	s2 =	sld [smem:$0x3FD0];
	(tm) =	ssettm $0x1  }
0x91: {  	s18 =	sld [smem:$0x3FFB];
	_ =	sdelay $0x3  }
0x92: {  	_ =	strace s18  }
0x93: {  	s3 =	sld [smem:$0x3FFC];
	_ =	sdelay $0x3  }
0x94: {  	_ =	strace s3  }
0x95: {  	s3 =	sld [smem:$0x3FFD];
	_ =	sdelay $0x3  }
0x96: {  	_ =	strace s3  }
0x97: {  	_ =	strace $0x8FFFFFFF  }
0x98: {  	s19 =	sld [smem:$0x3FDB];
	_ =	sdelay $0x1  }
0x99: {  	s4 =	simm.s32 $_scs_section_size  }
0x9a: {  	s5 =	simm.s32 $_size__tile_overlayer_lowered;
	s6 =	simm.s32 $_tile_overlayer_lowered  }
0x9b: {  	s22 =	simm.s32 $0x1BFF;
	s21 =	sshll.u32 s6, $0x1;
	s3 =	sadd.s32 s4, s19  }
0x9c: {  	s7 =	simm.s32 $0x0;
	s20 =	sshll.u32 s5, $0x1;
	s5 =	sadd.s32 s21, s3  }
0x9d: {  	[timem:s7], [sflag:s22] =	dma.local [hbm:s5], s20  }
0x9e: {  	_ =	swait.ge [sflag:s22], s20  }
0x9f: {  	s4 =	ssub.s32 $0x0, s20;
	[sflag:s22] =	ssyncset.done $0x0  }
0xa0: {  	[sflag:s22] =	ssyncadd.s32 s4;
	_ =	sdelay $0x1  }
0xa1: {  	s23 =	simm.s32 $0x1B8B  }
0xa2: {  	_ =	swait.ge [sflag:s23], $0x1  }
0xa3: {  	[sflag:s23] =	ssyncset.done $0x0  }
0xa4: {  	s25 =	simm.s32 $0x1B8E;
	s24 =	sld [smem:$0x3FFE];
	[sflag:s23] =	ssyncadd.s32 $0xFFFFFFFF  }
0xa5: {  	s26 =	simm.s32 $execute0_lowered;
	[smem:$0x3FD2] =	sst s25  }
0xa6: {  	s5 =	sshll.u32 s26, $0x1;
	_ =	strace $0x8000004C;
	[dreg:$0x1] =	wrdreg $0xFFFFFFFF  }
0xa7: {  	s28 =	simm.s32 $_size_execute0_lowered;
	s3 =	sadd.s32 s3, s5;
	[dreg:$0x0] =	wrdreg $0x0  }
0xa8: {  	s5 =	sshll.u32 s28, $0x1;
	[dreg:$0x2] =	wrdreg s3  }
0xa9: {  	[dreg:$0x3] =	wrdreg s5  }
0xaa: {  	[dreg:$0x4] =	wrdreg $0xC0  }
0xab: {  	_ =	task [dreg:s7], $0x5FFFF  }
0xac: {  	[dreg:$0x1] =	wrdreg $0xFFFFFFFF  }
0xad: {  	[dreg:$0x0] =	wrdreg $0x60  }
0xae: {  	[dreg:$0x2] =	wrdreg s24  }
0xaf: {  	[dreg:$0x3] =	wrdreg s2  }
0xb0: {  	[dreg:$0x4] =	wrdreg $0xA5000  }
0xb1: {  	[dreg:$0x5] =	wrdreg $0x9  }
0xb2: {  	_ =	task.clear_ibuf [dreg:s7], $0x6FFFF;
	_ =	strace $0x9000004C  }
0xb3: {  	s29 =	simm.s32 $0x9;
	_ =	strace $0x8000004E  }
0xb4: {  	_ =	swait.ge [sflag:s29], $0x1  }
0xb5: {  	[sflag:s29] =	ssyncadd.s32 $0xFFFFFFFF  }
0xb6: {  	_ =	strace $0x9000004E  }
0xb7: {  	_ =	sfence  }
0xb8: {  	s30 =	sld [smem:$0x0];
	_ =	sdelay $0x2  }
0xb9: {  	s31 =	sshll.u32 s1, $0xD;
	s1 =	sshrl.u32 s1, $0x2  }
0xba: {  	s3 =	sand.u32 $0x4000, s31;
	s1 =	sadd.s32 s1, s30  }
0xbb: {  	s0 =	sor.u32 s3, s0;
	s1 =	sshll.u32 s1, $0x11  }
0xbc: {  	s0 =	sor.u32 s1, s0  }
0xbd: {  	s0 =	sadd.s32 $0x8F2B, s0  }
0xbe: {  	[sflag:s0] =	ssyncadd.remote.s32 $0x1  }
0xbf: {  	_ =	sfence.sel $0xFFFF  }
0xc0: {  	[dreg:$0x0] =	wrdreg $0xFFFFFFFF;
	(pc) =	sbr.abs _section_cstart, $3  }
0xc1: {  	[dreg:$0x1] =	wrdreg $0xFFFFFFFF  }
0xc2: {  	_ =	task.clear_ibuf [dreg:s7], $0x2FFFF;
	_ =	strace $0x9FFFFFFF  }
0xc3: {  	(tm) =	ssettm $0x7FFFFFFF  }
tec
execute0_lowered:
.L_overlay_start_1:
0x0: {  	(tag) =	ssettag $0x1  }
0x1: {  	s0 =	rddreg [dreg:$0x0]  }
0x2: {  	s1 =	rddreg [dreg:$0x1]  }
0x3: {  	s3 =	rddreg [dreg:$0x2];
	s23 =	simm.s32 $0x0;
	s2 =	srdreg.scid  }
0x4: {  	s9 =	stileid.u32;
	s26 =	simm.s32 $0x370;
	s28 =	simm.s32 $0x410  }
0x5: {  	s30 =	simm.s32 $0x4B0;
	s31 =	simm.s32 $0x9;
	s29 =	simm.s32 $0x7  }
0x6: {  	[smem:$0x7FF] =	sst s23;
	s2 =	sand.u32 $0x1, s2;
	s4 =	smul.u32 $0x14000, s9  }
0x7: {  	s5 =	sadd.s32 $0x53600, s0;
	s7 =	sadd.s32 $0x7A800, s0;
	s12 =	sshll.u32 s9, $0x6  }
0x8: {  	_ =	strace $0x8000004D;
	s6 =	smul.u32 $0x140000, s2;
	[dreg:$0xf] =	wrdreg s7  }
0x9: {  	s11 =	sshll.u32 s2, $0x4;
	s2 =	ssub.s32 $0x2, s2;
	[dreg:$0xb] =	wrdreg s26  }
0xa: {  	s14 =	sor.u32 $0x1C11, s12;
	[dreg:$0xc] =	wrdreg s28;
	s7 =	sor.u32 s9, s11  }
0xb: {  	[dreg:$0xd] =	wrdreg s30;
	s8 =	sshrl.u32 s2, $0x1;
	s10 =	smul.u32 $0x2710, s7  }
0xc: {  	s26 =	simm.s32 $0x1;
	[dreg:$0x10] =	wrdreg s14;
	s2 =	ssub.s32 s2, s8  }
0xd: {  	s12 =	simm.s32 $0xF;
	s25 =	smax.u32 s2, $0x1;
	[dreg:$0xe] =	wrdreg s10  }
0xe: {  	s11 =	simm.s32 $0xA;
	s13 =	sadd.s32 $0x1E0, s10;
	[dreg:$0x17] =	wrdreg s25  }
0xf: {  	s9 =	simm.s32 $0xB;
	s15 =	sadd.s32 $0x230, s10;
	[dreg:$0x4] =	wrdreg s13  }
0x10: {  	s6 =	sadd.s32 s4, s6;
	s16 =	sadd.s32 $0x280, s10;
	[dreg:$0x5] =	wrdreg s15  }
0x11: {  	s4 =	sadd.s32 s4, s3;
	s18 =	sadd.s32 $0x2D0, s10;
	[dreg:$0x6] =	wrdreg s16  }
0x12: {  	s8 =	simm.s32 $0xE;
	s20 =	sadd.s32 $0x320, s10;
	[dreg:$0x7] =	wrdreg s18  }
0x13: {  	s6 =	sshrl.u32 s6, $0x3;
	s22 =	sadd.s32 $0x370, s10;
	[dreg:$0x8] =	wrdreg s20  }
0x14: {  	s7 =	sshrl.u32 s10, $0x3;
	s24 =	sadd.s32 $0x3C0, s10;
	[dreg:$0x9] =	wrdreg s22  }
0x15: {  	s0 =	sadd.s32 s6, s0;
	s7 =	sadd.s32 s1, s7;
	[dreg:$0xa] =	wrdreg s24  }
0x16: {  	s6 =	simm.s32 $0x2;
	s0 =	sadd.s32 $0x7D000, s0;
	[dreg:$0x11] =	wrdreg s7  }
0x17: {  	s22 =	simm.s32 $0x11;
	s17 =	sadd.s32 $0xA, s7;
	[dreg:$0x16] =	wrdreg s0  }
0x18: {  	s18 =	simm.s32 $0x50;
	s19 =	sadd.s32 $0x14, s7;
	[dreg:$0x12] =	wrdreg s17  }
0x19: {  	s13 =	simm.s32 $0xD;
	s21 =	sadd.s32 $0x1E, s7;
	[dreg:$0x13] =	wrdreg s19  }
0x1a: {  	s20 =	simm.s32 $0x460;
	s7 =	sadd.s32 $0x28, s7;
	[dreg:$0x14] =	wrdreg s21  }
0x1b: {  	s15 =	simm.s32 $0x0;
	s0 =	simm.s32 $0xC;
	[dreg:$0x15] =	wrdreg s7  }
0x1c: {  	s21 =	sshrl.u32 s4, $0x3;
	s19 =	simm.s32 $0x4E200;
	s17 =	simm.s32 $0x320  }
0x1d: {  	s4 =	simm.s32 $0x3C0;
	s7 =	simm.s32 $0x6;
	[dreg:$0x18] =	wrdreg s21  }
.LBB2_1:
0x1e: {  	[dreg:$0x19] =	wrdreg s15  }
0x1f: {  	s2 =	rddreg [dreg:$0xf]  }
0x20: {  	[spmem:s21], [sflag:s14] =	dma.local [hbm:s2], $0x2800  }
0x21: {  	_ =	swait.ge [sflag:s22], $0x2800  }
0x22: {  	[sflag:s22] =	ssyncset.done $0x0  }
0x23: {  	[sflag:s22] =	ssyncadd.s32 $0xFFFFD800  }
0x24: {  	[bflag:$0x0] =	sbarrier.arrive $0xFFFF  }
0x25: {  	s14 =	rddreg [dreg:$0x11]  }
0x26: {  	[tilespmem:s23], [sflag:$0x1] =	stream.strided.gather [hbm4b:s14+s18], $0xA0, s19, s18, $0x38;
	[tilespmem:$0x1E500] =	vst v63  }
0x27: {  	s16 =	simm.s32 $0xA0;
	s15 =	rddreg [dreg:$0x12]  }
0x28: {  	[tilespmem:s16], [sflag:$0x2] =	stream.strided.gather [hbm4b:s15+s18], $0xA0, s19, s18, $0x38;
	[tilespmem:$0x1E500] =	vst v63  }
0x29: {  	s24 =	simm.s32 $0x140;
	s21 =	rddreg [dreg:$0x13]  }
0x2a: {  	[tilespmem:s24], [sflag:$0x3] =	stream.strided.gather [hbm4b:s21+s18], $0xA0, s19, s18, $0x38;
	[tilespmem:$0x1E500] =	vst v63  }
0x2b: {  	s10 =	simm.s32 $0x1E0;
	s22 =	rddreg [dreg:$0x14]  }
0x2c: {  	[tilespmem:s10], [sflag:$0x4] =	stream.strided.gather [hbm4b:s22+s18], $0xA0, s19, s18, $0x38;
	[tilespmem:$0x1E500] =	vst v63  }
0x2d: {  	s28 =	simm.s32 $0x280;
	s25 =	rddreg [dreg:$0x15]  }
0x2e: {  	[tilespmem:s28], [sflag:$0x5] =	stream.strided.gather [hbm4b:s25+s18], $0xA0, s19, s18, $0x38;
	[tilespmem:$0x1E500] =	vst v63  }
0x2f: {  	_ =	swait.ge [sflag:s26], $0xA0  }
0x30: {  	[sflag:s26] =	ssyncset.done $0x0  }
0x31: {  	s25 =	simm.s32 $0x500;
	[sflag:s26] =	ssyncadd.s32 $0xFFFFFF60  }
0x32: {  	[tilespmem:s25], [sflag:$0x9] =	stream.indirect.gather [hbm4b:s5+s18], $0x80, s23, s18, $0xb8;
	[tilespmem:$0x1E500] =	vst v63  }
0x33: {  	_ =	swait.ge [sflag:s6], $0xA0  }
0x34: {  	[sflag:s6] =	ssyncset.done $0x0  }
0x35: {  	s2 =	simm.s32 $0x3;
	s28 =	simm.s32 $0x2D00;
	[sflag:s6] =	ssyncadd.s32 $0xFFFFFF60  }
0x36: {  	[tilespmem:s28], [sflag:$0xA] =	stream.indirect.gather [hbm4b:s5+s18], $0x80, s16, s18, $0xb8;
	[tilespmem:$0x1E500] =	vst v63  }
0x37: {  	_ =	swait.ge [sflag:s2], $0xA0  }
0x38: {  	[sflag:s2] =	ssyncset.done $0x0  }
0x39: {  	s10 =	simm.s32 $0x5500;
	[sflag:s2] =	ssyncadd.s32 $0xFFFFFF60  }
0x3a: {  	[tilespmem:s10], [sflag:$0xB] =	stream.indirect.gather [hbm4b:s5+s18], $0x80, s24, s18, $0xb8;
	[tilespmem:$0x1E500] =	vst v63  }
0x3b: {  	_ =	swait.ge [sflag:s31], $0x2800  }
0x3c: {  	p0 =	por $0x1, $0x1;
	[sflag:s31] =	ssyncset.done $0x0  }
0x3d: {  	s22 =	simm.s32 @!p0 $0x10;
	[sflag:s31] =	ssyncadd.s32 $0xFFFFD800  }
0x3e: {  	[spmem:s3] =	stream.indirect.scatter.add.f32 [tilespmem:s25], [sflag:$0xD], $0x80, s18, s18, $0xb8;
	[tilespmem:$0x1E500] =	vst v63  }
0x3f: {  	s21 =	simm.s32 @!p0 $0x190;
	_ =	swait.ge @!p0 [sflag:s22], $0x2800  }
0x40: {  	s21 =	simm.s32 @p0 $0x190;
	s30 =	rddreg [dreg:$0xe]  }
0x41: {  	s21 =	sadd.s32 s30, s21  }
0x42: {  	[sflag:s22] =	ssyncset.done @!p0 $0x0;
	s21 =	sshrl.u32 s21, $0x3  }
0x43: {  	[sflag:s22] =	ssyncadd.s32 @!p0 $0xFFFFD800;
	s30 =	simm.s32 $0x4;
	s21 =	sadd.s32 s1, s21  }
0x44: {  	[tilespmem:s17], [sflag:$0x6] =	stream.strided.gather [hbm4b:s21+s18], $0xA0, s19, s18, $0x38;
	[tilespmem:$0x1E500] =	vst v63  }
0x45: {  	_ =	swait.ge [sflag:s30], $0xA0  }
0x46: {  	[sflag:s30] =	ssyncset.done $0x0  }
0x47: {  	s14 =	simm.s32 $0x1E0;
	[sflag:s30] =	ssyncadd.s32 $0xFFFFFF60;
	s30 =	simm.s32 $0x7D00  }
0x48: {  	[tilespmem:s30], [sflag:$0xC] =	stream.indirect.gather [hbm4b:s5+s18], $0x80, s14, s18, $0xb8;
	[tilespmem:$0x1E500] =	vst v63  }
0x49: {  	_ =	swait.ge [sflag:s11], $0x2800  }
0x4a: {  	[sflag:s11] =	ssyncset.done $0x0  }
0x4b: {  	s14 =	simm.s32 $0xF0;
	[sflag:s11] =	ssyncadd.s32 $0xFFFFD800  }
0x4c: {  	[spmem:s3] =	stream.indirect.scatter.add.f32 [tilespmem:s28], [sflag:$0xE], $0x80, s14, s18, $0xb8;
	[tilespmem:$0x1E500] =	vst v63  }
0x4d: {  	s21 =	simm.s32 $0x0;
	_ =	swait.ge [sflag:s13], $0x2800  }
0x4e: {  	s21 =	simm.s32 @p0 $0x0;
	s15 =	rddreg [dreg:$0x4]  }
0x4f: {  	s22 =	sadd.s32 s21, s15  }
0x50: {  	[sflag:s13] =	ssyncset.done $0x0;
	s22 =	sshrl.u32 s22, $0x3  }
0x51: {  	s14 =	simm.s32 $0x5;
	[sflag:s13] =	ssyncadd.s32 $0xFFFFD800;
	s22 =	sadd.s32 s1, s22  }
0x52: {  	[tilespmem:s4], [sflag:$0x7] =	stream.strided.gather [hbm4b:s22+s18], $0xA0, s19, s18, $0x38;
	[tilespmem:$0x1E500] =	vst v63  }
0x53: {  	_ =	swait.ge [sflag:s14], $0xA0  }
0x54: {  	[sflag:s14] =	ssyncset.done $0x0  }
0x55: {  	s15 =	simm.s32 $0x280;
	[sflag:s14] =	ssyncadd.s32 $0xFFFFFF60  }
0x56: {  	[tilespmem:s25], [sflag:$0x9] =	stream.indirect.gather [hbm4b:s5+s18], $0x80, s15, s18, $0xb8;
	[tilespmem:$0x1E500] =	vst v63  }
0x57: {  	_ =	swait.ge [sflag:s9], $0x2800  }
0x58: {  	[sflag:s9] =	ssyncset.done $0x0  }
0x59: {  	s22 =	simm.s32 $0x190;
	[sflag:s9] =	ssyncadd.s32 $0xFFFFD800  }
0x5a: {  	[spmem:s3] =	stream.indirect.scatter.add.f32 [tilespmem:s10], [sflag:$0xF], $0x80, s22, s18, $0xb8;
	[tilespmem:$0x1E500] =	vst v63  }
0x5b: {  	_ =	swait.ge [sflag:s8], $0x2800  }
0x5c: {  	s15 =	rddreg [dreg:$0x5]  }
0x5d: {  	s22 =	sadd.s32 s21, s15  }
0x5e: {  	[sflag:s8] =	ssyncset.done $0x0;
	s22 =	sshrl.u32 s22, $0x3  }
0x5f: {  	[sflag:s8] =	ssyncadd.s32 $0xFFFFD800;
	s22 =	sadd.s32 s1, s22  }
0x60: {  	[tilespmem:s20], [sflag:$0x8] =	stream.strided.gather [hbm4b:s22+s18], $0xA0, s19, s18, $0x38;
	[tilespmem:$0x1E500] =	vst v63  }
0x61: {  	_ =	swait.ge [sflag:s7], $0xA0  }
0x62: {  	[sflag:s7] =	ssyncset.done $0x0  }
0x63: {  	[sflag:s7] =	ssyncadd.s32 $0xFFFFFF60  }
0x64: {  	[tilespmem:s28], [sflag:$0xA] =	stream.indirect.gather [hbm4b:s5+s18], $0x80, s17, s18, $0xb8;
	[tilespmem:$0x1E500] =	vst v63  }
0x65: {  	_ =	swait.ge [sflag:s0], $0x2800  }
0x66: {  	[sflag:s0] =	ssyncset.done $0x0  }
0x67: {  	s22 =	simm.s32 $0x230;
	[sflag:s0] =	ssyncadd.s32 $0xFFFFD800  }
0x68: {  	[spmem:s3] =	stream.indirect.scatter.add.f32 [tilespmem:s30], [sflag:$0x10], $0x80, s22, s18, $0xb8;
	[tilespmem:$0x1E500] =	vst v63  }
0x69: {  	_ =	swait.ge [sflag:s12], $0x2800  }
0x6a: {  	s7 =	rddreg [dreg:$0x6]  }
0x6b: {  	s22 =	sadd.s32 s21, s7  }
0x6c: {  	[sflag:s12] =	ssyncset.done $0x0;
	s22 =	sshrl.u32 s22, $0x3  }
0x6d: {  	[sflag:s12] =	ssyncadd.s32 $0xFFFFD800;
	s22 =	sadd.s32 s1, s22  }
0x6e: {  	[tilespmem:s23], [sflag:$0x1] =	stream.strided.gather [hbm4b:s22+s18], $0xA0, s19, s18, $0x38;
	[tilespmem:$0x1E500] =	vst v63  }
0x6f: {  	_ =	swait.ge [sflag:s29], $0xA0  }
0x70: {  	[sflag:s29] =	ssyncset.done $0x0  }
0x71: {  	[sflag:s29] =	ssyncadd.s32 $0xFFFFFF60  }
0x72: {  	[tilespmem:s10], [sflag:$0xB] =	stream.indirect.gather [hbm4b:s5+s18], $0x80, s4, s18, $0xb8;
	[tilespmem:$0x1E500] =	vst v63  }
0x73: {  	_ =	swait.ge [sflag:s31], $0x2800  }
0x74: {  	[sflag:s31] =	ssyncset.done $0x0  }
0x75: {  	s15 =	simm.s32 $0x2D0;
	s17 =	simm.s32 $0x10;
	[sflag:s31] =	ssyncadd.s32 $0xFFFFD800  }
0x76: {  	[spmem:s3] =	stream.indirect.scatter.add.f32 [tilespmem:s25], [sflag:$0xD], $0x80, s15, s18, $0xb8;
	[tilespmem:$0x1E500] =	vst v63  }
0x77: {  	_ =	swait.ge [sflag:s17], $0x2800  }
0x78: {  	s7 =	rddreg [dreg:$0x7]  }
0x79: {  	s22 =	sadd.s32 s21, s7  }
0x7a: {  	[sflag:s17] =	ssyncset.done $0x0;
	s22 =	sshrl.u32 s22, $0x3  }
0x7b: {  	s15 =	simm.s32 $0x8;
	[sflag:s17] =	ssyncadd.s32 $0xFFFFD800;
	s22 =	sadd.s32 s1, s22  }
0x7c: {  	[tilespmem:s16], [sflag:$0x2] =	stream.strided.gather [hbm4b:s22+s18], $0xA0, s19, s18, $0x38;
	[tilespmem:$0x1E500] =	vst v63  }
0x7d: {  	_ =	swait.ge [sflag:s15], $0xA0  }
0x7e: {  	[sflag:s15] =	ssyncset.done $0x0  }
0x7f: {  	[sflag:s15] =	ssyncadd.s32 $0xFFFFFF60  }
0x80: {  	[tilespmem:s30], [sflag:$0xC] =	stream.indirect.gather [hbm4b:s5+s18], $0x80, s20, s18, $0xb8;
	[tilespmem:$0x1E500] =	vst v63  }
0x81: {  	_ =	swait.ge [sflag:s11], $0x2800  }
0x82: {  	[sflag:s11] =	ssyncset.done $0x0  }
0x83: {  	s17 =	rddreg [dreg:$0xb];
	[sflag:s11] =	ssyncadd.s32 $0xFFFFD800  }
0x84: {  	[spmem:s3] =	stream.indirect.scatter.add.f32 [tilespmem:s28], [sflag:$0xE], $0x80, s17, s18, $0xb8;
	[tilespmem:$0x1E500] =	vst v63  }
0x85: {  	_ =	swait.ge [sflag:s13], $0x2800  }
0x86: {  	s20 =	rddreg [dreg:$0x8]  }
0x87: {  	s22 =	sadd.s32 s21, s20  }
0x88: {  	[sflag:s13] =	ssyncset.done $0x0;
	s22 =	sshrl.u32 s22, $0x3  }
0x89: {  	[sflag:s13] =	ssyncadd.s32 $0xFFFFD800;
	s22 =	sadd.s32 s1, s22  }
0x8a: {  	[tilespmem:s24], [sflag:$0x3] =	stream.strided.gather [hbm4b:s22+s18], $0xA0, s19, s18, $0x38;
	[tilespmem:$0x1E500] =	vst v63  }
0x8b: {  	_ =	swait.ge [sflag:s26], $0xA0  }
0x8c: {  	[sflag:s26] =	ssyncset.done $0x0  }
0x8d: {  	[sflag:s26] =	ssyncadd.s32 $0xFFFFFF60  }
0x8e: {  	[tilespmem:s25], [sflag:$0x9] =	stream.indirect.gather [hbm4b:s5+s18], $0x80, s23, s18, $0xb8;
	[tilespmem:$0x1E500] =	vst v63  }
0x8f: {  	_ =	swait.ge [sflag:s9], $0x2800  }
0x90: {  	[sflag:s9] =	ssyncset.done $0x0  }
0x91: {  	s24 =	rddreg [dreg:$0xc];
	[sflag:s9] =	ssyncadd.s32 $0xFFFFD800  }
0x92: {  	[spmem:s3] =	stream.indirect.scatter.add.f32 [tilespmem:s10], [sflag:$0xF], $0x80, s24, s18, $0xb8;
	[tilespmem:$0x1E500] =	vst v63  }
0x93: {  	_ =	swait.ge [sflag:s8], $0x2800  }
0x94: {  	s25 =	rddreg [dreg:$0x9]  }
0x95: {  	s22 =	sadd.s32 s21, s25  }
0x96: {  	[sflag:s8] =	ssyncset.done $0x0;
	s22 =	sshrl.u32 s22, $0x3  }
0x97: {  	s26 =	simm.s32 $0x1E0;
	[sflag:s8] =	ssyncadd.s32 $0xFFFFD800;
	s22 =	sadd.s32 s1, s22  }
0x98: {  	[tilespmem:s26], [sflag:$0x4] =	stream.strided.gather [hbm4b:s22+s18], $0xA0, s19, s18, $0x38;
	[tilespmem:$0x1E500] =	vst v63  }
0x99: {  	_ =	swait.ge [sflag:s6], $0xA0  }
0x9a: {  	[sflag:s6] =	ssyncset.done $0x0  }
0x9b: {  	[sflag:s6] =	ssyncadd.s32 $0xFFFFFF60  }
0x9c: {  	[tilespmem:s28], [sflag:$0xA] =	stream.indirect.gather [hbm4b:s5+s18], $0x80, s16, s18, $0xb8;
	[tilespmem:$0x1E500] =	vst v63  }
0x9d: {  	_ =	swait.ge [sflag:s0], $0x2800  }
0x9e: {  	[sflag:s0] =	ssyncset.done $0x0  }
0x9f: {  	s28 =	rddreg [dreg:$0xd];
	[sflag:s0] =	ssyncadd.s32 $0xFFFFD800  }
0xa0: {  	[spmem:s3] =	stream.indirect.scatter.add.f32 [tilespmem:s30], [sflag:$0x10], $0x80, s28, s18, $0xb8;
	[tilespmem:$0x1E500] =	vst v63  }
0xa1: {  	_ =	swait.ge [sflag:s12], $0x2800  }
0xa2: {  	s30 =	rddreg [dreg:$0xa]  }
0xa3: {  	s21 =	sadd.s32 s21, s30  }
0xa4: {  	s14 =	simm.s32 $0x280;
	[sflag:s12] =	ssyncset.done $0x0;
	s21 =	sshrl.u32 s21, $0x3  }
0xa5: {  	s29 =	simm.s32 $0x1;
	[sflag:s12] =	ssyncadd.s32 $0xFFFFD800;
	s21 =	sadd.s32 s1, s21  }
0xa6: {  	[tilespmem:s14], [sflag:$0x5] =	stream.strided.gather [hbm4b:s21+s18], $0xA0, s19, s18, $0x38;
	[tilespmem:$0x1E500] =	vst v63  }
0xa7: {  	s7 =	simm.s32 $0x6;
	s17 =	simm.s32 $0x7;
	_ =	swait.ge [sflag:s2], $0xA0  }
0xa8: {  	s6 =	simm.s32 $0x2;
	s21 =	simm.s32 $0x280;
	[sflag:s2] =	ssyncset.done $0x0  }
.LBB2_2:
0xa9: {  	s15 =	simm.s32 $0x3  }
0xaa: {  	s16 =	simm.s32 $0x140;
	s10 =	simm.s32 $0x5500;
	[sflag:s15] =	ssyncadd.s32 $0xFFFFFF60  }
0xab: {  	[tilespmem:s10], [sflag:$0xB] =	stream.indirect.gather [hbm4b:s5+s18], $0x80, s16, s18, $0xb8;
	[tilespmem:$0x1E500] =	vst v63  }
0xac: {  	s22 =	smov.u32 s21;
	_ =	swait.ge [sflag:s31], $0x2800  }
0xad: {  	p1 =	seq.s32 s22, $0x0;
	[sflag:s31] =	ssyncset.done $0x0  }
0xae: {  	s28 =	simm.s32 $0x500;
	s2 =	simm.s32 @!p1 $0x10;
	[sflag:s31] =	ssyncadd.s32 $0xFFFFD800  }
0xaf: {  	[spmem:s3] =	stream.indirect.scatter.add.f32 [tilespmem:s28], [sflag:$0xD], $0x80, s18, s18, $0xb8;
	[tilespmem:$0x1E500] =	vst v63  }
0xb0: {  	s23 =	sadd.s32 @!p1 $0x190, s22;
	_ =	swait.ge @!p1 [sflag:s2], $0x2800  }
0xb1: {  	s23 =	simm.s32 @p1 $0x190;
	s14 =	rddreg [dreg:$0xe]  }
0xb2: {  	s23 =	sadd.s32 s14, s23  }
0xb3: {  	s4 =	simm.s32 $0x4;
	[sflag:s2] =	ssyncset.done @!p1 $0x0;
	s23 =	sshrl.u32 s23, $0x3  }
0xb4: {  	[sflag:s2] =	ssyncadd.s32 @!p1 $0xFFFFD800;
	s14 =	simm.s32 $0x320;
	s30 =	sadd.s32 s1, s23  }
0xb5: {  	[tilespmem:s14], [sflag:$0x6] =	stream.strided.gather [hbm4b:s30+s18], $0xA0, s19, s18, $0x38;
	[tilespmem:$0x1E500] =	vst v63  }
0xb6: {  	_ =	swait.ge [sflag:s4], $0xA0  }
0xb7: {  	[sflag:s4] =	ssyncset.done $0x0  }
0xb8: {  	s24 =	simm.s32 $0x1E0;
	[sflag:s4] =	ssyncadd.s32 $0xFFFFFF60;
	s4 =	simm.s32 $0x7D00  }
0xb9: {  	[tilespmem:s4], [sflag:$0xC] =	stream.indirect.gather [hbm4b:s5+s18], $0x80, s24, s18, $0xb8;
	[tilespmem:$0x1E500] =	vst v63  }
0xba: {  	_ =	swait.ge [sflag:s11], $0x2800  }
0xbb: {  	[sflag:s11] =	ssyncset.done $0x0  }
0xbc: {  	s20 =	simm.s32 $0xF0;
	s30 =	simm.s32 $0x2D00;
	[sflag:s11] =	ssyncadd.s32 $0xFFFFD800  }
0xbd: {  	[spmem:s3] =	stream.indirect.scatter.add.f32 [tilespmem:s30], [sflag:$0xE], $0x80, s20, s18, $0xb8;
	[tilespmem:$0x1E500] =	vst v63  }
0xbe: {  	_ =	swait.ge [sflag:s13], $0x2800  }
0xbf: {  	s22 =	simm.s32 @p1 $0x0;
	s25 =	rddreg [dreg:$0x4]  }
0xc0: {  	s2 =	sadd.s32 s22, s25  }
0xc1: {  	s26 =	simm.s32 $0x5;
	[sflag:s13] =	ssyncset.done $0x0;
	s2 =	sshrl.u32 s2, $0x3  }
0xc2: {  	s20 =	simm.s32 $0x3C0;
	[sflag:s13] =	ssyncadd.s32 $0xFFFFD800;
	s2 =	sadd.s32 s1, s2  }
0xc3: {  	[tilespmem:s20], [sflag:$0x7] =	stream.strided.gather [hbm4b:s2+s18], $0xA0, s19, s18, $0x38;
	[tilespmem:$0x1E500] =	vst v63  }
0xc4: {  	_ =	swait.ge [sflag:s26], $0xA0  }
0xc5: {  	[sflag:s26] =	ssyncset.done $0x0  }
0xc6: {  	[sflag:s26] =	ssyncadd.s32 $0xFFFFFF60;
	s26 =	simm.s32 $0x280  }
0xc7: {  	[tilespmem:s28], [sflag:$0x9] =	stream.indirect.gather [hbm4b:s5+s18], $0x80, s26, s18, $0xb8;
	[tilespmem:$0x1E500] =	vst v63  }
0xc8: {  	_ =	swait.ge [sflag:s9], $0x2800  }
0xc9: {  	[sflag:s9] =	ssyncset.done $0x0  }
0xca: {  	s25 =	simm.s32 $0x190;
	[sflag:s9] =	ssyncadd.s32 $0xFFFFD800  }
0xcb: {  	[spmem:s3] =	stream.indirect.scatter.add.f32 [tilespmem:s10], [sflag:$0xF], $0x80, s25, s18, $0xb8;
	[tilespmem:$0x1E500] =	vst v63  }
0xcc: {  	_ =	swait.ge [sflag:s8], $0x2800  }
0xcd: {  	s25 =	rddreg [dreg:$0x5]  }
0xce: {  	s2 =	sadd.s32 s22, s25  }
0xcf: {  	[sflag:s8] =	ssyncset.done $0x0;
	s2 =	sshrl.u32 s2, $0x3  }
0xd0: {  	[sflag:s8] =	ssyncadd.s32 $0xFFFFD800;
	s25 =	simm.s32 $0x460;
	s2 =	sadd.s32 s1, s2  }
0xd1: {  	[tilespmem:s25], [sflag:$0x8] =	stream.strided.gather [hbm4b:s2+s18], $0xA0, s19, s18, $0x38;
	[tilespmem:$0x1E500] =	vst v63  }
0xd2: {  	_ =	swait.ge [sflag:s7], $0xA0  }
0xd3: {  	[sflag:s7] =	ssyncset.done $0x0  }
0xd4: {  	[sflag:s7] =	ssyncadd.s32 $0xFFFFFF60  }
0xd5: {  	[tilespmem:s30], [sflag:$0xA] =	stream.indirect.gather [hbm4b:s5+s18], $0x80, s14, s18, $0xb8;
	[tilespmem:$0x1E500] =	vst v63  }
0xd6: {  	_ =	swait.ge [sflag:s0], $0x2800  }
0xd7: {  	[sflag:s0] =	ssyncset.done $0x0  }
0xd8: {  	s14 =	simm.s32 $0x230;
	[sflag:s0] =	ssyncadd.s32 $0xFFFFD800  }
0xd9: {  	[spmem:s3] =	stream.indirect.scatter.add.f32 [tilespmem:s4], [sflag:$0x10], $0x80, s14, s18, $0xb8;
	[tilespmem:$0x1E500] =	vst v63  }
0xda: {  	_ =	swait.ge [sflag:s12], $0x2800  }
0xdb: {  	s14 =	rddreg [dreg:$0x6]  }
0xdc: {  	s2 =	sadd.s32 s22, s14  }
0xdd: {  	[sflag:s12] =	ssyncset.done $0x0;
	s2 =	sshrl.u32 s2, $0x3  }
0xde: {  	s23 =	simm.s32 $0x0;
	[sflag:s12] =	ssyncadd.s32 $0xFFFFD800;
	s2 =	sadd.s32 s1, s2  }
0xdf: {  	[tilespmem:s23], [sflag:$0x1] =	stream.strided.gather [hbm4b:s2+s18], $0xA0, s19, s18, $0x38;
	[tilespmem:$0x1E500] =	vst v63  }
0xe0: {  	_ =	swait.ge [sflag:s17], $0xA0  }
0xe1: {  	[sflag:s17] =	ssyncset.done $0x0  }
0xe2: {  	[sflag:s17] =	ssyncadd.s32 $0xFFFFFF60  }
0xe3: {  	[tilespmem:s10], [sflag:$0xB] =	stream.indirect.gather [hbm4b:s5+s18], $0x80, s20, s18, $0xb8;
	[tilespmem:$0x1E500] =	vst v63  }
0xe4: {  	_ =	swait.ge [sflag:s31], $0x2800  }
0xe5: {  	[sflag:s31] =	ssyncset.done $0x0  }
0xe6: {  	s14 =	simm.s32 $0x2D0;
	[sflag:s31] =	ssyncadd.s32 $0xFFFFD800  }
0xe7: {  	[spmem:s3] =	stream.indirect.scatter.add.f32 [tilespmem:s28], [sflag:$0xD], $0x80, s14, s18, $0xb8;
	[tilespmem:$0x1E500] =	vst v63  }
0xe8: {  	s14 =	simm.s32 $0x10  }
0xe9: {  	_ =	swait.ge [sflag:s14], $0x2800  }
0xea: {  	s20 =	rddreg [dreg:$0x7]  }
0xeb: {  	[sflag:s14] =	ssyncset.done $0x0;
	s2 =	sadd.s32 s22, s20  }
0xec: {  	[sflag:s14] =	ssyncadd.s32 $0xFFFFD800;
	s2 =	sshrl.u32 s2, $0x3  }
0xed: {  	s20 =	simm.s32 $0xA0;
	s14 =	simm.s32 $0x8;
	s2 =	sadd.s32 s1, s2  }
0xee: {  	[tilespmem:s20], [sflag:$0x2] =	stream.strided.gather [hbm4b:s2+s18], $0xA0, s19, s18, $0x38;
	[tilespmem:$0x1E500] =	vst v63  }
0xef: {  	_ =	swait.ge [sflag:s14], $0xA0  }
0xf0: {  	[sflag:s14] =	ssyncset.done $0x0  }
0xf1: {  	[sflag:s14] =	ssyncadd.s32 $0xFFFFFF60  }
0xf2: {  	[tilespmem:s4], [sflag:$0xC] =	stream.indirect.gather [hbm4b:s5+s18], $0x80, s25, s18, $0xb8;
	[tilespmem:$0x1E500] =	vst v63  }
0xf3: {  	_ =	swait.ge [sflag:s11], $0x2800  }
0xf4: {  	[sflag:s11] =	ssyncset.done $0x0  }
0xf5: {  	s25 =	rddreg [dreg:$0xb];
	[sflag:s11] =	ssyncadd.s32 $0xFFFFD800  }
0xf6: {  	[spmem:s3] =	stream.indirect.scatter.add.f32 [tilespmem:s30], [sflag:$0xE], $0x80, s25, s18, $0xb8;
	[tilespmem:$0x1E500] =	vst v63  }
0xf7: {  	_ =	swait.ge [sflag:s13], $0x2800  }
0xf8: {  	s14 =	rddreg [dreg:$0x8]  }
0xf9: {  	s2 =	sadd.s32 s22, s14  }
0xfa: {  	[sflag:s13] =	ssyncset.done $0x0;
	s2 =	sshrl.u32 s2, $0x3  }
0xfb: {  	[sflag:s13] =	ssyncadd.s32 $0xFFFFD800;
	s2 =	sadd.s32 s1, s2  }
0xfc: {  	[tilespmem:s16], [sflag:$0x3] =	stream.strided.gather [hbm4b:s2+s18], $0xA0, s19, s18, $0x38;
	[tilespmem:$0x1E500] =	vst v63  }
0xfd: {  	_ =	swait.ge [sflag:s29], $0xA0  }
0xfe: {  	[sflag:s29] =	ssyncset.done $0x0  }
0xff: {  	[sflag:s29] =	ssyncadd.s32 $0xFFFFFF60  }
0x100: {  	[tilespmem:s28], [sflag:$0x9] =	stream.indirect.gather [hbm4b:s5+s18], $0x80, s23, s18, $0xb8;
	[tilespmem:$0x1E500] =	vst v63  }
0x101: {  	_ =	swait.ge [sflag:s9], $0x2800  }
0x102: {  	[sflag:s9] =	ssyncset.done $0x0  }
0x103: {  	s16 =	rddreg [dreg:$0xc];
	[sflag:s9] =	ssyncadd.s32 $0xFFFFD800  }
0x104: {  	[spmem:s3] =	stream.indirect.scatter.add.f32 [tilespmem:s10], [sflag:$0xF], $0x80, s16, s18, $0xb8;
	[tilespmem:$0x1E500] =	vst v63  }
0x105: {  	_ =	swait.ge [sflag:s8], $0x2800  }
0x106: {  	s25 =	rddreg [dreg:$0x9]  }
0x107: {  	s2 =	sadd.s32 s22, s25  }
0x108: {  	[sflag:s8] =	ssyncset.done $0x0;
	s2 =	sshrl.u32 s2, $0x3  }
0x109: {  	[sflag:s8] =	ssyncadd.s32 $0xFFFFD800;
	s2 =	sadd.s32 s1, s2  }
0x10a: {  	[tilespmem:s24], [sflag:$0x4] =	stream.strided.gather [hbm4b:s2+s18], $0xA0, s19, s18, $0x38;
	[tilespmem:$0x1E500] =	vst v63  }
0x10b: {  	_ =	swait.ge [sflag:s6], $0xA0  }
0x10c: {  	[sflag:s6] =	ssyncset.done $0x0  }
0x10d: {  	[sflag:s6] =	ssyncadd.s32 $0xFFFFFF60  }
0x10e: {  	[tilespmem:s30], [sflag:$0xA] =	stream.indirect.gather [hbm4b:s5+s18], $0x80, s20, s18, $0xb8;
	[tilespmem:$0x1E500] =	vst v63  }
0x10f: {  	_ =	swait.ge [sflag:s0], $0x2800  }
0x110: {  	[sflag:s0] =	ssyncset.done $0x0  }
0x111: {  	s28 =	rddreg [dreg:$0xd];
	[sflag:s0] =	ssyncadd.s32 $0xFFFFD800  }
0x112: {  	[spmem:s3] =	stream.indirect.scatter.add.f32 [tilespmem:s4], [sflag:$0x10], $0x80, s28, s18, $0xb8;
	[tilespmem:$0x1E500] =	vst v63  }
0x113: {  	_ =	swait.ge [sflag:s12], $0x2800  }
0x114: {  	s21 =	sadd.s32 $0x280, s21;
	s30 =	rddreg [dreg:$0xa]  }
0x115: {  	p0 =	sne.s32 s21, $0x2580;
	s2 =	sadd.s32 s22, s30  }
.Ltmp0:
0x116: {  	[sflag:s12] =	ssyncset.done $0x0;
	s2 =	sshrl.u32 s2, $0x3;
	(pc) =	sbr.rel @p0 .LBB2_2-.Ltmp0, $4  }
0x117: {  	s14 =	simm.s32 $0x140;
	[sflag:s12] =	ssyncadd.s32 $0xFFFFD800;
	s2 =	sadd.s32 s1, s2  }
0x118: {  	[tilespmem:s26], [sflag:$0x5] =	stream.strided.gather [hbm4b:s2+s18], $0xA0, s19, s18, $0x38;
	[tilespmem:$0x1E500] =	vst v63  }
0x119: {  	s16 =	simm.s32 $0x1E0;
	s24 =	simm.s32 $0x2D00;
	_ =	swait.ge [sflag:s15], $0xA0  }
0x11a: {  	s22 =	simm.s32 $0x280;
	s2 =	simm.s32 $0x3;
	[sflag:s15] =	ssyncset.done $0x0  }
0x11b: {  	[sflag:s2] =	ssyncadd.s32 $0xFFFFFF60;
	s7 =	simm.s32 $0x5500  }
0x11c: {  	[tilespmem:s7], [sflag:$0xB] =	stream.indirect.gather [hbm4b:s5+s18], $0x80, s14, s18, $0xb8;
	[tilespmem:$0x1E500] =	vst v63  }
0x11d: {  	_ =	swait.ge [sflag:s31], $0x2800  }
0x11e: {  	[sflag:s31] =	ssyncset.done $0x0  }
0x11f: {  	s6 =	simm.s32 $0x500;
	s4 =	simm.s32 $0x10;
	[sflag:s31] =	ssyncadd.s32 $0xFFFFD800  }
0x120: {  	[spmem:s3] =	stream.indirect.scatter.add.f32 [tilespmem:s6], [sflag:$0xD], $0x80, s18, s18, $0xb8;
	[tilespmem:$0x1E500] =	vst v63  }
0x121: {  	_ =	swait.ge [sflag:s4], $0x2800  }
0x122: {  	[sflag:s4] =	ssyncset.done $0x0  }
0x123: {  	s17 =	simm.s32 $0x4;
	[sflag:s4] =	ssyncadd.s32 $0xFFFFD800  }
0x124: {  	_ =	swait.ge [sflag:s17], $0xA0  }
0x125: {  	[sflag:s17] =	ssyncset.done $0x0  }
0x126: {  	s10 =	simm.s32 $0x7D00;
	[sflag:s17] =	ssyncadd.s32 $0xFFFFFF60  }
0x127: {  	[tilespmem:s10], [sflag:$0xC] =	stream.indirect.gather [hbm4b:s5+s18], $0x80, s16, s18, $0xb8;
	[tilespmem:$0x1E500] =	vst v63  }
0x128: {  	_ =	swait.ge [sflag:s11], $0x2800  }
0x129: {  	[sflag:s11] =	ssyncset.done $0x0  }
0x12a: {  	s20 =	simm.s32 $0xF0;
	[sflag:s11] =	ssyncadd.s32 $0xFFFFD800  }
0x12b: {  	[spmem:s3] =	stream.indirect.scatter.add.f32 [tilespmem:s24], [sflag:$0xE], $0x80, s20, s18, $0xb8;
	[tilespmem:$0x1E500] =	vst v63  }
0x12c: {  	_ =	swait.ge [sflag:s13], $0x2800  }
0x12d: {  	[sflag:s13] =	ssyncset.done $0x0  }
0x12e: {  	s21 =	simm.s32 $0x5;
	[sflag:s13] =	ssyncadd.s32 $0xFFFFD800  }
0x12f: {  	_ =	swait.ge [sflag:s21], $0xA0  }
0x130: {  	[sflag:s21] =	ssyncset.done $0x0  }
0x131: {  	[sflag:s21] =	ssyncadd.s32 $0xFFFFFF60  }
0x132: {  	[tilespmem:s6], [sflag:$0x9] =	stream.indirect.gather [hbm4b:s5+s18], $0x80, s22, s18, $0xb8;
	[tilespmem:$0x1E500] =	vst v63  }
0x133: {  	_ =	swait.ge [sflag:s9], $0x2800  }
0x134: {  	[sflag:s9] =	ssyncset.done $0x0  }
0x135: {  	s24 =	simm.s32 $0x190;
	[sflag:s9] =	ssyncadd.s32 $0xFFFFD800  }
0x136: {  	[spmem:s3] =	stream.indirect.scatter.add.f32 [tilespmem:s7], [sflag:$0xF], $0x80, s24, s18, $0xb8;
	[tilespmem:$0x1E500] =	vst v63  }
0x137: {  	_ =	swait.ge [sflag:s8], $0x2800  }
0x138: {  	[sflag:s8] =	ssyncset.done $0x0  }
0x139: {  	[sflag:s8] =	ssyncadd.s32 $0xFFFFD800  }
0x13a: {  	_ =	swait.ge [sflag:s0], $0x2800  }
0x13b: {  	[sflag:s0] =	ssyncset.done $0x0  }
0x13c: {  	s25 =	simm.s32 $0x230;
	[sflag:s0] =	ssyncadd.s32 $0xFFFFD800  }
0x13d: {  	[spmem:s3] =	stream.indirect.scatter.add.f32 [tilespmem:s10], [sflag:$0x10], $0x80, s25, s18, $0xb8;
	[tilespmem:$0x1E500] =	vst v63  }
0x13e: {  	_ =	swait.ge [sflag:s12], $0x2800  }
0x13f: {  	[sflag:s12] =	ssyncset.done $0x0  }
0x140: {  	[sflag:s12] =	ssyncadd.s32 $0xFFFFD800  }
0x141: {  	_ =	swait.ge [sflag:s31], $0x2800  }
0x142: {  	[sflag:s31] =	ssyncset.done $0x0  }
0x143: {  	s26 =	simm.s32 $0x2D0;
	[sflag:s31] =	ssyncadd.s32 $0xFFFFD800  }
0x144: {  	[spmem:s3] =	stream.indirect.scatter.add.f32 [tilespmem:s6], [sflag:$0xD], $0x80, s26, s18, $0xb8;
	[tilespmem:$0x1E500] =	vst v63  }
0x145: {  	_ =	swait.ge [sflag:s4], $0x2800  }
0x146: {  	[sflag:s4] =	ssyncset.done $0x0  }
0x147: {  	[sflag:s4] =	ssyncadd.s32 $0xFFFFD800  }
0x148: {  	_ =	swait.ge [sflag:s13], $0x2800  }
0x149: {  	[sflag:s13] =	ssyncset.done $0x0  }
0x14a: {  	[sflag:s13] =	ssyncadd.s32 $0xFFFFD800  }
0x14b: {  	[bflag:$0x0] =	sbarrier.arrive $0xFFFF  }
0x14c: {  	s14 =	rddreg [dreg:$0x10]  }
0x14d: {  	s28 =	rddreg [dreg:$0x16]  }
0x14e: {  	s22 =	simm.s32 $0x11;
	s21 =	rddreg [dreg:$0x18]  }
0x14f: {  	[hbm:s28], [sflag:s14] =	dma.local [spmem:s21], $0x2800  }
0x150: {  	_ =	swait.ge [sflag:s22], $0x2800  }
0x151: {  	s15 =	rddreg [dreg:$0x19]  }
0x152: {  	s30 =	rddreg [dreg:$0x17];
	s15 =	sadd.s32 $0x1, s15  }
0x153: {  	p0 =	sne.s32 s15, s30  }
.Ltmp1:
0x154: {  	_ = 	snop;
	(pc) =	sbr.rel @p0 .LBB2_1-.Ltmp1, $4  }
0x155: {  	_ = 	snop  }
0x156: {  	s29 =	simm.s32 $0x7;
	s17 =	simm.s32 $0x320;
	s20 =	simm.s32 $0x460  }
0x157: {  	s7 =	simm.s32 $0x6;
	s26 =	simm.s32 $0x1;
	[sflag:s22] =	ssyncset.done $0x0  }
0x158: {  	s6 =	simm.s32 $0x2;
	s4 =	simm.s32 $0x3C0;
	[sflag:s22] =	ssyncadd.s32 $0xFFFFD800  }
0x159: {  	_ =	sfence.sel $0x180000  }
0x15a: {  	[bflag:$0x0] =	sbarrier.arrive $0xFFFF  }
0x15b: {  	_ =	strace $0x9000004D  }
0x15c: {  	s0 =	stileid.u32;
	[bflag:$0x2] =	sbarrier.arrive $0xFFFF  }
0x15d: {  	p0 =	sne.s32 s0, $0x0;
	s0 =	rddreg [dreg:$0x3]  }
0x15e: {  	s0 =	sadd.s32 @!p0 $0x100000, s0  }
0x15f: {  	[sflag:s0] =	ssyncadd.tile.s32 @!p0 $0x1;
	_ =	shalt  }
.Lfunc_end2:
_tile_overlayer_lowered:
.L_overlay_start_2:
0x160: {  	(tag) =	ssettag $0x2  }
0x161: {  	s0 =	rddreg [dreg:$0x0];
	s2 =	stileid.u32  }
0x162: {  	s1 =	rddreg [dreg:$0x1];
	p0 =	sne.s32 s2, $0x0  }
0x163: {  	s3 =	rddreg [dreg:$0x2];
	[bflag:$0x3] =	sbarrier.arrive $0xFFFF;
	s2 =	simm.s32 @!p0 $0x1C11  }
0x164: {  	[timem:s3], [sflag:s2] =	dma.local @!p0 [hbm:s0], s1  }
0x165: {  	s0 =	simm.s32 @!p0 $0x11  }
0x166: {  	_ =	swait.ge @!p0 [sflag:s0], s1  }
0x167: {  	s1 =	ssub.s32 @!p0 $0x0, s1;
	[sflag:s0] =	ssyncset.done @!p0 $0x0  }
0x168: {  	[sflag:s0] =	ssyncadd.s32 @!p0 s1  }
0x169: {  	[bflag:$0x3] =	sbarrier.arrive $0xFFFF  }
0x16a: {  	_ =	shalt  }

// kernel: kernel.20.cloned.1.call-start
scs
__scs_entry_jumppad:
0x0: {  	(pc) =	sbr.rel $0x88, $3  }
0x1: {  	(tag) =	ssettag $0x0;
	lr =	simm.s32 $0x1  }
0x2: {  	[smem:$0x3F96] =	sst lr;
	_ =	strace $0xD0000000  }
0x3: {  	_ = 	snop  }
0x4: {  	_ = 	snop  }
0x5: {  	_ = 	snop  }
0x6: {  	_ = 	snop  }
0x7: {  	_ = 	snop  }
__scs_overlays_trampoline_lowered:
0x8: {  	[smem:$0x3FA5] =	sst s0  }
0x9: {  	[smem:$0x3FA6] =	sst s1  }
0xa: {  	[smem:$0x3FA7] =	sst s2  }
0xb: {  	[smem:$0x3FA8] =	sst s3  }
0xc: {  	[smem:$0x3FA9] =	sst s4  }
0xd: {  	[smem:$0x3FAA] =	sst s5  }
0xe: {  	[smem:$0x3FAB] =	sst s6  }
0xf: {  	[smem:$0x3FAC] =	sst s7  }
0x10: {  	[smem:$0x3FAD] =	sst s8  }
0x11: {  	[smem:$0x3FAE] =	sst s9;
	s0 =	simm.s32 @!p0 $0x0  }
0x12: {  	s1 =	sld [smem:$0x3F94];
	s0 =	simm.s32 @p0 $0x1  }
0x13: {  	[smem:$0x3FAF] =	sst s0;
	s0 =	simm.s32 @!p1 $0x0  }
0x14: {  	s2 =	sld [smem:$0x3F93];
	s0 =	simm.s32 @p1 $0x1  }
0x15: {  	[smem:$0x3FB0] =	sst s0;
	s0 =	simm.s32 @!p2 $0x0  }
0x16: {  	s3 =	sld [smem:$0x3FDB];
	s0 =	simm.s32 @p2 $0x1  }
0x17: {  	s4 =	simm.s32 $0x1BF5;
	[smem:$0x3FB2] =	sst s0  }
0x18: {  	s0 =	sld [smem:$0x3F95];
	_ =	swait.ge [sflag:s4], $0x0  }
0x19: {  	s7 =	sld [smem:$0x3F96]  }
0x1a: {  	s8 =	sadd.s32 $0xFFFFE003, lr  }
0x1b: {  	s9 =	sadd.s32 $0xFFFFFEF7, lr;
	s5 =	simm.s32 $0xFFFFFFFF;
	p2 =	slt.u32 s8, $0xFFFFF086  }
0x1c: {  	p1 =	slt.u32 s9, $0xF7A;
	s5 =	simm.s32 @!p2 $0x0  }
0x1d: {  	s5 =	simm.s32 @p1 $0x1;
	p0 =	seq.s32 s7, s2  }
0x1e: {  	s7 =	smul.u32 @!p0 $0xF7A, s2;
	p2 =	seq.s32 @!p0 s5, $0x0  }
0x1f: {  	s9 =	smul.u32 $0xF7A, s1;
	s8 =	simm.s32 @!p0 $0x1BF5;
	p2 =	por !p2, p0  }
0x20: {  	[sflag:s8] =	ssyncset.s32 @!p0 $0xFFFFF086;
	s6 =	sadd.s32 @!p0 s3, s7;
	s7 =	simm.s32 @!p0 $0x108  }
0x21: {  	s3 =	sadd.s32 s3, s9;
	s6 =	sadd.s32 @!p0 $0x88, s6;
	s7 =	simm.s32 @p2 $0x1082  }
0x22: {  	[simem:s7], [sflag:s8] =	dma.local @!p0 [hbm:s6], $0xF7A  }
0x23: {  	s9 =	sor.u32 $0xD0000000, s2;
	s6 =	simm.s32 $0x108;
	_ =	swait.ge @!p0 [sflag:s8], $0x0  }
0x24: {  	s3 =	sadd.s32 $0x88, s3;
	s6 =	simm.s32 @!p1 $0x1082;
	[sflag:s4] =	ssyncset.s32 $0xFFFFF086  }
0x25: {  	[simem:s6], [sflag:s4] =	dma.local [hbm:s3], $0xF7A  }
0x26: {  	[smem:$0x3F96] =	sst s1;
	(tag) =	ssettag s2;
	_ =	strace s9  }
0x27: {  	s1 =	sld [smem:$0x3FA6]  }
0x28: {  	s2 =	sld [smem:$0x3FA7]  }
0x29: {  	s4 =	sld [smem:$0x3FA9]  }
0x2a: {  	p0 =	seq.s32 s5, $0x0;
	s5 =	sld [smem:$0x3FAA]  }
0x2b: {  	s6 =	sld [smem:$0x3FAB]  }
0x2c: {  	s7 =	sld [smem:$0x3FAC]  }
0x2d: {  	s3 =	simm.s32 $0x108;
	s8 =	sld [smem:$0x3FAD]  }
0x2e: {  	s3 =	simm.s32 @!p0 $0x1082;
	s9 =	sld [smem:$0x3FAE]  }
0x2f: {  	lr =	sadd.s32 s0, s3;
	s0 =	sld [smem:$0x3FA5]  }
0x30: {  	s3 =	sld [smem:$0x3FA8]  }
0x31: {  	[smem:$0x3FB1] =	sst s10  }
0x32: {  	s10 =	sld [smem:$0x3FAF];
	_ =	sdelay $0x3  }
0x33: {  	p0 =	seq.s32 s10, $0x1;
	s10 =	sld [smem:$0x3FB1];
	_ =	sdelay $0x3  }
0x34: {  	[smem:$0x3FB1] =	sst s10  }
0x35: {  	s10 =	sld [smem:$0x3FB0];
	_ =	sdelay $0x3  }
0x36: {  	p1 =	seq.s32 s10, $0x1;
	s10 =	sld [smem:$0x3FB1];
	_ =	sdelay $0x3  }
0x37: {  	[smem:$0x3FB1] =	sst s10  }
0x38: {  	s10 =	sld [smem:$0x3FB2]  }
0x39: {  	_ = 	snop;
	(pc) =	sbr.ind lr, $3  }
0x3a: {  	_ = 	snop  }
0x3b: {  	_ = 	snop  }
0x3c: {  	p2 =	seq.s32 s10, $0x1;
	s10 =	sld [smem:$0x3FB1]  }
0x3d: {  	_ =	shalt  }
0x3e: {  	_ =	shalt  }
0x3f: {  	_ =	shalt  }
0x40: {  	_ =	shalt  }
0x41: {  	_ =	shalt  }
0x42: {  	_ =	shalt  }
0x43: {  	_ =	shalt  }
0x44: {  	_ =	shalt  }
0x45: {  	_ =	shalt  }
0x46: {  	_ =	shalt  }
0x47: {  	_ =	shalt  }
0x48: {  	_ =	shalt  }
0x49: {  	_ =	shalt  }
0x4a: {  	_ =	shalt  }
0x4b: {  	_ =	shalt  }
0x4c: {  	_ =	shalt  }
0x4d: {  	_ =	shalt  }
0x4e: {  	_ =	shalt  }
0x4f: {  	_ =	shalt  }
0x50: {  	_ =	shalt  }
0x51: {  	_ =	shalt  }
0x52: {  	_ =	shalt  }
0x53: {  	_ =	shalt  }
0x54: {  	_ =	shalt  }
0x55: {  	_ =	shalt  }
0x56: {  	_ =	shalt  }
0x57: {  	_ =	shalt  }
0x58: {  	_ =	shalt  }
0x59: {  	_ =	shalt  }
0x5a: {  	_ =	shalt  }
0x5b: {  	_ =	shalt  }
0x5c: {  	_ =	shalt  }
0x5d: {  	_ =	shalt  }
0x5e: {  	_ =	shalt  }
0x5f: {  	_ =	shalt  }
0x60: {  	_ =	shalt  }
0x61: {  	_ =	shalt  }
0x62: {  	_ =	shalt  }
0x63: {  	_ =	shalt  }
0x64: {  	_ =	shalt  }
0x65: {  	_ =	shalt  }
0x66: {  	_ =	shalt  }
0x67: {  	_ =	shalt  }
0x68: {  	_ =	shalt  }
0x69: {  	_ =	shalt  }
0x6a: {  	_ =	shalt  }
0x6b: {  	_ =	shalt  }
0x6c: {  	_ =	shalt  }
0x6d: {  	_ =	shalt  }
0x6e: {  	_ =	shalt  }
0x6f: {  	_ =	shalt  }
0x70: {  	_ =	shalt  }
0x71: {  	_ =	shalt  }
0x72: {  	_ =	shalt  }
0x73: {  	_ =	shalt  }
0x74: {  	_ =	shalt  }
0x75: {  	_ =	shalt  }
0x76: {  	_ =	shalt  }
0x77: {  	_ =	shalt  }
0x78: {  	_ =	shalt  }
0x79: {  	_ =	shalt  }
0x7a: {  	_ =	shalt  }
0x7b: {  	_ =	shalt  }
0x7c: {  	_ =	shalt  }
0x7d: {  	_ =	shalt  }
0x7e: {  	_ =	shalt  }
0x7f: {  	_ =	shalt  }
0x80: {  	_ =	shalt  }
0x81: {  	_ =	shalt  }
0x82: {  	_ =	shalt  }
0x83: {  	_ =	shalt  }
0x84: {  	_ =	shalt  }
0x85: {  	_ =	shalt  }
0x86: {  	_ =	shalt  }
0x87: {  	_ =	shalt  }
.Lfunc_end0:
.L_simem_size_0:
called_computation.3_lowered:
.L_overlay_start_0:
0x88: {  	s2 =	sld [smem:$0x3FD9]  }
0x89: {  	s3 =	sld [smem:$0x3FFE];
	_ =	sdelay $0x1  }
0x8a: {  	s1 =	srdreg.scid  }
0x8b: {  	s0 =	sand.u32 $0x1, s1  }
0x8c: {  	s17 =	sshll.u32 s0, $0xA;
	s2 =	sadd.s32 s3, s2  }
0x8d: {  	s2 =	sadd.s32 s2, s17  }
0x8e: {  	[smem:$0x3FBD] =	sst s2  }
0x8f: {  	_ = 	snop  }
0x90: {  	s2 =	sld [smem:$0x3FD0];
	(tm) =	ssettm $0x1  }
0x91: {  	s18 =	sld [smem:$0x3FFB];
	_ =	sdelay $0x3  }
0x92: {  	_ =	strace s18  }
0x93: {  	s3 =	sld [smem:$0x3FFC];
	_ =	sdelay $0x3  }
0x94: {  	_ =	strace s3  }
0x95: {  	s3 =	sld [smem:$0x3FFD];
	_ =	sdelay $0x3  }
0x96: {  	_ =	strace s3  }
0x97: {  	_ =	strace $0x8FFFFFFF  }
0x98: {  	s19 =	sld [smem:$0x3FDB];
	_ =	sdelay $0x1  }
0x99: {  	s4 =	simm.s32 $_scs_section_size  }
0x9a: {  	s5 =	simm.s32 $_size__tile_overlayer_lowered;
	s6 =	simm.s32 $_tile_overlayer_lowered  }
0x9b: {  	s22 =	simm.s32 $0x1BFF;
	s21 =	sshll.u32 s6, $0x1;
	s3 =	sadd.s32 s4, s19  }
0x9c: {  	s7 =	simm.s32 $0x0;
	s20 =	sshll.u32 s5, $0x1;
	s5 =	sadd.s32 s21, s3  }
0x9d: {  	[timem:s7], [sflag:s22] =	dma.local [hbm:s5], s20  }
0x9e: {  	_ =	swait.ge [sflag:s22], s20  }
0x9f: {  	s4 =	ssub.s32 $0x0, s20;
	[sflag:s22] =	ssyncset.done $0x0  }
0xa0: {  	[sflag:s22] =	ssyncadd.s32 s4;
	_ =	sdelay $0x1  }
0xa1: {  	s23 =	simm.s32 $0x1B8B  }
0xa2: {  	_ =	swait.ge [sflag:s23], $0x1  }
0xa3: {  	[sflag:s23] =	ssyncset.done $0x0  }
0xa4: {  	s25 =	simm.s32 $0x1B8E;
	s24 =	sld [smem:$0x3FFE];
	[sflag:s23] =	ssyncadd.s32 $0xFFFFFFFF  }
0xa5: {  	s26 =	simm.s32 $execute0_lowered;
	[smem:$0x3FD2] =	sst s25  }
0xa6: {  	s5 =	sshll.u32 s26, $0x1;
	_ =	strace $0x8000004F;
	[dreg:$0x1] =	wrdreg $0xFFFFFFFF  }
0xa7: {  	s28 =	simm.s32 $_size_execute0_lowered;
	s3 =	sadd.s32 s3, s5;
	[dreg:$0x0] =	wrdreg $0x0  }
0xa8: {  	s5 =	sshll.u32 s28, $0x1;
	[dreg:$0x2] =	wrdreg s3  }
0xa9: {  	[dreg:$0x3] =	wrdreg s5  }
0xaa: {  	[dreg:$0x4] =	wrdreg $0xC0  }
0xab: {  	_ =	task [dreg:s7], $0x5FFFF  }
0xac: {  	[dreg:$0x1] =	wrdreg $0xFFFFFFFF  }
0xad: {  	[dreg:$0x0] =	wrdreg $0x60  }
0xae: {  	[dreg:$0x2] =	wrdreg s24  }
0xaf: {  	[dreg:$0x3] =	wrdreg s2  }
0xb0: {  	[dreg:$0x4] =	wrdreg $0x55000  }
0xb1: {  	[dreg:$0x5] =	wrdreg $0x9  }
0xb2: {  	_ =	task.clear_ibuf [dreg:s7], $0x6FFFF;
	_ =	strace $0x9000004F  }
0xb3: {  	s29 =	simm.s32 $0x9;
	_ =	strace $0x80000051  }
0xb4: {  	_ =	swait.ge [sflag:s29], $0x1  }
0xb5: {  	[sflag:s29] =	ssyncadd.s32 $0xFFFFFFFF  }
0xb6: {  	_ =	strace $0x90000051  }
0xb7: {  	_ =	sfence  }
0xb8: {  	s30 =	sld [smem:$0x0];
	_ =	sdelay $0x2  }
0xb9: {  	s31 =	sshll.u32 s1, $0xD;
	s1 =	sshrl.u32 s1, $0x2  }
0xba: {  	s3 =	sand.u32 $0x4000, s31;
	s1 =	sadd.s32 s1, s30  }
0xbb: {  	s0 =	sor.u32 s3, s0;
	s1 =	sshll.u32 s1, $0x11  }
0xbc: {  	s0 =	sor.u32 s1, s0  }
0xbd: {  	s0 =	sadd.s32 $0x8F2B, s0  }
0xbe: {  	[sflag:s0] =	ssyncadd.remote.s32 $0x1  }
0xbf: {  	_ =	sfence.sel $0xFFFF  }
0xc0: {  	[dreg:$0x0] =	wrdreg $0xFFFFFFFF;
	(pc) =	sbr.abs _section_cstart, $3  }
0xc1: {  	[dreg:$0x1] =	wrdreg $0xFFFFFFFF  }
0xc2: {  	_ =	task.clear_ibuf [dreg:s7], $0x2FFFF;
	_ =	strace $0x9FFFFFFF  }
0xc3: {  	(tm) =	ssettm $0x7FFFFFFF  }
tec
execute0_lowered:
.L_overlay_start_1:
0x0: {  	(tag) =	ssettag $0x1  }
0x1: {  	s0 =	rddreg [dreg:$0x0]  }
0x2: {  	s1 =	rddreg [dreg:$0x1]  }
0x3: {  	s3 =	rddreg [dreg:$0x2];
	s23 =	simm.s32 $0x0;
	s2 =	srdreg.scid  }
0x4: {  	s9 =	stileid.u32;
	s26 =	simm.s32 $0x370;
	s28 =	simm.s32 $0x410  }
0x5: {  	s30 =	simm.s32 $0x4B0;
	s31 =	simm.s32 $0x9;
	s29 =	simm.s32 $0x7  }
0x6: {  	[smem:$0x7FF] =	sst s23;
	s2 =	sand.u32 $0x1, s2;
	s4 =	smul.u32 $0xA000, s9  }
0x7: {  	s5 =	sadd.s32 $0x53600, s0;
	s7 =	sadd.s32 $0x67000, s0;
	s12 =	sshll.u32 s9, $0x6  }
0x8: {  	_ =	strace $0x80000050;
	s6 =	smul.u32 $0xA0000, s2;
	[dreg:$0xf] =	wrdreg s7  }
0x9: {  	s11 =	sshll.u32 s2, $0x4;
	s2 =	ssub.s32 $0x2, s2;
	[dreg:$0xb] =	wrdreg s26  }
0xa: {  	s14 =	sor.u32 $0x1C11, s12;
	[dreg:$0xc] =	wrdreg s28;
	s7 =	sor.u32 s9, s11  }
0xb: {  	[dreg:$0xd] =	wrdreg s30;
	s8 =	sshrl.u32 s2, $0x1;
	s10 =	smul.u32 $0x2710, s7  }
0xc: {  	s26 =	simm.s32 $0x1;
	[dreg:$0x10] =	wrdreg s14;
	s2 =	ssub.s32 s2, s8  }
0xd: {  	s12 =	simm.s32 $0xF;
	s25 =	smax.u32 s2, $0x1;
	[dreg:$0xe] =	wrdreg s10  }
0xe: {  	s11 =	simm.s32 $0xA;
	s13 =	sadd.s32 $0x1E0, s10;
	[dreg:$0x17] =	wrdreg s25  }
0xf: {  	s9 =	simm.s32 $0xB;
	s15 =	sadd.s32 $0x230, s10;
	[dreg:$0x4] =	wrdreg s13  }
0x10: {  	s6 =	sadd.s32 s4, s6;
	s16 =	sadd.s32 $0x280, s10;
	[dreg:$0x5] =	wrdreg s15  }
0x11: {  	s4 =	sadd.s32 s4, s3;
	s18 =	sadd.s32 $0x2D0, s10;
	[dreg:$0x6] =	wrdreg s16  }
0x12: {  	s8 =	simm.s32 $0xE;
	s20 =	sadd.s32 $0x320, s10;
	[dreg:$0x7] =	wrdreg s18  }
0x13: {  	s6 =	sshrl.u32 s6, $0x3;
	s22 =	sadd.s32 $0x370, s10;
	[dreg:$0x8] =	wrdreg s20  }
0x14: {  	s7 =	sshrl.u32 s10, $0x3;
	s24 =	sadd.s32 $0x3C0, s10;
	[dreg:$0x9] =	wrdreg s22  }
0x15: {  	s0 =	sadd.s32 s6, s0;
	s7 =	sadd.s32 s1, s7;
	[dreg:$0xa] =	wrdreg s24  }
0x16: {  	s6 =	simm.s32 $0x2;
	s0 =	sadd.s32 $0x68400, s0;
	[dreg:$0x11] =	wrdreg s7  }
0x17: {  	s22 =	simm.s32 $0x11;
	s17 =	sadd.s32 $0xA, s7;
	[dreg:$0x16] =	wrdreg s0  }
0x18: {  	s18 =	simm.s32 $0x50;
	s19 =	sadd.s32 $0x14, s7;
	[dreg:$0x12] =	wrdreg s17  }
0x19: {  	s13 =	simm.s32 $0xD;
	s21 =	sadd.s32 $0x1E, s7;
	[dreg:$0x13] =	wrdreg s19  }
0x1a: {  	s20 =	simm.s32 $0x460;
	s7 =	sadd.s32 $0x28, s7;
	[dreg:$0x14] =	wrdreg s21  }
0x1b: {  	s15 =	simm.s32 $0x0;
	s0 =	simm.s32 $0xC;
	[dreg:$0x15] =	wrdreg s7  }
0x1c: {  	s21 =	sshrl.u32 s4, $0x3;
	s19 =	simm.s32 $0x4E200;
	s17 =	simm.s32 $0x320  }
0x1d: {  	s4 =	simm.s32 $0x3C0;
	s7 =	simm.s32 $0x6;
	[dreg:$0x18] =	wrdreg s21  }
.LBB2_1:
0x1e: {  	[dreg:$0x19] =	wrdreg s15  }
0x1f: {  	s2 =	rddreg [dreg:$0xf]  }
0x20: {  	[spmem:s21], [sflag:s14] =	dma.local [hbm:s2], $0x1400  }
0x21: {  	_ =	swait.ge [sflag:s22], $0x1400  }
0x22: {  	[sflag:s22] =	ssyncset.done $0x0  }
0x23: {  	[sflag:s22] =	ssyncadd.s32 $0xFFFFEC00  }
0x24: {  	[bflag:$0x0] =	sbarrier.arrive $0xFFFF  }
0x25: {  	s14 =	rddreg [dreg:$0x11]  }
0x26: {  	[tilespmem:s23], [sflag:$0x1] =	stream.strided.gather [hbm4b:s14+s18], $0xA0, s19, s18, $0x38;
	[tilespmem:$0xF500] =	vst v63  }
0x27: {  	s16 =	simm.s32 $0xA0;
	s15 =	rddreg [dreg:$0x12]  }
0x28: {  	[tilespmem:s16], [sflag:$0x2] =	stream.strided.gather [hbm4b:s15+s18], $0xA0, s19, s18, $0x38;
	[tilespmem:$0xF500] =	vst v63  }
0x29: {  	s24 =	simm.s32 $0x140;
	s21 =	rddreg [dreg:$0x13]  }
0x2a: {  	[tilespmem:s24], [sflag:$0x3] =	stream.strided.gather [hbm4b:s21+s18], $0xA0, s19, s18, $0x38;
	[tilespmem:$0xF500] =	vst v63  }
0x2b: {  	s10 =	simm.s32 $0x1E0;
	s22 =	rddreg [dreg:$0x14]  }
0x2c: {  	[tilespmem:s10], [sflag:$0x4] =	stream.strided.gather [hbm4b:s22+s18], $0xA0, s19, s18, $0x38;
	[tilespmem:$0xF500] =	vst v63  }
0x2d: {  	s28 =	simm.s32 $0x280;
	s25 =	rddreg [dreg:$0x15]  }
0x2e: {  	[tilespmem:s28], [sflag:$0x5] =	stream.strided.gather [hbm4b:s25+s18], $0xA0, s19, s18, $0x38;
	[tilespmem:$0xF500] =	vst v63  }
0x2f: {  	_ =	swait.ge [sflag:s26], $0xA0  }
0x30: {  	[sflag:s26] =	ssyncset.done $0x0  }
0x31: {  	s25 =	simm.s32 $0x500;
	[sflag:s26] =	ssyncadd.s32 $0xFFFFFF60  }
0x32: {  	[tilespmem:s25], [sflag:$0x9] =	stream.indirect.gather [hbm4b:s5+s18], $0x40, s23, s18, $0xb8;
	[tilespmem:$0xF500] =	vst v63  }
0x33: {  	_ =	swait.ge [sflag:s6], $0xA0  }
0x34: {  	[sflag:s6] =	ssyncset.done $0x0  }
0x35: {  	s2 =	simm.s32 $0x3;
	s28 =	simm.s32 $0x1900;
	[sflag:s6] =	ssyncadd.s32 $0xFFFFFF60  }
0x36: {  	[tilespmem:s28], [sflag:$0xA] =	stream.indirect.gather [hbm4b:s5+s18], $0x40, s16, s18, $0xb8;
	[tilespmem:$0xF500] =	vst v63  }
0x37: {  	_ =	swait.ge [sflag:s2], $0xA0  }
0x38: {  	[sflag:s2] =	ssyncset.done $0x0  }
0x39: {  	s10 =	simm.s32 $0x2D00;
	[sflag:s2] =	ssyncadd.s32 $0xFFFFFF60  }
0x3a: {  	[tilespmem:s10], [sflag:$0xB] =	stream.indirect.gather [hbm4b:s5+s18], $0x40, s24, s18, $0xb8;
	[tilespmem:$0xF500] =	vst v63  }
0x3b: {  	_ =	swait.ge [sflag:s31], $0x1400  }
0x3c: {  	p0 =	por $0x1, $0x1;
	[sflag:s31] =	ssyncset.done $0x0  }
0x3d: {  	s22 =	simm.s32 @!p0 $0x10;
	[sflag:s31] =	ssyncadd.s32 $0xFFFFEC00  }
0x3e: {  	[spmem:s3] =	stream.indirect.scatter.add.f32 [tilespmem:s25], [sflag:$0xD], $0x40, s18, s18, $0xb8;
	[tilespmem:$0xF500] =	vst v63  }
0x3f: {  	s21 =	simm.s32 @!p0 $0x190;
	_ =	swait.ge @!p0 [sflag:s22], $0x1400  }
0x40: {  	s21 =	simm.s32 @p0 $0x190;
	s30 =	rddreg [dreg:$0xe]  }
0x41: {  	s21 =	sadd.s32 s30, s21  }
0x42: {  	[sflag:s22] =	ssyncset.done @!p0 $0x0;
	s21 =	sshrl.u32 s21, $0x3  }
0x43: {  	[sflag:s22] =	ssyncadd.s32 @!p0 $0xFFFFEC00;
	s30 =	simm.s32 $0x4;
	s21 =	sadd.s32 s1, s21  }
0x44: {  	[tilespmem:s17], [sflag:$0x6] =	stream.strided.gather [hbm4b:s21+s18], $0xA0, s19, s18, $0x38;
	[tilespmem:$0xF500] =	vst v63  }
0x45: {  	_ =	swait.ge [sflag:s30], $0xA0  }
0x46: {  	[sflag:s30] =	ssyncset.done $0x0  }
0x47: {  	s14 =	simm.s32 $0x1E0;
	[sflag:s30] =	ssyncadd.s32 $0xFFFFFF60;
	s30 =	simm.s32 $0x4100  }
0x48: {  	[tilespmem:s30], [sflag:$0xC] =	stream.indirect.gather [hbm4b:s5+s18], $0x40, s14, s18, $0xb8;
	[tilespmem:$0xF500] =	vst v63  }
0x49: {  	_ =	swait.ge [sflag:s11], $0x1400  }
0x4a: {  	[sflag:s11] =	ssyncset.done $0x0  }
0x4b: {  	s14 =	simm.s32 $0xF0;
	[sflag:s11] =	ssyncadd.s32 $0xFFFFEC00  }
0x4c: {  	[spmem:s3] =	stream.indirect.scatter.add.f32 [tilespmem:s28], [sflag:$0xE], $0x40, s14, s18, $0xb8;
	[tilespmem:$0xF500] =	vst v63  }
0x4d: {  	s21 =	simm.s32 $0x0;
	_ =	swait.ge [sflag:s13], $0x1400  }
0x4e: {  	s21 =	simm.s32 @p0 $0x0;
	s15 =	rddreg [dreg:$0x4]  }
0x4f: {  	s22 =	sadd.s32 s21, s15  }
0x50: {  	[sflag:s13] =	ssyncset.done $0x0;
	s22 =	sshrl.u32 s22, $0x3  }
0x51: {  	s14 =	simm.s32 $0x5;
	[sflag:s13] =	ssyncadd.s32 $0xFFFFEC00;
	s22 =	sadd.s32 s1, s22  }
0x52: {  	[tilespmem:s4], [sflag:$0x7] =	stream.strided.gather [hbm4b:s22+s18], $0xA0, s19, s18, $0x38;
	[tilespmem:$0xF500] =	vst v63  }
0x53: {  	_ =	swait.ge [sflag:s14], $0xA0  }
0x54: {  	[sflag:s14] =	ssyncset.done $0x0  }
0x55: {  	s15 =	simm.s32 $0x280;
	[sflag:s14] =	ssyncadd.s32 $0xFFFFFF60  }
0x56: {  	[tilespmem:s25], [sflag:$0x9] =	stream.indirect.gather [hbm4b:s5+s18], $0x40, s15, s18, $0xb8;
	[tilespmem:$0xF500] =	vst v63  }
0x57: {  	_ =	swait.ge [sflag:s9], $0x1400  }
0x58: {  	[sflag:s9] =	ssyncset.done $0x0  }
0x59: {  	s22 =	simm.s32 $0x190;
	[sflag:s9] =	ssyncadd.s32 $0xFFFFEC00  }
0x5a: {  	[spmem:s3] =	stream.indirect.scatter.add.f32 [tilespmem:s10], [sflag:$0xF], $0x40, s22, s18, $0xb8;
	[tilespmem:$0xF500] =	vst v63  }
0x5b: {  	_ =	swait.ge [sflag:s8], $0x1400  }
0x5c: {  	s15 =	rddreg [dreg:$0x5]  }
0x5d: {  	s22 =	sadd.s32 s21, s15  }
0x5e: {  	[sflag:s8] =	ssyncset.done $0x0;
	s22 =	sshrl.u32 s22, $0x3  }
0x5f: {  	[sflag:s8] =	ssyncadd.s32 $0xFFFFEC00;
	s22 =	sadd.s32 s1, s22  }
0x60: {  	[tilespmem:s20], [sflag:$0x8] =	stream.strided.gather [hbm4b:s22+s18], $0xA0, s19, s18, $0x38;
	[tilespmem:$0xF500] =	vst v63  }
0x61: {  	_ =	swait.ge [sflag:s7], $0xA0  }
0x62: {  	[sflag:s7] =	ssyncset.done $0x0  }
0x63: {  	[sflag:s7] =	ssyncadd.s32 $0xFFFFFF60  }
0x64: {  	[tilespmem:s28], [sflag:$0xA] =	stream.indirect.gather [hbm4b:s5+s18], $0x40, s17, s18, $0xb8;
	[tilespmem:$0xF500] =	vst v63  }
0x65: {  	_ =	swait.ge [sflag:s0], $0x1400  }
0x66: {  	[sflag:s0] =	ssyncset.done $0x0  }
0x67: {  	s22 =	simm.s32 $0x230;
	[sflag:s0] =	ssyncadd.s32 $0xFFFFEC00  }
0x68: {  	[spmem:s3] =	stream.indirect.scatter.add.f32 [tilespmem:s30], [sflag:$0x10], $0x40, s22, s18, $0xb8;
	[tilespmem:$0xF500] =	vst v63  }
0x69: {  	_ =	swait.ge [sflag:s12], $0x1400  }
0x6a: {  	s7 =	rddreg [dreg:$0x6]  }
0x6b: {  	s22 =	sadd.s32 s21, s7  }
0x6c: {  	[sflag:s12] =	ssyncset.done $0x0;
	s22 =	sshrl.u32 s22, $0x3  }
0x6d: {  	[sflag:s12] =	ssyncadd.s32 $0xFFFFEC00;
	s22 =	sadd.s32 s1, s22  }
0x6e: {  	[tilespmem:s23], [sflag:$0x1] =	stream.strided.gather [hbm4b:s22+s18], $0xA0, s19, s18, $0x38;
	[tilespmem:$0xF500] =	vst v63  }
0x6f: {  	_ =	swait.ge [sflag:s29], $0xA0  }
0x70: {  	[sflag:s29] =	ssyncset.done $0x0  }
0x71: {  	[sflag:s29] =	ssyncadd.s32 $0xFFFFFF60  }
0x72: {  	[tilespmem:s10], [sflag:$0xB] =	stream.indirect.gather [hbm4b:s5+s18], $0x40, s4, s18, $0xb8;
	[tilespmem:$0xF500] =	vst v63  }
0x73: {  	_ =	swait.ge [sflag:s31], $0x1400  }
0x74: {  	[sflag:s31] =	ssyncset.done $0x0  }
0x75: {  	s15 =	simm.s32 $0x2D0;
	s17 =	simm.s32 $0x10;
	[sflag:s31] =	ssyncadd.s32 $0xFFFFEC00  }
0x76: {  	[spmem:s3] =	stream.indirect.scatter.add.f32 [tilespmem:s25], [sflag:$0xD], $0x40, s15, s18, $0xb8;
	[tilespmem:$0xF500] =	vst v63  }
0x77: {  	_ =	swait.ge [sflag:s17], $0x1400  }
0x78: {  	s7 =	rddreg [dreg:$0x7]  }
0x79: {  	s22 =	sadd.s32 s21, s7  }
0x7a: {  	[sflag:s17] =	ssyncset.done $0x0;
	s22 =	sshrl.u32 s22, $0x3  }
0x7b: {  	s15 =	simm.s32 $0x8;
	[sflag:s17] =	ssyncadd.s32 $0xFFFFEC00;
	s22 =	sadd.s32 s1, s22  }
0x7c: {  	[tilespmem:s16], [sflag:$0x2] =	stream.strided.gather [hbm4b:s22+s18], $0xA0, s19, s18, $0x38;
	[tilespmem:$0xF500] =	vst v63  }
0x7d: {  	_ =	swait.ge [sflag:s15], $0xA0  }
0x7e: {  	[sflag:s15] =	ssyncset.done $0x0  }
0x7f: {  	[sflag:s15] =	ssyncadd.s32 $0xFFFFFF60  }
0x80: {  	[tilespmem:s30], [sflag:$0xC] =	stream.indirect.gather [hbm4b:s5+s18], $0x40, s20, s18, $0xb8;
	[tilespmem:$0xF500] =	vst v63  }
0x81: {  	_ =	swait.ge [sflag:s11], $0x1400  }
0x82: {  	[sflag:s11] =	ssyncset.done $0x0  }
0x83: {  	s17 =	rddreg [dreg:$0xb];
	[sflag:s11] =	ssyncadd.s32 $0xFFFFEC00  }
0x84: {  	[spmem:s3] =	stream.indirect.scatter.add.f32 [tilespmem:s28], [sflag:$0xE], $0x40, s17, s18, $0xb8;
	[tilespmem:$0xF500] =	vst v63  }
0x85: {  	_ =	swait.ge [sflag:s13], $0x1400  }
0x86: {  	s20 =	rddreg [dreg:$0x8]  }
0x87: {  	s22 =	sadd.s32 s21, s20  }
0x88: {  	[sflag:s13] =	ssyncset.done $0x0;
	s22 =	sshrl.u32 s22, $0x3  }
0x89: {  	[sflag:s13] =	ssyncadd.s32 $0xFFFFEC00;
	s22 =	sadd.s32 s1, s22  }
0x8a: {  	[tilespmem:s24], [sflag:$0x3] =	stream.strided.gather [hbm4b:s22+s18], $0xA0, s19, s18, $0x38;
	[tilespmem:$0xF500] =	vst v63  }
0x8b: {  	_ =	swait.ge [sflag:s26], $0xA0  }
0x8c: {  	[sflag:s26] =	ssyncset.done $0x0  }
0x8d: {  	[sflag:s26] =	ssyncadd.s32 $0xFFFFFF60  }
0x8e: {  	[tilespmem:s25], [sflag:$0x9] =	stream.indirect.gather [hbm4b:s5+s18], $0x40, s23, s18, $0xb8;
	[tilespmem:$0xF500] =	vst v63  }
0x8f: {  	_ =	swait.ge [sflag:s9], $0x1400  }
0x90: {  	[sflag:s9] =	ssyncset.done $0x0  }
0x91: {  	s24 =	rddreg [dreg:$0xc];
	[sflag:s9] =	ssyncadd.s32 $0xFFFFEC00  }
0x92: {  	[spmem:s3] =	stream.indirect.scatter.add.f32 [tilespmem:s10], [sflag:$0xF], $0x40, s24, s18, $0xb8;
	[tilespmem:$0xF500] =	vst v63  }
0x93: {  	_ =	swait.ge [sflag:s8], $0x1400  }
0x94: {  	s25 =	rddreg [dreg:$0x9]  }
0x95: {  	s22 =	sadd.s32 s21, s25  }
0x96: {  	[sflag:s8] =	ssyncset.done $0x0;
	s22 =	sshrl.u32 s22, $0x3  }
0x97: {  	s26 =	simm.s32 $0x1E0;
	[sflag:s8] =	ssyncadd.s32 $0xFFFFEC00;
	s22 =	sadd.s32 s1, s22  }
0x98: {  	[tilespmem:s26], [sflag:$0x4] =	stream.strided.gather [hbm4b:s22+s18], $0xA0, s19, s18, $0x38;
	[tilespmem:$0xF500] =	vst v63  }
0x99: {  	_ =	swait.ge [sflag:s6], $0xA0  }
0x9a: {  	[sflag:s6] =	ssyncset.done $0x0  }
0x9b: {  	[sflag:s6] =	ssyncadd.s32 $0xFFFFFF60  }
0x9c: {  	[tilespmem:s28], [sflag:$0xA] =	stream.indirect.gather [hbm4b:s5+s18], $0x40, s16, s18, $0xb8;
	[tilespmem:$0xF500] =	vst v63  }
0x9d: {  	_ =	swait.ge [sflag:s0], $0x1400  }
0x9e: {  	[sflag:s0] =	ssyncset.done $0x0  }
0x9f: {  	s28 =	rddreg [dreg:$0xd];
	[sflag:s0] =	ssyncadd.s32 $0xFFFFEC00  }
0xa0: {  	[spmem:s3] =	stream.indirect.scatter.add.f32 [tilespmem:s30], [sflag:$0x10], $0x40, s28, s18, $0xb8;
	[tilespmem:$0xF500] =	vst v63  }
0xa1: {  	_ =	swait.ge [sflag:s12], $0x1400  }
0xa2: {  	s30 =	rddreg [dreg:$0xa]  }
0xa3: {  	s21 =	sadd.s32 s21, s30  }
0xa4: {  	s14 =	simm.s32 $0x280;
	[sflag:s12] =	ssyncset.done $0x0;
	s21 =	sshrl.u32 s21, $0x3  }
0xa5: {  	s29 =	simm.s32 $0x1;
	[sflag:s12] =	ssyncadd.s32 $0xFFFFEC00;
	s21 =	sadd.s32 s1, s21  }
0xa6: {  	[tilespmem:s14], [sflag:$0x5] =	stream.strided.gather [hbm4b:s21+s18], $0xA0, s19, s18, $0x38;
	[tilespmem:$0xF500] =	vst v63  }
0xa7: {  	s7 =	simm.s32 $0x6;
	s17 =	simm.s32 $0x7;
	_ =	swait.ge [sflag:s2], $0xA0  }
0xa8: {  	s6 =	simm.s32 $0x2;
	s21 =	simm.s32 $0x280;
	[sflag:s2] =	ssyncset.done $0x0  }
.LBB2_2:
0xa9: {  	s15 =	simm.s32 $0x3  }
0xaa: {  	s16 =	simm.s32 $0x140;
	s10 =	simm.s32 $0x2D00;
	[sflag:s15] =	ssyncadd.s32 $0xFFFFFF60  }
0xab: {  	[tilespmem:s10], [sflag:$0xB] =	stream.indirect.gather [hbm4b:s5+s18], $0x40, s16, s18, $0xb8;
	[tilespmem:$0xF500] =	vst v63  }
0xac: {  	s22 =	smov.u32 s21;
	_ =	swait.ge [sflag:s31], $0x1400  }
0xad: {  	p1 =	seq.s32 s22, $0x0;
	[sflag:s31] =	ssyncset.done $0x0  }
0xae: {  	s28 =	simm.s32 $0x500;
	s2 =	simm.s32 @!p1 $0x10;
	[sflag:s31] =	ssyncadd.s32 $0xFFFFEC00  }
0xaf: {  	[spmem:s3] =	stream.indirect.scatter.add.f32 [tilespmem:s28], [sflag:$0xD], $0x40, s18, s18, $0xb8;
	[tilespmem:$0xF500] =	vst v63  }
0xb0: {  	s23 =	sadd.s32 @!p1 $0x190, s22;
	_ =	swait.ge @!p1 [sflag:s2], $0x1400  }
0xb1: {  	s23 =	simm.s32 @p1 $0x190;
	s14 =	rddreg [dreg:$0xe]  }
0xb2: {  	s23 =	sadd.s32 s14, s23  }
0xb3: {  	s4 =	simm.s32 $0x4;
	[sflag:s2] =	ssyncset.done @!p1 $0x0;
	s23 =	sshrl.u32 s23, $0x3  }
0xb4: {  	[sflag:s2] =	ssyncadd.s32 @!p1 $0xFFFFEC00;
	s14 =	simm.s32 $0x320;
	s30 =	sadd.s32 s1, s23  }
0xb5: {  	[tilespmem:s14], [sflag:$0x6] =	stream.strided.gather [hbm4b:s30+s18], $0xA0, s19, s18, $0x38;
	[tilespmem:$0xF500] =	vst v63  }
0xb6: {  	_ =	swait.ge [sflag:s4], $0xA0  }
0xb7: {  	[sflag:s4] =	ssyncset.done $0x0  }
0xb8: {  	s24 =	simm.s32 $0x1E0;
	[sflag:s4] =	ssyncadd.s32 $0xFFFFFF60;
	s4 =	simm.s32 $0x4100  }
0xb9: {  	[tilespmem:s4], [sflag:$0xC] =	stream.indirect.gather [hbm4b:s5+s18], $0x40, s24, s18, $0xb8;
	[tilespmem:$0xF500] =	vst v63  }
0xba: {  	_ =	swait.ge [sflag:s11], $0x1400  }
0xbb: {  	[sflag:s11] =	ssyncset.done $0x0  }
0xbc: {  	s20 =	simm.s32 $0xF0;
	s30 =	simm.s32 $0x1900;
	[sflag:s11] =	ssyncadd.s32 $0xFFFFEC00  }
0xbd: {  	[spmem:s3] =	stream.indirect.scatter.add.f32 [tilespmem:s30], [sflag:$0xE], $0x40, s20, s18, $0xb8;
	[tilespmem:$0xF500] =	vst v63  }
0xbe: {  	_ =	swait.ge [sflag:s13], $0x1400  }
0xbf: {  	s22 =	simm.s32 @p1 $0x0;
	s25 =	rddreg [dreg:$0x4]  }
0xc0: {  	s2 =	sadd.s32 s22, s25  }
0xc1: {  	s26 =	simm.s32 $0x5;
	[sflag:s13] =	ssyncset.done $0x0;
	s2 =	sshrl.u32 s2, $0x3  }
0xc2: {  	s20 =	simm.s32 $0x3C0;
	[sflag:s13] =	ssyncadd.s32 $0xFFFFEC00;
	s2 =	sadd.s32 s1, s2  }
0xc3: {  	[tilespmem:s20], [sflag:$0x7] =	stream.strided.gather [hbm4b:s2+s18], $0xA0, s19, s18, $0x38;
	[tilespmem:$0xF500] =	vst v63  }
0xc4: {  	_ =	swait.ge [sflag:s26], $0xA0  }
0xc5: {  	[sflag:s26] =	ssyncset.done $0x0  }
0xc6: {  	[sflag:s26] =	ssyncadd.s32 $0xFFFFFF60;
	s26 =	simm.s32 $0x280  }
0xc7: {  	[tilespmem:s28], [sflag:$0x9] =	stream.indirect.gather [hbm4b:s5+s18], $0x40, s26, s18, $0xb8;
	[tilespmem:$0xF500] =	vst v63  }
0xc8: {  	_ =	swait.ge [sflag:s9], $0x1400  }
0xc9: {  	[sflag:s9] =	ssyncset.done $0x0  }
0xca: {  	s25 =	simm.s32 $0x190;
	[sflag:s9] =	ssyncadd.s32 $0xFFFFEC00  }
0xcb: {  	[spmem:s3] =	stream.indirect.scatter.add.f32 [tilespmem:s10], [sflag:$0xF], $0x40, s25, s18, $0xb8;
	[tilespmem:$0xF500] =	vst v63  }
0xcc: {  	_ =	swait.ge [sflag:s8], $0x1400  }
0xcd: {  	s25 =	rddreg [dreg:$0x5]  }
0xce: {  	s2 =	sadd.s32 s22, s25  }
0xcf: {  	[sflag:s8] =	ssyncset.done $0x0;
	s2 =	sshrl.u32 s2, $0x3  }
0xd0: {  	[sflag:s8] =	ssyncadd.s32 $0xFFFFEC00;
	s25 =	simm.s32 $0x460;
	s2 =	sadd.s32 s1, s2  }
0xd1: {  	[tilespmem:s25], [sflag:$0x8] =	stream.strided.gather [hbm4b:s2+s18], $0xA0, s19, s18, $0x38;
	[tilespmem:$0xF500] =	vst v63  }
0xd2: {  	_ =	swait.ge [sflag:s7], $0xA0  }
0xd3: {  	[sflag:s7] =	ssyncset.done $0x0  }
0xd4: {  	[sflag:s7] =	ssyncadd.s32 $0xFFFFFF60  }
0xd5: {  	[tilespmem:s30], [sflag:$0xA] =	stream.indirect.gather [hbm4b:s5+s18], $0x40, s14, s18, $0xb8;
	[tilespmem:$0xF500] =	vst v63  }
0xd6: {  	_ =	swait.ge [sflag:s0], $0x1400  }
0xd7: {  	[sflag:s0] =	ssyncset.done $0x0  }
0xd8: {  	s14 =	simm.s32 $0x230;
	[sflag:s0] =	ssyncadd.s32 $0xFFFFEC00  }
0xd9: {  	[spmem:s3] =	stream.indirect.scatter.add.f32 [tilespmem:s4], [sflag:$0x10], $0x40, s14, s18, $0xb8;
	[tilespmem:$0xF500] =	vst v63  }
0xda: {  	_ =	swait.ge [sflag:s12], $0x1400  }
0xdb: {  	s14 =	rddreg [dreg:$0x6]  }
0xdc: {  	s2 =	sadd.s32 s22, s14  }
0xdd: {  	[sflag:s12] =	ssyncset.done $0x0;
	s2 =	sshrl.u32 s2, $0x3  }
0xde: {  	s23 =	simm.s32 $0x0;
	[sflag:s12] =	ssyncadd.s32 $0xFFFFEC00;
	s2 =	sadd.s32 s1, s2  }
0xdf: {  	[tilespmem:s23], [sflag:$0x1] =	stream.strided.gather [hbm4b:s2+s18], $0xA0, s19, s18, $0x38;
	[tilespmem:$0xF500] =	vst v63  }
0xe0: {  	_ =	swait.ge [sflag:s17], $0xA0  }
0xe1: {  	[sflag:s17] =	ssyncset.done $0x0  }
0xe2: {  	[sflag:s17] =	ssyncadd.s32 $0xFFFFFF60  }
0xe3: {  	[tilespmem:s10], [sflag:$0xB] =	stream.indirect.gather [hbm4b:s5+s18], $0x40, s20, s18, $0xb8;
	[tilespmem:$0xF500] =	vst v63  }
0xe4: {  	_ =	swait.ge [sflag:s31], $0x1400  }
0xe5: {  	[sflag:s31] =	ssyncset.done $0x0  }
0xe6: {  	s14 =	simm.s32 $0x2D0;
	[sflag:s31] =	ssyncadd.s32 $0xFFFFEC00  }
0xe7: {  	[spmem:s3] =	stream.indirect.scatter.add.f32 [tilespmem:s28], [sflag:$0xD], $0x40, s14, s18, $0xb8;
	[tilespmem:$0xF500] =	vst v63  }
0xe8: {  	s14 =	simm.s32 $0x10  }
0xe9: {  	_ =	swait.ge [sflag:s14], $0x1400  }
0xea: {  	s20 =	rddreg [dreg:$0x7]  }
0xeb: {  	[sflag:s14] =	ssyncset.done $0x0;
	s2 =	sadd.s32 s22, s20  }
0xec: {  	[sflag:s14] =	ssyncadd.s32 $0xFFFFEC00;
	s2 =	sshrl.u32 s2, $0x3  }
0xed: {  	s20 =	simm.s32 $0xA0;
	s14 =	simm.s32 $0x8;
	s2 =	sadd.s32 s1, s2  }
0xee: {  	[tilespmem:s20], [sflag:$0x2] =	stream.strided.gather [hbm4b:s2+s18], $0xA0, s19, s18, $0x38;
	[tilespmem:$0xF500] =	vst v63  }
0xef: {  	_ =	swait.ge [sflag:s14], $0xA0  }
0xf0: {  	[sflag:s14] =	ssyncset.done $0x0  }
0xf1: {  	[sflag:s14] =	ssyncadd.s32 $0xFFFFFF60  }
0xf2: {  	[tilespmem:s4], [sflag:$0xC] =	stream.indirect.gather [hbm4b:s5+s18], $0x40, s25, s18, $0xb8;
	[tilespmem:$0xF500] =	vst v63  }
0xf3: {  	_ =	swait.ge [sflag:s11], $0x1400  }
0xf4: {  	[sflag:s11] =	ssyncset.done $0x0  }
0xf5: {  	s25 =	rddreg [dreg:$0xb];
	[sflag:s11] =	ssyncadd.s32 $0xFFFFEC00  }
0xf6: {  	[spmem:s3] =	stream.indirect.scatter.add.f32 [tilespmem:s30], [sflag:$0xE], $0x40, s25, s18, $0xb8;
	[tilespmem:$0xF500] =	vst v63  }
0xf7: {  	_ =	swait.ge [sflag:s13], $0x1400  }
0xf8: {  	s14 =	rddreg [dreg:$0x8]  }
0xf9: {  	s2 =	sadd.s32 s22, s14  }
0xfa: {  	[sflag:s13] =	ssyncset.done $0x0;
	s2 =	sshrl.u32 s2, $0x3  }
0xfb: {  	[sflag:s13] =	ssyncadd.s32 $0xFFFFEC00;
	s2 =	sadd.s32 s1, s2  }
0xfc: {  	[tilespmem:s16], [sflag:$0x3] =	stream.strided.gather [hbm4b:s2+s18], $0xA0, s19, s18, $0x38;
	[tilespmem:$0xF500] =	vst v63  }
0xfd: {  	_ =	swait.ge [sflag:s29], $0xA0  }
0xfe: {  	[sflag:s29] =	ssyncset.done $0x0  }
0xff: {  	[sflag:s29] =	ssyncadd.s32 $0xFFFFFF60  }
0x100: {  	[tilespmem:s28], [sflag:$0x9] =	stream.indirect.gather [hbm4b:s5+s18], $0x40, s23, s18, $0xb8;
	[tilespmem:$0xF500] =	vst v63  }
0x101: {  	_ =	swait.ge [sflag:s9], $0x1400  }
0x102: {  	[sflag:s9] =	ssyncset.done $0x0  }
0x103: {  	s16 =	rddreg [dreg:$0xc];
	[sflag:s9] =	ssyncadd.s32 $0xFFFFEC00  }
0x104: {  	[spmem:s3] =	stream.indirect.scatter.add.f32 [tilespmem:s10], [sflag:$0xF], $0x40, s16, s18, $0xb8;
	[tilespmem:$0xF500] =	vst v63  }
0x105: {  	_ =	swait.ge [sflag:s8], $0x1400  }
0x106: {  	s25 =	rddreg [dreg:$0x9]  }
0x107: {  	s2 =	sadd.s32 s22, s25  }
0x108: {  	[sflag:s8] =	ssyncset.done $0x0;
	s2 =	sshrl.u32 s2, $0x3  }
0x109: {  	[sflag:s8] =	ssyncadd.s32 $0xFFFFEC00;
	s2 =	sadd.s32 s1, s2  }
0x10a: {  	[tilespmem:s24], [sflag:$0x4] =	stream.strided.gather [hbm4b:s2+s18], $0xA0, s19, s18, $0x38;
	[tilespmem:$0xF500] =	vst v63  }
0x10b: {  	_ =	swait.ge [sflag:s6], $0xA0  }
0x10c: {  	[sflag:s6] =	ssyncset.done $0x0  }
0x10d: {  	[sflag:s6] =	ssyncadd.s32 $0xFFFFFF60  }
0x10e: {  	[tilespmem:s30], [sflag:$0xA] =	stream.indirect.gather [hbm4b:s5+s18], $0x40, s20, s18, $0xb8;
	[tilespmem:$0xF500] =	vst v63  }
0x10f: {  	_ =	swait.ge [sflag:s0], $0x1400  }
0x110: {  	[sflag:s0] =	ssyncset.done $0x0  }
0x111: {  	s28 =	rddreg [dreg:$0xd];
	[sflag:s0] =	ssyncadd.s32 $0xFFFFEC00  }
0x112: {  	[spmem:s3] =	stream.indirect.scatter.add.f32 [tilespmem:s4], [sflag:$0x10], $0x40, s28, s18, $0xb8;
	[tilespmem:$0xF500] =	vst v63  }
0x113: {  	_ =	swait.ge [sflag:s12], $0x1400  }
0x114: {  	s21 =	sadd.s32 $0x280, s21;
	s30 =	rddreg [dreg:$0xa]  }
0x115: {  	p0 =	sne.s32 s21, $0x2580;
	s2 =	sadd.s32 s22, s30  }
.Ltmp0:
0x116: {  	[sflag:s12] =	ssyncset.done $0x0;
	s2 =	sshrl.u32 s2, $0x3;
	(pc) =	sbr.rel @p0 .LBB2_2-.Ltmp0, $4  }
0x117: {  	s14 =	simm.s32 $0x140;
	[sflag:s12] =	ssyncadd.s32 $0xFFFFEC00;
	s2 =	sadd.s32 s1, s2  }
0x118: {  	[tilespmem:s26], [sflag:$0x5] =	stream.strided.gather [hbm4b:s2+s18], $0xA0, s19, s18, $0x38;
	[tilespmem:$0xF500] =	vst v63  }
0x119: {  	s16 =	simm.s32 $0x1E0;
	s24 =	simm.s32 $0x1900;
	_ =	swait.ge [sflag:s15], $0xA0  }
0x11a: {  	s22 =	simm.s32 $0x280;
	s2 =	simm.s32 $0x3;
	[sflag:s15] =	ssyncset.done $0x0  }
0x11b: {  	[sflag:s2] =	ssyncadd.s32 $0xFFFFFF60;
	s7 =	simm.s32 $0x2D00  }
0x11c: {  	[tilespmem:s7], [sflag:$0xB] =	stream.indirect.gather [hbm4b:s5+s18], $0x40, s14, s18, $0xb8;
	[tilespmem:$0xF500] =	vst v63  }
0x11d: {  	_ =	swait.ge [sflag:s31], $0x1400  }
0x11e: {  	[sflag:s31] =	ssyncset.done $0x0  }
0x11f: {  	s6 =	simm.s32 $0x500;
	s4 =	simm.s32 $0x10;
	[sflag:s31] =	ssyncadd.s32 $0xFFFFEC00  }
0x120: {  	[spmem:s3] =	stream.indirect.scatter.add.f32 [tilespmem:s6], [sflag:$0xD], $0x40, s18, s18, $0xb8;
	[tilespmem:$0xF500] =	vst v63  }
0x121: {  	_ =	swait.ge [sflag:s4], $0x1400  }
0x122: {  	[sflag:s4] =	ssyncset.done $0x0  }
0x123: {  	s17 =	simm.s32 $0x4;
	[sflag:s4] =	ssyncadd.s32 $0xFFFFEC00  }
0x124: {  	_ =	swait.ge [sflag:s17], $0xA0  }
0x125: {  	[sflag:s17] =	ssyncset.done $0x0  }
0x126: {  	s10 =	simm.s32 $0x4100;
	[sflag:s17] =	ssyncadd.s32 $0xFFFFFF60  }
0x127: {  	[tilespmem:s10], [sflag:$0xC] =	stream.indirect.gather [hbm4b:s5+s18], $0x40, s16, s18, $0xb8;
	[tilespmem:$0xF500] =	vst v63  }
0x128: {  	_ =	swait.ge [sflag:s11], $0x1400  }
0x129: {  	[sflag:s11] =	ssyncset.done $0x0  }
0x12a: {  	s20 =	simm.s32 $0xF0;
	[sflag:s11] =	ssyncadd.s32 $0xFFFFEC00  }
0x12b: {  	[spmem:s3] =	stream.indirect.scatter.add.f32 [tilespmem:s24], [sflag:$0xE], $0x40, s20, s18, $0xb8;
	[tilespmem:$0xF500] =	vst v63  }
0x12c: {  	_ =	swait.ge [sflag:s13], $0x1400  }
0x12d: {  	[sflag:s13] =	ssyncset.done $0x0  }
0x12e: {  	s21 =	simm.s32 $0x5;
	[sflag:s13] =	ssyncadd.s32 $0xFFFFEC00  }
0x12f: {  	_ =	swait.ge [sflag:s21], $0xA0  }
0x130: {  	[sflag:s21] =	ssyncset.done $0x0  }
0x131: {  	[sflag:s21] =	ssyncadd.s32 $0xFFFFFF60  }
0x132: {  	[tilespmem:s6], [sflag:$0x9] =	stream.indirect.gather [hbm4b:s5+s18], $0x40, s22, s18, $0xb8;
	[tilespmem:$0xF500] =	vst v63  }
0x133: {  	_ =	swait.ge [sflag:s9], $0x1400  }
0x134: {  	[sflag:s9] =	ssyncset.done $0x0  }
0x135: {  	s24 =	simm.s32 $0x190;
	[sflag:s9] =	ssyncadd.s32 $0xFFFFEC00  }
0x136: {  	[spmem:s3] =	stream.indirect.scatter.add.f32 [tilespmem:s7], [sflag:$0xF], $0x40, s24, s18, $0xb8;
	[tilespmem:$0xF500] =	vst v63  }
0x137: {  	_ =	swait.ge [sflag:s8], $0x1400  }
0x138: {  	[sflag:s8] =	ssyncset.done $0x0  }
0x139: {  	[sflag:s8] =	ssyncadd.s32 $0xFFFFEC00  }
0x13a: {  	_ =	swait.ge [sflag:s0], $0x1400  }
0x13b: {  	[sflag:s0] =	ssyncset.done $0x0  }
0x13c: {  	s25 =	simm.s32 $0x230;
	[sflag:s0] =	ssyncadd.s32 $0xFFFFEC00  }
0x13d: {  	[spmem:s3] =	stream.indirect.scatter.add.f32 [tilespmem:s10], [sflag:$0x10], $0x40, s25, s18, $0xb8;
	[tilespmem:$0xF500] =	vst v63  }
0x13e: {  	_ =	swait.ge [sflag:s12], $0x1400  }
0x13f: {  	[sflag:s12] =	ssyncset.done $0x0  }
0x140: {  	[sflag:s12] =	ssyncadd.s32 $0xFFFFEC00  }
0x141: {  	_ =	swait.ge [sflag:s31], $0x1400  }
0x142: {  	[sflag:s31] =	ssyncset.done $0x0  }
0x143: {  	s26 =	simm.s32 $0x2D0;
	[sflag:s31] =	ssyncadd.s32 $0xFFFFEC00  }
0x144: {  	[spmem:s3] =	stream.indirect.scatter.add.f32 [tilespmem:s6], [sflag:$0xD], $0x40, s26, s18, $0xb8;
	[tilespmem:$0xF500] =	vst v63  }
0x145: {  	_ =	swait.ge [sflag:s4], $0x1400  }
0x146: {  	[sflag:s4] =	ssyncset.done $0x0  }
0x147: {  	[sflag:s4] =	ssyncadd.s32 $0xFFFFEC00  }
0x148: {  	_ =	swait.ge [sflag:s13], $0x1400  }
0x149: {  	[sflag:s13] =	ssyncset.done $0x0  }
0x14a: {  	[sflag:s13] =	ssyncadd.s32 $0xFFFFEC00  }
0x14b: {  	[bflag:$0x0] =	sbarrier.arrive $0xFFFF  }
0x14c: {  	s14 =	rddreg [dreg:$0x10]  }
0x14d: {  	s28 =	rddreg [dreg:$0x16]  }
0x14e: {  	s22 =	simm.s32 $0x11;
	s21 =	rddreg [dreg:$0x18]  }
0x14f: {  	[hbm:s28], [sflag:s14] =	dma.local [spmem:s21], $0x1400  }
0x150: {  	_ =	swait.ge [sflag:s22], $0x1400  }
0x151: {  	s15 =	rddreg [dreg:$0x19]  }
0x152: {  	s30 =	rddreg [dreg:$0x17];
	s15 =	sadd.s32 $0x1, s15  }
0x153: {  	p0 =	sne.s32 s15, s30  }
.Ltmp1:
0x154: {  	_ = 	snop;
	(pc) =	sbr.rel @p0 .LBB2_1-.Ltmp1, $4  }
0x155: {  	_ = 	snop  }
0x156: {  	s29 =	simm.s32 $0x7;
	s17 =	simm.s32 $0x320;
	s20 =	simm.s32 $0x460  }
0x157: {  	s7 =	simm.s32 $0x6;
	s26 =	simm.s32 $0x1;
	[sflag:s22] =	ssyncset.done $0x0  }
0x158: {  	s6 =	simm.s32 $0x2;
	s4 =	simm.s32 $0x3C0;
	[sflag:s22] =	ssyncadd.s32 $0xFFFFEC00  }
0x159: {  	_ =	sfence.sel $0x180000  }
0x15a: {  	[bflag:$0x0] =	sbarrier.arrive $0xFFFF  }
0x15b: {  	_ =	strace $0x90000050  }
0x15c: {  	s0 =	stileid.u32;
	[bflag:$0x2] =	sbarrier.arrive $0xFFFF  }
0x15d: {  	p0 =	sne.s32 s0, $0x0;
	s0 =	rddreg [dreg:$0x3]  }
0x15e: {  	s0 =	sadd.s32 @!p0 $0x100000, s0  }
0x15f: {  	[sflag:s0] =	ssyncadd.tile.s32 @!p0 $0x1;
	_ =	shalt  }
.Lfunc_end2:
_tile_overlayer_lowered:
.L_overlay_start_2:
0x160: {  	(tag) =	ssettag $0x2  }
0x161: {  	s0 =	rddreg [dreg:$0x0];
	s2 =	stileid.u32  }
0x162: {  	s1 =	rddreg [dreg:$0x1];
	p0 =	sne.s32 s2, $0x0  }
0x163: {  	s3 =	rddreg [dreg:$0x2];
	[bflag:$0x3] =	sbarrier.arrive $0xFFFF;
	s2 =	simm.s32 @!p0 $0x1C11  }
0x164: {  	[timem:s3], [sflag:s2] =	dma.local @!p0 [hbm:s0], s1  }
0x165: {  	s0 =	simm.s32 @!p0 $0x11  }
0x166: {  	_ =	swait.ge @!p0 [sflag:s0], s1  }
0x167: {  	s1 =	ssub.s32 @!p0 $0x0, s1;
	[sflag:s0] =	ssyncset.done @!p0 $0x0  }
0x168: {  	[sflag:s0] =	ssyncadd.s32 @!p0 s1  }
0x169: {  	[bflag:$0x3] =	sbarrier.arrive $0xFFFF  }
0x16a: {  	_ =	shalt  }

</sc_bundles>
